<compile_context>
chip_gen: v7x
topology: tpu7x:2x2x1
jax: 0.10.2.dev20260603
libtpu: 0.0.44.dev20260713+nightly
codegen_flags: <defaults>
</compile_context>

<pallas_src>
import functools

import jax
import jax.numpy as jnp
from jax import lax
from jax.experimental import pallas as pl
from jax.experimental.pallas import tpu as pltpu
from jax.experimental.pallas import tpu_sc as plsc

N, E, B, H, EI, STEPS, S2S_STEPS = 4096, 8192, 128, 52, 10, 3, 2
HP = 64
NT = EI + 1
MW = 80
EB = 4096
TILE = 512
DP = 128
NW = 32
EPW = E // NW
CHUNK = 128

_f32 = jnp.float32



def _pad2(a, shape):
    return jnp.zeros(shape, _f32).at[: a.shape[0], : a.shape[1]].set(a)


def _prep_gather(p):
    en2w = p['en2_w']
    astack = jnp.zeros((HP, NT * HP), _f32)
    for i in range(EI):
        astack = astack.at[:H, i * HP:i * HP + H].set(en2w[:, i].reshape(H, H))
    astack = astack.at[:H, EI * HP:EI * HP + H].set(p['en2_b'].reshape(H, H))
    msg_w = jnp.zeros((HP, 2 * HP), _f32)
    msg_w = msg_w.at[:H, :H].set(p['msg_w'][:, :H])
    msg_w = msg_w.at[:H, HP:HP + H].set(p['msg_w'][:, H:2 * H])
    return {
        'lin0_w': _pad2(p['lin0_w'], (HP, HP)),
        'lin0_b': jnp.zeros((1, HP), _f32).at[0, :H].set(p['lin0_b']),
        'en1_w': _pad2(p['en1_w'], (16, 16)),
        'en1_b': jnp.zeros((1, 16), _f32).at[0, :EI].set(p['en1_b']),
        'astack': astack,
        'root_w': _pad2(p['root_w'], (HP, HP)),
        'conv_b': jnp.zeros((1, HP), _f32).at[0, :H].set(p['conv_b']),
        'msg_w': msg_w,
        'msg_b': jnp.zeros((1, HP), _f32).at[0, :H].set(p['msg_b']),
    }


def _prep_s2s(p):
    d = 2 * H
    wih_p = jnp.zeros((4 * DP, 2 * DP), _f32)
    whh_p = jnp.zeros((4 * DP, DP), _f32)
    bih_p = jnp.zeros((1, 4 * DP), _f32)
    bhh_p = jnp.zeros((1, 4 * DP), _f32)
    for g in range(4):
        wih_p = wih_p.at[g * DP:g * DP + d, :d].set(p['wih'][g * d:(g + 1) * d, :d])
        wih_p = wih_p.at[g * DP:g * DP + d, DP:DP + d].set(p['wih'][g * d:(g + 1) * d, d:2 * d])
        whh_p = whh_p.at[g * DP:g * DP + d, :d].set(p['whh'][g * d:(g + 1) * d, :])
        bih_p = bih_p.at[0, g * DP:g * DP + d].set(p['bih'][g * d:(g + 1) * d])
        bhh_p = bhh_p.at[0, g * DP:g * DP + d].set(p['bhh'][g * d:(g + 1) * d])
    return wih_p, whh_p, bih_p, bhh_p


def _prep_pred(p):
    d = 2 * H
    w1 = jnp.zeros((256, 4 * DP), _f32)
    for g in range(4):
        w1 = w1.at[:, g * DP:g * DP + d].set(p['pred1_w'][:, g * d:(g + 1) * d])
    w3 = jnp.zeros((DP, DP), _f32).at[0, :].set(p['pred3_w'][0])
    return w1, w3



def _pre_body(xu, xv, eau, eav, l0wu, l0bu, l0wv, l0bv, e1wu, e1bu, e1wv, e1bv,
              outu, outv, heu, hev):
    outu[...] = jax.nn.relu(
        jnp.dot(xu[...], l0wu[...].T, preferred_element_type=_f32) + l0bu[...])
    outv[...] = jax.nn.relu(
        jnp.dot(xv[...], l0wv[...].T, preferred_element_type=_f32) + l0bv[...])
    col = lax.broadcasted_iota(jnp.int32, (E, 16), 1)
    hu = jax.nn.relu(
        jnp.dot(eau[...], e1wu[...].T, preferred_element_type=_f32) + e1bu[...])
    heu[...] = jnp.where(col == EI, 1.0, hu)
    hv = jax.nn.relu(
        jnp.dot(eav[...], e1wv[...].T, preferred_element_type=_f32) + e1bv[...])
    hev[...] = jnp.where(col == EI, 1.0, hv)


def _tc_pre(xu, xv, eau, eav, pu, pv):
    return pl.pallas_call(
        _pre_body,
        out_shape=[jax.ShapeDtypeStruct((N, HP), _f32),
                   jax.ShapeDtypeStruct((N, HP), _f32),
                   jax.ShapeDtypeStruct((E, 16), _f32),
                   jax.ShapeDtypeStruct((E, 16), _f32)],
    )(xu, xv, eau, eav, pu['lin0_w'], pu['lin0_b'], pv['lin0_w'], pv['lin0_b'],
      pu['en1_w'], pu['en1_b'], pv['en1_w'], pv['en1_b'])



_SC_MESH = plsc.VectorSubcoreMesh(core_axis_name="c", subcore_axis_name="s")


@functools.partial(
    pl.kernel, mesh=_SC_MESH,
    out_type=jax.ShapeDtypeStruct((E, HP), _f32),
    scratch_types=[pltpu.VMEM((CHUNK,), jnp.int32),
                   pltpu.VMEM((CHUNK, HP), _f32),
                   pltpu.SemaphoreType.DMA],
    compiler_params=pltpu.CompilerParams(use_tc_tiling_on_sc=False),
)
def _sc_gather(tab, src, out, idx_v, rows_v, sem):
    cid = lax.axis_index("c")
    sid = lax.axis_index("s")
    wid = sid * 2 + cid
    for ch in range(EPW // CHUNK):
        base = wid * EPW + ch * CHUNK
        pltpu.sync_copy(src.at[pl.ds(base, CHUNK)], idx_v)
        pltpu.async_copy(tab.at[idx_v], rows_v, sem).wait()
        pltpu.sync_copy(rows_v, out.at[pl.ds(base, CHUNK)])



def _msg_body(g, he, astk, out):
    p = jnp.dot(g[...], astk[...], preferred_element_type=_f32)
    acc = jnp.zeros((EB, HP), _f32)
    hev_ = he[...]
    for i in range(NT):
        acc = acc + hev_[:, i:i + 1] * p[:, i * HP:(i + 1) * HP]
    col = lax.broadcasted_iota(jnp.int32, (EB, 16), 1)
    tail = jnp.where(col == 0, 1.0, 0.0)
    out[...] = jnp.concatenate([acc, tail], axis=1)


def _tc_msg(g, he, astk):
    eb = pl.BlockSpec((EB, HP), lambda i: (i, 0))
    hb = pl.BlockSpec((EB, 16), lambda i: (i, 0))
    ab = pl.BlockSpec((HP, NT * HP), lambda i: (0, 0))
    mb = pl.BlockSpec((EB, MW), lambda i: (i, 0))
    return pl.pallas_call(
        _msg_body,
        grid=(E // EB,),
        in_specs=[eb, hb, ab],
        out_specs=mb,
        out_shape=jax.ShapeDtypeStruct((E, MW), _f32),
    )(g, he, astk)



_ROWS_PER_TILE = N // 16


@functools.partial(
    pl.kernel, mesh=_SC_MESH,
    out_type=jax.ShapeDtypeStruct((2, N, MW), _f32),
    scratch_types=[pltpu.VMEM((CHUNK,), jnp.int32),
                   pltpu.VMEM((CHUNK, MW), _f32),
                   pltpu.VMEM_SHARED((N, MW), _f32),
                   pltpu.SemaphoreType.DMA],
    compiler_params=pltpu.CompilerParams(use_tc_tiling_on_sc=False),
)
def _sc_scatter(msg, dst, zeros, part, idx_v, msg_v_buf, sh, sem):
    cid = lax.axis_index("c")
    sid = lax.axis_index("s")
    rbase = sid * _ROWS_PER_TILE
    pltpu.sync_copy(zeros.at[pl.ds(rbase, _ROWS_PER_TILE)],
                    sh.at[pl.ds(rbase, _ROWS_PER_TILE)])
    plsc.subcore_barrier()
    for ch in range(EPW // CHUNK):
        base = cid * (E // 2) + sid * EPW + ch * CHUNK
        pltpu.sync_copy(dst.at[pl.ds(base, CHUNK)], idx_v)
        pltpu.sync_copy(msg.at[pl.ds(base, CHUNK)], msg_v_buf)
        pltpu.sync_copy(msg_v_buf, sh.at[idx_v], add=True)
    plsc.subcore_barrier()
    pltpu.sync_copy(sh.at[pl.ds(rbase, _ROWS_PER_TILE)],
                    part.at[cid, pl.ds(rbase, _ROWS_PER_TILE)])



def _update_body(final, p, o, x, rw, cb, mw, mb, out):
    aggw = p[0] + p[1]
    deg = jnp.clip(aggw[:, HP:HP + 1], 1.0, None)
    agg = aggw[:, :HP] / deg
    oo = o[...]
    m = jax.nn.relu(
        agg + jnp.dot(oo, rw[...], preferred_element_type=_f32) + cb[...])
    cat = jnp.concatenate([m, oo], axis=1)
    nxt = jnp.dot(cat, mw[...].T, preferred_element_type=_f32) + mb[...]
    if final:
        raw = nxt + x[...]
        nrm = jnp.sqrt(jnp.sum(raw * raw, axis=1, keepdims=True))
        nxt = raw / jnp.clip(nrm, 1e-12, None)
    out[...] = nxt


def _tc_update(final, p, o, x, w):
    return pl.pallas_call(
        functools.partial(_update_body, final),
        out_shape=jax.ShapeDtypeStruct((N, HP), _f32),
    )(p, o, x, w['root_w'], w['conv_b'], w['msg_w'], w['msg_b'])



def _inter_body(un, vn, bu, bv, ret, up, vp):
    i = pl.program_id(0)
    j = pl.program_id(1)

    @pl.when(jnp.logical_and(i == 0, j == 0))
    def _():
        up[...] = jnp.zeros_like(up)
        vp[...] = jnp.zeros_like(vp)

    bui = bu[...][:, 0]
    bvj = bv[...][:, 0]
    hit = jnp.logical_and(bui[0] <= bvj[TILE - 1], bvj[0] <= bui[TILE - 1])

    @pl.when(hit)
    def _():
        ublk = un[...]
        vblk = vn[...]
        tile = lax.dot_general(ublk, vblk, (((1,), (1,)), ((), ())),
                               preferred_element_type=_f32)
        mask = (bui[:, None] == bvj[None, :]).astype(_f32)
        tile = tile * mask
        ret[...] = tile
        up[pl.ds(i * TILE, TILE), :] += jnp.dot(
            tile, vblk, preferred_element_type=_f32)
        vp[pl.ds(j * TILE, TILE), :] += lax.dot_general(
            tile, ublk, (((0,), (0,)), ((), ())), preferred_element_type=_f32)

    @pl.when(jnp.logical_not(hit))
    def _():
        ret[...] = jnp.zeros_like(ret)


def _tc_inter(un, vn, bu2, bv2):
    nb = N // TILE
    return pl.pallas_call(
        _inter_body,
        grid=(nb, nb),
        in_specs=[pl.BlockSpec((TILE, HP), lambda i, j: (i, 0)),
                  pl.BlockSpec((TILE, HP), lambda i, j: (j, 0)),
                  pl.BlockSpec((TILE, 8), lambda i, j: (i, 0)),
                  pl.BlockSpec((TILE, 8), lambda i, j: (j, 0))],
        out_specs=[pl.BlockSpec((TILE, TILE), lambda i, j: (i, j)),
                   pl.BlockSpec((N, HP), lambda i, j: (0, 0)),
                   pl.BlockSpec((N, HP), lambda i, j: (0, 0))],
        out_shape=[jax.ShapeDtypeStruct((N, N), _f32),
                   jax.ShapeDtypeStruct((N, HP), _f32),
                   jax.ShapeDtypeStruct((N, HP), _f32)],
    )(un, vn, bu2, bv2)



def _s2s_side(xf, bidx, wih, whh, bih, bhh):
    onehot = (lax.broadcasted_iota(jnp.int32, (B, N), 0)
              == bidx[...][:, 0][None, :]).astype(_f32)
    xfv = xf[...]
    q_star = jnp.zeros((B, 2 * DP), _f32)
    h = jnp.zeros((B, DP), _f32)
    c = jnp.zeros((B, DP), _f32)
    for _ in range(S2S_STEPS):
        gates = (jnp.dot(q_star, wih[...].T, preferred_element_type=_f32)
                 + bih[...]
                 + jnp.dot(h, whh[...].T, preferred_element_type=_f32)
                 + bhh[...])
        i_ = gates[:, :DP]
        f_ = gates[:, DP:2 * DP]
        g_ = gates[:, 2 * DP:3 * DP]
        o_ = gates[:, 3 * DP:]
        c = jax.nn.sigmoid(f_) * c + jax.nn.sigmoid(i_) * jnp.tanh(g_)
        h = jax.nn.sigmoid(o_) * jnp.tanh(c)
        qb = jnp.dot(onehot.T, h, preferred_element_type=_f32)
        e = jnp.sum(xfv * qb, axis=1)
        mx = jnp.max(jnp.where(onehot > 0, e[None, :], -1e30), axis=1)
        mxb = jnp.sum(onehot * mx[:, None], axis=0)
        ex = jnp.exp(e - mxb)
        denom = jnp.sum(onehot * ex[None, :], axis=1)
        denb = jnp.sum(onehot * denom[:, None], axis=0)
        a = ex / (denb + 1e-16)
        r = jnp.dot(onehot, a[:, None] * xfv, preferred_element_type=_f32)
        q_star = jnp.concatenate([h, r], axis=1)
    return q_star


def _head_body(ufp, vfp, bu, bv, wihu, whhu, bihu, bhhu,
               wihv, whhv, bihv, bhhv, w1, b1, w2, b2, w3, pred):
    us = _s2s_side(ufp, bu, wihu, whhu, bihu, bhhu)
    vs = _s2s_side(vfp, bv, wihv, whhv, bihv, bhhv)
    ffp = jnp.concatenate([us, vs], axis=1)
    h1 = jax.nn.relu(
        jnp.dot(ffp, w1[...].T, preferred_element_type=_f32) + b1[...])
    h2 = jax.nn.relu(
        jnp.dot(h1, w2[...].T, preferred_element_type=_f32) + b2[...])
    pred[...] = jnp.dot(h2, w3[...].T, preferred_element_type=_f32)


def _tc_head(ufp, vfp, bu2, bv2, su, sv, w1, b1, w2, b2, w3):
    return pl.pallas_call(
        _head_body,
        out_shape=jax.ShapeDtypeStruct((B, DP), _f32),
    )(ufp, vfp, bu2, bv2, su[0], su[1], su[2], su[3],
      sv[0], sv[1], sv[2], sv[3], w1, b1, w2, b2, w3)



def kernel(solute_x, solute_edge_index, solute_edge_attr, solute_batch,
           solvent_x, solvent_edge_index, solvent_edge_attr, solvent_batch,
           params):
    pu = _prep_gather(params['solute_gather'])
    pv = _prep_gather(params['solvent_gather'])
    xu = jnp.pad(solute_x, ((0, 0), (0, HP - H)))
    xv = jnp.pad(solvent_x, ((0, 0), (0, HP - H)))
    eau = jnp.pad(solute_edge_attr, ((0, 0), (0, 16 - EI)))
    eav = jnp.pad(solvent_edge_attr, ((0, 0), (0, 16 - EI)))
    src_u, dst_u = solute_edge_index[0], solute_edge_index[1]
    src_v, dst_v = solvent_edge_index[0], solvent_edge_index[1]

    ou, ov, heu, hev = _tc_pre(xu, xv, eau, eav, pu, pv)
    zeros = jnp.zeros((N, MW), _f32)
    for s in range(STEPS):
        fin = s == STEPS - 1
        gu = _sc_gather(ou, src_u)
        mu = _tc_msg(gu, heu, pu['astack'])
        gv = _sc_gather(ov, src_v)
        agu = _sc_scatter(mu, dst_u, zeros)
        mv = _tc_msg(gv, hev, pv['astack'])
        ou = _tc_update(fin, agu, ou, xu, pu)
        agv = _sc_scatter(mv, dst_v, zeros)
        ov = _tc_update(fin, agv, ov, xv, pv)

    un, vn = ou, ov
    bu2 = jnp.broadcast_to(solute_batch[:, None], (N, 8)).astype(jnp.int32)
    bv2 = jnp.broadcast_to(solvent_batch[:, None], (N, 8)).astype(jnp.int32)
    ret_map, u_prime, v_prime = _tc_inter(un, vn, bu2, bv2)

    ufp = jnp.pad(jnp.concatenate([un[:, :H], u_prime[:, :H]], axis=1),
                  ((0, 0), (0, DP - 2 * H)))
    vfp = jnp.pad(jnp.concatenate([vn[:, :H], v_prime[:, :H]], axis=1),
                  ((0, 0), (0, DP - 2 * H)))
    su = _prep_s2s(params['s2s_u'])
    sv = _prep_s2s(params['s2s_v'])
    w1, w3 = _prep_pred(params)
    b1 = params['pred1_b'].reshape(1, 256)
    b2 = params['pred2_b'].reshape(1, 128)
    predf = _tc_head(ufp, vfp, bu2, bv2, su, sv, w1, b1,
                     params['pred2_w'], b2, w3)
    pred = predf[:, :1] + params['pred3_b']
    return pred, ret_map

# --- scband reference (transcript-rebuilt; emitter-appended) ---
"""Pipeline reference for scband-gib-ds-40261023433010 (READ-ONLY COPY).

The authoritative reference and input builder live on the scoring server;
editing this copy changes nothing except your own understanding.
"""

import jax, jax.numpy as jnp
import numpy as np

N, E, B, H, EI, STEPS, S2S_STEPS = 4096, 8192, 128, 52, 10, 3, 2


def _gather(x, edge_index, edge_attr, p):
    n = x.shape[0]
    init = x
    out = jax.nn.relu(x @ p['lin0_w'].T + p['lin0_b'])
    src = edge_index[0]
    dst = edge_index[1]
    he = jax.nn.relu(edge_attr @ p['en1_w'].T + p['en1_b'])
    We = (he @ p['en2_w'].T + p['en2_b']).reshape(-1, H, H)
    deg = jnp.clip(jax.ops.segment_sum(jnp.ones(src.shape[0], jnp.float32), dst, n), 1.0)
    for _ in range(STEPS):
        msg = jnp.einsum('eh,ehk->ek', out[src], We)
        agg = jax.ops.segment_sum(msg, dst, n) / deg[:, None]
        m = jax.nn.relu(agg + out @ p['root_w'] + p['conv_b'])
        out = jnp.concatenate([m, out], axis=1) @ p['msg_w'].T + p['msg_b']
    return out + init


def _set2set(x, batch, p):
    d = x.shape[1]
    q_star = jnp.zeros((B, 2 * d), x.dtype)
    h = jnp.zeros((B, d), x.dtype)
    c = jnp.zeros((B, d), x.dtype)
    for _ in range(S2S_STEPS):
        gates = q_star @ p['wih'].T + p['bih'] + h @ p['whh'].T + p['bhh']
        i, f, g, o = jnp.split(gates, 4, axis=-1)
        c = jax.nn.sigmoid(f) * c + jax.nn.sigmoid(i) * jnp.tanh(g)
        h = jax.nn.sigmoid(o) * jnp.tanh(c)
        q = h
        e = jnp.sum(x * q[batch], axis=-1)
        mx = jax.ops.segment_max(e, batch, B)
        ex = jnp.exp(e - mx[batch])
        denom = jax.ops.segment_sum(ex, batch, B)
        a = ex / (denom[batch] + 1e-16)
        r = jax.ops.segment_sum(a[:, None] * x, batch, B)
        q_star = jnp.concatenate([q, r], axis=1)
    return q_star


def _forward(solute_x, solute_edge_attr, solvent_x, solvent_edge_attr, params, solute_edge_index, solute_batch, solvent_edge_index, solvent_batch):
    u = _gather(solute_x, solute_edge_index, solute_edge_attr, params['solute_gather'])
    v = _gather(solvent_x, solvent_edge_index, solvent_edge_attr, params['solvent_gather'])
    u = u / jnp.clip(jnp.linalg.norm(u, axis=1, keepdims=True), 1e-12)
    v = v / jnp.clip(jnp.linalg.norm(v, axis=1, keepdims=True), 1e-12)
    len_map = (solute_batch[:, None] == solvent_batch[None, :]).astype(u.dtype)
    inter = (u @ v.T) * len_map
    ret_map = inter
    v_prime = inter.T @ u
    u_prime = inter @ v
    uf = jnp.concatenate([u, u_prime], axis=1)
    vf = jnp.concatenate([v, v_prime], axis=1)
    us = _set2set(uf, solute_batch, params['s2s_u'])
    vs = _set2set(vf, solvent_batch, params['s2s_v'])
    ff = jnp.concatenate([us, vs], axis=1)
    h1 = jax.nn.relu(ff @ params['pred1_w'].T + params['pred1_b'])
    h2 = jax.nn.relu(h1 @ params['pred2_w'].T + params['pred2_b'])
    pred = h2 @ params['pred3_w'].T + params['pred3_b']
    return pred, ret_map


def setup_inputs(seed: int = 0):
    key = jax.random.key(seed)
    keys = iter(jax.random.split(key, 64))
    def w(shape, scale=0.1):
        return jax.random.normal(next(keys), shape, dtype=jnp.float32) * scale
    def gp():
        return {'lin0_w': w((H, H)), 'lin0_b': jnp.zeros((H,), jnp.float32),
                'en1_w': w((EI, EI)), 'en1_b': jnp.zeros((EI,), jnp.float32),
                'en2_w': w((H * H, EI), 0.02), 'en2_b': jnp.zeros((H * H,), jnp.float32),
                'root_w': w((H, H)), 'conv_b': jnp.zeros((H,), jnp.float32),
                'msg_w': w((H, 2 * H)), 'msg_b': jnp.zeros((H,), jnp.float32)}
    def sp(d):
        return {'wih': w((4 * d, 2 * d)), 'whh': w((4 * d, d)),
                'bih': jnp.zeros((4 * d,), jnp.float32), 'bhh': jnp.zeros((4 * d,), jnp.float32)}
    params = {'solute_gather': gp(), 'solvent_gather': gp(),
              's2s_u': sp(2 * H), 's2s_v': sp(2 * H),
              'pred1_w': w((256, 8 * H)), 'pred1_b': jnp.zeros((256,), jnp.float32),
              'pred2_w': w((128, 256)), 'pred2_b': jnp.zeros((128,), jnp.float32),
              'pred3_w': w((1, 128)), 'pred3_b': jnp.zeros((1,), jnp.float32)}
    return {'solute_x': jax.random.normal(next(keys), (N, H), dtype=jnp.float32),
            'solute_edge_index': jax.random.randint(next(keys), (2, E), 0, N, dtype=jnp.int32),
            'solute_edge_attr': jax.random.normal(next(keys), (E, EI), dtype=jnp.float32),
            'solute_batch': jnp.sort(jax.random.randint(next(keys), (N,), 0, B, dtype=jnp.int32)),
            'solvent_x': jax.random.normal(next(keys), (N, H), dtype=jnp.float32),
            'solvent_edge_index': jax.random.randint(next(keys), (2, E), 0, N, dtype=jnp.int32),
            'solvent_edge_attr': jax.random.normal(next(keys), (E, EI), dtype=jnp.float32),
            'solvent_batch': jnp.sort(jax.random.randint(next(keys), (N,), 0, B, dtype=jnp.int32)),
            'params': params}


def reference(solute_x, solute_edge_index, solute_edge_attr, solute_batch, solvent_x, solvent_edge_index, solvent_edge_attr, solvent_batch, params):
    return _forward(solute_x, solute_edge_attr, solvent_x, solvent_edge_attr, params, solute_edge_index, solute_batch, solvent_edge_index, solvent_batch)

if __name__ == "__main__":
    import jax
    _d = setup_inputs()
    print(jax.jit(kernel)(*tuple(_d.values())))

</pallas_src>

<mosaic_0001>
#map = affine_map<(d0, d1) -> (0, 0)>
#map1 = affine_map<(d0, d1) -> (0)>
module attributes {stable_mosaic.version = 14 : i64} {
  func.func @_sc_gather(%arg0: i32, %arg1: i32, %arg2: memref<4096x64xf32, #tpu.memory_space<hbm>>, %arg3: memref<8192xi32, #tpu.memory_space<hbm>>, %arg4: memref<8192x64xf32, #tpu.memory_space<hbm>>, %arg5: memref<128xi32, #tpu.memory_space<vmem>>, %arg6: memref<128x64xf32, #tpu.memory_space<vmem>>, %arg7: memref<!tpu.dma_semaphore, #tpu.memory_space<semaphore_mem>>) attributes {dimension_semantics = [#tpu.dimension_semantics<core_parallel>, #tpu.dimension_semantics<subcore_parallel>], iteration_bounds = array<i64: 2, 16>, scalar_prefetch = 0 : i64, scratch_operands = 3 : i64, tpu.core_type = #tpu.core_type<sc_vector_subcore>, window_params = [{transform_indices = #map}, {transform_indices = #map1}, {transform_indices = #map}]} {
    %mul3A = arith.constant 2 : i32
    %mul3A_0 = arith.muli %arg1, %mul3A : i32
    %add3A = arith.addi %mul3A_0, %arg0 : i32
    %mul3A_1 = arith.constant 256 : i32
    %mul3A_2 = arith.muli %add3A, %mul3A_1 : i32
    %add3A_3 = arith.constant 0 : i32
    %add3A_4 = arith.addi %mul3A_2, %add3A_3 : i32
    "tpu.region"() ({
      %run_scoped3A = tpu.sem_alloc : memref<!tpu.dma_semaphore, #tpu.memory_space<semaphore_mem>>
      %dma_start3A_19 = tpu.memref_slice %arg3[%add3A_4] : memref<8192xi32, #tpu.memory_space<hbm>> -> memref<128xi32, #tpu.memory_space<hbm>>
      %dma_start3A_20 = tpu.memref_slice %arg3[%add3A_4] : memref<8192xi32, #tpu.memory_space<hbm>> -> memref<128xi32, #tpu.memory_space<hbm>>
      tpu.enqueue_dma source(%dma_start3A_20 : memref<128xi32, #tpu.memory_space<hbm>>) target(%arg5 : memref<128xi32, #tpu.memory_space<vmem>>) target_semaphore(%run_scoped3A : memref<!tpu.dma_semaphore, #tpu.memory_space<semaphore_mem>>)
      %dma_wait3A_21 = tpu.memref_slice %arg3[%add3A_4] : memref<8192xi32, #tpu.memory_space<hbm>> -> memref<128xi32, #tpu.memory_space<hbm>>
      %dma_wait3A_22 = tpu.memref_slice %arg3[%add3A_4] : memref<8192xi32, #tpu.memory_space<hbm>> -> memref<128xi32, #tpu.memory_space<hbm>>
      tpu.wait_dma2 semaphore(%run_scoped3A : memref<!tpu.dma_semaphore, #tpu.memory_space<semaphore_mem>>) src(%dma_wait3A_22 : memref<128xi32, #tpu.memory_space<hbm>>) dst(%arg5 : memref<128xi32, #tpu.memory_space<vmem>>)
      tpu.yield
    }) : () -> ()
    %dma_start3A = arith.constant 0 : i32
    %dma_start3A_5 = arith.constant 0 : i32
    %dma_start3A_6 = tpu.memref_slice %arg2[%dma_start3A, %dma_start3A_5] : memref<4096x64xf32, #tpu.memory_space<hbm>> -> memref<4096x64xf32, #tpu.memory_space<hbm>>
    tpu.enqueue_indirect_dma source(%dma_start3A_6 : memref<4096x64xf32, #tpu.memory_space<hbm>>) target(%arg6 : memref<128x64xf32, #tpu.memory_space<vmem>>) offsets(%arg5 : memref<128xi32, #tpu.memory_space<vmem>>) semaphore(%arg7 : memref<!tpu.dma_semaphore, #tpu.memory_space<semaphore_mem>>)
    %dma_wait3A = arith.constant 0 : i32
    %dma_wait3A_7 = arith.constant 0 : i32
    %dma_wait3A_8 = tpu.memref_slice %arg2[%dma_wait3A, %dma_wait3A_7] : memref<4096x64xf32, #tpu.memory_space<hbm>> -> memref<4096x64xf32, #tpu.memory_space<hbm>>
    tpu.wait_indirect_dma semaphore(%arg7 : memref<!tpu.dma_semaphore, #tpu.memory_space<semaphore_mem>>) src(%dma_wait3A_8 : memref<4096x64xf32, #tpu.memory_space<hbm>>) dst(%arg6 : memref<128x64xf32, #tpu.memory_space<vmem>>)
    "tpu.region"() ({
      %run_scoped3A = tpu.sem_alloc : memref<!tpu.dma_semaphore, #tpu.memory_space<semaphore_mem>>
      %dma_start3A_19 = arith.constant 0 : i32
      %dma_start3A_20 = tpu.memref_slice %arg4[%add3A_4, %dma_start3A_19] : memref<8192x64xf32, #tpu.memory_space<hbm>> -> memref<128x64xf32, #tpu.memory_space<hbm>>
      %dma_start3A_21 = arith.constant 0 : i32
      %dma_start3A_22 = tpu.memref_slice %arg4[%add3A_4, %dma_start3A_21] : memref<8192x64xf32, #tpu.memory_space<hbm>> -> memref<128x64xf32, #tpu.memory_space<hbm>>
      tpu.enqueue_dma source(%arg6 : memref<128x64xf32, #tpu.memory_space<vmem>>) target(%dma_start3A_22 : memref<128x64xf32, #tpu.memory_space<hbm>>) target_semaphore(%run_scoped3A : memref<!tpu.dma_semaphore, #tpu.memory_space<semaphore_mem>>)
      %dma_wait3A_23 = arith.constant 0 : i32
      %dma_wait3A_24 = tpu.memref_slice %arg4[%add3A_4, %dma_wait3A_23] : memref<8192x64xf32, #tpu.memory_space<hbm>> -> memref<128x64xf32, #tpu.memory_space<hbm>>
      %dma_wait3A_25 = arith.constant 0 : i32
      %dma_wait3A_26 = tpu.memref_slice %arg4[%add3A_4, %dma_wait3A_25] : memref<8192x64xf32, #tpu.memory_space<hbm>> -> memref<128x64xf32, #tpu.memory_space<hbm>>
      tpu.wait_dma2 semaphore(%run_scoped3A : memref<!tpu.dma_semaphore, #tpu.memory_space<semaphore_mem>>) src(%arg6 : memref<128x64xf32, #tpu.memory_space<vmem>>) dst(%dma_wait3A_26 : memref<128x64xf32, #tpu.memory_space<hbm>>)
      tpu.yield
    }) : () -> ()
    %mul3A_9 = arith.constant 256 : i32
    %mul3A_10 = arith.muli %add3A, %mul3A_9 : i32
    %add3A_11 = arith.constant 128 : i32
    %add3A_12 = arith.addi %mul3A_10, %add3A_11 : i32
    "tpu.region"() ({
      %run_scoped3A = tpu.sem_alloc : memref<!tpu.dma_semaphore, #tpu.memory_space<semaphore_mem>>
      %dma_start3A_19 = tpu.memref_slice %arg3[%add3A_12] : memref<8192xi32, #tpu.memory_space<hbm>> -> memref<128xi32, #tpu.memory_space<hbm>>
      %dma_start3A_20 = tpu.memref_slice %arg3[%add3A_12] : memref<8192xi32, #tpu.memory_space<hbm>> -> memref<128xi32, #tpu.memory_space<hbm>>
      tpu.enqueue_dma source(%dma_start3A_20 : memref<128xi32, #tpu.memory_space<hbm>>) target(%arg5 : memref<128xi32, #tpu.memory_space<vmem>>) target_semaphore(%run_scoped3A : memref<!tpu.dma_semaphore, #tpu.memory_space<semaphore_mem>>)
      %dma_wait3A_21 = tpu.memref_slice %arg3[%add3A_12] : memref<8192xi32, #tpu.memory_space<hbm>> -> memref<128xi32, #tpu.memory_space<hbm>>
      %dma_wait3A_22 = tpu.memref_slice %arg3[%add3A_12] : memref<8192xi32, #tpu.memory_space<hbm>> -> memref<128xi32, #tpu.memory_space<hbm>>
      tpu.wait_dma2 semaphore(%run_scoped3A : memref<!tpu.dma_semaphore, #tpu.memory_space<semaphore_mem>>) src(%dma_wait3A_22 : memref<128xi32, #tpu.memory_space<hbm>>) dst(%arg5 : memref<128xi32, #tpu.memory_space<vmem>>)
      tpu.yield
    }) : () -> ()
    %dma_start3A_13 = arith.constant 0 : i32
    %dma_start3A_14 = arith.constant 0 : i32
    %dma_start3A_15 = tpu.memref_slice %arg2[%dma_start3A_13, %dma_start3A_14] : memref<4096x64xf32, #tpu.memory_space<hbm>> -> memref<4096x64xf32, #tpu.memory_space<hbm>>
    tpu.enqueue_indirect_dma source(%dma_start3A_15 : memref<4096x64xf32, #tpu.memory_space<hbm>>) target(%arg6 : memref<128x64xf32, #tpu.memory_space<vmem>>) offsets(%arg5 : memref<128xi32, #tpu.memory_space<vmem>>) semaphore(%arg7 : memref<!tpu.dma_semaphore, #tpu.memory_space<semaphore_mem>>)
    %dma_wait3A_16 = arith.constant 0 : i32
    %dma_wait3A_17 = arith.constant 0 : i32
    %dma_wait3A_18 = tpu.memref_slice %arg2[%dma_wait3A_16, %dma_wait3A_17] : memref<4096x64xf32, #tpu.memory_space<hbm>> -> memref<4096x64xf32, #tpu.memory_space<hbm>>
    tpu.wait_indirect_dma semaphore(%arg7 : memref<!tpu.dma_semaphore, #tpu.memory_space<semaphore_mem>>) src(%dma_wait3A_18 : memref<4096x64xf32, #tpu.memory_space<hbm>>) dst(%arg6 : memref<128x64xf32, #tpu.memory_space<vmem>>)
    "tpu.region"() ({
      %run_scoped3A = tpu.sem_alloc : memref<!tpu.dma_semaphore, #tpu.memory_space<semaphore_mem>>
      %dma_start3A_19 = arith.constant 0 : i32
      %dma_start3A_20 = tpu.memref_slice %arg4[%add3A_12, %dma_start3A_19] : memref<8192x64xf32, #tpu.memory_space<hbm>> -> memref<128x64xf32, #tpu.memory_space<hbm>>
      %dma_start3A_21 = arith.constant 0 : i32
      %dma_start3A_22 = tpu.memref_slice %arg4[%add3A_12, %dma_start3A_21] : memref<8192x64xf32, #tpu.memory_space<hbm>> -> memref<128x64xf32, #tpu.memory_space<hbm>>
      tpu.enqueue_dma source(%arg6 : memref<128x64xf32, #tpu.memory_space<vmem>>) target(%dma_start3A_22 : memref<128x64xf32, #tpu.memory_space<hbm>>) target_semaphore(%run_scoped3A : memref<!tpu.dma_semaphore, #tpu.memory_space<semaphore_mem>>)
      %dma_wait3A_23 = arith.constant 0 : i32
      %dma_wait3A_24 = tpu.memref_slice %arg4[%add3A_12, %dma_wait3A_23] : memref<8192x64xf32, #tpu.memory_space<hbm>> -> memref<128x64xf32, #tpu.memory_space<hbm>>
      %dma_wait3A_25 = arith.constant 0 : i32
      %dma_wait3A_26 = tpu.memref_slice %arg4[%add3A_12, %dma_wait3A_25] : memref<8192x64xf32, #tpu.memory_space<hbm>> -> memref<128x64xf32, #tpu.memory_space<hbm>>
      tpu.wait_dma2 semaphore(%run_scoped3A : memref<!tpu.dma_semaphore, #tpu.memory_space<semaphore_mem>>) src(%arg6 : memref<128x64xf32, #tpu.memory_space<vmem>>) dst(%dma_wait3A_26 : memref<128x64xf32, #tpu.memory_space<hbm>>)
      tpu.yield
    }) : () -> ()
    return
  }
}

#map = affine_map<(d0, d1) -> (0, 0)>
#map1 = affine_map<(d0, d1) -> (0)>
#map2 = affine_map<(d0, d1) -> (0, 0, 0)>
module attributes {stable_mosaic.version = 14 : i64} {
  func.func @_sc_scatter(%arg0: i32, %arg1: i32, %arg2: memref<8192x80xf32, #tpu.memory_space<hbm>>, %arg3: memref<8192xi32, #tpu.memory_space<hbm>>, %arg4: memref<4096x80xf32, #tpu.memory_space<hbm>>, %arg5: memref<2x4096x80xf32, #tpu.memory_space<hbm>>, %arg6: memref<128xi32, #tpu.memory_space<vmem>>, %arg7: memref<128x80xf32, #tpu.memory_space<vmem>>, %arg8: memref<4096x80xf32, #tpu.memory_space<vmem_shared>>, %arg9: memref<!tpu.dma_semaphore, #tpu.memory_space<semaphore_mem>>) attributes {dimension_semantics = [#tpu.dimension_semantics<core_parallel>, #tpu.dimension_semantics<subcore_parallel>], iteration_bounds = array<i64: 2, 16>, scalar_prefetch = 0 : i64, scratch_operands = 4 : i64, tpu.core_type = #tpu.core_type<sc_vector_subcore>, window_params = [{transform_indices = #map}, {transform_indices = #map1}, {transform_indices = #map}, {transform_indices = #map2}]} {
    %mul3A = arith.constant 256 : i32
    %mul3A_0 = arith.muli %arg1, %mul3A : i32
    "tpu.region"() ({
      %run_scoped3A = tpu.sem_alloc : memref<!tpu.dma_semaphore, #tpu.memory_space<semaphore_mem>>
      %dma_start3A = arith.constant 0 : i32
      %dma_start3A_15 = tpu.memref_slice %arg8[%mul3A_0, %dma_start3A] : memref<4096x80xf32, #tpu.memory_space<vmem_shared>> -> memref<256x80xf32, #tpu.memory_space<vmem_shared>>
      %dma_start3A_16 = arith.constant 0 : i32
      %dma_start3A_17 = tpu.memref_slice %arg4[%mul3A_0, %dma_start3A_16] : memref<4096x80xf32, #tpu.memory_space<hbm>> -> memref<256x80xf32, #tpu.memory_space<hbm>>
      tpu.enqueue_dma source(%dma_start3A_17 : memref<256x80xf32, #tpu.memory_space<hbm>>) target(%dma_start3A_15 : memref<256x80xf32, #tpu.memory_space<vmem_shared>>) target_semaphore(%run_scoped3A : memref<!tpu.dma_semaphore, #tpu.memory_space<semaphore_mem>>)
      %dma_wait3A = arith.constant 0 : i32
      %dma_wait3A_18 = tpu.memref_slice %arg8[%mul3A_0, %dma_wait3A] : memref<4096x80xf32, #tpu.memory_space<vmem_shared>> -> memref<256x80xf32, #tpu.memory_space<vmem_shared>>
      %dma_wait3A_19 = arith.constant 0 : i32
      %dma_wait3A_20 = tpu.memref_slice %arg4[%mul3A_0, %dma_wait3A_19] : memref<4096x80xf32, #tpu.memory_space<hbm>> -> memref<256x80xf32, #tpu.memory_space<hbm>>
      tpu.wait_dma2 semaphore(%run_scoped3A : memref<!tpu.dma_semaphore, #tpu.memory_space<semaphore_mem>>) src(%dma_wait3A_20 : memref<256x80xf32, #tpu.memory_space<hbm>>) dst(%dma_wait3A_18 : memref<256x80xf32, #tpu.memory_space<vmem_shared>>)
      tpu.yield
    }) : () -> ()
    %barrier3A = arith.constant 0 : index
    tpu.barrier barrier_id(%barrier3A)
    %mul3A_1 = arith.constant 4096 : i32
    %mul3A_2 = arith.muli %arg0, %mul3A_1 : i32
    %mul3A_3 = arith.constant 256 : i32
    %mul3A_4 = arith.muli %arg1, %mul3A_3 : i32
    %add3A = arith.addi %mul3A_2, %mul3A_4 : i32
    %add3A_5 = arith.constant 0 : i32
    %add3A_6 = arith.addi %add3A, %add3A_5 : i32
    "tpu.region"() ({
      %run_scoped3A = tpu.sem_alloc : memref<!tpu.dma_semaphore, #tpu.memory_space<semaphore_mem>>
      %dma_start3A = tpu.memref_slice %arg3[%add3A_6] : memref<8192xi32, #tpu.memory_space<hbm>> -> memref<128xi32, #tpu.memory_space<hbm>>
      %dma_start3A_15 = tpu.memref_slice %arg3[%add3A_6] : memref<8192xi32, #tpu.memory_space<hbm>> -> memref<128xi32, #tpu.memory_space<hbm>>
      tpu.enqueue_dma source(%dma_start3A_15 : memref<128xi32, #tpu.memory_space<hbm>>) target(%arg6 : memref<128xi32, #tpu.memory_space<vmem>>) target_semaphore(%run_scoped3A : memref<!tpu.dma_semaphore, #tpu.memory_space<semaphore_mem>>)
      %dma_wait3A = tpu.memref_slice %arg3[%add3A_6] : memref<8192xi32, #tpu.memory_space<hbm>> -> memref<128xi32, #tpu.memory_space<hbm>>
      %dma_wait3A_16 = tpu.memref_slice %arg3[%add3A_6] : memref<8192xi32, #tpu.memory_space<hbm>> -> memref<128xi32, #tpu.memory_space<hbm>>
      tpu.wait_dma2 semaphore(%run_scoped3A : memref<!tpu.dma_semaphore, #tpu.memory_space<semaphore_mem>>) src(%dma_wait3A_16 : memref<128xi32, #tpu.memory_space<hbm>>) dst(%arg6 : memref<128xi32, #tpu.memory_space<vmem>>)
      tpu.yield
    }) : () -> ()
    "tpu.region"() ({
      %run_scoped3A = tpu.sem_alloc : memref<!tpu.dma_semaphore, #tpu.memory_space<semaphore_mem>>
      %dma_start3A = arith.constant 0 : i32
      %dma_start3A_15 = tpu.memref_slice %arg2[%add3A_6, %dma_start3A] : memref<8192x80xf32, #tpu.memory_space<hbm>> -> memref<128x80xf32, #tpu.memory_space<hbm>>
      %dma_start3A_16 = arith.constant 0 : i32
      %dma_start3A_17 = tpu.memref_slice %arg2[%add3A_6, %dma_start3A_16] : memref<8192x80xf32, #tpu.memory_space<hbm>> -> memref<128x80xf32, #tpu.memory_space<hbm>>
      tpu.enqueue_dma source(%dma_start3A_17 : memref<128x80xf32, #tpu.memory_space<hbm>>) target(%arg7 : memref<128x80xf32, #tpu.memory_space<vmem>>) target_semaphore(%run_scoped3A : memref<!tpu.dma_semaphore, #tpu.memory_space<semaphore_mem>>)
      %dma_wait3A = arith.constant 0 : i32
      %dma_wait3A_18 = tpu.memref_slice %arg2[%add3A_6, %dma_wait3A] : memref<8192x80xf32, #tpu.memory_space<hbm>> -> memref<128x80xf32, #tpu.memory_space<hbm>>
      %dma_wait3A_19 = arith.constant 0 : i32
      %dma_wait3A_20 = tpu.memref_slice %arg2[%add3A_6, %dma_wait3A_19] : memref<8192x80xf32, #tpu.memory_space<hbm>> -> memref<128x80xf32, #tpu.memory_space<hbm>>
      tpu.wait_dma2 semaphore(%run_scoped3A : memref<!tpu.dma_semaphore, #tpu.memory_space<semaphore_mem>>) src(%dma_wait3A_20 : memref<128x80xf32, #tpu.memory_space<hbm>>) dst(%arg7 : memref<128x80xf32, #tpu.memory_space<vmem>>)
      tpu.yield
    }) : () -> ()
    "tpu.region"() ({
      %run_scoped3A = tpu.sem_alloc : memref<!tpu.dma_semaphore, #tpu.memory_space<semaphore_mem>>
      %dma_start3A = arith.constant 0 : i32
      %dma_start3A_15 = arith.constant 0 : i32
      %dma_start3A_16 = tpu.memref_slice %arg8[%dma_start3A, %dma_start3A_15] : memref<4096x80xf32, #tpu.memory_space<vmem_shared>> -> memref<4096x80xf32, #tpu.memory_space<vmem_shared>>
      tpu.enqueue_indirect_dma source(%arg7 : memref<128x80xf32, #tpu.memory_space<vmem>>) target(%dma_start3A_16 : memref<4096x80xf32, #tpu.memory_space<vmem_shared>>) offsets(%arg6 : memref<128xi32, #tpu.memory_space<vmem>>) semaphore(%run_scoped3A : memref<!tpu.dma_semaphore, #tpu.memory_space<semaphore_mem>>) {add = true}
      %dma_wait3A = arith.constant 0 : i32
      %dma_wait3A_17 = arith.constant 0 : i32
      %dma_wait3A_18 = tpu.memref_slice %arg8[%dma_wait3A, %dma_wait3A_17] : memref<4096x80xf32, #tpu.memory_space<vmem_shared>> -> memref<4096x80xf32, #tpu.memory_space<vmem_shared>>
      tpu.wait_indirect_dma semaphore(%run_scoped3A : memref<!tpu.dma_semaphore, #tpu.memory_space<semaphore_mem>>) src(%arg7 : memref<128x80xf32, #tpu.memory_space<vmem>>) dst(%dma_wait3A_18 : memref<4096x80xf32, #tpu.memory_space<vmem_shared>>)
      tpu.yield
    }) : () -> ()
    %mul3A_7 = arith.constant 4096 : i32
    %mul3A_8 = arith.muli %arg0, %mul3A_7 : i32
    %mul3A_9 = arith.constant 256 : i32
    %mul3A_10 = arith.muli %arg1, %mul3A_9 : i32
    %add3A_11 = arith.addi %mul3A_8, %mul3A_10 : i32
    %add3A_12 = arith.constant 128 : i32
    %add3A_13 = arith.addi %add3A_11, %add3A_12 : i32
    "tpu.region"() ({
      %run_scoped3A = tpu.sem_alloc : memref<!tpu.dma_semaphore, #tpu.memory_space<semaphore_mem>>
      %dma_start3A = tpu.memref_slice %arg3[%add3A_13] : memref<8192xi32, #tpu.memory_space<hbm>> -> memref<128xi32, #tpu.memory_space<hbm>>
      %dma_start3A_15 = tpu.memref_slice %arg3[%add3A_13] : memref<8192xi32, #tpu.memory_space<hbm>> -> memref<128xi32, #tpu.memory_space<hbm>>
      tpu.enqueue_dma source(%dma_start3A_15 : memref<128xi32, #tpu.memory_space<hbm>>) target(%arg6 : memref<128xi32, #tpu.memory_space<vmem>>) target_semaphore(%run_scoped3A : memref<!tpu.dma_semaphore, #tpu.memory_space<semaphore_mem>>)
      %dma_wait3A = tpu.memref_slice %arg3[%add3A_13] : memref<8192xi32, #tpu.memory_space<hbm>> -> memref<128xi32, #tpu.memory_space<hbm>>
      %dma_wait3A_16 = tpu.memref_slice %arg3[%add3A_13] : memref<8192xi32, #tpu.memory_space<hbm>> -> memref<128xi32, #tpu.memory_space<hbm>>
      tpu.wait_dma2 semaphore(%run_scoped3A : memref<!tpu.dma_semaphore, #tpu.memory_space<semaphore_mem>>) src(%dma_wait3A_16 : memref<128xi32, #tpu.memory_space<hbm>>) dst(%arg6 : memref<128xi32, #tpu.memory_space<vmem>>)
      tpu.yield
    }) : () -> ()
    "tpu.region"() ({
      %run_scoped3A = tpu.sem_alloc : memref<!tpu.dma_semaphore, #tpu.memory_space<semaphore_mem>>
      %dma_start3A = arith.constant 0 : i32
      %dma_start3A_15 = tpu.memref_slice %arg2[%add3A_13, %dma_start3A] : memref<8192x80xf32, #tpu.memory_space<hbm>> -> memref<128x80xf32, #tpu.memory_space<hbm>>
      %dma_start3A_16 = arith.constant 0 : i32
      %dma_start3A_17 = tpu.memref_slice %arg2[%add3A_13, %dma_start3A_16] : memref<8192x80xf32, #tpu.memory_space<hbm>> -> memref<128x80xf32, #tpu.memory_space<hbm>>
      tpu.enqueue_dma source(%dma_start3A_17 : memref<128x80xf32, #tpu.memory_space<hbm>>) target(%arg7 : memref<128x80xf32, #tpu.memory_space<vmem>>) target_semaphore(%run_scoped3A : memref<!tpu.dma_semaphore, #tpu.memory_space<semaphore_mem>>)
      %dma_wait3A = arith.constant 0 : i32
      %dma_wait3A_18 = tpu.memref_slice %arg2[%add3A_13, %dma_wait3A] : memref<8192x80xf32, #tpu.memory_space<hbm>> -> memref<128x80xf32, #tpu.memory_space<hbm>>
      %dma_wait3A_19 = arith.constant 0 : i32
      %dma_wait3A_20 = tpu.memref_slice %arg2[%add3A_13, %dma_wait3A_19] : memref<8192x80xf32, #tpu.memory_space<hbm>> -> memref<128x80xf32, #tpu.memory_space<hbm>>
      tpu.wait_dma2 semaphore(%run_scoped3A : memref<!tpu.dma_semaphore, #tpu.memory_space<semaphore_mem>>) src(%dma_wait3A_20 : memref<128x80xf32, #tpu.memory_space<hbm>>) dst(%arg7 : memref<128x80xf32, #tpu.memory_space<vmem>>)
      tpu.yield
    }) : () -> ()
    "tpu.region"() ({
      %run_scoped3A = tpu.sem_alloc : memref<!tpu.dma_semaphore, #tpu.memory_space<semaphore_mem>>
      %dma_start3A = arith.constant 0 : i32
      %dma_start3A_15 = arith.constant 0 : i32
      %dma_start3A_16 = tpu.memref_slice %arg8[%dma_start3A, %dma_start3A_15] : memref<4096x80xf32, #tpu.memory_space<vmem_shared>> -> memref<4096x80xf32, #tpu.memory_space<vmem_shared>>
      tpu.enqueue_indirect_dma source(%arg7 : memref<128x80xf32, #tpu.memory_space<vmem>>) target(%dma_start3A_16 : memref<4096x80xf32, #tpu.memory_space<vmem_shared>>) offsets(%arg6 : memref<128xi32, #tpu.memory_space<vmem>>) semaphore(%run_scoped3A : memref<!tpu.dma_semaphore, #tpu.memory_space<semaphore_mem>>) {add = true}
      %dma_wait3A = arith.constant 0 : i32
      %dma_wait3A_17 = arith.constant 0 : i32
      %dma_wait3A_18 = tpu.memref_slice %arg8[%dma_wait3A, %dma_wait3A_17] : memref<4096x80xf32, #tpu.memory_space<vmem_shared>> -> memref<4096x80xf32, #tpu.memory_space<vmem_shared>>
      tpu.wait_indirect_dma semaphore(%run_scoped3A : memref<!tpu.dma_semaphore, #tpu.memory_space<semaphore_mem>>) src(%arg7 : memref<128x80xf32, #tpu.memory_space<vmem>>) dst(%dma_wait3A_18 : memref<4096x80xf32, #tpu.memory_space<vmem_shared>>)
      tpu.yield
    }) : () -> ()
    %barrier3A_14 = arith.constant 0 : index
    tpu.barrier barrier_id(%barrier3A_14)
    "tpu.region"() ({
      %run_scoped3A = tpu.sem_alloc : memref<!tpu.dma_semaphore, #tpu.memory_space<semaphore_mem>>
      %dma_start3A = arith.constant 0 : i32
      %dma_start3A_15 = tpu.memref_slice %arg5[%arg0, %mul3A_0, %dma_start3A] : memref<2x4096x80xf32, #tpu.memory_space<hbm>> -> memref<1x256x80xf32, #tpu.memory_space<hbm>>
      %dma_start3A_16 = tpu.memref_squeeze %dma_start3A_15 : memref<1x256x80xf32, #tpu.memory_space<hbm>> -> memref<256x80xf32, #tpu.memory_space<hbm>>
      %dma_start3A_17 = arith.constant 0 : i32
      %dma_start3A_18 = tpu.memref_slice %arg8[%mul3A_0, %dma_start3A_17] : memref<4096x80xf32, #tpu.memory_space<vmem_shared>> -> memref<256x80xf32, #tpu.memory_space<vmem_shared>>
      tpu.enqueue_dma source(%dma_start3A_18 : memref<256x80xf32, #tpu.memory_space<vmem_shared>>) target(%dma_start3A_16 : memref<256x80xf32, #tpu.memory_space<hbm>>) target_semaphore(%run_scoped3A : memref<!tpu.dma_semaphore, #tpu.memory_space<semaphore_mem>>)
      %dma_wait3A = arith.constant 0 : i32
      %dma_wait3A_19 = tpu.memref_slice %arg5[%arg0, %mul3A_0, %dma_wait3A] : memref<2x4096x80xf32, #tpu.memory_space<hbm>> -> memref<1x256x80xf32, #tpu.memory_space<hbm>>
      %dma_wait3A_20 = tpu.memref_squeeze %dma_wait3A_19 : memref<1x256x80xf32, #tpu.memory_space<hbm>> -> memref<256x80xf32, #tpu.memory_space<hbm>>
      %dma_wait3A_21 = arith.constant 0 : i32
      %dma_wait3A_22 = tpu.memref_slice %arg8[%mul3A_0, %dma_wait3A_21] : memref<4096x80xf32, #tpu.memory_space<vmem_shared>> -> memref<256x80xf32, #tpu.memory_space<vmem_shared>>
      tpu.wait_dma2 semaphore(%run_scoped3A : memref<!tpu.dma_semaphore, #tpu.memory_space<semaphore_mem>>) src(%dma_wait3A_22 : memref<256x80xf32, #tpu.memory_space<vmem_shared>>) dst(%dma_wait3A_20 : memref<256x80xf32, #tpu.memory_space<hbm>>)
      tpu.yield
    }) : () -> ()
    return
  }
}

#map = affine_map<(d0, d1) -> (0, 0)>
#map1 = affine_map<(d0, d1) -> (0)>
module attributes {stable_mosaic.version = 14 : i64} {
  func.func @_sc_gather(%arg0: i32, %arg1: i32, %arg2: memref<4096x64xf32, #tpu.memory_space<hbm>>, %arg3: memref<8192xi32, #tpu.memory_space<hbm>>, %arg4: memref<8192x64xf32, #tpu.memory_space<hbm>>, %arg5: memref<128xi32, #tpu.memory_space<vmem>>, %arg6: memref<128x64xf32, #tpu.memory_space<vmem>>, %arg7: memref<!tpu.dma_semaphore, #tpu.memory_space<semaphore_mem>>) attributes {dimension_semantics = [#tpu.dimension_semantics<core_parallel>, #tpu.dimension_semantics<subcore_parallel>], iteration_bounds = array<i64: 2, 16>, scalar_prefetch = 0 : i64, scratch_operands = 3 : i64, tpu.core_type = #tpu.core_type<sc_vector_subcore>, window_params = [{transform_indices = #map}, {transform_indices = #map1}, {transform_indices = #map}]} {
    %mul3A = arith.constant 2 : i32
    %mul3A_0 = arith.muli %arg1, %mul3A : i32
    %add3A = arith.addi %mul3A_0, %arg0 : i32
    %mul3A_1 = arith.constant 256 : i32
    %mul3A_2 = arith.muli %add3A, %mul3A_1 : i32
    %add3A_3 = arith.constant 0 : i32
    %add3A_4 = arith.addi %mul3A_2, %add3A_3 : i32
    "tpu.region"() ({
      %run_scoped3A = tpu.sem_alloc : memref<!tpu.dma_semaphore, #tpu.memory_space<semaphore_mem>>
      %dma_start3A_19 = tpu.memref_slice %arg3[%add3A_4] : memref<8192xi32, #tpu.memory_space<hbm>> -> memref<128xi32, #tpu.memory_space<hbm>>
      %dma_start3A_20 = tpu.memref_slice %arg3[%add3A_4] : memref<8192xi32, #tpu.memory_space<hbm>> -> memref<128xi32, #tpu.memory_space<hbm>>
      tpu.enqueue_dma source(%dma_start3A_20 : memref<128xi32, #tpu.memory_space<hbm>>) target(%arg5 : memref<128xi32, #tpu.memory_space<vmem>>) target_semaphore(%run_scoped3A : memref<!tpu.dma_semaphore, #tpu.memory_space<semaphore_mem>>)
      %dma_wait3A_21 = tpu.memref_slice %arg3[%add3A_4] : memref<8192xi32, #tpu.memory_space<hbm>> -> memref<128xi32, #tpu.memory_space<hbm>>
      %dma_wait3A_22 = tpu.memref_slice %arg3[%add3A_4] : memref<8192xi32, #tpu.memory_space<hbm>> -> memref<128xi32, #tpu.memory_space<hbm>>
      tpu.wait_dma2 semaphore(%run_scoped3A : memref<!tpu.dma_semaphore, #tpu.memory_space<semaphore_mem>>) src(%dma_wait3A_22 : memref<128xi32, #tpu.memory_space<hbm>>) dst(%arg5 : memref<128xi32, #tpu.memory_space<vmem>>)
      tpu.yield
    }) : () -> ()
    %dma_start3A = arith.constant 0 : i32
    %dma_start3A_5 = arith.constant 0 : i32
    %dma_start3A_6 = tpu.memref_slice %arg2[%dma_start3A, %dma_start3A_5] : memref<4096x64xf32, #tpu.memory_space<hbm>> -> memref<4096x64xf32, #tpu.memory_space<hbm>>
    tpu.enqueue_indirect_dma source(%dma_start3A_6 : memref<4096x64xf32, #tpu.memory_space<hbm>>) target(%arg6 : memref<128x64xf32, #tpu.memory_space<vmem>>) offsets(%arg5 : memref<128xi32, #tpu.memory_space<vmem>>) semaphore(%arg7 : memref<!tpu.dma_semaphore, #tpu.memory_space<semaphore_mem>>)
    %dma_wait3A = arith.constant 0 : i32
    %dma_wait3A_7 = arith.constant 0 : i32
    %dma_wait3A_8 = tpu.memref_slice %arg2[%dma_wait3A, %dma_wait3A_7] : memref<4096x64xf32, #tpu.memory_space<hbm>> -> memref<4096x64xf32, #tpu.memory_space<hbm>>
    tpu.wait_indirect_dma semaphore(%arg7 : memref<!tpu.dma_semaphore, #tpu.memory_space<semaphore_mem>>) src(%dma_wait3A_8 : memref<4096x64xf32, #tpu.memory_space<hbm>>) dst(%arg6 : memref<128x64xf32, #tpu.memory_space<vmem>>)
    "tpu.region"() ({
      %run_scoped3A = tpu.sem_alloc : memref<!tpu.dma_semaphore, #tpu.memory_space<semaphore_mem>>
      %dma_start3A_19 = arith.constant 0 : i32
      %dma_start3A_20 = tpu.memref_slice %arg4[%add3A_4, %dma_start3A_19] : memref<8192x64xf32, #tpu.memory_space<hbm>> -> memref<128x64xf32, #tpu.memory_space<hbm>>
      %dma_start3A_21 = arith.constant 0 : i32
      %dma_start3A_22 = tpu.memref_slice %arg4[%add3A_4, %dma_start3A_21] : memref<8192x64xf32, #tpu.memory_space<hbm>> -> memref<128x64xf32, #tpu.memory_space<hbm>>
      tpu.enqueue_dma source(%arg6 : memref<128x64xf32, #tpu.memory_space<vmem>>) target(%dma_start3A_22 : memref<128x64xf32, #tpu.memory_space<hbm>>) target_semaphore(%run_scoped3A : memref<!tpu.dma_semaphore, #tpu.memory_space<semaphore_mem>>)
      %dma_wait3A_23 = arith.constant 0 : i32
      %dma_wait3A_24 = tpu.memref_slice %arg4[%add3A_4, %dma_wait3A_23] : memref<8192x64xf32, #tpu.memory_space<hbm>> -> memref<128x64xf32, #tpu.memory_space<hbm>>
      %dma_wait3A_25 = arith.constant 0 : i32
      %dma_wait3A_26 = tpu.memref_slice %arg4[%add3A_4, %dma_wait3A_25] : memref<8192x64xf32, #tpu.memory_space<hbm>> -> memref<128x64xf32, #tpu.memory_space<hbm>>
      tpu.wait_dma2 semaphore(%run_scoped3A : memref<!tpu.dma_semaphore, #tpu.memory_space<semaphore_mem>>) src(%arg6 : memref<128x64xf32, #tpu.memory_space<vmem>>) dst(%dma_wait3A_26 : memref<128x64xf32, #tpu.memory_space<hbm>>)
      tpu.yield
    }) : () -> ()
    %mul3A_9 = arith.constant 256 : i32
    %mul3A_10 = arith.muli %add3A, %mul3A_9 : i32
    %add3A_11 = arith.constant 128 : i32
    %add3A_12 = arith.addi %mul3A_10, %add3A_11 : i32
    "tpu.region"() ({
      %run_scoped3A = tpu.sem_alloc : memref<!tpu.dma_semaphore, #tpu.memory_space<semaphore_mem>>
      %dma_start3A_19 = tpu.memref_slice %arg3[%add3A_12] : memref<8192xi32, #tpu.memory_space<hbm>> -> memref<128xi32, #tpu.memory_space<hbm>>
      %dma_start3A_20 = tpu.memref_slice %arg3[%add3A_12] : memref<8192xi32, #tpu.memory_space<hbm>> -> memref<128xi32, #tpu.memory_space<hbm>>
      tpu.enqueue_dma source(%dma_start3A_20 : memref<128xi32, #tpu.memory_space<hbm>>) target(%arg5 : memref<128xi32, #tpu.memory_space<vmem>>) target_semaphore(%run_scoped3A : memref<!tpu.dma_semaphore, #tpu.memory_space<semaphore_mem>>)
      %dma_wait3A_21 = tpu.memref_slice %arg3[%add3A_12] : memref<8192xi32, #tpu.memory_space<hbm>> -> memref<128xi32, #tpu.memory_space<hbm>>
      %dma_wait3A_22 = tpu.memref_slice %arg3[%add3A_12] : memref<8192xi32, #tpu.memory_space<hbm>> -> memref<128xi32, #tpu.memory_space<hbm>>
      tpu.wait_dma2 semaphore(%run_scoped3A : memref<!tpu.dma_semaphore, #tpu.memory_space<semaphore_mem>>) src(%dma_wait3A_22 : memref<128xi32, #tpu.memory_space<hbm>>) dst(%arg5 : memref<128xi32, #tpu.memory_space<vmem>>)
      tpu.yield
    }) : () -> ()
    %dma_start3A_13 = arith.constant 0 : i32
    %dma_start3A_14 = arith.constant 0 : i32
    %dma_start3A_15 = tpu.memref_slice %arg2[%dma_start3A_13, %dma_start3A_14] : memref<4096x64xf32, #tpu.memory_space<hbm>> -> memref<4096x64xf32, #tpu.memory_space<hbm>>
    tpu.enqueue_indirect_dma source(%dma_start3A_15 : memref<4096x64xf32, #tpu.memory_space<hbm>>) target(%arg6 : memref<128x64xf32, #tpu.memory_space<vmem>>) offsets(%arg5 : memref<128xi32, #tpu.memory_space<vmem>>) semaphore(%arg7 : memref<!tpu.dma_semaphore, #tpu.memory_space<semaphore_mem>>)
    %dma_wait3A_16 = arith.constant 0 : i32
    %dma_wait3A_17 = arith.constant 0 : i32
    %dma_wait3A_18 = tpu.memref_slice %arg2[%dma_wait3A_16, %dma_wait3A_17] : memref<4096x64xf32, #tpu.memory_space<hbm>> -> memref<4096x64xf32, #tpu.memory_space<hbm>>
    tpu.wait_indirect_dma semaphore(%arg7 : memref<!tpu.dma_semaphore, #tpu.memory_space<semaphore_mem>>) src(%dma_wait3A_18 : memref<4096x64xf32, #tpu.memory_space<hbm>>) dst(%arg6 : memref<128x64xf32, #tpu.memory_space<vmem>>)
    "tpu.region"() ({
      %run_scoped3A = tpu.sem_alloc : memref<!tpu.dma_semaphore, #tpu.memory_space<semaphore_mem>>
      %dma_start3A_19 = arith.constant 0 : i32
      %dma_start3A_20 = tpu.memref_slice %arg4[%add3A_12, %dma_start3A_19] : memref<8192x64xf32, #tpu.memory_space<hbm>> -> memref<128x64xf32, #tpu.memory_space<hbm>>
      %dma_start3A_21 = arith.constant 0 : i32
      %dma_start3A_22 = tpu.memref_slice %arg4[%add3A_12, %dma_start3A_21] : memref<8192x64xf32, #tpu.memory_space<hbm>> -> memref<128x64xf32, #tpu.memory_space<hbm>>
      tpu.enqueue_dma source(%arg6 : memref<128x64xf32, #tpu.memory_space<vmem>>) target(%dma_start3A_22 : memref<128x64xf32, #tpu.memory_space<hbm>>) target_semaphore(%run_scoped3A : memref<!tpu.dma_semaphore, #tpu.memory_space<semaphore_mem>>)
      %dma_wait3A_23 = arith.constant 0 : i32
      %dma_wait3A_24 = tpu.memref_slice %arg4[%add3A_12, %dma_wait3A_23] : memref<8192x64xf32, #tpu.memory_space<hbm>> -> memref<128x64xf32, #tpu.memory_space<hbm>>
      %dma_wait3A_25 = arith.constant 0 : i32
      %dma_wait3A_26 = tpu.memref_slice %arg4[%add3A_12, %dma_wait3A_25] : memref<8192x64xf32, #tpu.memory_space<hbm>> -> memref<128x64xf32, #tpu.memory_space<hbm>>
      tpu.wait_dma2 semaphore(%run_scoped3A : memref<!tpu.dma_semaphore, #tpu.memory_space<semaphore_mem>>) src(%arg6 : memref<128x64xf32, #tpu.memory_space<vmem>>) dst(%dma_wait3A_26 : memref<128x64xf32, #tpu.memory_space<hbm>>)
      tpu.yield
    }) : () -> ()
    return
  }
}

#map = affine_map<(d0, d1) -> (0, 0)>
#map1 = affine_map<(d0, d1) -> (0)>
#map2 = affine_map<(d0, d1) -> (0, 0, 0)>
module attributes {stable_mosaic.version = 14 : i64} {
  func.func @_sc_scatter(%arg0: i32, %arg1: i32, %arg2: memref<8192x80xf32, #tpu.memory_space<hbm>>, %arg3: memref<8192xi32, #tpu.memory_space<hbm>>, %arg4: memref<4096x80xf32, #tpu.memory_space<hbm>>, %arg5: memref<2x4096x80xf32, #tpu.memory_space<hbm>>, %arg6: memref<128xi32, #tpu.memory_space<vmem>>, %arg7: memref<128x80xf32, #tpu.memory_space<vmem>>, %arg8: memref<4096x80xf32, #tpu.memory_space<vmem_shared>>, %arg9: memref<!tpu.dma_semaphore, #tpu.memory_space<semaphore_mem>>) attributes {dimension_semantics = [#tpu.dimension_semantics<core_parallel>, #tpu.dimension_semantics<subcore_parallel>], iteration_bounds = array<i64: 2, 16>, scalar_prefetch = 0 : i64, scratch_operands = 4 : i64, tpu.core_type = #tpu.core_type<sc_vector_subcore>, window_params = [{transform_indices = #map}, {transform_indices = #map1}, {transform_indices = #map}, {transform_indices = #map2}]} {
    %mul3A = arith.constant 256 : i32
    %mul3A_0 = arith.muli %arg1, %mul3A : i32
    "tpu.region"() ({
      %run_scoped3A = tpu.sem_alloc : memref<!tpu.dma_semaphore, #tpu.memory_space<semaphore_mem>>
      %dma_start3A = arith.constant 0 : i32
      %dma_start3A_15 = tpu.memref_slice %arg8[%mul3A_0, %dma_start3A] : memref<4096x80xf32, #tpu.memory_space<vmem_shared>> -> memref<256x80xf32, #tpu.memory_space<vmem_shared>>
      %dma_start3A_16 = arith.constant 0 : i32
      %dma_start3A_17 = tpu.memref_slice %arg4[%mul3A_0, %dma_start3A_16] : memref<4096x80xf32, #tpu.memory_space<hbm>> -> memref<256x80xf32, #tpu.memory_space<hbm>>
      tpu.enqueue_dma source(%dma_start3A_17 : memref<256x80xf32, #tpu.memory_space<hbm>>) target(%dma_start3A_15 : memref<256x80xf32, #tpu.memory_space<vmem_shared>>) target_semaphore(%run_scoped3A : memref<!tpu.dma_semaphore, #tpu.memory_space<semaphore_mem>>)
      %dma_wait3A = arith.constant 0 : i32
      %dma_wait3A_18 = tpu.memref_slice %arg8[%mul3A_0, %dma_wait3A] : memref<4096x80xf32, #tpu.memory_space<vmem_shared>> -> memref<256x80xf32, #tpu.memory_space<vmem_shared>>
      %dma_wait3A_19 = arith.constant 0 : i32
      %dma_wait3A_20 = tpu.memref_slice %arg4[%mul3A_0, %dma_wait3A_19] : memref<4096x80xf32, #tpu.memory_space<hbm>> -> memref<256x80xf32, #tpu.memory_space<hbm>>
      tpu.wait_dma2 semaphore(%run_scoped3A : memref<!tpu.dma_semaphore, #tpu.memory_space<semaphore_mem>>) src(%dma_wait3A_20 : memref<256x80xf32, #tpu.memory_space<hbm>>) dst(%dma_wait3A_18 : memref<256x80xf32, #tpu.memory_space<vmem_shared>>)
      tpu.yield
    }) : () -> ()
    %barrier3A = arith.constant 0 : index
    tpu.barrier barrier_id(%barrier3A)
    %mul3A_1 = arith.constant 4096 : i32
    %mul3A_2 = arith.muli %arg0, %mul3A_1 : i32
    %mul3A_3 = arith.constant 256 : i32
    %mul3A_4 = arith.muli %arg1, %mul3A_3 : i32
    %add3A = arith.addi %mul3A_2, %mul3A_4 : i32
    %add3A_5 = arith.constant 0 : i32
    %add3A_6 = arith.addi %add3A, %add3A_5 : i32
    "tpu.region"() ({
      %run_scoped3A = tpu.sem_alloc : memref<!tpu.dma_semaphore, #tpu.memory_space<semaphore_mem>>
      %dma_start3A = tpu.memref_slice %arg3[%add3A_6] : memref<8192xi32, #tpu.memory_space<hbm>> -> memref<128xi32, #tpu.memory_space<hbm>>
      %dma_start3A_15 = tpu.memref_slice %arg3[%add3A_6] : memref<8192xi32, #tpu.memory_space<hbm>> -> memref<128xi32, #tpu.memory_space<hbm>>
      tpu.enqueue_dma source(%dma_start3A_15 : memref<128xi32, #tpu.memory_space<hbm>>) target(%arg6 : memref<128xi32, #tpu.memory_space<vmem>>) target_semaphore(%run_scoped3A : memref<!tpu.dma_semaphore, #tpu.memory_space<semaphore_mem>>)
      %dma_wait3A = tpu.memref_slice %arg3[%add3A_6] : memref<8192xi32, #tpu.memory_space<hbm>> -> memref<128xi32, #tpu.memory_space<hbm>>
      %dma_wait3A_16 = tpu.memref_slice %arg3[%add3A_6] : memref<8192xi32, #tpu.memory_space<hbm>> -> memref<128xi32, #tpu.memory_space<hbm>>
      tpu.wait_dma2 semaphore(%run_scoped3A : memref<!tpu.dma_semaphore, #tpu.memory_space<semaphore_mem>>) src(%dma_wait3A_16 : memref<128xi32, #tpu.memory_space<hbm>>) dst(%arg6 : memref<128xi32, #tpu.memory_space<vmem>>)
      tpu.yield
    }) : () -> ()
    "tpu.region"() ({
      %run_scoped3A = tpu.sem_alloc : memref<!tpu.dma_semaphore, #tpu.memory_space<semaphore_mem>>
      %dma_start3A = arith.constant 0 : i32
      %dma_start3A_15 = tpu.memref_slice %arg2[%add3A_6, %dma_start3A] : memref<8192x80xf32, #tpu.memory_space<hbm>> -> memref<128x80xf32, #tpu.memory_space<hbm>>
      %dma_start3A_16 = arith.constant 0 : i32
      %dma_start3A_17 = tpu.memref_slice %arg2[%add3A_6, %dma_start3A_16] : memref<8192x80xf32, #tpu.memory_space<hbm>> -> memref<128x80xf32, #tpu.memory_space<hbm>>
      tpu.enqueue_dma source(%dma_start3A_17 : memref<128x80xf32, #tpu.memory_space<hbm>>) target(%arg7 : memref<128x80xf32, #tpu.memory_space<vmem>>) target_semaphore(%run_scoped3A : memref<!tpu.dma_semaphore, #tpu.memory_space<semaphore_mem>>)
      %dma_wait3A = arith.constant 0 : i32
      %dma_wait3A_18 = tpu.memref_slice %arg2[%add3A_6, %dma_wait3A] : memref<8192x80xf32, #tpu.memory_space<hbm>> -> memref<128x80xf32, #tpu.memory_space<hbm>>
      %dma_wait3A_19 = arith.constant 0 : i32
      %dma_wait3A_20 = tpu.memref_slice %arg2[%add3A_6, %dma_wait3A_19] : memref<8192x80xf32, #tpu.memory_space<hbm>> -> memref<128x80xf32, #tpu.memory_space<hbm>>
      tpu.wait_dma2 semaphore(%run_scoped3A : memref<!tpu.dma_semaphore, #tpu.memory_space<semaphore_mem>>) src(%dma_wait3A_20 : memref<128x80xf32, #tpu.memory_space<hbm>>) dst(%arg7 : memref<128x80xf32, #tpu.memory_space<vmem>>)
      tpu.yield
    }) : () -> ()
    "tpu.region"() ({
      %run_scoped3A = tpu.sem_alloc : memref<!tpu.dma_semaphore, #tpu.memory_space<semaphore_mem>>
      %dma_start3A = arith.constant 0 : i32
      %dma_start3A_15 = arith.constant 0 : i32
      %dma_start3A_16 = tpu.memref_slice %arg8[%dma_start3A, %dma_start3A_15] : memref<4096x80xf32, #tpu.memory_space<vmem_shared>> -> memref<4096x80xf32, #tpu.memory_space<vmem_shared>>
      tpu.enqueue_indirect_dma source(%arg7 : memref<128x80xf32, #tpu.memory_space<vmem>>) target(%dma_start3A_16 : memref<4096x80xf32, #tpu.memory_space<vmem_shared>>) offsets(%arg6 : memref<128xi32, #tpu.memory_space<vmem>>) semaphore(%run_scoped3A : memref<!tpu.dma_semaphore, #tpu.memory_space<semaphore_mem>>) {add = true}
      %dma_wait3A = arith.constant 0 : i32
      %dma_wait3A_17 = arith.constant 0 : i32
      %dma_wait3A_18 = tpu.memref_slice %arg8[%dma_wait3A, %dma_wait3A_17] : memref<4096x80xf32, #tpu.memory_space<vmem_shared>> -> memref<4096x80xf32, #tpu.memory_space<vmem_shared>>
      tpu.wait_indirect_dma semaphore(%run_scoped3A : memref<!tpu.dma_semaphore, #tpu.memory_space<semaphore_mem>>) src(%arg7 : memref<128x80xf32, #tpu.memory_space<vmem>>) dst(%dma_wait3A_18 : memref<4096x80xf32, #tpu.memory_space<vmem_shared>>)
      tpu.yield
    }) : () -> ()
    %mul3A_7 = arith.constant 4096 : i32
    %mul3A_8 = arith.muli %arg0, %mul3A_7 : i32
    %mul3A_9 = arith.constant 256 : i32
    %mul3A_10 = arith.muli %arg1, %mul3A_9 : i32
    %add3A_11 = arith.addi %mul3A_8, %mul3A_10 : i32
    %add3A_12 = arith.constant 128 : i32
    %add3A_13 = arith.addi %add3A_11, %add3A_12 : i32
    "tpu.region"() ({
      %run_scoped3A = tpu.sem_alloc : memref<!tpu.dma_semaphore, #tpu.memory_space<semaphore_mem>>
      %dma_start3A = tpu.memref_slice %arg3[%add3A_13] : memref<8192xi32, #tpu.memory_space<hbm>> -> memref<128xi32, #tpu.memory_space<hbm>>
      %dma_start3A_15 = tpu.memref_slice %arg3[%add3A_13] : memref<8192xi32, #tpu.memory_space<hbm>> -> memref<128xi32, #tpu.memory_space<hbm>>
      tpu.enqueue_dma source(%dma_start3A_15 : memref<128xi32, #tpu.memory_space<hbm>>) target(%arg6 : memref<128xi32, #tpu.memory_space<vmem>>) target_semaphore(%run_scoped3A : memref<!tpu.dma_semaphore, #tpu.memory_space<semaphore_mem>>)
      %dma_wait3A = tpu.memref_slice %arg3[%add3A_13] : memref<8192xi32, #tpu.memory_space<hbm>> -> memref<128xi32, #tpu.memory_space<hbm>>
      %dma_wait3A_16 = tpu.memref_slice %arg3[%add3A_13] : memref<8192xi32, #tpu.memory_space<hbm>> -> memref<128xi32, #tpu.memory_space<hbm>>
      tpu.wait_dma2 semaphore(%run_scoped3A : memref<!tpu.dma_semaphore, #tpu.memory_space<semaphore_mem>>) src(%dma_wait3A_16 : memref<128xi32, #tpu.memory_space<hbm>>) dst(%arg6 : memref<128xi32, #tpu.memory_space<vmem>>)
      tpu.yield
    }) : () -> ()
    "tpu.region"() ({
      %run_scoped3A = tpu.sem_alloc : memref<!tpu.dma_semaphore, #tpu.memory_space<semaphore_mem>>
      %dma_start3A = arith.constant 0 : i32
      %dma_start3A_15 = tpu.memref_slice %arg2[%add3A_13, %dma_start3A] : memref<8192x80xf32, #tpu.memory_space<hbm>> -> memref<128x80xf32, #tpu.memory_space<hbm>>
      %dma_start3A_16 = arith.constant 0 : i32
      %dma_start3A_17 = tpu.memref_slice %arg2[%add3A_13, %dma_start3A_16] : memref<8192x80xf32, #tpu.memory_space<hbm>> -> memref<128x80xf32, #tpu.memory_space<hbm>>
      tpu.enqueue_dma source(%dma_start3A_17 : memref<128x80xf32, #tpu.memory_space<hbm>>) target(%arg7 : memref<128x80xf32, #tpu.memory_space<vmem>>) target_semaphore(%run_scoped3A : memref<!tpu.dma_semaphore, #tpu.memory_space<semaphore_mem>>)
      %dma_wait3A = arith.constant 0 : i32
      %dma_wait3A_18 = tpu.memref_slice %arg2[%add3A_13, %dma_wait3A] : memref<8192x80xf32, #tpu.memory_space<hbm>> -> memref<128x80xf32, #tpu.memory_space<hbm>>
      %dma_wait3A_19 = arith.constant 0 : i32
      %dma_wait3A_20 = tpu.memref_slice %arg2[%add3A_13, %dma_wait3A_19] : memref<8192x80xf32, #tpu.memory_space<hbm>> -> memref<128x80xf32, #tpu.memory_space<hbm>>
      tpu.wait_dma2 semaphore(%run_scoped3A : memref<!tpu.dma_semaphore, #tpu.memory_space<semaphore_mem>>) src(%dma_wait3A_20 : memref<128x80xf32, #tpu.memory_space<hbm>>) dst(%arg7 : memref<128x80xf32, #tpu.memory_space<vmem>>)
      tpu.yield
    }) : () -> ()
    "tpu.region"() ({
      %run_scoped3A = tpu.sem_alloc : memref<!tpu.dma_semaphore, #tpu.memory_space<semaphore_mem>>
      %dma_start3A = arith.constant 0 : i32
      %dma_start3A_15 = arith.constant 0 : i32
      %dma_start3A_16 = tpu.memref_slice %arg8[%dma_start3A, %dma_start3A_15] : memref<4096x80xf32, #tpu.memory_space<vmem_shared>> -> memref<4096x80xf32, #tpu.memory_space<vmem_shared>>
      tpu.enqueue_indirect_dma source(%arg7 : memref<128x80xf32, #tpu.memory_space<vmem>>) target(%dma_start3A_16 : memref<4096x80xf32, #tpu.memory_space<vmem_shared>>) offsets(%arg6 : memref<128xi32, #tpu.memory_space<vmem>>) semaphore(%run_scoped3A : memref<!tpu.dma_semaphore, #tpu.memory_space<semaphore_mem>>) {add = true}
      %dma_wait3A = arith.constant 0 : i32
      %dma_wait3A_17 = arith.constant 0 : i32
      %dma_wait3A_18 = tpu.memref_slice %arg8[%dma_wait3A, %dma_wait3A_17] : memref<4096x80xf32, #tpu.memory_space<vmem_shared>> -> memref<4096x80xf32, #tpu.memory_space<vmem_shared>>
      tpu.wait_indirect_dma semaphore(%run_scoped3A : memref<!tpu.dma_semaphore, #tpu.memory_space<semaphore_mem>>) src(%arg7 : memref<128x80xf32, #tpu.memory_space<vmem>>) dst(%dma_wait3A_18 : memref<4096x80xf32, #tpu.memory_space<vmem_shared>>)
      tpu.yield
    }) : () -> ()
    %barrier3A_14 = arith.constant 0 : index
    tpu.barrier barrier_id(%barrier3A_14)
    "tpu.region"() ({
      %run_scoped3A = tpu.sem_alloc : memref<!tpu.dma_semaphore, #tpu.memory_space<semaphore_mem>>
      %dma_start3A = arith.constant 0 : i32
      %dma_start3A_15 = tpu.memref_slice %arg5[%arg0, %mul3A_0, %dma_start3A] : memref<2x4096x80xf32, #tpu.memory_space<hbm>> -> memref<1x256x80xf32, #tpu.memory_space<hbm>>
      %dma_start3A_16 = tpu.memref_squeeze %dma_start3A_15 : memref<1x256x80xf32, #tpu.memory_space<hbm>> -> memref<256x80xf32, #tpu.memory_space<hbm>>
      %dma_start3A_17 = arith.constant 0 : i32
      %dma_start3A_18 = tpu.memref_slice %arg8[%mul3A_0, %dma_start3A_17] : memref<4096x80xf32, #tpu.memory_space<vmem_shared>> -> memref<256x80xf32, #tpu.memory_space<vmem_shared>>
      tpu.enqueue_dma source(%dma_start3A_18 : memref<256x80xf32, #tpu.memory_space<vmem_shared>>) target(%dma_start3A_16 : memref<256x80xf32, #tpu.memory_space<hbm>>) target_semaphore(%run_scoped3A : memref<!tpu.dma_semaphore, #tpu.memory_space<semaphore_mem>>)
      %dma_wait3A = arith.constant 0 : i32
      %dma_wait3A_19 = tpu.memref_slice %arg5[%arg0, %mul3A_0, %dma_wait3A] : memref<2x4096x80xf32, #tpu.memory_space<hbm>> -> memref<1x256x80xf32, #tpu.memory_space<hbm>>
      %dma_wait3A_20 = tpu.memref_squeeze %dma_wait3A_19 : memref<1x256x80xf32, #tpu.memory_space<hbm>> -> memref<256x80xf32, #tpu.memory_space<hbm>>
      %dma_wait3A_21 = arith.constant 0 : i32
      %dma_wait3A_22 = tpu.memref_slice %arg8[%mul3A_0, %dma_wait3A_21] : memref<4096x80xf32, #tpu.memory_space<vmem_shared>> -> memref<256x80xf32, #tpu.memory_space<vmem_shared>>
      tpu.wait_dma2 semaphore(%run_scoped3A : memref<!tpu.dma_semaphore, #tpu.memory_space<semaphore_mem>>) src(%dma_wait3A_22 : memref<256x80xf32, #tpu.memory_space<vmem_shared>>) dst(%dma_wait3A_20 : memref<256x80xf32, #tpu.memory_space<hbm>>)
      tpu.yield
    }) : () -> ()
    return
  }
}

#map = affine_map<(d0, d1) -> (0, 0)>
#map1 = affine_map<(d0, d1) -> (0)>
module attributes {stable_mosaic.version = 14 : i64} {
  func.func @_sc_gather(%arg0: i32, %arg1: i32, %arg2: memref<4096x64xf32, #tpu.memory_space<hbm>>, %arg3: memref<8192xi32, #tpu.memory_space<hbm>>, %arg4: memref<8192x64xf32, #tpu.memory_space<hbm>>, %arg5: memref<128xi32, #tpu.memory_space<vmem>>, %arg6: memref<128x64xf32, #tpu.memory_space<vmem>>, %arg7: memref<!tpu.dma_semaphore, #tpu.memory_space<semaphore_mem>>) attributes {dimension_semantics = [#tpu.dimension_semantics<core_parallel>, #tpu.dimension_semantics<subcore_parallel>], iteration_bounds = array<i64: 2, 16>, scalar_prefetch = 0 : i64, scratch_operands = 3 : i64, tpu.core_type = #tpu.core_type<sc_vector_subcore>, window_params = [{transform_indices = #map}, {transform_indices = #map1}, {transform_indices = #map}]} {
    %mul3A = arith.constant 2 : i32
    %mul3A_0 = arith.muli %arg1, %mul3A : i32
    %add3A = arith.addi %mul3A_0, %arg0 : i32
    %mul3A_1 = arith.constant 256 : i32
    %mul3A_2 = arith.muli %add3A, %mul3A_1 : i32
    %add3A_3 = arith.constant 0 : i32
    %add3A_4 = arith.addi %mul3A_2, %add3A_3 : i32
    "tpu.region"() ({
      %run_scoped3A = tpu.sem_alloc : memref<!tpu.dma_semaphore, #tpu.memory_space<semaphore_mem>>
      %dma_start3A_19 = tpu.memref_slice %arg3[%add3A_4] : memref<8192xi32, #tpu.memory_space<hbm>> -> memref<128xi32, #tpu.memory_space<hbm>>
      %dma_start3A_20 = tpu.memref_slice %arg3[%add3A_4] : memref<8192xi32, #tpu.memory_space<hbm>> -> memref<128xi32, #tpu.memory_space<hbm>>
      tpu.enqueue_dma source(%dma_start3A_20 : memref<128xi32, #tpu.memory_space<hbm>>) target(%arg5 : memref<128xi32, #tpu.memory_space<vmem>>) target_semaphore(%run_scoped3A : memref<!tpu.dma_semaphore, #tpu.memory_space<semaphore_mem>>)
      %dma_wait3A_21 = tpu.memref_slice %arg3[%add3A_4] : memref<8192xi32, #tpu.memory_space<hbm>> -> memref<128xi32, #tpu.memory_space<hbm>>
      %dma_wait3A_22 = tpu.memref_slice %arg3[%add3A_4] : memref<8192xi32, #tpu.memory_space<hbm>> -> memref<128xi32, #tpu.memory_space<hbm>>
      tpu.wait_dma2 semaphore(%run_scoped3A : memref<!tpu.dma_semaphore, #tpu.memory_space<semaphore_mem>>) src(%dma_wait3A_22 : memref<128xi32, #tpu.memory_space<hbm>>) dst(%arg5 : memref<128xi32, #tpu.memory_space<vmem>>)
      tpu.yield
    }) : () -> ()
    %dma_start3A = arith.constant 0 : i32
    %dma_start3A_5 = arith.constant 0 : i32
    %dma_start3A_6 = tpu.memref_slice %arg2[%dma_start3A, %dma_start3A_5] : memref<4096x64xf32, #tpu.memory_space<hbm>> -> memref<4096x64xf32, #tpu.memory_space<hbm>>
    tpu.enqueue_indirect_dma source(%dma_start3A_6 : memref<4096x64xf32, #tpu.memory_space<hbm>>) target(%arg6 : memref<128x64xf32, #tpu.memory_space<vmem>>) offsets(%arg5 : memref<128xi32, #tpu.memory_space<vmem>>) semaphore(%arg7 : memref<!tpu.dma_semaphore, #tpu.memory_space<semaphore_mem>>)
    %dma_wait3A = arith.constant 0 : i32
    %dma_wait3A_7 = arith.constant 0 : i32
    %dma_wait3A_8 = tpu.memref_slice %arg2[%dma_wait3A, %dma_wait3A_7] : memref<4096x64xf32, #tpu.memory_space<hbm>> -> memref<4096x64xf32, #tpu.memory_space<hbm>>
    tpu.wait_indirect_dma semaphore(%arg7 : memref<!tpu.dma_semaphore, #tpu.memory_space<semaphore_mem>>) src(%dma_wait3A_8 : memref<4096x64xf32, #tpu.memory_space<hbm>>) dst(%arg6 : memref<128x64xf32, #tpu.memory_space<vmem>>)
    "tpu.region"() ({
      %run_scoped3A = tpu.sem_alloc : memref<!tpu.dma_semaphore, #tpu.memory_space<semaphore_mem>>
      %dma_start3A_19 = arith.constant 0 : i32
      %dma_start3A_20 = tpu.memref_slice %arg4[%add3A_4, %dma_start3A_19] : memref<8192x64xf32, #tpu.memory_space<hbm>> -> memref<128x64xf32, #tpu.memory_space<hbm>>
      %dma_start3A_21 = arith.constant 0 : i32
      %dma_start3A_22 = tpu.memref_slice %arg4[%add3A_4, %dma_start3A_21] : memref<8192x64xf32, #tpu.memory_space<hbm>> -> memref<128x64xf32, #tpu.memory_space<hbm>>
      tpu.enqueue_dma source(%arg6 : memref<128x64xf32, #tpu.memory_space<vmem>>) target(%dma_start3A_22 : memref<128x64xf32, #tpu.memory_space<hbm>>) target_semaphore(%run_scoped3A : memref<!tpu.dma_semaphore, #tpu.memory_space<semaphore_mem>>)
      %dma_wait3A_23 = arith.constant 0 : i32
      %dma_wait3A_24 = tpu.memref_slice %arg4[%add3A_4, %dma_wait3A_23] : memref<8192x64xf32, #tpu.memory_space<hbm>> -> memref<128x64xf32, #tpu.memory_space<hbm>>
      %dma_wait3A_25 = arith.constant 0 : i32
      %dma_wait3A_26 = tpu.memref_slice %arg4[%add3A_4, %dma_wait3A_25] : memref<8192x64xf32, #tpu.memory_space<hbm>> -> memref<128x64xf32, #tpu.memory_space<hbm>>
      tpu.wait_dma2 semaphore(%run_scoped3A : memref<!tpu.dma_semaphore, #tpu.memory_space<semaphore_mem>>) src(%arg6 : memref<128x64xf32, #tpu.memory_space<vmem>>) dst(%dma_wait3A_26 : memref<128x64xf32, #tpu.memory_space<hbm>>)
      tpu.yield
    }) : () -> ()
    %mul3A_9 = arith.constant 256 : i32
    %mul3A_10 = arith.muli %add3A, %mul3A_9 : i32
    %add3A_11 = arith.constant 128 : i32
    %add3A_12 = arith.addi %mul3A_10, %add3A_11 : i32
    "tpu.region"() ({
      %run_scoped3A = tpu.sem_alloc : memref<!tpu.dma_semaphore, #tpu.memory_space<semaphore_mem>>
      %dma_start3A_19 = tpu.memref_slice %arg3[%add3A_12] : memref<8192xi32, #tpu.memory_space<hbm>> -> memref<128xi32, #tpu.memory_space<hbm>>
      %dma_start3A_20 = tpu.memref_slice %arg3[%add3A_12] : memref<8192xi32, #tpu.memory_space<hbm>> -> memref<128xi32, #tpu.memory_space<hbm>>
      tpu.enqueue_dma source(%dma_start3A_20 : memref<128xi32, #tpu.memory_space<hbm>>) target(%arg5 : memref<128xi32, #tpu.memory_space<vmem>>) target_semaphore(%run_scoped3A : memref<!tpu.dma_semaphore, #tpu.memory_space<semaphore_mem>>)
      %dma_wait3A_21 = tpu.memref_slice %arg3[%add3A_12] : memref<8192xi32, #tpu.memory_space<hbm>> -> memref<128xi32, #tpu.memory_space<hbm>>
      %dma_wait3A_22 = tpu.memref_slice %arg3[%add3A_12] : memref<8192xi32, #tpu.memory_space<hbm>> -> memref<128xi32, #tpu.memory_space<hbm>>
      tpu.wait_dma2 semaphore(%run_scoped3A : memref<!tpu.dma_semaphore, #tpu.memory_space<semaphore_mem>>) src(%dma_wait3A_22 : memref<128xi32, #tpu.memory_space<hbm>>) dst(%arg5 : memref<128xi32, #tpu.memory_space<vmem>>)
      tpu.yield
    }) : () -> ()
    %dma_start3A_13 = arith.constant 0 : i32
    %dma_start3A_14 = arith.constant 0 : i32
    %dma_start3A_15 = tpu.memref_slice %arg2[%dma_start3A_13, %dma_start3A_14] : memref<4096x64xf32, #tpu.memory_space<hbm>> -> memref<4096x64xf32, #tpu.memory_space<hbm>>
    tpu.enqueue_indirect_dma source(%dma_start3A_15 : memref<4096x64xf32, #tpu.memory_space<hbm>>) target(%arg6 : memref<128x64xf32, #tpu.memory_space<vmem>>) offsets(%arg5 : memref<128xi32, #tpu.memory_space<vmem>>) semaphore(%arg7 : memref<!tpu.dma_semaphore, #tpu.memory_space<semaphore_mem>>)
    %dma_wait3A_16 = arith.constant 0 : i32
    %dma_wait3A_17 = arith.constant 0 : i32
    %dma_wait3A_18 = tpu.memref_slice %arg2[%dma_wait3A_16, %dma_wait3A_17] : memref<4096x64xf32, #tpu.memory_space<hbm>> -> memref<4096x64xf32, #tpu.memory_space<hbm>>
    tpu.wait_indirect_dma semaphore(%arg7 : memref<!tpu.dma_semaphore, #tpu.memory_space<semaphore_mem>>) src(%dma_wait3A_18 : memref<4096x64xf32, #tpu.memory_space<hbm>>) dst(%arg6 : memref<128x64xf32, #tpu.memory_space<vmem>>)
    "tpu.region"() ({
      %run_scoped3A = tpu.sem_alloc : memref<!tpu.dma_semaphore, #tpu.memory_space<semaphore_mem>>
      %dma_start3A_19 = arith.constant 0 : i32
      %dma_start3A_20 = tpu.memref_slice %arg4[%add3A_12, %dma_start3A_19] : memref<8192x64xf32, #tpu.memory_space<hbm>> -> memref<128x64xf32, #tpu.memory_space<hbm>>
      %dma_start3A_21 = arith.constant 0 : i32
      %dma_start3A_22 = tpu.memref_slice %arg4[%add3A_12, %dma_start3A_21] : memref<8192x64xf32, #tpu.memory_space<hbm>> -> memref<128x64xf32, #tpu.memory_space<hbm>>
      tpu.enqueue_dma source(%arg6 : memref<128x64xf32, #tpu.memory_space<vmem>>) target(%dma_start3A_22 : memref<128x64xf32, #tpu.memory_space<hbm>>) target_semaphore(%run_scoped3A : memref<!tpu.dma_semaphore, #tpu.memory_space<semaphore_mem>>)
      %dma_wait3A_23 = arith.constant 0 : i32
      %dma_wait3A_24 = tpu.memref_slice %arg4[%add3A_12, %dma_wait3A_23] : memref<8192x64xf32, #tpu.memory_space<hbm>> -> memref<128x64xf32, #tpu.memory_space<hbm>>
      %dma_wait3A_25 = arith.constant 0 : i32
      %dma_wait3A_26 = tpu.memref_slice %arg4[%add3A_12, %dma_wait3A_25] : memref<8192x64xf32, #tpu.memory_space<hbm>> -> memref<128x64xf32, #tpu.memory_space<hbm>>
      tpu.wait_dma2 semaphore(%run_scoped3A : memref<!tpu.dma_semaphore, #tpu.memory_space<semaphore_mem>>) src(%arg6 : memref<128x64xf32, #tpu.memory_space<vmem>>) dst(%dma_wait3A_26 : memref<128x64xf32, #tpu.memory_space<hbm>>)
      tpu.yield
    }) : () -> ()
    return
  }
}

#map = affine_map<(d0, d1) -> (0, 0)>
#map1 = affine_map<(d0, d1) -> (0)>
module attributes {stable_mosaic.version = 14 : i64} {
  func.func @_sc_gather(%arg0: i32, %arg1: i32, %arg2: memref<4096x64xf32, #tpu.memory_space<hbm>>, %arg3: memref<8192xi32, #tpu.memory_space<hbm>>, %arg4: memref<8192x64xf32, #tpu.memory_space<hbm>>, %arg5: memref<128xi32, #tpu.memory_space<vmem>>, %arg6: memref<128x64xf32, #tpu.memory_space<vmem>>, %arg7: memref<!tpu.dma_semaphore, #tpu.memory_space<semaphore_mem>>) attributes {dimension_semantics = [#tpu.dimension_semantics<core_parallel>, #tpu.dimension_semantics<subcore_parallel>], iteration_bounds = array<i64: 2, 16>, scalar_prefetch = 0 : i64, scratch_operands = 3 : i64, tpu.core_type = #tpu.core_type<sc_vector_subcore>, window_params = [{transform_indices = #map}, {transform_indices = #map1}, {transform_indices = #map}]} {
    %mul3A = arith.constant 2 : i32
    %mul3A_0 = arith.muli %arg1, %mul3A : i32
    %add3A = arith.addi %mul3A_0, %arg0 : i32
    %mul3A_1 = arith.constant 256 : i32
    %mul3A_2 = arith.muli %add3A, %mul3A_1 : i32
    %add3A_3 = arith.constant 0 : i32
    %add3A_4 = arith.addi %mul3A_2, %add3A_3 : i32
    "tpu.region"() ({
      %run_scoped3A = tpu.sem_alloc : memref<!tpu.dma_semaphore, #tpu.memory_space<semaphore_mem>>
      %dma_start3A_19 = tpu.memref_slice %arg3[%add3A_4] : memref<8192xi32, #tpu.memory_space<hbm>> -> memref<128xi32, #tpu.memory_space<hbm>>
      %dma_start3A_20 = tpu.memref_slice %arg3[%add3A_4] : memref<8192xi32, #tpu.memory_space<hbm>> -> memref<128xi32, #tpu.memory_space<hbm>>
      tpu.enqueue_dma source(%dma_start3A_20 : memref<128xi32, #tpu.memory_space<hbm>>) target(%arg5 : memref<128xi32, #tpu.memory_space<vmem>>) target_semaphore(%run_scoped3A : memref<!tpu.dma_semaphore, #tpu.memory_space<semaphore_mem>>)
      %dma_wait3A_21 = tpu.memref_slice %arg3[%add3A_4] : memref<8192xi32, #tpu.memory_space<hbm>> -> memref<128xi32, #tpu.memory_space<hbm>>
      %dma_wait3A_22 = tpu.memref_slice %arg3[%add3A_4] : memref<8192xi32, #tpu.memory_space<hbm>> -> memref<128xi32, #tpu.memory_space<hbm>>
      tpu.wait_dma2 semaphore(%run_scoped3A : memref<!tpu.dma_semaphore, #tpu.memory_space<semaphore_mem>>) src(%dma_wait3A_22 : memref<128xi32, #tpu.memory_space<hbm>>) dst(%arg5 : memref<128xi32, #tpu.memory_space<vmem>>)
      tpu.yield
    }) : () -> ()
    %dma_start3A = arith.constant 0 : i32
    %dma_start3A_5 = arith.constant 0 : i32
    %dma_start3A_6 = tpu.memref_slice %arg2[%dma_start3A, %dma_start3A_5] : memref<4096x64xf32, #tpu.memory_space<hbm>> -> memref<4096x64xf32, #tpu.memory_space<hbm>>
    tpu.enqueue_indirect_dma source(%dma_start3A_6 : memref<4096x64xf32, #tpu.memory_space<hbm>>) target(%arg6 : memref<128x64xf32, #tpu.memory_space<vmem>>) offsets(%arg5 : memref<128xi32, #tpu.memory_space<vmem>>) semaphore(%arg7 : memref<!tpu.dma_semaphore, #tpu.memory_space<semaphore_mem>>)
    %dma_wait3A = arith.constant 0 : i32
    %dma_wait3A_7 = arith.constant 0 : i32
    %dma_wait3A_8 = tpu.memref_slice %arg2[%dma_wait3A, %dma_wait3A_7] : memref<4096x64xf32, #tpu.memory_space<hbm>> -> memref<4096x64xf32, #tpu.memory_space<hbm>>
    tpu.wait_indirect_dma semaphore(%arg7 : memref<!tpu.dma_semaphore, #tpu.memory_space<semaphore_mem>>) src(%dma_wait3A_8 : memref<4096x64xf32, #tpu.memory_space<hbm>>) dst(%arg6 : memref<128x64xf32, #tpu.memory_space<vmem>>)
    "tpu.region"() ({
      %run_scoped3A = tpu.sem_alloc : memref<!tpu.dma_semaphore, #tpu.memory_space<semaphore_mem>>
      %dma_start3A_19 = arith.constant 0 : i32
      %dma_start3A_20 = tpu.memref_slice %arg4[%add3A_4, %dma_start3A_19] : memref<8192x64xf32, #tpu.memory_space<hbm>> -> memref<128x64xf32, #tpu.memory_space<hbm>>
      %dma_start3A_21 = arith.constant 0 : i32
      %dma_start3A_22 = tpu.memref_slice %arg4[%add3A_4, %dma_start3A_21] : memref<8192x64xf32, #tpu.memory_space<hbm>> -> memref<128x64xf32, #tpu.memory_space<hbm>>
      tpu.enqueue_dma source(%arg6 : memref<128x64xf32, #tpu.memory_space<vmem>>) target(%dma_start3A_22 : memref<128x64xf32, #tpu.memory_space<hbm>>) target_semaphore(%run_scoped3A : memref<!tpu.dma_semaphore, #tpu.memory_space<semaphore_mem>>)
      %dma_wait3A_23 = arith.constant 0 : i32
      %dma_wait3A_24 = tpu.memref_slice %arg4[%add3A_4, %dma_wait3A_23] : memref<8192x64xf32, #tpu.memory_space<hbm>> -> memref<128x64xf32, #tpu.memory_space<hbm>>
      %dma_wait3A_25 = arith.constant 0 : i32
      %dma_wait3A_26 = tpu.memref_slice %arg4[%add3A_4, %dma_wait3A_25] : memref<8192x64xf32, #tpu.memory_space<hbm>> -> memref<128x64xf32, #tpu.memory_space<hbm>>
      tpu.wait_dma2 semaphore(%run_scoped3A : memref<!tpu.dma_semaphore, #tpu.memory_space<semaphore_mem>>) src(%arg6 : memref<128x64xf32, #tpu.memory_space<vmem>>) dst(%dma_wait3A_26 : memref<128x64xf32, #tpu.memory_space<hbm>>)
      tpu.yield
    }) : () -> ()
    %mul3A_9 = arith.constant 256 : i32
    %mul3A_10 = arith.muli %add3A, %mul3A_9 : i32
    %add3A_11 = arith.constant 128 : i32
    %add3A_12 = arith.addi %mul3A_10, %add3A_11 : i32
    "tpu.region"() ({
      %run_scoped3A = tpu.sem_alloc : memref<!tpu.dma_semaphore, #tpu.memory_space<semaphore_mem>>
      %dma_start3A_19 = tpu.memref_slice %arg3[%add3A_12] : memref<8192xi32, #tpu.memory_space<hbm>> -> memref<128xi32, #tpu.memory_space<hbm>>
      %dma_start3A_20 = tpu.memref_slice %arg3[%add3A_12] : memref<8192xi32, #tpu.memory_space<hbm>> -> memref<128xi32, #tpu.memory_space<hbm>>
      tpu.enqueue_dma source(%dma_start3A_20 : memref<128xi32, #tpu.memory_space<hbm>>) target(%arg5 : memref<128xi32, #tpu.memory_space<vmem>>) target_semaphore(%run_scoped3A : memref<!tpu.dma_semaphore, #tpu.memory_space<semaphore_mem>>)
      %dma_wait3A_21 = tpu.memref_slice %arg3[%add3A_12] : memref<8192xi32, #tpu.memory_space<hbm>> -> memref<128xi32, #tpu.memory_space<hbm>>
      %dma_wait3A_22 = tpu.memref_slice %arg3[%add3A_12] : memref<8192xi32, #tpu.memory_space<hbm>> -> memref<128xi32, #tpu.memory_space<hbm>>
      tpu.wait_dma2 semaphore(%run_scoped3A : memref<!tpu.dma_semaphore, #tpu.memory_space<semaphore_mem>>) src(%dma_wait3A_22 : memref<128xi32, #tpu.memory_space<hbm>>) dst(%arg5 : memref<128xi32, #tpu.memory_space<vmem>>)
      tpu.yield
    }) : () -> ()
    %dma_start3A_13 = arith.constant 0 : i32
    %dma_start3A_14 = arith.constant 0 : i32
    %dma_start3A_15 = tpu.memref_slice %arg2[%dma_start3A_13, %dma_start3A_14] : memref<4096x64xf32, #tpu.memory_space<hbm>> -> memref<4096x64xf32, #tpu.memory_space<hbm>>
    tpu.enqueue_indirect_dma source(%dma_start3A_15 : memref<4096x64xf32, #tpu.memory_space<hbm>>) target(%arg6 : memref<128x64xf32, #tpu.memory_space<vmem>>) offsets(%arg5 : memref<128xi32, #tpu.memory_space<vmem>>) semaphore(%arg7 : memref<!tpu.dma_semaphore, #tpu.memory_space<semaphore_mem>>)
    %dma_wait3A_16 = arith.constant 0 : i32
    %dma_wait3A_17 = arith.constant 0 : i32
    %dma_wait3A_18 = tpu.memref_slice %arg2[%dma_wait3A_16, %dma_wait3A_17] : memref<4096x64xf32, #tpu.memory_space<hbm>> -> memref<4096x64xf32, #tpu.memory_space<hbm>>
    tpu.wait_indirect_dma semaphore(%arg7 : memref<!tpu.dma_semaphore, #tpu.memory_space<semaphore_mem>>) src(%dma_wait3A_18 : memref<4096x64xf32, #tpu.memory_space<hbm>>) dst(%arg6 : memref<128x64xf32, #tpu.memory_space<vmem>>)
    "tpu.region"() ({
      %run_scoped3A = tpu.sem_alloc : memref<!tpu.dma_semaphore, #tpu.memory_space<semaphore_mem>>
      %dma_start3A_19 = arith.constant 0 : i32
      %dma_start3A_20 = tpu.memref_slice %arg4[%add3A_12, %dma_start3A_19] : memref<8192x64xf32, #tpu.memory_space<hbm>> -> memref<128x64xf32, #tpu.memory_space<hbm>>
      %dma_start3A_21 = arith.constant 0 : i32
      %dma_start3A_22 = tpu.memref_slice %arg4[%add3A_12, %dma_start3A_21] : memref<8192x64xf32, #tpu.memory_space<hbm>> -> memref<128x64xf32, #tpu.memory_space<hbm>>
      tpu.enqueue_dma source(%arg6 : memref<128x64xf32, #tpu.memory_space<vmem>>) target(%dma_start3A_22 : memref<128x64xf32, #tpu.memory_space<hbm>>) target_semaphore(%run_scoped3A : memref<!tpu.dma_semaphore, #tpu.memory_space<semaphore_mem>>)
      %dma_wait3A_23 = arith.constant 0 : i32
      %dma_wait3A_24 = tpu.memref_slice %arg4[%add3A_12, %dma_wait3A_23] : memref<8192x64xf32, #tpu.memory_space<hbm>> -> memref<128x64xf32, #tpu.memory_space<hbm>>
      %dma_wait3A_25 = arith.constant 0 : i32
      %dma_wait3A_26 = tpu.memref_slice %arg4[%add3A_12, %dma_wait3A_25] : memref<8192x64xf32, #tpu.memory_space<hbm>> -> memref<128x64xf32, #tpu.memory_space<hbm>>
      tpu.wait_dma2 semaphore(%run_scoped3A : memref<!tpu.dma_semaphore, #tpu.memory_space<semaphore_mem>>) src(%arg6 : memref<128x64xf32, #tpu.memory_space<vmem>>) dst(%dma_wait3A_26 : memref<128x64xf32, #tpu.memory_space<hbm>>)
      tpu.yield
    }) : () -> ()
    return
  }
}

#map = affine_map<(d0, d1) -> (0, 0)>
#map1 = affine_map<(d0, d1) -> (0)>
#map2 = affine_map<(d0, d1) -> (0, 0, 0)>
module attributes {stable_mosaic.version = 14 : i64} {
  func.func @_sc_scatter(%arg0: i32, %arg1: i32, %arg2: memref<8192x80xf32, #tpu.memory_space<hbm>>, %arg3: memref<8192xi32, #tpu.memory_space<hbm>>, %arg4: memref<4096x80xf32, #tpu.memory_space<hbm>>, %arg5: memref<2x4096x80xf32, #tpu.memory_space<hbm>>, %arg6: memref<128xi32, #tpu.memory_space<vmem>>, %arg7: memref<128x80xf32, #tpu.memory_space<vmem>>, %arg8: memref<4096x80xf32, #tpu.memory_space<vmem_shared>>, %arg9: memref<!tpu.dma_semaphore, #tpu.memory_space<semaphore_mem>>) attributes {dimension_semantics = [#tpu.dimension_semantics<core_parallel>, #tpu.dimension_semantics<subcore_parallel>], iteration_bounds = array<i64: 2, 16>, scalar_prefetch = 0 : i64, scratch_operands = 4 : i64, tpu.core_type = #tpu.core_type<sc_vector_subcore>, window_params = [{transform_indices = #map}, {transform_indices = #map1}, {transform_indices = #map}, {transform_indices = #map2}]} {
    %mul3A = arith.constant 256 : i32
    %mul3A_0 = arith.muli %arg1, %mul3A : i32
    "tpu.region"() ({
      %run_scoped3A = tpu.sem_alloc : memref<!tpu.dma_semaphore, #tpu.memory_space<semaphore_mem>>
      %dma_start3A = arith.constant 0 : i32
      %dma_start3A_15 = tpu.memref_slice %arg8[%mul3A_0, %dma_start3A] : memref<4096x80xf32, #tpu.memory_space<vmem_shared>> -> memref<256x80xf32, #tpu.memory_space<vmem_shared>>
      %dma_start3A_16 = arith.constant 0 : i32
      %dma_start3A_17 = tpu.memref_slice %arg4[%mul3A_0, %dma_start3A_16] : memref<4096x80xf32, #tpu.memory_space<hbm>> -> memref<256x80xf32, #tpu.memory_space<hbm>>
      tpu.enqueue_dma source(%dma_start3A_17 : memref<256x80xf32, #tpu.memory_space<hbm>>) target(%dma_start3A_15 : memref<256x80xf32, #tpu.memory_space<vmem_shared>>) target_semaphore(%run_scoped3A : memref<!tpu.dma_semaphore, #tpu.memory_space<semaphore_mem>>)
      %dma_wait3A = arith.constant 0 : i32
      %dma_wait3A_18 = tpu.memref_slice %arg8[%mul3A_0, %dma_wait3A] : memref<4096x80xf32, #tpu.memory_space<vmem_shared>> -> memref<256x80xf32, #tpu.memory_space<vmem_shared>>
      %dma_wait3A_19 = arith.constant 0 : i32
      %dma_wait3A_20 = tpu.memref_slice %arg4[%mul3A_0, %dma_wait3A_19] : memref<4096x80xf32, #tpu.memory_space<hbm>> -> memref<256x80xf32, #tpu.memory_space<hbm>>
      tpu.wait_dma2 semaphore(%run_scoped3A : memref<!tpu.dma_semaphore, #tpu.memory_space<semaphore_mem>>) src(%dma_wait3A_20 : memref<256x80xf32, #tpu.memory_space<hbm>>) dst(%dma_wait3A_18 : memref<256x80xf32, #tpu.memory_space<vmem_shared>>)
      tpu.yield
    }) : () -> ()
    %barrier3A = arith.constant 0 : index
    tpu.barrier barrier_id(%barrier3A)
    %mul3A_1 = arith.constant 4096 : i32
    %mul3A_2 = arith.muli %arg0, %mul3A_1 : i32
    %mul3A_3 = arith.constant 256 : i32
    %mul3A_4 = arith.muli %arg1, %mul3A_3 : i32
    %add3A = arith.addi %mul3A_2, %mul3A_4 : i32
    %add3A_5 = arith.constant 0 : i32
    %add3A_6 = arith.addi %add3A, %add3A_5 : i32
    "tpu.region"() ({
      %run_scoped3A = tpu.sem_alloc : memref<!tpu.dma_semaphore, #tpu.memory_space<semaphore_mem>>
      %dma_start3A = tpu.memref_slice %arg3[%add3A_6] : memref<8192xi32, #tpu.memory_space<hbm>> -> memref<128xi32, #tpu.memory_space<hbm>>
      %dma_start3A_15 = tpu.memref_slice %arg3[%add3A_6] : memref<8192xi32, #tpu.memory_space<hbm>> -> memref<128xi32, #tpu.memory_space<hbm>>
      tpu.enqueue_dma source(%dma_start3A_15 : memref<128xi32, #tpu.memory_space<hbm>>) target(%arg6 : memref<128xi32, #tpu.memory_space<vmem>>) target_semaphore(%run_scoped3A : memref<!tpu.dma_semaphore, #tpu.memory_space<semaphore_mem>>)
      %dma_wait3A = tpu.memref_slice %arg3[%add3A_6] : memref<8192xi32, #tpu.memory_space<hbm>> -> memref<128xi32, #tpu.memory_space<hbm>>
      %dma_wait3A_16 = tpu.memref_slice %arg3[%add3A_6] : memref<8192xi32, #tpu.memory_space<hbm>> -> memref<128xi32, #tpu.memory_space<hbm>>
      tpu.wait_dma2 semaphore(%run_scoped3A : memref<!tpu.dma_semaphore, #tpu.memory_space<semaphore_mem>>) src(%dma_wait3A_16 : memref<128xi32, #tpu.memory_space<hbm>>) dst(%arg6 : memref<128xi32, #tpu.memory_space<vmem>>)
      tpu.yield
    }) : () -> ()
    "tpu.region"() ({
      %run_scoped3A = tpu.sem_alloc : memref<!tpu.dma_semaphore, #tpu.memory_space<semaphore_mem>>
      %dma_start3A = arith.constant 0 : i32
      %dma_start3A_15 = tpu.memref_slice %arg2[%add3A_6, %dma_start3A] : memref<8192x80xf32, #tpu.memory_space<hbm>> -> memref<128x80xf32, #tpu.memory_space<hbm>>
      %dma_start3A_16 = arith.constant 0 : i32
      %dma_start3A_17 = tpu.memref_slice %arg2[%add3A_6, %dma_start3A_16] : memref<8192x80xf32, #tpu.memory_space<hbm>> -> memref<128x80xf32, #tpu.memory_space<hbm>>
      tpu.enqueue_dma source(%dma_start3A_17 : memref<128x80xf32, #tpu.memory_space<hbm>>) target(%arg7 : memref<128x80xf32, #tpu.memory_space<vmem>>) target_semaphore(%run_scoped3A : memref<!tpu.dma_semaphore, #tpu.memory_space<semaphore_mem>>)
      %dma_wait3A = arith.constant 0 : i32
      %dma_wait3A_18 = tpu.memref_slice %arg2[%add3A_6, %dma_wait3A] : memref<8192x80xf32, #tpu.memory_space<hbm>> -> memref<128x80xf32, #tpu.memory_space<hbm>>
      %dma_wait3A_19 = arith.constant 0 : i32
      %dma_wait3A_20 = tpu.memref_slice %arg2[%add3A_6, %dma_wait3A_19] : memref<8192x80xf32, #tpu.memory_space<hbm>> -> memref<128x80xf32, #tpu.memory_space<hbm>>
      tpu.wait_dma2 semaphore(%run_scoped3A : memref<!tpu.dma_semaphore, #tpu.memory_space<semaphore_mem>>) src(%dma_wait3A_20 : memref<128x80xf32, #tpu.memory_space<hbm>>) dst(%arg7 : memref<128x80xf32, #tpu.memory_space<vmem>>)
      tpu.yield
    }) : () -> ()
    "tpu.region"() ({
      %run_scoped3A = tpu.sem_alloc : memref<!tpu.dma_semaphore, #tpu.memory_space<semaphore_mem>>
      %dma_start3A = arith.constant 0 : i32
      %dma_start3A_15 = arith.constant 0 : i32
      %dma_start3A_16 = tpu.memref_slice %arg8[%dma_start3A, %dma_start3A_15] : memref<4096x80xf32, #tpu.memory_space<vmem_shared>> -> memref<4096x80xf32, #tpu.memory_space<vmem_shared>>
      tpu.enqueue_indirect_dma source(%arg7 : memref<128x80xf32, #tpu.memory_space<vmem>>) target(%dma_start3A_16 : memref<4096x80xf32, #tpu.memory_space<vmem_shared>>) offsets(%arg6 : memref<128xi32, #tpu.memory_space<vmem>>) semaphore(%run_scoped3A : memref<!tpu.dma_semaphore, #tpu.memory_space<semaphore_mem>>) {add = true}
      %dma_wait3A = arith.constant 0 : i32
      %dma_wait3A_17 = arith.constant 0 : i32
      %dma_wait3A_18 = tpu.memref_slice %arg8[%dma_wait3A, %dma_wait3A_17] : memref<4096x80xf32, #tpu.memory_space<vmem_shared>> -> memref<4096x80xf32, #tpu.memory_space<vmem_shared>>
      tpu.wait_indirect_dma semaphore(%run_scoped3A : memref<!tpu.dma_semaphore, #tpu.memory_space<semaphore_mem>>) src(%arg7 : memref<128x80xf32, #tpu.memory_space<vmem>>) dst(%dma_wait3A_18 : memref<4096x80xf32, #tpu.memory_space<vmem_shared>>)
      tpu.yield
    }) : () -> ()
    %mul3A_7 = arith.constant 4096 : i32
    %mul3A_8 = arith.muli %arg0, %mul3A_7 : i32
    %mul3A_9 = arith.constant 256 : i32
    %mul3A_10 = arith.muli %arg1, %mul3A_9 : i32
    %add3A_11 = arith.addi %mul3A_8, %mul3A_10 : i32
    %add3A_12 = arith.constant 128 : i32
    %add3A_13 = arith.addi %add3A_11, %add3A_12 : i32
    "tpu.region"() ({
      %run_scoped3A = tpu.sem_alloc : memref<!tpu.dma_semaphore, #tpu.memory_space<semaphore_mem>>
      %dma_start3A = tpu.memref_slice %arg3[%add3A_13] : memref<8192xi32, #tpu.memory_space<hbm>> -> memref<128xi32, #tpu.memory_space<hbm>>
      %dma_start3A_15 = tpu.memref_slice %arg3[%add3A_13] : memref<8192xi32, #tpu.memory_space<hbm>> -> memref<128xi32, #tpu.memory_space<hbm>>
      tpu.enqueue_dma source(%dma_start3A_15 : memref<128xi32, #tpu.memory_space<hbm>>) target(%arg6 : memref<128xi32, #tpu.memory_space<vmem>>) target_semaphore(%run_scoped3A : memref<!tpu.dma_semaphore, #tpu.memory_space<semaphore_mem>>)
      %dma_wait3A = tpu.memref_slice %arg3[%add3A_13] : memref<8192xi32, #tpu.memory_space<hbm>> -> memref<128xi32, #tpu.memory_space<hbm>>
      %dma_wait3A_16 = tpu.memref_slice %arg3[%add3A_13] : memref<8192xi32, #tpu.memory_space<hbm>> -> memref<128xi32, #tpu.memory_space<hbm>>
      tpu.wait_dma2 semaphore(%run_scoped3A : memref<!tpu.dma_semaphore, #tpu.memory_space<semaphore_mem>>) src(%dma_wait3A_16 : memref<128xi32, #tpu.memory_space<hbm>>) dst(%arg6 : memref<128xi32, #tpu.memory_space<vmem>>)
      tpu.yield
    }) : () -> ()
    "tpu.region"() ({
      %run_scoped3A = tpu.sem_alloc : memref<!tpu.dma_semaphore, #tpu.memory_space<semaphore_mem>>
      %dma_start3A = arith.constant 0 : i32
      %dma_start3A_15 = tpu.memref_slice %arg2[%add3A_13, %dma_start3A] : memref<8192x80xf32, #tpu.memory_space<hbm>> -> memref<128x80xf32, #tpu.memory_space<hbm>>
      %dma_start3A_16 = arith.constant 0 : i32
      %dma_start3A_17 = tpu.memref_slice %arg2[%add3A_13, %dma_start3A_16] : memref<8192x80xf32, #tpu.memory_space<hbm>> -> memref<128x80xf32, #tpu.memory_space<hbm>>
      tpu.enqueue_dma source(%dma_start3A_17 : memref<128x80xf32, #tpu.memory_space<hbm>>) target(%arg7 : memref<128x80xf32, #tpu.memory_space<vmem>>) target_semaphore(%run_scoped3A : memref<!tpu.dma_semaphore, #tpu.memory_space<semaphore_mem>>)
      %dma_wait3A = arith.constant 0 : i32
      %dma_wait3A_18 = tpu.memref_slice %arg2[%add3A_13, %dma_wait3A] : memref<8192x80xf32, #tpu.memory_space<hbm>> -> memref<128x80xf32, #tpu.memory_space<hbm>>
      %dma_wait3A_19 = arith.constant 0 : i32
      %dma_wait3A_20 = tpu.memref_slice %arg2[%add3A_13, %dma_wait3A_19] : memref<8192x80xf32, #tpu.memory_space<hbm>> -> memref<128x80xf32, #tpu.memory_space<hbm>>
      tpu.wait_dma2 semaphore(%run_scoped3A : memref<!tpu.dma_semaphore, #tpu.memory_space<semaphore_mem>>) src(%dma_wait3A_20 : memref<128x80xf32, #tpu.memory_space<hbm>>) dst(%arg7 : memref<128x80xf32, #tpu.memory_space<vmem>>)
      tpu.yield
    }) : () -> ()
    "tpu.region"() ({
      %run_scoped3A = tpu.sem_alloc : memref<!tpu.dma_semaphore, #tpu.memory_space<semaphore_mem>>
      %dma_start3A = arith.constant 0 : i32
      %dma_start3A_15 = arith.constant 0 : i32
      %dma_start3A_16 = tpu.memref_slice %arg8[%dma_start3A, %dma_start3A_15] : memref<4096x80xf32, #tpu.memory_space<vmem_shared>> -> memref<4096x80xf32, #tpu.memory_space<vmem_shared>>
      tpu.enqueue_indirect_dma source(%arg7 : memref<128x80xf32, #tpu.memory_space<vmem>>) target(%dma_start3A_16 : memref<4096x80xf32, #tpu.memory_space<vmem_shared>>) offsets(%arg6 : memref<128xi32, #tpu.memory_space<vmem>>) semaphore(%run_scoped3A : memref<!tpu.dma_semaphore, #tpu.memory_space<semaphore_mem>>) {add = true}
      %dma_wait3A = arith.constant 0 : i32
      %dma_wait3A_17 = arith.constant 0 : i32
      %dma_wait3A_18 = tpu.memref_slice %arg8[%dma_wait3A, %dma_wait3A_17] : memref<4096x80xf32, #tpu.memory_space<vmem_shared>> -> memref<4096x80xf32, #tpu.memory_space<vmem_shared>>
      tpu.wait_indirect_dma semaphore(%run_scoped3A : memref<!tpu.dma_semaphore, #tpu.memory_space<semaphore_mem>>) src(%arg7 : memref<128x80xf32, #tpu.memory_space<vmem>>) dst(%dma_wait3A_18 : memref<4096x80xf32, #tpu.memory_space<vmem_shared>>)
      tpu.yield
    }) : () -> ()
    %barrier3A_14 = arith.constant 0 : index
    tpu.barrier barrier_id(%barrier3A_14)
    "tpu.region"() ({
      %run_scoped3A = tpu.sem_alloc : memref<!tpu.dma_semaphore, #tpu.memory_space<semaphore_mem>>
      %dma_start3A = arith.constant 0 : i32
      %dma_start3A_15 = tpu.memref_slice %arg5[%arg0, %mul3A_0, %dma_start3A] : memref<2x4096x80xf32, #tpu.memory_space<hbm>> -> memref<1x256x80xf32, #tpu.memory_space<hbm>>
      %dma_start3A_16 = tpu.memref_squeeze %dma_start3A_15 : memref<1x256x80xf32, #tpu.memory_space<hbm>> -> memref<256x80xf32, #tpu.memory_space<hbm>>
      %dma_start3A_17 = arith.constant 0 : i32
      %dma_start3A_18 = tpu.memref_slice %arg8[%mul3A_0, %dma_start3A_17] : memref<4096x80xf32, #tpu.memory_space<vmem_shared>> -> memref<256x80xf32, #tpu.memory_space<vmem_shared>>
      tpu.enqueue_dma source(%dma_start3A_18 : memref<256x80xf32, #tpu.memory_space<vmem_shared>>) target(%dma_start3A_16 : memref<256x80xf32, #tpu.memory_space<hbm>>) target_semaphore(%run_scoped3A : memref<!tpu.dma_semaphore, #tpu.memory_space<semaphore_mem>>)
      %dma_wait3A = arith.constant 0 : i32
      %dma_wait3A_19 = tpu.memref_slice %arg5[%arg0, %mul3A_0, %dma_wait3A] : memref<2x4096x80xf32, #tpu.memory_space<hbm>> -> memref<1x256x80xf32, #tpu.memory_space<hbm>>
      %dma_wait3A_20 = tpu.memref_squeeze %dma_wait3A_19 : memref<1x256x80xf32, #tpu.memory_space<hbm>> -> memref<256x80xf32, #tpu.memory_space<hbm>>
      %dma_wait3A_21 = arith.constant 0 : i32
      %dma_wait3A_22 = tpu.memref_slice %arg8[%mul3A_0, %dma_wait3A_21] : memref<4096x80xf32, #tpu.memory_space<vmem_shared>> -> memref<256x80xf32, #tpu.memory_space<vmem_shared>>
      tpu.wait_dma2 semaphore(%run_scoped3A : memref<!tpu.dma_semaphore, #tpu.memory_space<semaphore_mem>>) src(%dma_wait3A_22 : memref<256x80xf32, #tpu.memory_space<vmem_shared>>) dst(%dma_wait3A_20 : memref<256x80xf32, #tpu.memory_space<hbm>>)
      tpu.yield
    }) : () -> ()
    return
  }
}

#map = affine_map<(d0, d1) -> (0, 0)>
#map1 = affine_map<(d0, d1) -> (0)>
#map2 = affine_map<(d0, d1) -> (0, 0, 0)>
module attributes {stable_mosaic.version = 14 : i64} {
  func.func @_sc_scatter(%arg0: i32, %arg1: i32, %arg2: memref<8192x80xf32, #tpu.memory_space<hbm>>, %arg3: memref<8192xi32, #tpu.memory_space<hbm>>, %arg4: memref<4096x80xf32, #tpu.memory_space<hbm>>, %arg5: memref<2x4096x80xf32, #tpu.memory_space<hbm>>, %arg6: memref<128xi32, #tpu.memory_space<vmem>>, %arg7: memref<128x80xf32, #tpu.memory_space<vmem>>, %arg8: memref<4096x80xf32, #tpu.memory_space<vmem_shared>>, %arg9: memref<!tpu.dma_semaphore, #tpu.memory_space<semaphore_mem>>) attributes {dimension_semantics = [#tpu.dimension_semantics<core_parallel>, #tpu.dimension_semantics<subcore_parallel>], iteration_bounds = array<i64: 2, 16>, scalar_prefetch = 0 : i64, scratch_operands = 4 : i64, tpu.core_type = #tpu.core_type<sc_vector_subcore>, window_params = [{transform_indices = #map}, {transform_indices = #map1}, {transform_indices = #map}, {transform_indices = #map2}]} {
    %mul3A = arith.constant 256 : i32
    %mul3A_0 = arith.muli %arg1, %mul3A : i32
    "tpu.region"() ({
      %run_scoped3A = tpu.sem_alloc : memref<!tpu.dma_semaphore, #tpu.memory_space<semaphore_mem>>
      %dma_start3A = arith.constant 0 : i32
      %dma_start3A_15 = tpu.memref_slice %arg8[%mul3A_0, %dma_start3A] : memref<4096x80xf32, #tpu.memory_space<vmem_shared>> -> memref<256x80xf32, #tpu.memory_space<vmem_shared>>
      %dma_start3A_16 = arith.constant 0 : i32
      %dma_start3A_17 = tpu.memref_slice %arg4[%mul3A_0, %dma_start3A_16] : memref<4096x80xf32, #tpu.memory_space<hbm>> -> memref<256x80xf32, #tpu.memory_space<hbm>>
      tpu.enqueue_dma source(%dma_start3A_17 : memref<256x80xf32, #tpu.memory_space<hbm>>) target(%dma_start3A_15 : memref<256x80xf32, #tpu.memory_space<vmem_shared>>) target_semaphore(%run_scoped3A : memref<!tpu.dma_semaphore, #tpu.memory_space<semaphore_mem>>)
      %dma_wait3A = arith.constant 0 : i32
      %dma_wait3A_18 = tpu.memref_slice %arg8[%mul3A_0, %dma_wait3A] : memref<4096x80xf32, #tpu.memory_space<vmem_shared>> -> memref<256x80xf32, #tpu.memory_space<vmem_shared>>
      %dma_wait3A_19 = arith.constant 0 : i32
      %dma_wait3A_20 = tpu.memref_slice %arg4[%mul3A_0, %dma_wait3A_19] : memref<4096x80xf32, #tpu.memory_space<hbm>> -> memref<256x80xf32, #tpu.memory_space<hbm>>
      tpu.wait_dma2 semaphore(%run_scoped3A : memref<!tpu.dma_semaphore, #tpu.memory_space<semaphore_mem>>) src(%dma_wait3A_20 : memref<256x80xf32, #tpu.memory_space<hbm>>) dst(%dma_wait3A_18 : memref<256x80xf32, #tpu.memory_space<vmem_shared>>)
      tpu.yield
    }) : () -> ()
    %barrier3A = arith.constant 0 : index
    tpu.barrier barrier_id(%barrier3A)
    %mul3A_1 = arith.constant 4096 : i32
    %mul3A_2 = arith.muli %arg0, %mul3A_1 : i32
    %mul3A_3 = arith.constant 256 : i32
    %mul3A_4 = arith.muli %arg1, %mul3A_3 : i32
    %add3A = arith.addi %mul3A_2, %mul3A_4 : i32
    %add3A_5 = arith.constant 0 : i32
    %add3A_6 = arith.addi %add3A, %add3A_5 : i32
    "tpu.region"() ({
      %run_scoped3A = tpu.sem_alloc : memref<!tpu.dma_semaphore, #tpu.memory_space<semaphore_mem>>
      %dma_start3A = tpu.memref_slice %arg3[%add3A_6] : memref<8192xi32, #tpu.memory_space<hbm>> -> memref<128xi32, #tpu.memory_space<hbm>>
      %dma_start3A_15 = tpu.memref_slice %arg3[%add3A_6] : memref<8192xi32, #tpu.memory_space<hbm>> -> memref<128xi32, #tpu.memory_space<hbm>>
      tpu.enqueue_dma source(%dma_start3A_15 : memref<128xi32, #tpu.memory_space<hbm>>) target(%arg6 : memref<128xi32, #tpu.memory_space<vmem>>) target_semaphore(%run_scoped3A : memref<!tpu.dma_semaphore, #tpu.memory_space<semaphore_mem>>)
      %dma_wait3A = tpu.memref_slice %arg3[%add3A_6] : memref<8192xi32, #tpu.memory_space<hbm>> -> memref<128xi32, #tpu.memory_space<hbm>>
      %dma_wait3A_16 = tpu.memref_slice %arg3[%add3A_6] : memref<8192xi32, #tpu.memory_space<hbm>> -> memref<128xi32, #tpu.memory_space<hbm>>
      tpu.wait_dma2 semaphore(%run_scoped3A : memref<!tpu.dma_semaphore, #tpu.memory_space<semaphore_mem>>) src(%dma_wait3A_16 : memref<128xi32, #tpu.memory_space<hbm>>) dst(%arg6 : memref<128xi32, #tpu.memory_space<vmem>>)
      tpu.yield
    }) : () -> ()
    "tpu.region"() ({
      %run_scoped3A = tpu.sem_alloc : memref<!tpu.dma_semaphore, #tpu.memory_space<semaphore_mem>>
      %dma_start3A = arith.constant 0 : i32
      %dma_start3A_15 = tpu.memref_slice %arg2[%add3A_6, %dma_start3A] : memref<8192x80xf32, #tpu.memory_space<hbm>> -> memref<128x80xf32, #tpu.memory_space<hbm>>
      %dma_start3A_16 = arith.constant 0 : i32
      %dma_start3A_17 = tpu.memref_slice %arg2[%add3A_6, %dma_start3A_16] : memref<8192x80xf32, #tpu.memory_space<hbm>> -> memref<128x80xf32, #tpu.memory_space<hbm>>
      tpu.enqueue_dma source(%dma_start3A_17 : memref<128x80xf32, #tpu.memory_space<hbm>>) target(%arg7 : memref<128x80xf32, #tpu.memory_space<vmem>>) target_semaphore(%run_scoped3A : memref<!tpu.dma_semaphore, #tpu.memory_space<semaphore_mem>>)
      %dma_wait3A = arith.constant 0 : i32
      %dma_wait3A_18 = tpu.memref_slice %arg2[%add3A_6, %dma_wait3A] : memref<8192x80xf32, #tpu.memory_space<hbm>> -> memref<128x80xf32, #tpu.memory_space<hbm>>
      %dma_wait3A_19 = arith.constant 0 : i32
      %dma_wait3A_20 = tpu.memref_slice %arg2[%add3A_6, %dma_wait3A_19] : memref<8192x80xf32, #tpu.memory_space<hbm>> -> memref<128x80xf32, #tpu.memory_space<hbm>>
      tpu.wait_dma2 semaphore(%run_scoped3A : memref<!tpu.dma_semaphore, #tpu.memory_space<semaphore_mem>>) src(%dma_wait3A_20 : memref<128x80xf32, #tpu.memory_space<hbm>>) dst(%arg7 : memref<128x80xf32, #tpu.memory_space<vmem>>)
      tpu.yield
    }) : () -> ()
    "tpu.region"() ({
      %run_scoped3A = tpu.sem_alloc : memref<!tpu.dma_semaphore, #tpu.memory_space<semaphore_mem>>
      %dma_start3A = arith.constant 0 : i32
      %dma_start3A_15 = arith.constant 0 : i32
      %dma_start3A_16 = tpu.memref_slice %arg8[%dma_start3A, %dma_start3A_15] : memref<4096x80xf32, #tpu.memory_space<vmem_shared>> -> memref<4096x80xf32, #tpu.memory_space<vmem_shared>>
      tpu.enqueue_indirect_dma source(%arg7 : memref<128x80xf32, #tpu.memory_space<vmem>>) target(%dma_start3A_16 : memref<4096x80xf32, #tpu.memory_space<vmem_shared>>) offsets(%arg6 : memref<128xi32, #tpu.memory_space<vmem>>) semaphore(%run_scoped3A : memref<!tpu.dma_semaphore, #tpu.memory_space<semaphore_mem>>) {add = true}
      %dma_wait3A = arith.constant 0 : i32
      %dma_wait3A_17 = arith.constant 0 : i32
      %dma_wait3A_18 = tpu.memref_slice %arg8[%dma_wait3A, %dma_wait3A_17] : memref<4096x80xf32, #tpu.memory_space<vmem_shared>> -> memref<4096x80xf32, #tpu.memory_space<vmem_shared>>
      tpu.wait_indirect_dma semaphore(%run_scoped3A : memref<!tpu.dma_semaphore, #tpu.memory_space<semaphore_mem>>) src(%arg7 : memref<128x80xf32, #tpu.memory_space<vmem>>) dst(%dma_wait3A_18 : memref<4096x80xf32, #tpu.memory_space<vmem_shared>>)
      tpu.yield
    }) : () -> ()
    %mul3A_7 = arith.constant 4096 : i32
    %mul3A_8 = arith.muli %arg0, %mul3A_7 : i32
    %mul3A_9 = arith.constant 256 : i32
    %mul3A_10 = arith.muli %arg1, %mul3A_9 : i32
    %add3A_11 = arith.addi %mul3A_8, %mul3A_10 : i32
    %add3A_12 = arith.constant 128 : i32
    %add3A_13 = arith.addi %add3A_11, %add3A_12 : i32
    "tpu.region"() ({
      %run_scoped3A = tpu.sem_alloc : memref<!tpu.dma_semaphore, #tpu.memory_space<semaphore_mem>>
      %dma_start3A = tpu.memref_slice %arg3[%add3A_13] : memref<8192xi32, #tpu.memory_space<hbm>> -> memref<128xi32, #tpu.memory_space<hbm>>
      %dma_start3A_15 = tpu.memref_slice %arg3[%add3A_13] : memref<8192xi32, #tpu.memory_space<hbm>> -> memref<128xi32, #tpu.memory_space<hbm>>
      tpu.enqueue_dma source(%dma_start3A_15 : memref<128xi32, #tpu.memory_space<hbm>>) target(%arg6 : memref<128xi32, #tpu.memory_space<vmem>>) target_semaphore(%run_scoped3A : memref<!tpu.dma_semaphore, #tpu.memory_space<semaphore_mem>>)
      %dma_wait3A = tpu.memref_slice %arg3[%add3A_13] : memref<8192xi32, #tpu.memory_space<hbm>> -> memref<128xi32, #tpu.memory_space<hbm>>
      %dma_wait3A_16 = tpu.memref_slice %arg3[%add3A_13] : memref<8192xi32, #tpu.memory_space<hbm>> -> memref<128xi32, #tpu.memory_space<hbm>>
      tpu.wait_dma2 semaphore(%run_scoped3A : memref<!tpu.dma_semaphore, #tpu.memory_space<semaphore_mem>>) src(%dma_wait3A_16 : memref<128xi32, #tpu.memory_space<hbm>>) dst(%arg6 : memref<128xi32, #tpu.memory_space<vmem>>)
      tpu.yield
    }) : () -> ()
    "tpu.region"() ({
      %run_scoped3A = tpu.sem_alloc : memref<!tpu.dma_semaphore, #tpu.memory_space<semaphore_mem>>
      %dma_start3A = arith.constant 0 : i32
      %dma_start3A_15 = tpu.memref_slice %arg2[%add3A_13, %dma_start3A] : memref<8192x80xf32, #tpu.memory_space<hbm>> -> memref<128x80xf32, #tpu.memory_space<hbm>>
      %dma_start3A_16 = arith.constant 0 : i32
      %dma_start3A_17 = tpu.memref_slice %arg2[%add3A_13, %dma_start3A_16] : memref<8192x80xf32, #tpu.memory_space<hbm>> -> memref<128x80xf32, #tpu.memory_space<hbm>>
      tpu.enqueue_dma source(%dma_start3A_17 : memref<128x80xf32, #tpu.memory_space<hbm>>) target(%arg7 : memref<128x80xf32, #tpu.memory_space<vmem>>) target_semaphore(%run_scoped3A : memref<!tpu.dma_semaphore, #tpu.memory_space<semaphore_mem>>)
      %dma_wait3A = arith.constant 0 : i32
      %dma_wait3A_18 = tpu.memref_slice %arg2[%add3A_13, %dma_wait3A] : memref<8192x80xf32, #tpu.memory_space<hbm>> -> memref<128x80xf32, #tpu.memory_space<hbm>>
      %dma_wait3A_19 = arith.constant 0 : i32
      %dma_wait3A_20 = tpu.memref_slice %arg2[%add3A_13, %dma_wait3A_19] : memref<8192x80xf32, #tpu.memory_space<hbm>> -> memref<128x80xf32, #tpu.memory_space<hbm>>
      tpu.wait_dma2 semaphore(%run_scoped3A : memref<!tpu.dma_semaphore, #tpu.memory_space<semaphore_mem>>) src(%dma_wait3A_20 : memref<128x80xf32, #tpu.memory_space<hbm>>) dst(%arg7 : memref<128x80xf32, #tpu.memory_space<vmem>>)
      tpu.yield
    }) : () -> ()
    "tpu.region"() ({
      %run_scoped3A = tpu.sem_alloc : memref<!tpu.dma_semaphore, #tpu.memory_space<semaphore_mem>>
      %dma_start3A = arith.constant 0 : i32
      %dma_start3A_15 = arith.constant 0 : i32
      %dma_start3A_16 = tpu.memref_slice %arg8[%dma_start3A, %dma_start3A_15] : memref<4096x80xf32, #tpu.memory_space<vmem_shared>> -> memref<4096x80xf32, #tpu.memory_space<vmem_shared>>
      tpu.enqueue_indirect_dma source(%arg7 : memref<128x80xf32, #tpu.memory_space<vmem>>) target(%dma_start3A_16 : memref<4096x80xf32, #tpu.memory_space<vmem_shared>>) offsets(%arg6 : memref<128xi32, #tpu.memory_space<vmem>>) semaphore(%run_scoped3A : memref<!tpu.dma_semaphore, #tpu.memory_space<semaphore_mem>>) {add = true}
      %dma_wait3A = arith.constant 0 : i32
      %dma_wait3A_17 = arith.constant 0 : i32
      %dma_wait3A_18 = tpu.memref_slice %arg8[%dma_wait3A, %dma_wait3A_17] : memref<4096x80xf32, #tpu.memory_space<vmem_shared>> -> memref<4096x80xf32, #tpu.memory_space<vmem_shared>>
      tpu.wait_indirect_dma semaphore(%run_scoped3A : memref<!tpu.dma_semaphore, #tpu.memory_space<semaphore_mem>>) src(%arg7 : memref<128x80xf32, #tpu.memory_space<vmem>>) dst(%dma_wait3A_18 : memref<4096x80xf32, #tpu.memory_space<vmem_shared>>)
      tpu.yield
    }) : () -> ()
    %barrier3A_14 = arith.constant 0 : index
    tpu.barrier barrier_id(%barrier3A_14)
    "tpu.region"() ({
      %run_scoped3A = tpu.sem_alloc : memref<!tpu.dma_semaphore, #tpu.memory_space<semaphore_mem>>
      %dma_start3A = arith.constant 0 : i32
      %dma_start3A_15 = tpu.memref_slice %arg5[%arg0, %mul3A_0, %dma_start3A] : memref<2x4096x80xf32, #tpu.memory_space<hbm>> -> memref<1x256x80xf32, #tpu.memory_space<hbm>>
      %dma_start3A_16 = tpu.memref_squeeze %dma_start3A_15 : memref<1x256x80xf32, #tpu.memory_space<hbm>> -> memref<256x80xf32, #tpu.memory_space<hbm>>
      %dma_start3A_17 = arith.constant 0 : i32
      %dma_start3A_18 = tpu.memref_slice %arg8[%mul3A_0, %dma_start3A_17] : memref<4096x80xf32, #tpu.memory_space<vmem_shared>> -> memref<256x80xf32, #tpu.memory_space<vmem_shared>>
      tpu.enqueue_dma source(%dma_start3A_18 : memref<256x80xf32, #tpu.memory_space<vmem_shared>>) target(%dma_start3A_16 : memref<256x80xf32, #tpu.memory_space<hbm>>) target_semaphore(%run_scoped3A : memref<!tpu.dma_semaphore, #tpu.memory_space<semaphore_mem>>)
      %dma_wait3A = arith.constant 0 : i32
      %dma_wait3A_19 = tpu.memref_slice %arg5[%arg0, %mul3A_0, %dma_wait3A] : memref<2x4096x80xf32, #tpu.memory_space<hbm>> -> memref<1x256x80xf32, #tpu.memory_space<hbm>>
      %dma_wait3A_20 = tpu.memref_squeeze %dma_wait3A_19 : memref<1x256x80xf32, #tpu.memory_space<hbm>> -> memref<256x80xf32, #tpu.memory_space<hbm>>
      %dma_wait3A_21 = arith.constant 0 : i32
      %dma_wait3A_22 = tpu.memref_slice %arg8[%mul3A_0, %dma_wait3A_21] : memref<4096x80xf32, #tpu.memory_space<vmem_shared>> -> memref<256x80xf32, #tpu.memory_space<vmem_shared>>
      tpu.wait_dma2 semaphore(%run_scoped3A : memref<!tpu.dma_semaphore, #tpu.memory_space<semaphore_mem>>) src(%dma_wait3A_22 : memref<256x80xf32, #tpu.memory_space<vmem_shared>>) dst(%dma_wait3A_20 : memref<256x80xf32, #tpu.memory_space<hbm>>)
      tpu.yield
    }) : () -> ()
    return
  }
}

#map = affine_map<(d0, d1) -> (0, 0)>
#map1 = affine_map<(d0, d1) -> (0)>
module attributes {stable_mosaic.version = 14 : i64} {
  func.func @_sc_gather(%arg0: i32, %arg1: i32, %arg2: memref<4096x64xf32, #tpu.memory_space<hbm>>, %arg3: memref<8192xi32, #tpu.memory_space<hbm>>, %arg4: memref<8192x64xf32, #tpu.memory_space<hbm>>, %arg5: memref<128xi32, #tpu.memory_space<vmem>>, %arg6: memref<128x64xf32, #tpu.memory_space<vmem>>, %arg7: memref<!tpu.dma_semaphore, #tpu.memory_space<semaphore_mem>>) attributes {dimension_semantics = [#tpu.dimension_semantics<core_parallel>, #tpu.dimension_semantics<subcore_parallel>], iteration_bounds = array<i64: 2, 16>, scalar_prefetch = 0 : i64, scratch_operands = 3 : i64, tpu.core_type = #tpu.core_type<sc_vector_subcore>, window_params = [{transform_indices = #map}, {transform_indices = #map1}, {transform_indices = #map}]} {
    %mul3A = arith.constant 2 : i32
    %mul3A_0 = arith.muli %arg1, %mul3A : i32
    %add3A = arith.addi %mul3A_0, %arg0 : i32
    %mul3A_1 = arith.constant 256 : i32
    %mul3A_2 = arith.muli %add3A, %mul3A_1 : i32
    %add3A_3 = arith.constant 0 : i32
    %add3A_4 = arith.addi %mul3A_2, %add3A_3 : i32
    "tpu.region"() ({
      %run_scoped3A = tpu.sem_alloc : memref<!tpu.dma_semaphore, #tpu.memory_space<semaphore_mem>>
      %dma_start3A_19 = tpu.memref_slice %arg3[%add3A_4] : memref<8192xi32, #tpu.memory_space<hbm>> -> memref<128xi32, #tpu.memory_space<hbm>>
      %dma_start3A_20 = tpu.memref_slice %arg3[%add3A_4] : memref<8192xi32, #tpu.memory_space<hbm>> -> memref<128xi32, #tpu.memory_space<hbm>>
      tpu.enqueue_dma source(%dma_start3A_20 : memref<128xi32, #tpu.memory_space<hbm>>) target(%arg5 : memref<128xi32, #tpu.memory_space<vmem>>) target_semaphore(%run_scoped3A : memref<!tpu.dma_semaphore, #tpu.memory_space<semaphore_mem>>)
      %dma_wait3A_21 = tpu.memref_slice %arg3[%add3A_4] : memref<8192xi32, #tpu.memory_space<hbm>> -> memref<128xi32, #tpu.memory_space<hbm>>
      %dma_wait3A_22 = tpu.memref_slice %arg3[%add3A_4] : memref<8192xi32, #tpu.memory_space<hbm>> -> memref<128xi32, #tpu.memory_space<hbm>>
      tpu.wait_dma2 semaphore(%run_scoped3A : memref<!tpu.dma_semaphore, #tpu.memory_space<semaphore_mem>>) src(%dma_wait3A_22 : memref<128xi32, #tpu.memory_space<hbm>>) dst(%arg5 : memref<128xi32, #tpu.memory_space<vmem>>)
      tpu.yield
    }) : () -> ()
    %dma_start3A = arith.constant 0 : i32
    %dma_start3A_5 = arith.constant 0 : i32
    %dma_start3A_6 = tpu.memref_slice %arg2[%dma_start3A, %dma_start3A_5] : memref<4096x64xf32, #tpu.memory_space<hbm>> -> memref<4096x64xf32, #tpu.memory_space<hbm>>
    tpu.enqueue_indirect_dma source(%dma_start3A_6 : memref<4096x64xf32, #tpu.memory_space<hbm>>) target(%arg6 : memref<128x64xf32, #tpu.memory_space<vmem>>) offsets(%arg5 : memref<128xi32, #tpu.memory_space<vmem>>) semaphore(%arg7 : memref<!tpu.dma_semaphore, #tpu.memory_space<semaphore_mem>>)
    %dma_wait3A = arith.constant 0 : i32
    %dma_wait3A_7 = arith.constant 0 : i32
    %dma_wait3A_8 = tpu.memref_slice %arg2[%dma_wait3A, %dma_wait3A_7] : memref<4096x64xf32, #tpu.memory_space<hbm>> -> memref<4096x64xf32, #tpu.memory_space<hbm>>
    tpu.wait_indirect_dma semaphore(%arg7 : memref<!tpu.dma_semaphore, #tpu.memory_space<semaphore_mem>>) src(%dma_wait3A_8 : memref<4096x64xf32, #tpu.memory_space<hbm>>) dst(%arg6 : memref<128x64xf32, #tpu.memory_space<vmem>>)
    "tpu.region"() ({
      %run_scoped3A = tpu.sem_alloc : memref<!tpu.dma_semaphore, #tpu.memory_space<semaphore_mem>>
      %dma_start3A_19 = arith.constant 0 : i32
      %dma_start3A_20 = tpu.memref_slice %arg4[%add3A_4, %dma_start3A_19] : memref<8192x64xf32, #tpu.memory_space<hbm>> -> memref<128x64xf32, #tpu.memory_space<hbm>>
      %dma_start3A_21 = arith.constant 0 : i32
      %dma_start3A_22 = tpu.memref_slice %arg4[%add3A_4, %dma_start3A_21] : memref<8192x64xf32, #tpu.memory_space<hbm>> -> memref<128x64xf32, #tpu.memory_space<hbm>>
      tpu.enqueue_dma source(%arg6 : memref<128x64xf32, #tpu.memory_space<vmem>>) target(%dma_start3A_22 : memref<128x64xf32, #tpu.memory_space<hbm>>) target_semaphore(%run_scoped3A : memref<!tpu.dma_semaphore, #tpu.memory_space<semaphore_mem>>)
      %dma_wait3A_23 = arith.constant 0 : i32
      %dma_wait3A_24 = tpu.memref_slice %arg4[%add3A_4, %dma_wait3A_23] : memref<8192x64xf32, #tpu.memory_space<hbm>> -> memref<128x64xf32, #tpu.memory_space<hbm>>
      %dma_wait3A_25 = arith.constant 0 : i32
      %dma_wait3A_26 = tpu.memref_slice %arg4[%add3A_4, %dma_wait3A_25] : memref<8192x64xf32, #tpu.memory_space<hbm>> -> memref<128x64xf32, #tpu.memory_space<hbm>>
      tpu.wait_dma2 semaphore(%run_scoped3A : memref<!tpu.dma_semaphore, #tpu.memory_space<semaphore_mem>>) src(%arg6 : memref<128x64xf32, #tpu.memory_space<vmem>>) dst(%dma_wait3A_26 : memref<128x64xf32, #tpu.memory_space<hbm>>)
      tpu.yield
    }) : () -> ()
    %mul3A_9 = arith.constant 256 : i32
    %mul3A_10 = arith.muli %add3A, %mul3A_9 : i32
    %add3A_11 = arith.constant 128 : i32
    %add3A_12 = arith.addi %mul3A_10, %add3A_11 : i32
    "tpu.region"() ({
      %run_scoped3A = tpu.sem_alloc : memref<!tpu.dma_semaphore, #tpu.memory_space<semaphore_mem>>
      %dma_start3A_19 = tpu.memref_slice %arg3[%add3A_12] : memref<8192xi32, #tpu.memory_space<hbm>> -> memref<128xi32, #tpu.memory_space<hbm>>
      %dma_start3A_20 = tpu.memref_slice %arg3[%add3A_12] : memref<8192xi32, #tpu.memory_space<hbm>> -> memref<128xi32, #tpu.memory_space<hbm>>
      tpu.enqueue_dma source(%dma_start3A_20 : memref<128xi32, #tpu.memory_space<hbm>>) target(%arg5 : memref<128xi32, #tpu.memory_space<vmem>>) target_semaphore(%run_scoped3A : memref<!tpu.dma_semaphore, #tpu.memory_space<semaphore_mem>>)
      %dma_wait3A_21 = tpu.memref_slice %arg3[%add3A_12] : memref<8192xi32, #tpu.memory_space<hbm>> -> memref<128xi32, #tpu.memory_space<hbm>>
      %dma_wait3A_22 = tpu.memref_slice %arg3[%add3A_12] : memref<8192xi32, #tpu.memory_space<hbm>> -> memref<128xi32, #tpu.memory_space<hbm>>
      tpu.wait_dma2 semaphore(%run_scoped3A : memref<!tpu.dma_semaphore, #tpu.memory_space<semaphore_mem>>) src(%dma_wait3A_22 : memref<128xi32, #tpu.memory_space<hbm>>) dst(%arg5 : memref<128xi32, #tpu.memory_space<vmem>>)
      tpu.yield
    }) : () -> ()
    %dma_start3A_13 = arith.constant 0 : i32
    %dma_start3A_14 = arith.constant 0 : i32
    %dma_start3A_15 = tpu.memref_slice %arg2[%dma_start3A_13, %dma_start3A_14] : memref<4096x64xf32, #tpu.memory_space<hbm>> -> memref<4096x64xf32, #tpu.memory_space<hbm>>
    tpu.enqueue_indirect_dma source(%dma_start3A_15 : memref<4096x64xf32, #tpu.memory_space<hbm>>) target(%arg6 : memref<128x64xf32, #tpu.memory_space<vmem>>) offsets(%arg5 : memref<128xi32, #tpu.memory_space<vmem>>) semaphore(%arg7 : memref<!tpu.dma_semaphore, #tpu.memory_space<semaphore_mem>>)
    %dma_wait3A_16 = arith.constant 0 : i32
    %dma_wait3A_17 = arith.constant 0 : i32
    %dma_wait3A_18 = tpu.memref_slice %arg2[%dma_wait3A_16, %dma_wait3A_17] : memref<4096x64xf32, #tpu.memory_space<hbm>> -> memref<4096x64xf32, #tpu.memory_space<hbm>>
    tpu.wait_indirect_dma semaphore(%arg7 : memref<!tpu.dma_semaphore, #tpu.memory_space<semaphore_mem>>) src(%dma_wait3A_18 : memref<4096x64xf32, #tpu.memory_space<hbm>>) dst(%arg6 : memref<128x64xf32, #tpu.memory_space<vmem>>)
    "tpu.region"() ({
      %run_scoped3A = tpu.sem_alloc : memref<!tpu.dma_semaphore, #tpu.memory_space<semaphore_mem>>
      %dma_start3A_19 = arith.constant 0 : i32
      %dma_start3A_20 = tpu.memref_slice %arg4[%add3A_12, %dma_start3A_19] : memref<8192x64xf32, #tpu.memory_space<hbm>> -> memref<128x64xf32, #tpu.memory_space<hbm>>
      %dma_start3A_21 = arith.constant 0 : i32
      %dma_start3A_22 = tpu.memref_slice %arg4[%add3A_12, %dma_start3A_21] : memref<8192x64xf32, #tpu.memory_space<hbm>> -> memref<128x64xf32, #tpu.memory_space<hbm>>
      tpu.enqueue_dma source(%arg6 : memref<128x64xf32, #tpu.memory_space<vmem>>) target(%dma_start3A_22 : memref<128x64xf32, #tpu.memory_space<hbm>>) target_semaphore(%run_scoped3A : memref<!tpu.dma_semaphore, #tpu.memory_space<semaphore_mem>>)
      %dma_wait3A_23 = arith.constant 0 : i32
      %dma_wait3A_24 = tpu.memref_slice %arg4[%add3A_12, %dma_wait3A_23] : memref<8192x64xf32, #tpu.memory_space<hbm>> -> memref<128x64xf32, #tpu.memory_space<hbm>>
      %dma_wait3A_25 = arith.constant 0 : i32
      %dma_wait3A_26 = tpu.memref_slice %arg4[%add3A_12, %dma_wait3A_25] : memref<8192x64xf32, #tpu.memory_space<hbm>> -> memref<128x64xf32, #tpu.memory_space<hbm>>
      tpu.wait_dma2 semaphore(%run_scoped3A : memref<!tpu.dma_semaphore, #tpu.memory_space<semaphore_mem>>) src(%arg6 : memref<128x64xf32, #tpu.memory_space<vmem>>) dst(%dma_wait3A_26 : memref<128x64xf32, #tpu.memory_space<hbm>>)
      tpu.yield
    }) : () -> ()
    return
  }
}

#map = affine_map<(d0, d1) -> (0, 0)>
#map1 = affine_map<(d0, d1) -> (0)>
module attributes {stable_mosaic.version = 14 : i64} {
  func.func @_sc_gather(%arg0: i32, %arg1: i32, %arg2: memref<4096x64xf32, #tpu.memory_space<hbm>>, %arg3: memref<8192xi32, #tpu.memory_space<hbm>>, %arg4: memref<8192x64xf32, #tpu.memory_space<hbm>>, %arg5: memref<128xi32, #tpu.memory_space<vmem>>, %arg6: memref<128x64xf32, #tpu.memory_space<vmem>>, %arg7: memref<!tpu.dma_semaphore, #tpu.memory_space<semaphore_mem>>) attributes {dimension_semantics = [#tpu.dimension_semantics<core_parallel>, #tpu.dimension_semantics<subcore_parallel>], iteration_bounds = array<i64: 2, 16>, scalar_prefetch = 0 : i64, scratch_operands = 3 : i64, tpu.core_type = #tpu.core_type<sc_vector_subcore>, window_params = [{transform_indices = #map}, {transform_indices = #map1}, {transform_indices = #map}]} {
    %mul3A = arith.constant 2 : i32
    %mul3A_0 = arith.muli %arg1, %mul3A : i32
    %add3A = arith.addi %mul3A_0, %arg0 : i32
    %mul3A_1 = arith.constant 256 : i32
    %mul3A_2 = arith.muli %add3A, %mul3A_1 : i32
    %add3A_3 = arith.constant 0 : i32
    %add3A_4 = arith.addi %mul3A_2, %add3A_3 : i32
    "tpu.region"() ({
      %run_scoped3A = tpu.sem_alloc : memref<!tpu.dma_semaphore, #tpu.memory_space<semaphore_mem>>
      %dma_start3A_19 = tpu.memref_slice %arg3[%add3A_4] : memref<8192xi32, #tpu.memory_space<hbm>> -> memref<128xi32, #tpu.memory_space<hbm>>
      %dma_start3A_20 = tpu.memref_slice %arg3[%add3A_4] : memref<8192xi32, #tpu.memory_space<hbm>> -> memref<128xi32, #tpu.memory_space<hbm>>
      tpu.enqueue_dma source(%dma_start3A_20 : memref<128xi32, #tpu.memory_space<hbm>>) target(%arg5 : memref<128xi32, #tpu.memory_space<vmem>>) target_semaphore(%run_scoped3A : memref<!tpu.dma_semaphore, #tpu.memory_space<semaphore_mem>>)
      %dma_wait3A_21 = tpu.memref_slice %arg3[%add3A_4] : memref<8192xi32, #tpu.memory_space<hbm>> -> memref<128xi32, #tpu.memory_space<hbm>>
      %dma_wait3A_22 = tpu.memref_slice %arg3[%add3A_4] : memref<8192xi32, #tpu.memory_space<hbm>> -> memref<128xi32, #tpu.memory_space<hbm>>
      tpu.wait_dma2 semaphore(%run_scoped3A : memref<!tpu.dma_semaphore, #tpu.memory_space<semaphore_mem>>) src(%dma_wait3A_22 : memref<128xi32, #tpu.memory_space<hbm>>) dst(%arg5 : memref<128xi32, #tpu.memory_space<vmem>>)
      tpu.yield
    }) : () -> ()
    %dma_start3A = arith.constant 0 : i32
    %dma_start3A_5 = arith.constant 0 : i32
    %dma_start3A_6 = tpu.memref_slice %arg2[%dma_start3A, %dma_start3A_5] : memref<4096x64xf32, #tpu.memory_space<hbm>> -> memref<4096x64xf32, #tpu.memory_space<hbm>>
    tpu.enqueue_indirect_dma source(%dma_start3A_6 : memref<4096x64xf32, #tpu.memory_space<hbm>>) target(%arg6 : memref<128x64xf32, #tpu.memory_space<vmem>>) offsets(%arg5 : memref<128xi32, #tpu.memory_space<vmem>>) semaphore(%arg7 : memref<!tpu.dma_semaphore, #tpu.memory_space<semaphore_mem>>)
    %dma_wait3A = arith.constant 0 : i32
    %dma_wait3A_7 = arith.constant 0 : i32
    %dma_wait3A_8 = tpu.memref_slice %arg2[%dma_wait3A, %dma_wait3A_7] : memref<4096x64xf32, #tpu.memory_space<hbm>> -> memref<4096x64xf32, #tpu.memory_space<hbm>>
    tpu.wait_indirect_dma semaphore(%arg7 : memref<!tpu.dma_semaphore, #tpu.memory_space<semaphore_mem>>) src(%dma_wait3A_8 : memref<4096x64xf32, #tpu.memory_space<hbm>>) dst(%arg6 : memref<128x64xf32, #tpu.memory_space<vmem>>)
    "tpu.region"() ({
      %run_scoped3A = tpu.sem_alloc : memref<!tpu.dma_semaphore, #tpu.memory_space<semaphore_mem>>
      %dma_start3A_19 = arith.constant 0 : i32
      %dma_start3A_20 = tpu.memref_slice %arg4[%add3A_4, %dma_start3A_19] : memref<8192x64xf32, #tpu.memory_space<hbm>> -> memref<128x64xf32, #tpu.memory_space<hbm>>
      %dma_start3A_21 = arith.constant 0 : i32
      %dma_start3A_22 = tpu.memref_slice %arg4[%add3A_4, %dma_start3A_21] : memref<8192x64xf32, #tpu.memory_space<hbm>> -> memref<128x64xf32, #tpu.memory_space<hbm>>
      tpu.enqueue_dma source(%arg6 : memref<128x64xf32, #tpu.memory_space<vmem>>) target(%dma_start3A_22 : memref<128x64xf32, #tpu.memory_space<hbm>>) target_semaphore(%run_scoped3A : memref<!tpu.dma_semaphore, #tpu.memory_space<semaphore_mem>>)
      %dma_wait3A_23 = arith.constant 0 : i32
      %dma_wait3A_24 = tpu.memref_slice %arg4[%add3A_4, %dma_wait3A_23] : memref<8192x64xf32, #tpu.memory_space<hbm>> -> memref<128x64xf32, #tpu.memory_space<hbm>>
      %dma_wait3A_25 = arith.constant 0 : i32
      %dma_wait3A_26 = tpu.memref_slice %arg4[%add3A_4, %dma_wait3A_25] : memref<8192x64xf32, #tpu.memory_space<hbm>> -> memref<128x64xf32, #tpu.memory_space<hbm>>
      tpu.wait_dma2 semaphore(%run_scoped3A : memref<!tpu.dma_semaphore, #tpu.memory_space<semaphore_mem>>) src(%arg6 : memref<128x64xf32, #tpu.memory_space<vmem>>) dst(%dma_wait3A_26 : memref<128x64xf32, #tpu.memory_space<hbm>>)
      tpu.yield
    }) : () -> ()
    %mul3A_9 = arith.constant 256 : i32
    %mul3A_10 = arith.muli %add3A, %mul3A_9 : i32
    %add3A_11 = arith.constant 128 : i32
    %add3A_12 = arith.addi %mul3A_10, %add3A_11 : i32
    "tpu.region"() ({
      %run_scoped3A = tpu.sem_alloc : memref<!tpu.dma_semaphore, #tpu.memory_space<semaphore_mem>>
      %dma_start3A_19 = tpu.memref_slice %arg3[%add3A_12] : memref<8192xi32, #tpu.memory_space<hbm>> -> memref<128xi32, #tpu.memory_space<hbm>>
      %dma_start3A_20 = tpu.memref_slice %arg3[%add3A_12] : memref<8192xi32, #tpu.memory_space<hbm>> -> memref<128xi32, #tpu.memory_space<hbm>>
      tpu.enqueue_dma source(%dma_start3A_20 : memref<128xi32, #tpu.memory_space<hbm>>) target(%arg5 : memref<128xi32, #tpu.memory_space<vmem>>) target_semaphore(%run_scoped3A : memref<!tpu.dma_semaphore, #tpu.memory_space<semaphore_mem>>)
      %dma_wait3A_21 = tpu.memref_slice %arg3[%add3A_12] : memref<8192xi32, #tpu.memory_space<hbm>> -> memref<128xi32, #tpu.memory_space<hbm>>
      %dma_wait3A_22 = tpu.memref_slice %arg3[%add3A_12] : memref<8192xi32, #tpu.memory_space<hbm>> -> memref<128xi32, #tpu.memory_space<hbm>>
      tpu.wait_dma2 semaphore(%run_scoped3A : memref<!tpu.dma_semaphore, #tpu.memory_space<semaphore_mem>>) src(%dma_wait3A_22 : memref<128xi32, #tpu.memory_space<hbm>>) dst(%arg5 : memref<128xi32, #tpu.memory_space<vmem>>)
      tpu.yield
    }) : () -> ()
    %dma_start3A_13 = arith.constant 0 : i32
    %dma_start3A_14 = arith.constant 0 : i32
    %dma_start3A_15 = tpu.memref_slice %arg2[%dma_start3A_13, %dma_start3A_14] : memref<4096x64xf32, #tpu.memory_space<hbm>> -> memref<4096x64xf32, #tpu.memory_space<hbm>>
    tpu.enqueue_indirect_dma source(%dma_start3A_15 : memref<4096x64xf32, #tpu.memory_space<hbm>>) target(%arg6 : memref<128x64xf32, #tpu.memory_space<vmem>>) offsets(%arg5 : memref<128xi32, #tpu.memory_space<vmem>>) semaphore(%arg7 : memref<!tpu.dma_semaphore, #tpu.memory_space<semaphore_mem>>)
    %dma_wait3A_16 = arith.constant 0 : i32
    %dma_wait3A_17 = arith.constant 0 : i32
    %dma_wait3A_18 = tpu.memref_slice %arg2[%dma_wait3A_16, %dma_wait3A_17] : memref<4096x64xf32, #tpu.memory_space<hbm>> -> memref<4096x64xf32, #tpu.memory_space<hbm>>
    tpu.wait_indirect_dma semaphore(%arg7 : memref<!tpu.dma_semaphore, #tpu.memory_space<semaphore_mem>>) src(%dma_wait3A_18 : memref<4096x64xf32, #tpu.memory_space<hbm>>) dst(%arg6 : memref<128x64xf32, #tpu.memory_space<vmem>>)
    "tpu.region"() ({
      %run_scoped3A = tpu.sem_alloc : memref<!tpu.dma_semaphore, #tpu.memory_space<semaphore_mem>>
      %dma_start3A_19 = arith.constant 0 : i32
      %dma_start3A_20 = tpu.memref_slice %arg4[%add3A_12, %dma_start3A_19] : memref<8192x64xf32, #tpu.memory_space<hbm>> -> memref<128x64xf32, #tpu.memory_space<hbm>>
      %dma_start3A_21 = arith.constant 0 : i32
      %dma_start3A_22 = tpu.memref_slice %arg4[%add3A_12, %dma_start3A_21] : memref<8192x64xf32, #tpu.memory_space<hbm>> -> memref<128x64xf32, #tpu.memory_space<hbm>>
      tpu.enqueue_dma source(%arg6 : memref<128x64xf32, #tpu.memory_space<vmem>>) target(%dma_start3A_22 : memref<128x64xf32, #tpu.memory_space<hbm>>) target_semaphore(%run_scoped3A : memref<!tpu.dma_semaphore, #tpu.memory_space<semaphore_mem>>)
      %dma_wait3A_23 = arith.constant 0 : i32
      %dma_wait3A_24 = tpu.memref_slice %arg4[%add3A_12, %dma_wait3A_23] : memref<8192x64xf32, #tpu.memory_space<hbm>> -> memref<128x64xf32, #tpu.memory_space<hbm>>
      %dma_wait3A_25 = arith.constant 0 : i32
      %dma_wait3A_26 = tpu.memref_slice %arg4[%add3A_12, %dma_wait3A_25] : memref<8192x64xf32, #tpu.memory_space<hbm>> -> memref<128x64xf32, #tpu.memory_space<hbm>>
      tpu.wait_dma2 semaphore(%run_scoped3A : memref<!tpu.dma_semaphore, #tpu.memory_space<semaphore_mem>>) src(%arg6 : memref<128x64xf32, #tpu.memory_space<vmem>>) dst(%dma_wait3A_26 : memref<128x64xf32, #tpu.memory_space<hbm>>)
      tpu.yield
    }) : () -> ()
    return
  }
}

#map = affine_map<(d0, d1) -> (0, 0)>
#map1 = affine_map<(d0, d1) -> (0)>
#map2 = affine_map<(d0, d1) -> (0, 0, 0)>
module attributes {stable_mosaic.version = 14 : i64} {
  func.func @_sc_scatter(%arg0: i32, %arg1: i32, %arg2: memref<8192x80xf32, #tpu.memory_space<hbm>>, %arg3: memref<8192xi32, #tpu.memory_space<hbm>>, %arg4: memref<4096x80xf32, #tpu.memory_space<hbm>>, %arg5: memref<2x4096x80xf32, #tpu.memory_space<hbm>>, %arg6: memref<128xi32, #tpu.memory_space<vmem>>, %arg7: memref<128x80xf32, #tpu.memory_space<vmem>>, %arg8: memref<4096x80xf32, #tpu.memory_space<vmem_shared>>, %arg9: memref<!tpu.dma_semaphore, #tpu.memory_space<semaphore_mem>>) attributes {dimension_semantics = [#tpu.dimension_semantics<core_parallel>, #tpu.dimension_semantics<subcore_parallel>], iteration_bounds = array<i64: 2, 16>, scalar_prefetch = 0 : i64, scratch_operands = 4 : i64, tpu.core_type = #tpu.core_type<sc_vector_subcore>, window_params = [{transform_indices = #map}, {transform_indices = #map1}, {transform_indices = #map}, {transform_indices = #map2}]} {
    %mul3A = arith.constant 256 : i32
    %mul3A_0 = arith.muli %arg1, %mul3A : i32
    "tpu.region"() ({
      %run_scoped3A = tpu.sem_alloc : memref<!tpu.dma_semaphore, #tpu.memory_space<semaphore_mem>>
      %dma_start3A = arith.constant 0 : i32
      %dma_start3A_15 = tpu.memref_slice %arg8[%mul3A_0, %dma_start3A] : memref<4096x80xf32, #tpu.memory_space<vmem_shared>> -> memref<256x80xf32, #tpu.memory_space<vmem_shared>>
      %dma_start3A_16 = arith.constant 0 : i32
      %dma_start3A_17 = tpu.memref_slice %arg4[%mul3A_0, %dma_start3A_16] : memref<4096x80xf32, #tpu.memory_space<hbm>> -> memref<256x80xf32, #tpu.memory_space<hbm>>
      tpu.enqueue_dma source(%dma_start3A_17 : memref<256x80xf32, #tpu.memory_space<hbm>>) target(%dma_start3A_15 : memref<256x80xf32, #tpu.memory_space<vmem_shared>>) target_semaphore(%run_scoped3A : memref<!tpu.dma_semaphore, #tpu.memory_space<semaphore_mem>>)
      %dma_wait3A = arith.constant 0 : i32
      %dma_wait3A_18 = tpu.memref_slice %arg8[%mul3A_0, %dma_wait3A] : memref<4096x80xf32, #tpu.memory_space<vmem_shared>> -> memref<256x80xf32, #tpu.memory_space<vmem_shared>>
      %dma_wait3A_19 = arith.constant 0 : i32
      %dma_wait3A_20 = tpu.memref_slice %arg4[%mul3A_0, %dma_wait3A_19] : memref<4096x80xf32, #tpu.memory_space<hbm>> -> memref<256x80xf32, #tpu.memory_space<hbm>>
      tpu.wait_dma2 semaphore(%run_scoped3A : memref<!tpu.dma_semaphore, #tpu.memory_space<semaphore_mem>>) src(%dma_wait3A_20 : memref<256x80xf32, #tpu.memory_space<hbm>>) dst(%dma_wait3A_18 : memref<256x80xf32, #tpu.memory_space<vmem_shared>>)
      tpu.yield
    }) : () -> ()
    %barrier3A = arith.constant 0 : index
    tpu.barrier barrier_id(%barrier3A)
    %mul3A_1 = arith.constant 4096 : i32
    %mul3A_2 = arith.muli %arg0, %mul3A_1 : i32
    %mul3A_3 = arith.constant 256 : i32
    %mul3A_4 = arith.muli %arg1, %mul3A_3 : i32
    %add3A = arith.addi %mul3A_2, %mul3A_4 : i32
    %add3A_5 = arith.constant 0 : i32
    %add3A_6 = arith.addi %add3A, %add3A_5 : i32
    "tpu.region"() ({
      %run_scoped3A = tpu.sem_alloc : memref<!tpu.dma_semaphore, #tpu.memory_space<semaphore_mem>>
      %dma_start3A = tpu.memref_slice %arg3[%add3A_6] : memref<8192xi32, #tpu.memory_space<hbm>> -> memref<128xi32, #tpu.memory_space<hbm>>
      %dma_start3A_15 = tpu.memref_slice %arg3[%add3A_6] : memref<8192xi32, #tpu.memory_space<hbm>> -> memref<128xi32, #tpu.memory_space<hbm>>
      tpu.enqueue_dma source(%dma_start3A_15 : memref<128xi32, #tpu.memory_space<hbm>>) target(%arg6 : memref<128xi32, #tpu.memory_space<vmem>>) target_semaphore(%run_scoped3A : memref<!tpu.dma_semaphore, #tpu.memory_space<semaphore_mem>>)
      %dma_wait3A = tpu.memref_slice %arg3[%add3A_6] : memref<8192xi32, #tpu.memory_space<hbm>> -> memref<128xi32, #tpu.memory_space<hbm>>
      %dma_wait3A_16 = tpu.memref_slice %arg3[%add3A_6] : memref<8192xi32, #tpu.memory_space<hbm>> -> memref<128xi32, #tpu.memory_space<hbm>>
      tpu.wait_dma2 semaphore(%run_scoped3A : memref<!tpu.dma_semaphore, #tpu.memory_space<semaphore_mem>>) src(%dma_wait3A_16 : memref<128xi32, #tpu.memory_space<hbm>>) dst(%arg6 : memref<128xi32, #tpu.memory_space<vmem>>)
      tpu.yield
    }) : () -> ()
    "tpu.region"() ({
      %run_scoped3A = tpu.sem_alloc : memref<!tpu.dma_semaphore, #tpu.memory_space<semaphore_mem>>
      %dma_start3A = arith.constant 0 : i32
      %dma_start3A_15 = tpu.memref_slice %arg2[%add3A_6, %dma_start3A] : memref<8192x80xf32, #tpu.memory_space<hbm>> -> memref<128x80xf32, #tpu.memory_space<hbm>>
      %dma_start3A_16 = arith.constant 0 : i32
      %dma_start3A_17 = tpu.memref_slice %arg2[%add3A_6, %dma_start3A_16] : memref<8192x80xf32, #tpu.memory_space<hbm>> -> memref<128x80xf32, #tpu.memory_space<hbm>>
      tpu.enqueue_dma source(%dma_start3A_17 : memref<128x80xf32, #tpu.memory_space<hbm>>) target(%arg7 : memref<128x80xf32, #tpu.memory_space<vmem>>) target_semaphore(%run_scoped3A : memref<!tpu.dma_semaphore, #tpu.memory_space<semaphore_mem>>)
      %dma_wait3A = arith.constant 0 : i32
      %dma_wait3A_18 = tpu.memref_slice %arg2[%add3A_6, %dma_wait3A] : memref<8192x80xf32, #tpu.memory_space<hbm>> -> memref<128x80xf32, #tpu.memory_space<hbm>>
      %dma_wait3A_19 = arith.constant 0 : i32
      %dma_wait3A_20 = tpu.memref_slice %arg2[%add3A_6, %dma_wait3A_19] : memref<8192x80xf32, #tpu.memory_space<hbm>> -> memref<128x80xf32, #tpu.memory_space<hbm>>
      tpu.wait_dma2 semaphore(%run_scoped3A : memref<!tpu.dma_semaphore, #tpu.memory_space<semaphore_mem>>) src(%dma_wait3A_20 : memref<128x80xf32, #tpu.memory_space<hbm>>) dst(%arg7 : memref<128x80xf32, #tpu.memory_space<vmem>>)
      tpu.yield
    }) : () -> ()
    "tpu.region"() ({
      %run_scoped3A = tpu.sem_alloc : memref<!tpu.dma_semaphore, #tpu.memory_space<semaphore_mem>>
      %dma_start3A = arith.constant 0 : i32
      %dma_start3A_15 = arith.constant 0 : i32
      %dma_start3A_16 = tpu.memref_slice %arg8[%dma_start3A, %dma_start3A_15] : memref<4096x80xf32, #tpu.memory_space<vmem_shared>> -> memref<4096x80xf32, #tpu.memory_space<vmem_shared>>
      tpu.enqueue_indirect_dma source(%arg7 : memref<128x80xf32, #tpu.memory_space<vmem>>) target(%dma_start3A_16 : memref<4096x80xf32, #tpu.memory_space<vmem_shared>>) offsets(%arg6 : memref<128xi32, #tpu.memory_space<vmem>>) semaphore(%run_scoped3A : memref<!tpu.dma_semaphore, #tpu.memory_space<semaphore_mem>>) {add = true}
      %dma_wait3A = arith.constant 0 : i32
      %dma_wait3A_17 = arith.constant 0 : i32
      %dma_wait3A_18 = tpu.memref_slice %arg8[%dma_wait3A, %dma_wait3A_17] : memref<4096x80xf32, #tpu.memory_space<vmem_shared>> -> memref<4096x80xf32, #tpu.memory_space<vmem_shared>>
      tpu.wait_indirect_dma semaphore(%run_scoped3A : memref<!tpu.dma_semaphore, #tpu.memory_space<semaphore_mem>>) src(%arg7 : memref<128x80xf32, #tpu.memory_space<vmem>>) dst(%dma_wait3A_18 : memref<4096x80xf32, #tpu.memory_space<vmem_shared>>)
      tpu.yield
    }) : () -> ()
    %mul3A_7 = arith.constant 4096 : i32
    %mul3A_8 = arith.muli %arg0, %mul3A_7 : i32
    %mul3A_9 = arith.constant 256 : i32
    %mul3A_10 = arith.muli %arg1, %mul3A_9 : i32
    %add3A_11 = arith.addi %mul3A_8, %mul3A_10 : i32
    %add3A_12 = arith.constant 128 : i32
    %add3A_13 = arith.addi %add3A_11, %add3A_12 : i32
    "tpu.region"() ({
      %run_scoped3A = tpu.sem_alloc : memref<!tpu.dma_semaphore, #tpu.memory_space<semaphore_mem>>
      %dma_start3A = tpu.memref_slice %arg3[%add3A_13] : memref<8192xi32, #tpu.memory_space<hbm>> -> memref<128xi32, #tpu.memory_space<hbm>>
      %dma_start3A_15 = tpu.memref_slice %arg3[%add3A_13] : memref<8192xi32, #tpu.memory_space<hbm>> -> memref<128xi32, #tpu.memory_space<hbm>>
      tpu.enqueue_dma source(%dma_start3A_15 : memref<128xi32, #tpu.memory_space<hbm>>) target(%arg6 : memref<128xi32, #tpu.memory_space<vmem>>) target_semaphore(%run_scoped3A : memref<!tpu.dma_semaphore, #tpu.memory_space<semaphore_mem>>)
      %dma_wait3A = tpu.memref_slice %arg3[%add3A_13] : memref<8192xi32, #tpu.memory_space<hbm>> -> memref<128xi32, #tpu.memory_space<hbm>>
      %dma_wait3A_16 = tpu.memref_slice %arg3[%add3A_13] : memref<8192xi32, #tpu.memory_space<hbm>> -> memref<128xi32, #tpu.memory_space<hbm>>
      tpu.wait_dma2 semaphore(%run_scoped3A : memref<!tpu.dma_semaphore, #tpu.memory_space<semaphore_mem>>) src(%dma_wait3A_16 : memref<128xi32, #tpu.memory_space<hbm>>) dst(%arg6 : memref<128xi32, #tpu.memory_space<vmem>>)
      tpu.yield
    }) : () -> ()
    "tpu.region"() ({
      %run_scoped3A = tpu.sem_alloc : memref<!tpu.dma_semaphore, #tpu.memory_space<semaphore_mem>>
      %dma_start3A = arith.constant 0 : i32
      %dma_start3A_15 = tpu.memref_slice %arg2[%add3A_13, %dma_start3A] : memref<8192x80xf32, #tpu.memory_space<hbm>> -> memref<128x80xf32, #tpu.memory_space<hbm>>
      %dma_start3A_16 = arith.constant 0 : i32
      %dma_start3A_17 = tpu.memref_slice %arg2[%add3A_13, %dma_start3A_16] : memref<8192x80xf32, #tpu.memory_space<hbm>> -> memref<128x80xf32, #tpu.memory_space<hbm>>
      tpu.enqueue_dma source(%dma_start3A_17 : memref<128x80xf32, #tpu.memory_space<hbm>>) target(%arg7 : memref<128x80xf32, #tpu.memory_space<vmem>>) target_semaphore(%run_scoped3A : memref<!tpu.dma_semaphore, #tpu.memory_space<semaphore_mem>>)
      %dma_wait3A = arith.constant 0 : i32
      %dma_wait3A_18 = tpu.memref_slice %arg2[%add3A_13, %dma_wait3A] : memref<8192x80xf32, #tpu.memory_space<hbm>> -> memref<128x80xf32, #tpu.memory_space<hbm>>
      %dma_wait3A_19 = arith.constant 0 : i32
      %dma_wait3A_20 = tpu.memref_slice %arg2[%add3A_13, %dma_wait3A_19] : memref<8192x80xf32, #tpu.memory_space<hbm>> -> memref<128x80xf32, #tpu.memory_space<hbm>>
      tpu.wait_dma2 semaphore(%run_scoped3A : memref<!tpu.dma_semaphore, #tpu.memory_space<semaphore_mem>>) src(%dma_wait3A_20 : memref<128x80xf32, #tpu.memory_space<hbm>>) dst(%arg7 : memref<128x80xf32, #tpu.memory_space<vmem>>)
      tpu.yield
    }) : () -> ()
    "tpu.region"() ({
      %run_scoped3A = tpu.sem_alloc : memref<!tpu.dma_semaphore, #tpu.memory_space<semaphore_mem>>
      %dma_start3A = arith.constant 0 : i32
      %dma_start3A_15 = arith.constant 0 : i32
      %dma_start3A_16 = tpu.memref_slice %arg8[%dma_start3A, %dma_start3A_15] : memref<4096x80xf32, #tpu.memory_space<vmem_shared>> -> memref<4096x80xf32, #tpu.memory_space<vmem_shared>>
      tpu.enqueue_indirect_dma source(%arg7 : memref<128x80xf32, #tpu.memory_space<vmem>>) target(%dma_start3A_16 : memref<4096x80xf32, #tpu.memory_space<vmem_shared>>) offsets(%arg6 : memref<128xi32, #tpu.memory_space<vmem>>) semaphore(%run_scoped3A : memref<!tpu.dma_semaphore, #tpu.memory_space<semaphore_mem>>) {add = true}
      %dma_wait3A = arith.constant 0 : i32
      %dma_wait3A_17 = arith.constant 0 : i32
      %dma_wait3A_18 = tpu.memref_slice %arg8[%dma_wait3A, %dma_wait3A_17] : memref<4096x80xf32, #tpu.memory_space<vmem_shared>> -> memref<4096x80xf32, #tpu.memory_space<vmem_shared>>
      tpu.wait_indirect_dma semaphore(%run_scoped3A : memref<!tpu.dma_semaphore, #tpu.memory_space<semaphore_mem>>) src(%arg7 : memref<128x80xf32, #tpu.memory_space<vmem>>) dst(%dma_wait3A_18 : memref<4096x80xf32, #tpu.memory_space<vmem_shared>>)
      tpu.yield
    }) : () -> ()
    %barrier3A_14 = arith.constant 0 : index
    tpu.barrier barrier_id(%barrier3A_14)
    "tpu.region"() ({
      %run_scoped3A = tpu.sem_alloc : memref<!tpu.dma_semaphore, #tpu.memory_space<semaphore_mem>>
      %dma_start3A = arith.constant 0 : i32
      %dma_start3A_15 = tpu.memref_slice %arg5[%arg0, %mul3A_0, %dma_start3A] : memref<2x4096x80xf32, #tpu.memory_space<hbm>> -> memref<1x256x80xf32, #tpu.memory_space<hbm>>
      %dma_start3A_16 = tpu.memref_squeeze %dma_start3A_15 : memref<1x256x80xf32, #tpu.memory_space<hbm>> -> memref<256x80xf32, #tpu.memory_space<hbm>>
      %dma_start3A_17 = arith.constant 0 : i32
      %dma_start3A_18 = tpu.memref_slice %arg8[%mul3A_0, %dma_start3A_17] : memref<4096x80xf32, #tpu.memory_space<vmem_shared>> -> memref<256x80xf32, #tpu.memory_space<vmem_shared>>
      tpu.enqueue_dma source(%dma_start3A_18 : memref<256x80xf32, #tpu.memory_space<vmem_shared>>) target(%dma_start3A_16 : memref<256x80xf32, #tpu.memory_space<hbm>>) target_semaphore(%run_scoped3A : memref<!tpu.dma_semaphore, #tpu.memory_space<semaphore_mem>>)
      %dma_wait3A = arith.constant 0 : i32
      %dma_wait3A_19 = tpu.memref_slice %arg5[%arg0, %mul3A_0, %dma_wait3A] : memref<2x4096x80xf32, #tpu.memory_space<hbm>> -> memref<1x256x80xf32, #tpu.memory_space<hbm>>
      %dma_wait3A_20 = tpu.memref_squeeze %dma_wait3A_19 : memref<1x256x80xf32, #tpu.memory_space<hbm>> -> memref<256x80xf32, #tpu.memory_space<hbm>>
      %dma_wait3A_21 = arith.constant 0 : i32
      %dma_wait3A_22 = tpu.memref_slice %arg8[%mul3A_0, %dma_wait3A_21] : memref<4096x80xf32, #tpu.memory_space<vmem_shared>> -> memref<256x80xf32, #tpu.memory_space<vmem_shared>>
      tpu.wait_dma2 semaphore(%run_scoped3A : memref<!tpu.dma_semaphore, #tpu.memory_space<semaphore_mem>>) src(%dma_wait3A_22 : memref<256x80xf32, #tpu.memory_space<vmem_shared>>) dst(%dma_wait3A_20 : memref<256x80xf32, #tpu.memory_space<hbm>>)
      tpu.yield
    }) : () -> ()
    return
  }
}

#map = affine_map<(d0, d1) -> (0, 0)>
#map1 = affine_map<(d0, d1) -> (0)>
#map2 = affine_map<(d0, d1) -> (0, 0, 0)>
module attributes {stable_mosaic.version = 14 : i64} {
  func.func @_sc_scatter(%arg0: i32, %arg1: i32, %arg2: memref<8192x80xf32, #tpu.memory_space<hbm>>, %arg3: memref<8192xi32, #tpu.memory_space<hbm>>, %arg4: memref<4096x80xf32, #tpu.memory_space<hbm>>, %arg5: memref<2x4096x80xf32, #tpu.memory_space<hbm>>, %arg6: memref<128xi32, #tpu.memory_space<vmem>>, %arg7: memref<128x80xf32, #tpu.memory_space<vmem>>, %arg8: memref<4096x80xf32, #tpu.memory_space<vmem_shared>>, %arg9: memref<!tpu.dma_semaphore, #tpu.memory_space<semaphore_mem>>) attributes {dimension_semantics = [#tpu.dimension_semantics<core_parallel>, #tpu.dimension_semantics<subcore_parallel>], iteration_bounds = array<i64: 2, 16>, scalar_prefetch = 0 : i64, scratch_operands = 4 : i64, tpu.core_type = #tpu.core_type<sc_vector_subcore>, window_params = [{transform_indices = #map}, {transform_indices = #map1}, {transform_indices = #map}, {transform_indices = #map2}]} {
    %mul3A = arith.constant 256 : i32
    %mul3A_0 = arith.muli %arg1, %mul3A : i32
    "tpu.region"() ({
      %run_scoped3A = tpu.sem_alloc : memref<!tpu.dma_semaphore, #tpu.memory_space<semaphore_mem>>
      %dma_start3A = arith.constant 0 : i32
      %dma_start3A_15 = tpu.memref_slice %arg8[%mul3A_0, %dma_start3A] : memref<4096x80xf32, #tpu.memory_space<vmem_shared>> -> memref<256x80xf32, #tpu.memory_space<vmem_shared>>
      %dma_start3A_16 = arith.constant 0 : i32
      %dma_start3A_17 = tpu.memref_slice %arg4[%mul3A_0, %dma_start3A_16] : memref<4096x80xf32, #tpu.memory_space<hbm>> -> memref<256x80xf32, #tpu.memory_space<hbm>>
      tpu.enqueue_dma source(%dma_start3A_17 : memref<256x80xf32, #tpu.memory_space<hbm>>) target(%dma_start3A_15 : memref<256x80xf32, #tpu.memory_space<vmem_shared>>) target_semaphore(%run_scoped3A : memref<!tpu.dma_semaphore, #tpu.memory_space<semaphore_mem>>)
      %dma_wait3A = arith.constant 0 : i32
      %dma_wait3A_18 = tpu.memref_slice %arg8[%mul3A_0, %dma_wait3A] : memref<4096x80xf32, #tpu.memory_space<vmem_shared>> -> memref<256x80xf32, #tpu.memory_space<vmem_shared>>
      %dma_wait3A_19 = arith.constant 0 : i32
      %dma_wait3A_20 = tpu.memref_slice %arg4[%mul3A_0, %dma_wait3A_19] : memref<4096x80xf32, #tpu.memory_space<hbm>> -> memref<256x80xf32, #tpu.memory_space<hbm>>
      tpu.wait_dma2 semaphore(%run_scoped3A : memref<!tpu.dma_semaphore, #tpu.memory_space<semaphore_mem>>) src(%dma_wait3A_20 : memref<256x80xf32, #tpu.memory_space<hbm>>) dst(%dma_wait3A_18 : memref<256x80xf32, #tpu.memory_space<vmem_shared>>)
      tpu.yield
    }) : () -> ()
    %barrier3A = arith.constant 0 : index
    tpu.barrier barrier_id(%barrier3A)
    %mul3A_1 = arith.constant 4096 : i32
    %mul3A_2 = arith.muli %arg0, %mul3A_1 : i32
    %mul3A_3 = arith.constant 256 : i32
    %mul3A_4 = arith.muli %arg1, %mul3A_3 : i32
    %add3A = arith.addi %mul3A_2, %mul3A_4 : i32
    %add3A_5 = arith.constant 0 : i32
    %add3A_6 = arith.addi %add3A, %add3A_5 : i32
    "tpu.region"() ({
      %run_scoped3A = tpu.sem_alloc : memref<!tpu.dma_semaphore, #tpu.memory_space<semaphore_mem>>
      %dma_start3A = tpu.memref_slice %arg3[%add3A_6] : memref<8192xi32, #tpu.memory_space<hbm>> -> memref<128xi32, #tpu.memory_space<hbm>>
      %dma_start3A_15 = tpu.memref_slice %arg3[%add3A_6] : memref<8192xi32, #tpu.memory_space<hbm>> -> memref<128xi32, #tpu.memory_space<hbm>>
      tpu.enqueue_dma source(%dma_start3A_15 : memref<128xi32, #tpu.memory_space<hbm>>) target(%arg6 : memref<128xi32, #tpu.memory_space<vmem>>) target_semaphore(%run_scoped3A : memref<!tpu.dma_semaphore, #tpu.memory_space<semaphore_mem>>)
      %dma_wait3A = tpu.memref_slice %arg3[%add3A_6] : memref<8192xi32, #tpu.memory_space<hbm>> -> memref<128xi32, #tpu.memory_space<hbm>>
      %dma_wait3A_16 = tpu.memref_slice %arg3[%add3A_6] : memref<8192xi32, #tpu.memory_space<hbm>> -> memref<128xi32, #tpu.memory_space<hbm>>
      tpu.wait_dma2 semaphore(%run_scoped3A : memref<!tpu.dma_semaphore, #tpu.memory_space<semaphore_mem>>) src(%dma_wait3A_16 : memref<128xi32, #tpu.memory_space<hbm>>) dst(%arg6 : memref<128xi32, #tpu.memory_space<vmem>>)
      tpu.yield
    }) : () -> ()
    "tpu.region"() ({
      %run_scoped3A = tpu.sem_alloc : memref<!tpu.dma_semaphore, #tpu.memory_space<semaphore_mem>>
      %dma_start3A = arith.constant 0 : i32
      %dma_start3A_15 = tpu.memref_slice %arg2[%add3A_6, %dma_start3A] : memref<8192x80xf32, #tpu.memory_space<hbm>> -> memref<128x80xf32, #tpu.memory_space<hbm>>
      %dma_start3A_16 = arith.constant 0 : i32
      %dma_start3A_17 = tpu.memref_slice %arg2[%add3A_6, %dma_start3A_16] : memref<8192x80xf32, #tpu.memory_space<hbm>> -> memref<128x80xf32, #tpu.memory_space<hbm>>
      tpu.enqueue_dma source(%dma_start3A_17 : memref<128x80xf32, #tpu.memory_space<hbm>>) target(%arg7 : memref<128x80xf32, #tpu.memory_space<vmem>>) target_semaphore(%run_scoped3A : memref<!tpu.dma_semaphore, #tpu.memory_space<semaphore_mem>>)
      %dma_wait3A = arith.constant 0 : i32
      %dma_wait3A_18 = tpu.memref_slice %arg2[%add3A_6, %dma_wait3A] : memref<8192x80xf32, #tpu.memory_space<hbm>> -> memref<128x80xf32, #tpu.memory_space<hbm>>
      %dma_wait3A_19 = arith.constant 0 : i32
      %dma_wait3A_20 = tpu.memref_slice %arg2[%add3A_6, %dma_wait3A_19] : memref<8192x80xf32, #tpu.memory_space<hbm>> -> memref<128x80xf32, #tpu.memory_space<hbm>>
      tpu.wait_dma2 semaphore(%run_scoped3A : memref<!tpu.dma_semaphore, #tpu.memory_space<semaphore_mem>>) src(%dma_wait3A_20 : memref<128x80xf32, #tpu.memory_space<hbm>>) dst(%arg7 : memref<128x80xf32, #tpu.memory_space<vmem>>)
      tpu.yield
    }) : () -> ()
    "tpu.region"() ({
      %run_scoped3A = tpu.sem_alloc : memref<!tpu.dma_semaphore, #tpu.memory_space<semaphore_mem>>
      %dma_start3A = arith.constant 0 : i32
      %dma_start3A_15 = arith.constant 0 : i32
      %dma_start3A_16 = tpu.memref_slice %arg8[%dma_start3A, %dma_start3A_15] : memref<4096x80xf32, #tpu.memory_space<vmem_shared>> -> memref<4096x80xf32, #tpu.memory_space<vmem_shared>>
      tpu.enqueue_indirect_dma source(%arg7 : memref<128x80xf32, #tpu.memory_space<vmem>>) target(%dma_start3A_16 : memref<4096x80xf32, #tpu.memory_space<vmem_shared>>) offsets(%arg6 : memref<128xi32, #tpu.memory_space<vmem>>) semaphore(%run_scoped3A : memref<!tpu.dma_semaphore, #tpu.memory_space<semaphore_mem>>) {add = true}
      %dma_wait3A = arith.constant 0 : i32
      %dma_wait3A_17 = arith.constant 0 : i32
      %dma_wait3A_18 = tpu.memref_slice %arg8[%dma_wait3A, %dma_wait3A_17] : memref<4096x80xf32, #tpu.memory_space<vmem_shared>> -> memref<4096x80xf32, #tpu.memory_space<vmem_shared>>
      tpu.wait_indirect_dma semaphore(%run_scoped3A : memref<!tpu.dma_semaphore, #tpu.memory_space<semaphore_mem>>) src(%arg7 : memref<128x80xf32, #tpu.memory_space<vmem>>) dst(%dma_wait3A_18 : memref<4096x80xf32, #tpu.memory_space<vmem_shared>>)
      tpu.yield
    }) : () -> ()
    %mul3A_7 = arith.constant 4096 : i32
    %mul3A_8 = arith.muli %arg0, %mul3A_7 : i32
    %mul3A_9 = arith.constant 256 : i32
    %mul3A_10 = arith.muli %arg1, %mul3A_9 : i32
    %add3A_11 = arith.addi %mul3A_8, %mul3A_10 : i32
    %add3A_12 = arith.constant 128 : i32
    %add3A_13 = arith.addi %add3A_11, %add3A_12 : i32
    "tpu.region"() ({
      %run_scoped3A = tpu.sem_alloc : memref<!tpu.dma_semaphore, #tpu.memory_space<semaphore_mem>>
      %dma_start3A = tpu.memref_slice %arg3[%add3A_13] : memref<8192xi32, #tpu.memory_space<hbm>> -> memref<128xi32, #tpu.memory_space<hbm>>
      %dma_start3A_15 = tpu.memref_slice %arg3[%add3A_13] : memref<8192xi32, #tpu.memory_space<hbm>> -> memref<128xi32, #tpu.memory_space<hbm>>
      tpu.enqueue_dma source(%dma_start3A_15 : memref<128xi32, #tpu.memory_space<hbm>>) target(%arg6 : memref<128xi32, #tpu.memory_space<vmem>>) target_semaphore(%run_scoped3A : memref<!tpu.dma_semaphore, #tpu.memory_space<semaphore_mem>>)
      %dma_wait3A = tpu.memref_slice %arg3[%add3A_13] : memref<8192xi32, #tpu.memory_space<hbm>> -> memref<128xi32, #tpu.memory_space<hbm>>
      %dma_wait3A_16 = tpu.memref_slice %arg3[%add3A_13] : memref<8192xi32, #tpu.memory_space<hbm>> -> memref<128xi32, #tpu.memory_space<hbm>>
      tpu.wait_dma2 semaphore(%run_scoped3A : memref<!tpu.dma_semaphore, #tpu.memory_space<semaphore_mem>>) src(%dma_wait3A_16 : memref<128xi32, #tpu.memory_space<hbm>>) dst(%arg6 : memref<128xi32, #tpu.memory_space<vmem>>)
      tpu.yield
    }) : () -> ()
    "tpu.region"() ({
      %run_scoped3A = tpu.sem_alloc : memref<!tpu.dma_semaphore, #tpu.memory_space<semaphore_mem>>
      %dma_start3A = arith.constant 0 : i32
      %dma_start3A_15 = tpu.memref_slice %arg2[%add3A_13, %dma_start3A] : memref<8192x80xf32, #tpu.memory_space<hbm>> -> memref<128x80xf32, #tpu.memory_space<hbm>>
      %dma_start3A_16 = arith.constant 0 : i32
      %dma_start3A_17 = tpu.memref_slice %arg2[%add3A_13, %dma_start3A_16] : memref<8192x80xf32, #tpu.memory_space<hbm>> -> memref<128x80xf32, #tpu.memory_space<hbm>>
      tpu.enqueue_dma source(%dma_start3A_17 : memref<128x80xf32, #tpu.memory_space<hbm>>) target(%arg7 : memref<128x80xf32, #tpu.memory_space<vmem>>) target_semaphore(%run_scoped3A : memref<!tpu.dma_semaphore, #tpu.memory_space<semaphore_mem>>)
      %dma_wait3A = arith.constant 0 : i32
      %dma_wait3A_18 = tpu.memref_slice %arg2[%add3A_13, %dma_wait3A] : memref<8192x80xf32, #tpu.memory_space<hbm>> -> memref<128x80xf32, #tpu.memory_space<hbm>>
      %dma_wait3A_19 = arith.constant 0 : i32
      %dma_wait3A_20 = tpu.memref_slice %arg2[%add3A_13, %dma_wait3A_19] : memref<8192x80xf32, #tpu.memory_space<hbm>> -> memref<128x80xf32, #tpu.memory_space<hbm>>
      tpu.wait_dma2 semaphore(%run_scoped3A : memref<!tpu.dma_semaphore, #tpu.memory_space<semaphore_mem>>) src(%dma_wait3A_20 : memref<128x80xf32, #tpu.memory_space<hbm>>) dst(%arg7 : memref<128x80xf32, #tpu.memory_space<vmem>>)
      tpu.yield
    }) : () -> ()
    "tpu.region"() ({
      %run_scoped3A = tpu.sem_alloc : memref<!tpu.dma_semaphore, #tpu.memory_space<semaphore_mem>>
      %dma_start3A = arith.constant 0 : i32
      %dma_start3A_15 = arith.constant 0 : i32
      %dma_start3A_16 = tpu.memref_slice %arg8[%dma_start3A, %dma_start3A_15] : memref<4096x80xf32, #tpu.memory_space<vmem_shared>> -> memref<4096x80xf32, #tpu.memory_space<vmem_shared>>
      tpu.enqueue_indirect_dma source(%arg7 : memref<128x80xf32, #tpu.memory_space<vmem>>) target(%dma_start3A_16 : memref<4096x80xf32, #tpu.memory_space<vmem_shared>>) offsets(%arg6 : memref<128xi32, #tpu.memory_space<vmem>>) semaphore(%run_scoped3A : memref<!tpu.dma_semaphore, #tpu.memory_space<semaphore_mem>>) {add = true}
      %dma_wait3A = arith.constant 0 : i32
      %dma_wait3A_17 = arith.constant 0 : i32
      %dma_wait3A_18 = tpu.memref_slice %arg8[%dma_wait3A, %dma_wait3A_17] : memref<4096x80xf32, #tpu.memory_space<vmem_shared>> -> memref<4096x80xf32, #tpu.memory_space<vmem_shared>>
      tpu.wait_indirect_dma semaphore(%run_scoped3A : memref<!tpu.dma_semaphore, #tpu.memory_space<semaphore_mem>>) src(%arg7 : memref<128x80xf32, #tpu.memory_space<vmem>>) dst(%dma_wait3A_18 : memref<4096x80xf32, #tpu.memory_space<vmem_shared>>)
      tpu.yield
    }) : () -> ()
    %barrier3A_14 = arith.constant 0 : index
    tpu.barrier barrier_id(%barrier3A_14)
    "tpu.region"() ({
      %run_scoped3A = tpu.sem_alloc : memref<!tpu.dma_semaphore, #tpu.memory_space<semaphore_mem>>
      %dma_start3A = arith.constant 0 : i32
      %dma_start3A_15 = tpu.memref_slice %arg5[%arg0, %mul3A_0, %dma_start3A] : memref<2x4096x80xf32, #tpu.memory_space<hbm>> -> memref<1x256x80xf32, #tpu.memory_space<hbm>>
      %dma_start3A_16 = tpu.memref_squeeze %dma_start3A_15 : memref<1x256x80xf32, #tpu.memory_space<hbm>> -> memref<256x80xf32, #tpu.memory_space<hbm>>
      %dma_start3A_17 = arith.constant 0 : i32
      %dma_start3A_18 = tpu.memref_slice %arg8[%mul3A_0, %dma_start3A_17] : memref<4096x80xf32, #tpu.memory_space<vmem_shared>> -> memref<256x80xf32, #tpu.memory_space<vmem_shared>>
      tpu.enqueue_dma source(%dma_start3A_18 : memref<256x80xf32, #tpu.memory_space<vmem_shared>>) target(%dma_start3A_16 : memref<256x80xf32, #tpu.memory_space<hbm>>) target_semaphore(%run_scoped3A : memref<!tpu.dma_semaphore, #tpu.memory_space<semaphore_mem>>)
      %dma_wait3A = arith.constant 0 : i32
      %dma_wait3A_19 = tpu.memref_slice %arg5[%arg0, %mul3A_0, %dma_wait3A] : memref<2x4096x80xf32, #tpu.memory_space<hbm>> -> memref<1x256x80xf32, #tpu.memory_space<hbm>>
      %dma_wait3A_20 = tpu.memref_squeeze %dma_wait3A_19 : memref<1x256x80xf32, #tpu.memory_space<hbm>> -> memref<256x80xf32, #tpu.memory_space<hbm>>
      %dma_wait3A_21 = arith.constant 0 : i32
      %dma_wait3A_22 = tpu.memref_slice %arg8[%mul3A_0, %dma_wait3A_21] : memref<4096x80xf32, #tpu.memory_space<vmem_shared>> -> memref<256x80xf32, #tpu.memory_space<vmem_shared>>
      tpu.wait_dma2 semaphore(%run_scoped3A : memref<!tpu.dma_semaphore, #tpu.memory_space<semaphore_mem>>) src(%dma_wait3A_22 : memref<256x80xf32, #tpu.memory_space<vmem_shared>>) dst(%dma_wait3A_20 : memref<256x80xf32, #tpu.memory_space<hbm>>)
      tpu.yield
    }) : () -> ()
    return
  }
}

module attributes {stable_mosaic.version = 14 : i64} {
  func.func @_pre_body(%arg0: memref<4096x64xf32, #tpu.memory_space<vmem>>, %arg1: memref<4096x64xf32, #tpu.memory_space<vmem>>, %arg2: memref<8192x16xf32, #tpu.memory_space<vmem>>, %arg3: memref<8192x16xf32, #tpu.memory_space<vmem>>, %arg4: memref<64x64xf32, #tpu.memory_space<vmem>>, %arg5: memref<1x64xf32, #tpu.memory_space<vmem>>, %arg6: memref<64x64xf32, #tpu.memory_space<vmem>>, %arg7: memref<1x64xf32, #tpu.memory_space<vmem>>, %arg8: memref<16x16xf32, #tpu.memory_space<vmem>>, %arg9: memref<1x16xf32, #tpu.memory_space<vmem>>, %arg10: memref<16x16xf32, #tpu.memory_space<vmem>>, %arg11: memref<1x16xf32, #tpu.memory_space<vmem>>, %arg12: memref<4096x64xf32, #tpu.memory_space<vmem>>, %arg13: memref<4096x64xf32, #tpu.memory_space<vmem>>, %arg14: memref<8192x16xf32, #tpu.memory_space<vmem>>, %arg15: memref<8192x16xf32, #tpu.memory_space<vmem>>) attributes {dimension_semantics = [], scalar_prefetch = 0 : i64, scratch_operands = 0 : i64, tpu.core_type = #tpu.core_type<tc>} {
    %get3A = arith.constant 0 : index
    %get3A_0 = arith.constant 0 : index
    %get3A_1 = vector.load %arg0[%get3A, %get3A_0] : memref<4096x64xf32, #tpu.memory_space<vmem>>, vector<4096x64xf32>
    %get3A_2 = arith.constant 0 : index
    %get3A_3 = arith.constant 0 : index
    %get3A_4 = vector.load %arg4[%get3A_2, %get3A_3] : memref<64x64xf32, #tpu.memory_space<vmem>>, vector<64x64xf32>
    %transpose3A = tpu.transpose %get3A_4, [1, 0] : vector<64x64xf32> -> vector<64x64xf32>
    %dot_general3A = arith.constant dense<0.000000e+00> : vector<4096x64xf32>
    %dot_general3A_5 = tpu.matmul %get3A_1, %transpose3A, %dot_general3A {dimension_numbers = #tpu.dot_dimension_numbers<[1], [0], [0], [1], [0, 0, 1, 1], [], []>, transpose_lhs_hint = false} : vector<4096x64xf32>, vector<64x64xf32>, vector<4096x64xf32> -> vector<4096x64xf32>
    %get3A_6 = arith.constant 0 : index
    %get3A_7 = arith.constant 0 : index
    %get3A_8 = vector.load %arg5[%get3A_6, %get3A_7] : memref<1x64xf32, #tpu.memory_space<vmem>>, vector<1x64xf32>
    %add3A = vector.broadcast %get3A_8 : vector<1x64xf32> to vector<4096x64xf32>
    %add3A_9 = arith.addf %dot_general3A_5, %add3A : vector<4096x64xf32>
    %max3A = arith.constant 0.000000e+00 : f32
    %max3A_10 = vector.broadcast %max3A : f32 to vector<4096x64xf32>
    %max3A_11 = arith.maximumf %add3A_9, %max3A_10 : vector<4096x64xf32>
    %swap3A = arith.constant 0 : index
    %swap3A_12 = arith.constant 0 : index
    %swap3A_13 = vector.load %arg12[%swap3A, %swap3A_12] : memref<4096x64xf32, #tpu.memory_space<vmem>>, vector<4096x64xf32>
    tpu.vector_store %arg12[%swap3A, %swap3A_12], %max3A_11 {strides = array<i32>} : memref<4096x64xf32, #tpu.memory_space<vmem>>, vector<4096x64xf32>,
    %get3A_14 = arith.constant 0 : index
    %get3A_15 = arith.constant 0 : index
    %get3A_16 = vector.load %arg1[%get3A_14, %get3A_15] : memref<4096x64xf32, #tpu.memory_space<vmem>>, vector<4096x64xf32>
    %get3A_17 = arith.constant 0 : index
    %get3A_18 = arith.constant 0 : index
    %get3A_19 = vector.load %arg6[%get3A_17, %get3A_18] : memref<64x64xf32, #tpu.memory_space<vmem>>, vector<64x64xf32>
    %transpose3A_20 = tpu.transpose %get3A_19, [1, 0] : vector<64x64xf32> -> vector<64x64xf32>
    %dot_general3A_21 = arith.constant dense<0.000000e+00> : vector<4096x64xf32>
    %dot_general3A_22 = tpu.matmul %get3A_16, %transpose3A_20, %dot_general3A_21 {dimension_numbers = #tpu.dot_dimension_numbers<[1], [0], [0], [1], [0, 0, 1, 1], [], []>, transpose_lhs_hint = false} : vector<4096x64xf32>, vector<64x64xf32>, vector<4096x64xf32> -> vector<4096x64xf32>
    %get3A_23 = arith.constant 0 : index
    %get3A_24 = arith.constant 0 : index
    %get3A_25 = vector.load %arg7[%get3A_23, %get3A_24] : memref<1x64xf32, #tpu.memory_space<vmem>>, vector<1x64xf32>
    %add3A_26 = vector.broadcast %get3A_25 : vector<1x64xf32> to vector<4096x64xf32>
    %add3A_27 = arith.addf %dot_general3A_22, %add3A_26 : vector<4096x64xf32>
    %max3A_28 = arith.constant 0.000000e+00 : f32
    %max3A_29 = vector.broadcast %max3A_28 : f32 to vector<4096x64xf32>
    %max3A_30 = arith.maximumf %add3A_27, %max3A_29 : vector<4096x64xf32>
    %swap3A_31 = arith.constant 0 : index
    %swap3A_32 = arith.constant 0 : index
    %swap3A_33 = vector.load %arg13[%swap3A_31, %swap3A_32] : memref<4096x64xf32, #tpu.memory_space<vmem>>, vector<4096x64xf32>
    tpu.vector_store %arg13[%swap3A_31, %swap3A_32], %max3A_30 {strides = array<i32>} : memref<4096x64xf32, #tpu.memory_space<vmem>>, vector<4096x64xf32>,
    %iota3A = tpu.iota {dimensions = array<i32: 1>} : vector<8192x16xi32>
    %get3A_34 = arith.constant 0 : index
    %get3A_35 = arith.constant 0 : index
    %get3A_36 = vector.load %arg2[%get3A_34, %get3A_35] : memref<8192x16xf32, #tpu.memory_space<vmem>>, vector<8192x16xf32>
    %get3A_37 = arith.constant 0 : index
    %get3A_38 = arith.constant 0 : index
    %get3A_39 = vector.load %arg8[%get3A_37, %get3A_38] : memref<16x16xf32, #tpu.memory_space<vmem>>, vector<16x16xf32>
    %transpose3A_40 = tpu.transpose %get3A_39, [1, 0] : vector<16x16xf32> -> vector<16x16xf32>
    %dot_general3A_41 = arith.constant dense<0.000000e+00> : vector<8192x16xf32>
    %dot_general3A_42 = tpu.matmul %get3A_36, %transpose3A_40, %dot_general3A_41 {dimension_numbers = #tpu.dot_dimension_numbers<[1], [0], [0], [1], [0, 0, 1, 1], [], []>, transpose_lhs_hint = false} : vector<8192x16xf32>, vector<16x16xf32>, vector<8192x16xf32> -> vector<8192x16xf32>
    %get3A_43 = arith.constant 0 : index
    %get3A_44 = arith.constant 0 : index
    %get3A_45 = vector.load %arg9[%get3A_43, %get3A_44] : memref<1x16xf32, #tpu.memory_space<vmem>>, vector<1x16xf32>
    %add3A_46 = vector.broadcast %get3A_45 : vector<1x16xf32> to vector<8192x16xf32>
    %add3A_47 = arith.addf %dot_general3A_42, %add3A_46 : vector<8192x16xf32>
    %max3A_48 = arith.constant 0.000000e+00 : f32
    %max3A_49 = vector.broadcast %max3A_48 : f32 to vector<8192x16xf32>
    %max3A_50 = arith.maximumf %add3A_47, %max3A_49 : vector<8192x16xf32>
    %eq3A = arith.constant 10 : i32
    %eq3A_51 = vector.broadcast %eq3A : i32 to vector<8192x16xi32>
    %eq3A_52 = arith.cmpi eq, %iota3A, %eq3A_51 : vector<8192x16xi32>
    %jit3A = arith.constant 1.000000e+00 : f32
    %broadcast_in_dim3A = vector.broadcast %jit3A : f32 to vector<8192x16xf32>
    %select_n3A = arith.select %eq3A_52, %broadcast_in_dim3A, %max3A_50 : vector<8192x16xi1>, vector<8192x16xf32>
    %swap3A_53 = arith.constant 0 : index
    %swap3A_54 = arith.constant 0 : index
    %swap3A_55 = vector.load %arg14[%swap3A_53, %swap3A_54] : memref<8192x16xf32, #tpu.memory_space<vmem>>, vector<8192x16xf32>
    tpu.vector_store %arg14[%swap3A_53, %swap3A_54], %select_n3A {strides = array<i32>} : memref<8192x16xf32, #tpu.memory_space<vmem>>, vector<8192x16xf32>,
    %get3A_56 = arith.constant 0 : index
    %get3A_57 = arith.constant 0 : index
    %get3A_58 = vector.load %arg3[%get3A_56, %get3A_57] : memref<8192x16xf32, #tpu.memory_space<vmem>>, vector<8192x16xf32>
    %get3A_59 = arith.constant 0 : index
    %get3A_60 = arith.constant 0 : index
    %get3A_61 = vector.load %arg10[%get3A_59, %get3A_60] : memref<16x16xf32, #tpu.memory_space<vmem>>, vector<16x16xf32>
    %transpose3A_62 = tpu.transpose %get3A_61, [1, 0] : vector<16x16xf32> -> vector<16x16xf32>
    %dot_general3A_63 = arith.constant dense<0.000000e+00> : vector<8192x16xf32>
    %dot_general3A_64 = tpu.matmul %get3A_58, %transpose3A_62, %dot_general3A_63 {dimension_numbers = #tpu.dot_dimension_numbers<[1], [0], [0], [1], [0, 0, 1, 1], [], []>, transpose_lhs_hint = false} : vector<8192x16xf32>, vector<16x16xf32>, vector<8192x16xf32> -> vector<8192x16xf32>
    %get3A_65 = arith.constant 0 : index
    %get3A_66 = arith.constant 0 : index
    %get3A_67 = vector.load %arg11[%get3A_65, %get3A_66] : memref<1x16xf32, #tpu.memory_space<vmem>>, vector<1x16xf32>
    %add3A_68 = vector.broadcast %get3A_67 : vector<1x16xf32> to vector<8192x16xf32>
    %add3A_69 = arith.addf %dot_general3A_64, %add3A_68 : vector<8192x16xf32>
    %max3A_70 = arith.constant 0.000000e+00 : f32
    %max3A_71 = vector.broadcast %max3A_70 : f32 to vector<8192x16xf32>
    %max3A_72 = arith.maximumf %add3A_69, %max3A_71 : vector<8192x16xf32>
    %eq3A_73 = arith.constant 10 : i32
    %eq3A_74 = vector.broadcast %eq3A_73 : i32 to vector<8192x16xi32>
    %eq3A_75 = arith.cmpi eq, %iota3A, %eq3A_74 : vector<8192x16xi32>
    %jit3A_76 = arith.constant 1.000000e+00 : f32
    %broadcast_in_dim3A_77 = vector.broadcast %jit3A_76 : f32 to vector<8192x16xf32>
    %select_n3A_78 = arith.select %eq3A_75, %broadcast_in_dim3A_77, %max3A_72 : vector<8192x16xi1>, vector<8192x16xf32>
    %swap3A_79 = arith.constant 0 : index
    %swap3A_80 = arith.constant 0 : index
    %swap3A_81 = vector.load %arg15[%swap3A_79, %swap3A_80] : memref<8192x16xf32, #tpu.memory_space<vmem>>, vector<8192x16xf32>
    tpu.vector_store %arg15[%swap3A_79, %swap3A_80], %select_n3A_78 {strides = array<i32>} : memref<8192x16xf32, #tpu.memory_space<vmem>>, vector<8192x16xf32>,
    return
  }
}

module attributes {stable_mosaic.version = 14 : i64} {
  func.func @_msg_body(%arg0: i32, %arg1: memref<4096x64xf32, #tpu.memory_space<vmem>>, %arg2: memref<4096x16xf32, #tpu.memory_space<vmem>>, %arg3: memref<64x704xf32, #tpu.memory_space<vmem>>, %arg4: memref<4096x80xf32, #tpu.memory_space<vmem>>) attributes {dimension_semantics = [#tpu.dimension_semantics<arbitrary>], iteration_bounds = array<i64: 2>, scalar_prefetch = 0 : i64, scratch_operands = 0 : i64, tpu.core_type = #tpu.core_type<tc>, window_params = [{transform_indices = @transform_0, window_bounds = array<i64: 4096, 64>}, {transform_indices = @transform_1, window_bounds = array<i64: 4096, 16>}, {pipeline_mode = #tpu.pipeline_mode<synchronous>, transform_indices = @transform_2, window_bounds = array<i64: 64, 704>}, {transform_indices = @transform_3, window_bounds = array<i64: 4096, 80>}]} {
    %get3A = arith.constant 0 : index
    %get3A_0 = arith.constant 0 : index
    %get3A_1 = vector.load %arg1[%get3A, %get3A_0] : memref<4096x64xf32, #tpu.memory_space<vmem>>, vector<4096x64xf32>
    %get3A_2 = arith.constant 0 : index
    %get3A_3 = arith.constant 0 : index
    %get3A_4 = vector.load %arg3[%get3A_2, %get3A_3] : memref<64x704xf32, #tpu.memory_space<vmem>>, vector<64x704xf32>
    %dot_general3A = arith.constant dense<0.000000e+00> : vector<4096x704xf32>
    %dot_general3A_5 = tpu.matmul %get3A_1, %get3A_4, %dot_general3A {dimension_numbers = #tpu.dot_dimension_numbers<[1], [0], [0], [1], [0, 0, 1, 1], [], []>, transpose_lhs_hint = false} : vector<4096x64xf32>, vector<64x704xf32>, vector<4096x704xf32> -> vector<4096x704xf32>
    %broadcast_in_dim3A = arith.constant 0.000000e+00 : f32
    %broadcast_in_dim3A_6 = vector.broadcast %broadcast_in_dim3A : f32 to vector<4096x64xf32>
    %get3A_7 = arith.constant 0 : index
    %get3A_8 = arith.constant 0 : index
    %get3A_9 = vector.load %arg2[%get3A_7, %get3A_8] : memref<4096x16xf32, #tpu.memory_space<vmem>>, vector<4096x16xf32>
    %slice3A = vector.extract_strided_slice %get3A_9 {offsets = [0, 0], sizes = [4096, 1], strides = [1, 1]} : vector<4096x16xf32> to vector<4096x1xf32>
    %slice3A_10 = vector.extract_strided_slice %dot_general3A_5 {offsets = [0, 0], sizes = [4096, 64], strides = [1, 1]} : vector<4096x704xf32> to vector<4096x64xf32>
    %mul3A = vector.broadcast %slice3A : vector<4096x1xf32> to vector<4096x64xf32>
    %mul3A_11 = arith.mulf %mul3A, %slice3A_10 : vector<4096x64xf32>
    %add3A = arith.addf %broadcast_in_dim3A_6, %mul3A_11 : vector<4096x64xf32>
    %slice3A_12 = vector.extract_strided_slice %get3A_9 {offsets = [0, 1], sizes = [4096, 1], strides = [1, 1]} : vector<4096x16xf32> to vector<4096x1xf32>
    %slice3A_13 = vector.extract_strided_slice %dot_general3A_5 {offsets = [0, 64], sizes = [4096, 64], strides = [1, 1]} : vector<4096x704xf32> to vector<4096x64xf32>
    %mul3A_14 = vector.broadcast %slice3A_12 : vector<4096x1xf32> to vector<4096x64xf32>
    %mul3A_15 = arith.mulf %mul3A_14, %slice3A_13 : vector<4096x64xf32>
    %add3A_16 = arith.addf %add3A, %mul3A_15 : vector<4096x64xf32>
    %slice3A_17 = vector.extract_strided_slice %get3A_9 {offsets = [0, 2], sizes = [4096, 1], strides = [1, 1]} : vector<4096x16xf32> to vector<4096x1xf32>
    %slice3A_18 = vector.extract_strided_slice %dot_general3A_5 {offsets = [0, 128], sizes = [4096, 64], strides = [1, 1]} : vector<4096x704xf32> to vector<4096x64xf32>
    %mul3A_19 = vector.broadcast %slice3A_17 : vector<4096x1xf32> to vector<4096x64xf32>
    %mul3A_20 = arith.mulf %mul3A_19, %slice3A_18 : vector<4096x64xf32>
    %add3A_21 = arith.addf %add3A_16, %mul3A_20 : vector<4096x64xf32>
    %slice3A_22 = vector.extract_strided_slice %get3A_9 {offsets = [0, 3], sizes = [4096, 1], strides = [1, 1]} : vector<4096x16xf32> to vector<4096x1xf32>
    %slice3A_23 = vector.extract_strided_slice %dot_general3A_5 {offsets = [0, 192], sizes = [4096, 64], strides = [1, 1]} : vector<4096x704xf32> to vector<4096x64xf32>
    %mul3A_24 = vector.broadcast %slice3A_22 : vector<4096x1xf32> to vector<4096x64xf32>
    %mul3A_25 = arith.mulf %mul3A_24, %slice3A_23 : vector<4096x64xf32>
    %add3A_26 = arith.addf %add3A_21, %mul3A_25 : vector<4096x64xf32>
    %slice3A_27 = vector.extract_strided_slice %get3A_9 {offsets = [0, 4], sizes = [4096, 1], strides = [1, 1]} : vector<4096x16xf32> to vector<4096x1xf32>
    %slice3A_28 = vector.extract_strided_slice %dot_general3A_5 {offsets = [0, 256], sizes = [4096, 64], strides = [1, 1]} : vector<4096x704xf32> to vector<4096x64xf32>
    %mul3A_29 = vector.broadcast %slice3A_27 : vector<4096x1xf32> to vector<4096x64xf32>
    %mul3A_30 = arith.mulf %mul3A_29, %slice3A_28 : vector<4096x64xf32>
    %add3A_31 = arith.addf %add3A_26, %mul3A_30 : vector<4096x64xf32>
    %slice3A_32 = vector.extract_strided_slice %get3A_9 {offsets = [0, 5], sizes = [4096, 1], strides = [1, 1]} : vector<4096x16xf32> to vector<4096x1xf32>
    %slice3A_33 = vector.extract_strided_slice %dot_general3A_5 {offsets = [0, 320], sizes = [4096, 64], strides = [1, 1]} : vector<4096x704xf32> to vector<4096x64xf32>
    %mul3A_34 = vector.broadcast %slice3A_32 : vector<4096x1xf32> to vector<4096x64xf32>
    %mul3A_35 = arith.mulf %mul3A_34, %slice3A_33 : vector<4096x64xf32>
    %add3A_36 = arith.addf %add3A_31, %mul3A_35 : vector<4096x64xf32>
    %slice3A_37 = vector.extract_strided_slice %get3A_9 {offsets = [0, 6], sizes = [4096, 1], strides = [1, 1]} : vector<4096x16xf32> to vector<4096x1xf32>
    %slice3A_38 = vector.extract_strided_slice %dot_general3A_5 {offsets = [0, 384], sizes = [4096, 64], strides = [1, 1]} : vector<4096x704xf32> to vector<4096x64xf32>
    %mul3A_39 = vector.broadcast %slice3A_37 : vector<4096x1xf32> to vector<4096x64xf32>
    %mul3A_40 = arith.mulf %mul3A_39, %slice3A_38 : vector<4096x64xf32>
    %add3A_41 = arith.addf %add3A_36, %mul3A_40 : vector<4096x64xf32>
    %slice3A_42 = vector.extract_strided_slice %get3A_9 {offsets = [0, 7], sizes = [4096, 1], strides = [1, 1]} : vector<4096x16xf32> to vector<4096x1xf32>
    %slice3A_43 = vector.extract_strided_slice %dot_general3A_5 {offsets = [0, 448], sizes = [4096, 64], strides = [1, 1]} : vector<4096x704xf32> to vector<4096x64xf32>
    %mul3A_44 = vector.broadcast %slice3A_42 : vector<4096x1xf32> to vector<4096x64xf32>
    %mul3A_45 = arith.mulf %mul3A_44, %slice3A_43 : vector<4096x64xf32>
    %add3A_46 = arith.addf %add3A_41, %mul3A_45 : vector<4096x64xf32>
    %slice3A_47 = vector.extract_strided_slice %get3A_9 {offsets = [0, 8], sizes = [4096, 1], strides = [1, 1]} : vector<4096x16xf32> to vector<4096x1xf32>
    %slice3A_48 = vector.extract_strided_slice %dot_general3A_5 {offsets = [0, 512], sizes = [4096, 64], strides = [1, 1]} : vector<4096x704xf32> to vector<4096x64xf32>
    %mul3A_49 = vector.broadcast %slice3A_47 : vector<4096x1xf32> to vector<4096x64xf32>
    %mul3A_50 = arith.mulf %mul3A_49, %slice3A_48 : vector<4096x64xf32>
    %add3A_51 = arith.addf %add3A_46, %mul3A_50 : vector<4096x64xf32>
    %slice3A_52 = vector.extract_strided_slice %get3A_9 {offsets = [0, 9], sizes = [4096, 1], strides = [1, 1]} : vector<4096x16xf32> to vector<4096x1xf32>
    %slice3A_53 = vector.extract_strided_slice %dot_general3A_5 {offsets = [0, 576], sizes = [4096, 64], strides = [1, 1]} : vector<4096x704xf32> to vector<4096x64xf32>
    %mul3A_54 = vector.broadcast %slice3A_52 : vector<4096x1xf32> to vector<4096x64xf32>
    %mul3A_55 = arith.mulf %mul3A_54, %slice3A_53 : vector<4096x64xf32>
    %add3A_56 = arith.addf %add3A_51, %mul3A_55 : vector<4096x64xf32>
    %slice3A_57 = vector.extract_strided_slice %get3A_9 {offsets = [0, 10], sizes = [4096, 1], strides = [1, 1]} : vector<4096x16xf32> to vector<4096x1xf32>
    %slice3A_58 = vector.extract_strided_slice %dot_general3A_5 {offsets = [0, 640], sizes = [4096, 64], strides = [1, 1]} : vector<4096x704xf32> to vector<4096x64xf32>
    %mul3A_59 = vector.broadcast %slice3A_57 : vector<4096x1xf32> to vector<4096x64xf32>
    %mul3A_60 = arith.mulf %mul3A_59, %slice3A_58 : vector<4096x64xf32>
    %add3A_61 = arith.addf %add3A_56, %mul3A_60 : vector<4096x64xf32>
    %iota3A = tpu.iota {dimensions = array<i32: 1>} : vector<4096x16xi32>
    %eq3A = arith.constant 0 : i32
    %eq3A_62 = vector.broadcast %eq3A : i32 to vector<4096x16xi32>
    %eq3A_63 = arith.cmpi eq, %iota3A, %eq3A_62 : vector<4096x16xi32>
    %jit3A = arith.constant 1.000000e+00 : f32
    %jit3A_64 = arith.constant 0.000000e+00 : f32
    %broadcast_in_dim3A_65 = vector.broadcast %jit3A : f32 to vector<4096x16xf32>
    %broadcast_in_dim3A_66 = vector.broadcast %jit3A_64 : f32 to vector<4096x16xf32>
    %select_n3A = arith.select %eq3A_63, %broadcast_in_dim3A_65, %broadcast_in_dim3A_66 : vector<4096x16xi1>, vector<4096x16xf32>
    %concatenate3A = tpu.concatenate %add3A_61, %select_n3A in 1 : vector<4096x64xf32>, vector<4096x16xf32> -> vector<4096x80xf32>
    %swap3A = arith.constant 0 : index
    %swap3A_67 = arith.constant 0 : index
    %swap3A_68 = vector.load %arg4[%swap3A, %swap3A_67] : memref<4096x80xf32, #tpu.memory_space<vmem>>, vector<4096x80xf32>
    tpu.vector_store %arg4[%swap3A, %swap3A_67], %concatenate3A {strides = array<i32>} : memref<4096x80xf32, #tpu.memory_space<vmem>>, vector<4096x80xf32>,
    return
  }
  func.func @transform_0(%arg0: i32) -> (i32, i32) {
    %c0_i32 = arith.constant 0 : i32
    %c0_i32_0 = arith.constant 0 : i32
    return %arg0, %c0_i32 : i32, i32
  }
  func.func @transform_1(%arg0: i32) -> (i32, i32) {
    %c0_i32 = arith.constant 0 : i32
    %c0_i32_0 = arith.constant 0 : i32
    return %arg0, %c0_i32 : i32, i32
  }
  func.func @transform_2(%arg0: i32) -> (i32, i32) {
    %c0_i32 = arith.constant 0 : i32
    %c0_i32_0 = arith.constant 0 : i32
    %c0_i32_1 = arith.constant 0 : i32
    return %c0_i32, %c0_i32_0 : i32, i32
  }
  func.func @transform_3(%arg0: i32) -> (i32, i32) {
    %c0_i32 = arith.constant 0 : i32
    %c0_i32_0 = arith.constant 0 : i32
    return %arg0, %c0_i32 : i32, i32
  }
}

module attributes {stable_mosaic.version = 14 : i64} {
  func.func @_update_body(%arg0: memref<2x4096x80xf32, #tpu.memory_space<vmem>>, %arg1: memref<4096x64xf32, #tpu.memory_space<vmem>>, %arg2: memref<4096x64xf32, #tpu.memory_space<vmem>>, %arg3: memref<64x64xf32, #tpu.memory_space<vmem>>, %arg4: memref<1x64xf32, #tpu.memory_space<vmem>>, %arg5: memref<64x128xf32, #tpu.memory_space<vmem>>, %arg6: memref<1x64xf32, #tpu.memory_space<vmem>>, %arg7: memref<4096x64xf32, #tpu.memory_space<vmem>>) attributes {dimension_semantics = [], scalar_prefetch = 0 : i64, scratch_operands = 0 : i64, tpu.core_type = #tpu.core_type<tc>} {
    %get3A = arith.constant 0 : index
    %get3A_0 = arith.constant 0 : index
    %get3A_1 = arith.constant 0 : index
    %get3A_2 = vector.load %arg0[%get3A, %get3A_0, %get3A_1] : memref<2x4096x80xf32, #tpu.memory_space<vmem>>, vector<1x4096x80xf32>
    %get3A_3 = vector.shape_cast %get3A_2 : vector<1x4096x80xf32> to vector<4096x80xf32>
    %get3A_4 = arith.constant 1 : index
    %get3A_5 = arith.constant 0 : index
    %get3A_6 = arith.constant 0 : index
    %get3A_7 = vector.load %arg0[%get3A_4, %get3A_5, %get3A_6] : memref<2x4096x80xf32, #tpu.memory_space<vmem>>, vector<1x4096x80xf32>
    %get3A_8 = vector.shape_cast %get3A_7 : vector<1x4096x80xf32> to vector<4096x80xf32>
    %add3A = arith.addf %get3A_3, %get3A_8 : vector<4096x80xf32>
    %slice3A = vector.extract_strided_slice %add3A {offsets = [0, 64], sizes = [4096, 1], strides = [1, 1]} : vector<4096x80xf32> to vector<4096x1xf32>
    %jit3A = arith.constant 1.000000e+00 : f32
    %max3A = vector.broadcast %jit3A : f32 to vector<4096x1xf32>
    %max3A_9 = arith.maximumf %max3A, %slice3A : vector<4096x1xf32>
    %slice3A_10 = vector.extract_strided_slice %add3A {offsets = [0, 0], sizes = [4096, 64], strides = [1, 1]} : vector<4096x80xf32> to vector<4096x64xf32>
    %div3A = vector.broadcast %max3A_9 : vector<4096x1xf32> to vector<4096x64xf32>
    %div3A_11 = arith.divf %slice3A_10, %div3A : vector<4096x64xf32>
    %get3A_12 = arith.constant 0 : index
    %get3A_13 = arith.constant 0 : index
    %get3A_14 = vector.load %arg1[%get3A_12, %get3A_13] : memref<4096x64xf32, #tpu.memory_space<vmem>>, vector<4096x64xf32>
    %get3A_15 = arith.constant 0 : index
    %get3A_16 = arith.constant 0 : index
    %get3A_17 = vector.load %arg3[%get3A_15, %get3A_16] : memref<64x64xf32, #tpu.memory_space<vmem>>, vector<64x64xf32>
    %dot_general3A = arith.constant dense<0.000000e+00> : vector<4096x64xf32>
    %dot_general3A_18 = tpu.matmul %get3A_14, %get3A_17, %dot_general3A {dimension_numbers = #tpu.dot_dimension_numbers<[1], [0], [0], [1], [0, 0, 1, 1], [], []>, transpose_lhs_hint = false} : vector<4096x64xf32>, vector<64x64xf32>, vector<4096x64xf32> -> vector<4096x64xf32>
    %add3A_19 = arith.addf %div3A_11, %dot_general3A_18 : vector<4096x64xf32>
    %get3A_20 = arith.constant 0 : index
    %get3A_21 = arith.constant 0 : index
    %get3A_22 = vector.load %arg4[%get3A_20, %get3A_21] : memref<1x64xf32, #tpu.memory_space<vmem>>, vector<1x64xf32>
    %add3A_23 = vector.broadcast %get3A_22 : vector<1x64xf32> to vector<4096x64xf32>
    %add3A_24 = arith.addf %add3A_19, %add3A_23 : vector<4096x64xf32>
    %max3A_25 = arith.constant 0.000000e+00 : f32
    %max3A_26 = vector.broadcast %max3A_25 : f32 to vector<4096x64xf32>
    %max3A_27 = arith.maximumf %add3A_24, %max3A_26 : vector<4096x64xf32>
    %concatenate3A = tpu.concatenate %max3A_27, %get3A_14 in 1 : vector<4096x64xf32>, vector<4096x64xf32> -> vector<4096x128xf32>
    %get3A_28 = arith.constant 0 : index
    %get3A_29 = arith.constant 0 : index
    %get3A_30 = vector.load %arg5[%get3A_28, %get3A_29] : memref<64x128xf32, #tpu.memory_space<vmem>>, vector<64x128xf32>
    %transpose3A = tpu.transpose %get3A_30, [1, 0] : vector<64x128xf32> -> vector<128x64xf32>
    %dot_general3A_31 = arith.constant dense<0.000000e+00> : vector<4096x64xf32>
    %dot_general3A_32 = tpu.matmul %concatenate3A, %transpose3A, %dot_general3A_31 {dimension_numbers = #tpu.dot_dimension_numbers<[1], [0], [0], [1], [0, 0, 1, 1], [], []>, transpose_lhs_hint = false} : vector<4096x128xf32>, vector<128x64xf32>, vector<4096x64xf32> -> vector<4096x64xf32>
    %get3A_33 = arith.constant 0 : index
    %get3A_34 = arith.constant 0 : index
    %get3A_35 = vector.load %arg6[%get3A_33, %get3A_34] : memref<1x64xf32, #tpu.memory_space<vmem>>, vector<1x64xf32>
    %add3A_36 = vector.broadcast %get3A_35 : vector<1x64xf32> to vector<4096x64xf32>
    %add3A_37 = arith.addf %dot_general3A_32, %add3A_36 : vector<4096x64xf32>
    %swap3A = arith.constant 0 : index
    %swap3A_38 = arith.constant 0 : index
    %swap3A_39 = vector.load %arg7[%swap3A, %swap3A_38] : memref<4096x64xf32, #tpu.memory_space<vmem>>, vector<4096x64xf32>
    tpu.vector_store %arg7[%swap3A, %swap3A_38], %add3A_37 {strides = array<i32>} : memref<4096x64xf32, #tpu.memory_space<vmem>>, vector<4096x64xf32>,
    return
  }
}

module attributes {stable_mosaic.version = 14 : i64} {
  func.func @_update_body(%arg0: memref<2x4096x80xf32, #tpu.memory_space<vmem>>, %arg1: memref<4096x64xf32, #tpu.memory_space<vmem>>, %arg2: memref<4096x64xf32, #tpu.memory_space<vmem>>, %arg3: memref<64x64xf32, #tpu.memory_space<vmem>>, %arg4: memref<1x64xf32, #tpu.memory_space<vmem>>, %arg5: memref<64x128xf32, #tpu.memory_space<vmem>>, %arg6: memref<1x64xf32, #tpu.memory_space<vmem>>, %arg7: memref<4096x64xf32, #tpu.memory_space<vmem>>) attributes {dimension_semantics = [], scalar_prefetch = 0 : i64, scratch_operands = 0 : i64, tpu.core_type = #tpu.core_type<tc>} {
    %get3A = arith.constant 0 : index
    %get3A_0 = arith.constant 0 : index
    %get3A_1 = arith.constant 0 : index
    %get3A_2 = vector.load %arg0[%get3A, %get3A_0, %get3A_1] : memref<2x4096x80xf32, #tpu.memory_space<vmem>>, vector<1x4096x80xf32>
    %get3A_3 = vector.shape_cast %get3A_2 : vector<1x4096x80xf32> to vector<4096x80xf32>
    %get3A_4 = arith.constant 1 : index
    %get3A_5 = arith.constant 0 : index
    %get3A_6 = arith.constant 0 : index
    %get3A_7 = vector.load %arg0[%get3A_4, %get3A_5, %get3A_6] : memref<2x4096x80xf32, #tpu.memory_space<vmem>>, vector<1x4096x80xf32>
    %get3A_8 = vector.shape_cast %get3A_7 : vector<1x4096x80xf32> to vector<4096x80xf32>
    %add3A = arith.addf %get3A_3, %get3A_8 : vector<4096x80xf32>
    %slice3A = vector.extract_strided_slice %add3A {offsets = [0, 64], sizes = [4096, 1], strides = [1, 1]} : vector<4096x80xf32> to vector<4096x1xf32>
    %jit3A = arith.constant 1.000000e+00 : f32
    %max3A = vector.broadcast %jit3A : f32 to vector<4096x1xf32>
    %max3A_9 = arith.maximumf %max3A, %slice3A : vector<4096x1xf32>
    %slice3A_10 = vector.extract_strided_slice %add3A {offsets = [0, 0], sizes = [4096, 64], strides = [1, 1]} : vector<4096x80xf32> to vector<4096x64xf32>
    %div3A = vector.broadcast %max3A_9 : vector<4096x1xf32> to vector<4096x64xf32>
    %div3A_11 = arith.divf %slice3A_10, %div3A : vector<4096x64xf32>
    %get3A_12 = arith.constant 0 : index
    %get3A_13 = arith.constant 0 : index
    %get3A_14 = vector.load %arg1[%get3A_12, %get3A_13] : memref<4096x64xf32, #tpu.memory_space<vmem>>, vector<4096x64xf32>
    %get3A_15 = arith.constant 0 : index
    %get3A_16 = arith.constant 0 : index
    %get3A_17 = vector.load %arg3[%get3A_15, %get3A_16] : memref<64x64xf32, #tpu.memory_space<vmem>>, vector<64x64xf32>
    %dot_general3A = arith.constant dense<0.000000e+00> : vector<4096x64xf32>
    %dot_general3A_18 = tpu.matmul %get3A_14, %get3A_17, %dot_general3A {dimension_numbers = #tpu.dot_dimension_numbers<[1], [0], [0], [1], [0, 0, 1, 1], [], []>, transpose_lhs_hint = false} : vector<4096x64xf32>, vector<64x64xf32>, vector<4096x64xf32> -> vector<4096x64xf32>
    %add3A_19 = arith.addf %div3A_11, %dot_general3A_18 : vector<4096x64xf32>
    %get3A_20 = arith.constant 0 : index
    %get3A_21 = arith.constant 0 : index
    %get3A_22 = vector.load %arg4[%get3A_20, %get3A_21] : memref<1x64xf32, #tpu.memory_space<vmem>>, vector<1x64xf32>
    %add3A_23 = vector.broadcast %get3A_22 : vector<1x64xf32> to vector<4096x64xf32>
    %add3A_24 = arith.addf %add3A_19, %add3A_23 : vector<4096x64xf32>
    %max3A_25 = arith.constant 0.000000e+00 : f32
    %max3A_26 = vector.broadcast %max3A_25 : f32 to vector<4096x64xf32>
    %max3A_27 = arith.maximumf %add3A_24, %max3A_26 : vector<4096x64xf32>
    %concatenate3A = tpu.concatenate %max3A_27, %get3A_14 in 1 : vector<4096x64xf32>, vector<4096x64xf32> -> vector<4096x128xf32>
    %get3A_28 = arith.constant 0 : index
    %get3A_29 = arith.constant 0 : index
    %get3A_30 = vector.load %arg5[%get3A_28, %get3A_29] : memref<64x128xf32, #tpu.memory_space<vmem>>, vector<64x128xf32>
    %transpose3A = tpu.transpose %get3A_30, [1, 0] : vector<64x128xf32> -> vector<128x64xf32>
    %dot_general3A_31 = arith.constant dense<0.000000e+00> : vector<4096x64xf32>
    %dot_general3A_32 = tpu.matmul %concatenate3A, %transpose3A, %dot_general3A_31 {dimension_numbers = #tpu.dot_dimension_numbers<[1], [0], [0], [1], [0, 0, 1, 1], [], []>, transpose_lhs_hint = false} : vector<4096x128xf32>, vector<128x64xf32>, vector<4096x64xf32> -> vector<4096x64xf32>
    %get3A_33 = arith.constant 0 : index
    %get3A_34 = arith.constant 0 : index
    %get3A_35 = vector.load %arg6[%get3A_33, %get3A_34] : memref<1x64xf32, #tpu.memory_space<vmem>>, vector<1x64xf32>
    %add3A_36 = vector.broadcast %get3A_35 : vector<1x64xf32> to vector<4096x64xf32>
    %add3A_37 = arith.addf %dot_general3A_32, %add3A_36 : vector<4096x64xf32>
    %get3A_38 = arith.constant 0 : index
    %get3A_39 = arith.constant 0 : index
    %get3A_40 = vector.load %arg2[%get3A_38, %get3A_39] : memref<4096x64xf32, #tpu.memory_space<vmem>>, vector<4096x64xf32>
    %add3A_41 = arith.addf %add3A_37, %get3A_40 : vector<4096x64xf32>
    %mul3A = arith.mulf %add3A_41, %add3A_41 : vector<4096x64xf32>
    %reduce_sum3A = arith.constant dense<0.000000e+00> : vector<4096xf32>
    %reduce_sum3A_42 = vector.multi_reduction <add>, %mul3A, %reduce_sum3A [1] : vector<4096x64xf32> to vector<4096xf32>
    %broadcast_in_dim3A = vector.shape_cast %reduce_sum3A_42 : vector<4096xf32> to vector<4096x1xf32>
    %sqrt3A = math.sqrt %broadcast_in_dim3A : vector<4096x1xf32>
    %jit3A_43 = arith.constant 9.99999996E-13 : f32
    %max3A_44 = vector.broadcast %jit3A_43 : f32 to vector<4096x1xf32>
    %max3A_45 = arith.maximumf %max3A_44, %sqrt3A : vector<4096x1xf32>
    %div3A_46 = vector.broadcast %max3A_45 : vector<4096x1xf32> to vector<4096x64xf32>
    %div3A_47 = arith.divf %add3A_41, %div3A_46 : vector<4096x64xf32>
    %swap3A = arith.constant 0 : index
    %swap3A_48 = arith.constant 0 : index
    %swap3A_49 = vector.load %arg7[%swap3A, %swap3A_48] : memref<4096x64xf32, #tpu.memory_space<vmem>>, vector<4096x64xf32>
    tpu.vector_store %arg7[%swap3A, %swap3A_48], %div3A_47 {strides = array<i32>} : memref<4096x64xf32, #tpu.memory_space<vmem>>, vector<4096x64xf32>,
    return
  }
}

module attributes {stable_mosaic.version = 14 : i64} {
  func.func @_inter_body(%arg0: i32, %arg1: i32, %arg2: memref<512x64xf32, #tpu.memory_space<vmem>>, %arg3: memref<512x64xf32, #tpu.memory_space<vmem>>, %arg4: memref<512x8xi32, #tpu.memory_space<vmem>>, %arg5: memref<512x8xi32, #tpu.memory_space<vmem>>, %arg6: memref<512x512xf32, #tpu.memory_space<vmem>>, %arg7: memref<4096x64xf32, #tpu.memory_space<vmem>>, %arg8: memref<4096x64xf32, #tpu.memory_space<vmem>>) attributes {dimension_semantics = [#tpu.dimension_semantics<arbitrary>, #tpu.dimension_semantics<arbitrary>], iteration_bounds = array<i64: 8, 8>, scalar_prefetch = 0 : i64, scratch_operands = 0 : i64, tpu.core_type = #tpu.core_type<tc>, window_params = [{transform_indices = @transform_0, window_bounds = array<i64: 512, 64>}, {transform_indices = @transform_1, window_bounds = array<i64: 512, 64>}, {transform_indices = @transform_2, window_bounds = array<i64: 512, 8>}, {transform_indices = @transform_3, window_bounds = array<i64: 512, 8>}, {transform_indices = @transform_4, window_bounds = array<i64: 512, 512>}, {pipeline_mode = #tpu.pipeline_mode<synchronous>, transform_indices = @transform_5, window_bounds = array<i64: 4096, 64>}, {pipeline_mode = #tpu.pipeline_mode<synchronous>, transform_indices = @transform_6, window_bounds = array<i64: 4096, 64>}]} {
    %eq3A = arith.constant 0 : i32
    %eq3A_0 = arith.cmpi eq, %arg0, %eq3A : i32
    %eq3A_1 = arith.constant 0 : i32
    %eq3A_2 = arith.cmpi eq, %arg1, %eq3A_1 : i32
    %and3A = arith.andi %eq3A_0, %eq3A_2 : i1
    %convert_element_type3A = arith.extui %and3A : i1 to i32
    %cond3A = arith.constant 0 : i32
    %cond3A_3 = arith.cmpi ne, %convert_element_type3A, %cond3A : i32
    scf.if %cond3A_3 {
      %broadcast_in_dim3A = arith.constant 0.000000e+00 : f32
      %broadcast_in_dim3A_28 = vector.broadcast %broadcast_in_dim3A : f32 to vector<4096x64xf32>
      %swap3A = arith.constant 0 : index
      %swap3A_29 = arith.constant 0 : index
      %swap3A_30 = vector.load %arg7[%swap3A, %swap3A_29] : memref<4096x64xf32, #tpu.memory_space<vmem>>, vector<4096x64xf32>
      tpu.vector_store %arg7[%swap3A, %swap3A_29], %broadcast_in_dim3A_28 {strides = array<i32>} : memref<4096x64xf32, #tpu.memory_space<vmem>>, vector<4096x64xf32>,
      %broadcast_in_dim3A_31 = arith.constant 0.000000e+00 : f32
      %broadcast_in_dim3A_32 = vector.broadcast %broadcast_in_dim3A_31 : f32 to vector<4096x64xf32>
      %swap3A_33 = arith.constant 0 : index
      %swap3A_34 = arith.constant 0 : index
      %swap3A_35 = vector.load %arg8[%swap3A_33, %swap3A_34] : memref<4096x64xf32, #tpu.memory_space<vmem>>, vector<4096x64xf32>
      tpu.vector_store %arg8[%swap3A_33, %swap3A_34], %broadcast_in_dim3A_32 {strides = array<i32>} : memref<4096x64xf32, #tpu.memory_space<vmem>>, vector<4096x64xf32>,
    } else {
    }
    %get3A = arith.constant 0 : index
    %get3A_4 = arith.constant 0 : index
    %get3A_5 = vector.load %arg4[%get3A, %get3A_4] : memref<512x8xi32, #tpu.memory_space<vmem>>, vector<512x8xi32>
    %slice3A = vector.extract_strided_slice %get3A_5 {offsets = [0, 0], sizes = [512, 1], strides = [1, 1]} : vector<512x8xi32> to vector<512x1xi32>
    %squeeze3A = vector.shape_cast %slice3A : vector<512x1xi32> to vector<512xi32>
    %get3A_6 = arith.constant 0 : index
    %get3A_7 = arith.constant 0 : index
    %get3A_8 = vector.load %arg5[%get3A_6, %get3A_7] : memref<512x8xi32, #tpu.memory_space<vmem>>, vector<512x8xi32>
    %slice3A_9 = vector.extract_strided_slice %get3A_8 {offsets = [0, 0], sizes = [512, 1], strides = [1, 1]} : vector<512x8xi32> to vector<512x1xi32>
    %squeeze3A_10 = vector.shape_cast %slice3A_9 : vector<512x1xi32> to vector<512xi32>
    %slice3A_11 = vector.extract_strided_slice %squeeze3A {offsets = [0], sizes = [1], strides = [1]} : vector<512xi32> to vector<1xi32>
    %squeeze3A_12 = vector.extract %slice3A_11[0] : i32 from vector<1xi32>
    %slice3A_13 = vector.extract_strided_slice %squeeze3A_10 {offsets = [511], sizes = [1], strides = [1]} : vector<512xi32> to vector<1xi32>
    %squeeze3A_14 = vector.extract %slice3A_13[0] : i32 from vector<1xi32>
    %le3A = arith.cmpi sle, %squeeze3A_12, %squeeze3A_14 : i32
    %slice3A_15 = vector.extract_strided_slice %squeeze3A_10 {offsets = [0], sizes = [1], strides = [1]} : vector<512xi32> to vector<1xi32>
    %squeeze3A_16 = vector.extract %slice3A_15[0] : i32 from vector<1xi32>
    %slice3A_17 = vector.extract_strided_slice %squeeze3A {offsets = [511], sizes = [1], strides = [1]} : vector<512xi32> to vector<1xi32>
    %squeeze3A_18 = vector.extract %slice3A_17[0] : i32 from vector<1xi32>
    %le3A_19 = arith.cmpi sle, %squeeze3A_16, %squeeze3A_18 : i32
    %and3A_20 = arith.andi %le3A, %le3A_19 : i1
    %convert_element_type3A_21 = arith.extui %and3A_20 : i1 to i32
    %cond3A_22 = arith.constant 0 : i32
    %cond3A_23 = arith.cmpi ne, %convert_element_type3A_21, %cond3A_22 : i32
    scf.if %cond3A_23 {
      %get3A_28 = arith.constant 0 : index
      %get3A_29 = arith.constant 0 : index
      %get3A_30 = vector.load %arg2[%get3A_28, %get3A_29] : memref<512x64xf32, #tpu.memory_space<vmem>>, vector<512x64xf32>
      %get3A_31 = arith.constant 0 : index
      %get3A_32 = arith.constant 0 : index
      %get3A_33 = vector.load %arg3[%get3A_31, %get3A_32] : memref<512x64xf32, #tpu.memory_space<vmem>>, vector<512x64xf32>
      %dot_general3A = arith.constant dense<0.000000e+00> : vector<512x512xf32>
      %dot_general3A_34 = tpu.matmul %get3A_30, %get3A_33, %dot_general3A {dimension_numbers = #tpu.dot_dimension_numbers<[1], [1], [0], [0], [0, 0, 1, 0], [], []>, transpose_lhs_hint = false} : vector<512x64xf32>, vector<512x64xf32>, vector<512x512xf32> -> vector<512x512xf32>
      %broadcast_in_dim3A = vector.shape_cast %squeeze3A : vector<512xi32> to vector<512x1xi32>
      %broadcast_in_dim3A_35 = vector.shape_cast %squeeze3A_10 : vector<512xi32> to vector<1x512xi32>
      %eq3A_36 = vector.broadcast %broadcast_in_dim3A : vector<512x1xi32> to vector<512x512xi32>
      %eq3A_37 = vector.broadcast %broadcast_in_dim3A_35 : vector<1x512xi32> to vector<512x512xi32>
      %eq3A_38 = arith.cmpi eq, %eq3A_36, %eq3A_37 : vector<512x512xi32>
      %convert_element_type3A_39 = arith.extui %eq3A_38 : vector<512x512xi1> to vector<512x512xi32>
      %convert_element_type3A_40 = arith.sitofp %convert_element_type3A_39 : vector<512x512xi32> to vector<512x512xf32>
      %mul3A = arith.mulf %dot_general3A_34, %convert_element_type3A_40 : vector<512x512xf32>
      %swap3A = arith.constant 0 : index
      %swap3A_41 = arith.constant 0 : index
      %swap3A_42 = vector.load %arg6[%swap3A, %swap3A_41] : memref<512x512xf32, #tpu.memory_space<vmem>>, vector<512x512xf32>
      tpu.vector_store %arg6[%swap3A, %swap3A_41], %mul3A {strides = array<i32>} : memref<512x512xf32, #tpu.memory_space<vmem>>, vector<512x512xf32>,
      %mul3A_43 = arith.constant 512 : i32
      %mul3A_44 = arith.muli %arg0, %mul3A_43 : i32
      %get3A_45 = arith.index_cast %mul3A_44 : i32 to index
      %get3A_46 = arith.constant 0 : index
      %get3A_47 = vector.load %arg7[%get3A_45, %get3A_46] : memref<4096x64xf32, #tpu.memory_space<vmem>>, vector<512x64xf32>
      %dot_general3A_48 = arith.constant dense<0.000000e+00> : vector<512x64xf32>
      %dot_general3A_49 = tpu.matmul %mul3A, %get3A_33, %dot_general3A_48 {dimension_numbers = #tpu.dot_dimension_numbers<[1], [0], [0], [1], [0, 0, 1, 1], [], []>, transpose_lhs_hint = false} : vector<512x512xf32>, vector<512x64xf32>, vector<512x64xf32> -> vector<512x64xf32>
      %add3A = arith.addf %get3A_47, %dot_general3A_49 : vector<512x64xf32>
      %swap3A_50 = arith.index_cast %mul3A_44 : i32 to index
      %swap3A_51 = arith.constant 0 : index
      %swap3A_52 = vector.load %arg7[%swap3A_50, %swap3A_51] : memref<4096x64xf32, #tpu.memory_space<vmem>>, vector<512x64xf32>
      tpu.vector_store %arg7[%swap3A_50, %swap3A_51], %add3A {strides = array<i32>} : memref<4096x64xf32, #tpu.memory_space<vmem>>, vector<512x64xf32>,
      %mul3A_53 = arith.constant 512 : i32
      %mul3A_54 = arith.muli %arg1, %mul3A_53 : i32
      %get3A_55 = arith.index_cast %mul3A_54 : i32 to index
      %get3A_56 = arith.constant 0 : index
      %get3A_57 = vector.load %arg8[%get3A_55, %get3A_56] : memref<4096x64xf32, #tpu.memory_space<vmem>>, vector<512x64xf32>
      %dot_general3A_58 = arith.constant dense<0.000000e+00> : vector<512x64xf32>
      %dot_general3A_59 = tpu.matmul %mul3A, %get3A_30, %dot_general3A_58 {dimension_numbers = #tpu.dot_dimension_numbers<[0], [0], [1], [1], [0, 1, 1, 1], [], []>, transpose_lhs_hint = false} : vector<512x512xf32>, vector<512x64xf32>, vector<512x64xf32> -> vector<512x64xf32>
      %add3A_60 = arith.addf %get3A_57, %dot_general3A_59 : vector<512x64xf32>
      %swap3A_61 = arith.index_cast %mul3A_54 : i32 to index
      %swap3A_62 = arith.constant 0 : index
      %swap3A_63 = vector.load %arg8[%swap3A_61, %swap3A_62] : memref<4096x64xf32, #tpu.memory_space<vmem>>, vector<512x64xf32>
      tpu.vector_store %arg8[%swap3A_61, %swap3A_62], %add3A_60 {strides = array<i32>} : memref<4096x64xf32, #tpu.memory_space<vmem>>, vector<512x64xf32>,
    } else {
    }
    %not3A = arith.constant true
    %not3A_24 = arith.xori %and3A_20, %not3A : i1
    %convert_element_type3A_25 = arith.extui %not3A_24 : i1 to i32
    %cond3A_26 = arith.constant 0 : i32
    %cond3A_27 = arith.cmpi ne, %convert_element_type3A_25, %cond3A_26 : i32
    scf.if %cond3A_27 {
      %broadcast_in_dim3A = arith.constant 0.000000e+00 : f32
      %broadcast_in_dim3A_28 = vector.broadcast %broadcast_in_dim3A : f32 to vector<512x512xf32>
      %swap3A = arith.constant 0 : index
      %swap3A_29 = arith.constant 0 : index
      %swap3A_30 = vector.load %arg6[%swap3A, %swap3A_29] : memref<512x512xf32, #tpu.memory_space<vmem>>, vector<512x512xf32>
      tpu.vector_store %arg6[%swap3A, %swap3A_29], %broadcast_in_dim3A_28 {strides = array<i32>} : memref<512x512xf32, #tpu.memory_space<vmem>>, vector<512x512xf32>,
    } else {
    }
    return
  }
  func.func @transform_0(%arg0: i32, %arg1: i32) -> (i32, i32) {
    %c0_i32 = arith.constant 0 : i32
    %c0_i32_0 = arith.constant 0 : i32
    return %arg0, %c0_i32 : i32, i32
  }
  func.func @transform_1(%arg0: i32, %arg1: i32) -> (i32, i32) {
    %c0_i32 = arith.constant 0 : i32
    %c0_i32_0 = arith.constant 0 : i32
    return %arg1, %c0_i32 : i32, i32
  }
  func.func @transform_2(%arg0: i32, %arg1: i32) -> (i32, i32) {
    %c0_i32 = arith.constant 0 : i32
    %c0_i32_0 = arith.constant 0 : i32
    return %arg0, %c0_i32 : i32, i32
  }
  func.func @transform_3(%arg0: i32, %arg1: i32) -> (i32, i32) {
    %c0_i32 = arith.constant 0 : i32
    %c0_i32_0 = arith.constant 0 : i32
    return %arg1, %c0_i32 : i32, i32
  }
  func.func @transform_4(%arg0: i32, %arg1: i32) -> (i32, i32) {
    %c0_i32 = arith.constant 0 : i32
    return %arg0, %arg1 : i32, i32
  }
  func.func @transform_5(%arg0: i32, %arg1: i32) -> (i32, i32) {
    %c0_i32 = arith.constant 0 : i32
    %c0_i32_0 = arith.constant 0 : i32
    %c0_i32_1 = arith.constant 0 : i32
    return %c0_i32, %c0_i32_0 : i32, i32
  }
  func.func @transform_6(%arg0: i32, %arg1: i32) -> (i32, i32) {
    %c0_i32 = arith.constant 0 : i32
    %c0_i32_0 = arith.constant 0 : i32
    %c0_i32_1 = arith.constant 0 : i32
    return %c0_i32, %c0_i32_0 : i32, i32
  }
}

module attributes {stable_mosaic.version = 14 : i64} {
  func.func @_head_body(%arg0: memref<4096x128xf32, #tpu.memory_space<vmem>>, %arg1: memref<4096x128xf32, #tpu.memory_space<vmem>>, %arg2: memref<4096x8xi32, #tpu.memory_space<vmem>>, %arg3: memref<4096x8xi32, #tpu.memory_space<vmem>>, %arg4: memref<512x256xf32, #tpu.memory_space<vmem>>, %arg5: memref<512x128xf32, #tpu.memory_space<vmem>>, %arg6: memref<1x512xf32, #tpu.memory_space<vmem>>, %arg7: memref<1x512xf32, #tpu.memory_space<vmem>>, %arg8: memref<512x256xf32, #tpu.memory_space<vmem>>, %arg9: memref<512x128xf32, #tpu.memory_space<vmem>>, %arg10: memref<1x512xf32, #tpu.memory_space<vmem>>, %arg11: memref<1x512xf32, #tpu.memory_space<vmem>>, %arg12: memref<256x512xf32, #tpu.memory_space<vmem>>, %arg13: memref<1x256xf32, #tpu.memory_space<vmem>>, %arg14: memref<128x256xf32, #tpu.memory_space<vmem>>, %arg15: memref<1x128xf32, #tpu.memory_space<vmem>>, %arg16: memref<128x128xf32, #tpu.memory_space<vmem>>, %arg17: memref<128x128xf32, #tpu.memory_space<vmem>>) attributes {dimension_semantics = [], scalar_prefetch = 0 : i64, scratch_operands = 0 : i64, tpu.core_type = #tpu.core_type<tc>} {
    %iota3A = tpu.iota {dimensions = array<i32: 0>} : vector<128x4096xi32>
    %get3A = arith.constant 0 : index
    %get3A_0 = arith.constant 0 : index
    %get3A_1 = vector.load %arg2[%get3A, %get3A_0] : memref<4096x8xi32, #tpu.memory_space<vmem>>, vector<4096x8xi32>
    %slice3A = vector.extract_strided_slice %get3A_1 {offsets = [0, 0], sizes = [4096, 1], strides = [1, 1]} : vector<4096x8xi32> to vector<4096x1xi32>
    %squeeze3A = vector.shape_cast %slice3A : vector<4096x1xi32> to vector<4096xi32>
    %broadcast_in_dim3A = vector.shape_cast %squeeze3A : vector<4096xi32> to vector<1x4096xi32>
    %eq3A = vector.broadcast %broadcast_in_dim3A : vector<1x4096xi32> to vector<128x4096xi32>
    %eq3A_2 = arith.cmpi eq, %iota3A, %eq3A : vector<128x4096xi32>
    %convert_element_type3A = arith.extui %eq3A_2 : vector<128x4096xi1> to vector<128x4096xi32>
    %convert_element_type3A_3 = arith.sitofp %convert_element_type3A : vector<128x4096xi32> to vector<128x4096xf32>
    %get3A_4 = arith.constant 0 : index
    %get3A_5 = arith.constant 0 : index
    %get3A_6 = vector.load %arg0[%get3A_4, %get3A_5] : memref<4096x128xf32, #tpu.memory_space<vmem>>, vector<4096x128xf32>
    %broadcast_in_dim3A_7 = arith.constant 0.000000e+00 : f32
    %broadcast_in_dim3A_8 = vector.broadcast %broadcast_in_dim3A_7 : f32 to vector<128x256xf32>
    %broadcast_in_dim3A_9 = arith.constant 0.000000e+00 : f32
    %broadcast_in_dim3A_10 = vector.broadcast %broadcast_in_dim3A_9 : f32 to vector<128x128xf32>
    %broadcast_in_dim3A_11 = arith.constant 0.000000e+00 : f32
    %broadcast_in_dim3A_12 = vector.broadcast %broadcast_in_dim3A_11 : f32 to vector<128x128xf32>
    %get3A_13 = arith.constant 0 : index
    %get3A_14 = arith.constant 0 : index
    %get3A_15 = vector.load %arg4[%get3A_13, %get3A_14] : memref<512x256xf32, #tpu.memory_space<vmem>>, vector<512x256xf32>
    %transpose3A = tpu.transpose %get3A_15, [1, 0] : vector<512x256xf32> -> vector<256x512xf32>
    %dot_general3A = arith.constant dense<0.000000e+00> : vector<128x512xf32>
    %dot_general3A_16 = tpu.matmul %broadcast_in_dim3A_8, %transpose3A, %dot_general3A {dimension_numbers = #tpu.dot_dimension_numbers<[1], [0], [0], [1], [0, 0, 1, 1], [], []>, transpose_lhs_hint = false} : vector<128x256xf32>, vector<256x512xf32>, vector<128x512xf32> -> vector<128x512xf32>
    %get3A_17 = arith.constant 0 : index
    %get3A_18 = arith.constant 0 : index
    %get3A_19 = vector.load %arg6[%get3A_17, %get3A_18] : memref<1x512xf32, #tpu.memory_space<vmem>>, vector<1x512xf32>
    %add3A = vector.broadcast %get3A_19 : vector<1x512xf32> to vector<128x512xf32>
    %add3A_20 = arith.addf %dot_general3A_16, %add3A : vector<128x512xf32>
    %get3A_21 = arith.constant 0 : index
    %get3A_22 = arith.constant 0 : index
    %get3A_23 = vector.load %arg5[%get3A_21, %get3A_22] : memref<512x128xf32, #tpu.memory_space<vmem>>, vector<512x128xf32>
    %transpose3A_24 = tpu.transpose %get3A_23, [1, 0] : vector<512x128xf32> -> vector<128x512xf32>
    %dot_general3A_25 = arith.constant dense<0.000000e+00> : vector<128x512xf32>
    %dot_general3A_26 = tpu.matmul %broadcast_in_dim3A_10, %transpose3A_24, %dot_general3A_25 {dimension_numbers = #tpu.dot_dimension_numbers<[1], [0], [0], [1], [0, 0, 1, 1], [], []>, transpose_lhs_hint = false} : vector<128x128xf32>, vector<128x512xf32>, vector<128x512xf32> -> vector<128x512xf32>
    %add3A_27 = arith.addf %add3A_20, %dot_general3A_26 : vector<128x512xf32>
    %get3A_28 = arith.constant 0 : index
    %get3A_29 = arith.constant 0 : index
    %get3A_30 = vector.load %arg7[%get3A_28, %get3A_29] : memref<1x512xf32, #tpu.memory_space<vmem>>, vector<1x512xf32>
    %add3A_31 = vector.broadcast %get3A_30 : vector<1x512xf32> to vector<128x512xf32>
    %add3A_32 = arith.addf %add3A_27, %add3A_31 : vector<128x512xf32>
    %slice3A_33 = vector.extract_strided_slice %add3A_32 {offsets = [0, 0], sizes = [128, 128], strides = [1, 1]} : vector<128x512xf32> to vector<128x128xf32>
    %slice3A_34 = vector.extract_strided_slice %add3A_32 {offsets = [0, 128], sizes = [128, 128], strides = [1, 1]} : vector<128x512xf32> to vector<128x128xf32>
    %slice3A_35 = vector.extract_strided_slice %add3A_32 {offsets = [0, 256], sizes = [128, 128], strides = [1, 1]} : vector<128x512xf32> to vector<128x128xf32>
    %slice3A_36 = vector.extract_strided_slice %add3A_32 {offsets = [0, 384], sizes = [128, 128], strides = [1, 1]} : vector<128x512xf32> to vector<128x128xf32>
    %logistic3A = arith.negf %slice3A_34 : vector<128x128xf32>
    %logistic3A_37 = math.exp %logistic3A : vector<128x128xf32>
    %logistic3A_38 = arith.constant 1.000000e+00 : f32
    %logistic3A_39 = vector.broadcast %logistic3A_38 : f32 to vector<128x128xf32>
    %logistic3A_40 = arith.addf %logistic3A_39, %logistic3A_37 : vector<128x128xf32>
    %logistic3A_41 = arith.divf %logistic3A_39, %logistic3A_40 : vector<128x128xf32>
    %mul3A = arith.mulf %logistic3A_41, %broadcast_in_dim3A_12 : vector<128x128xf32>
    %logistic3A_42 = arith.negf %slice3A_33 : vector<128x128xf32>
    %logistic3A_43 = math.exp %logistic3A_42 : vector<128x128xf32>
    %logistic3A_44 = arith.constant 1.000000e+00 : f32
    %logistic3A_45 = vector.broadcast %logistic3A_44 : f32 to vector<128x128xf32>
    %logistic3A_46 = arith.addf %logistic3A_45, %logistic3A_43 : vector<128x128xf32>
    %logistic3A_47 = arith.divf %logistic3A_45, %logistic3A_46 : vector<128x128xf32>
    %tanh3A = math.tanh %slice3A_35 : vector<128x128xf32>
    %mul3A_48 = arith.mulf %logistic3A_47, %tanh3A : vector<128x128xf32>
    %add3A_49 = arith.addf %mul3A, %mul3A_48 : vector<128x128xf32>
    %logistic3A_50 = arith.negf %slice3A_36 : vector<128x128xf32>
    %logistic3A_51 = math.exp %logistic3A_50 : vector<128x128xf32>
    %logistic3A_52 = arith.constant 1.000000e+00 : f32
    %logistic3A_53 = vector.broadcast %logistic3A_52 : f32 to vector<128x128xf32>
    %logistic3A_54 = arith.addf %logistic3A_53, %logistic3A_51 : vector<128x128xf32>
    %logistic3A_55 = arith.divf %logistic3A_53, %logistic3A_54 : vector<128x128xf32>
    %tanh3A_56 = math.tanh %add3A_49 : vector<128x128xf32>
    %mul3A_57 = arith.mulf %logistic3A_55, %tanh3A_56 : vector<128x128xf32>
    %transpose3A_58 = tpu.transpose %convert_element_type3A_3, [1, 0] : vector<128x4096xf32> -> vector<4096x128xf32>
    %dot_general3A_59 = arith.constant dense<0.000000e+00> : vector<4096x128xf32>
    %dot_general3A_60 = tpu.matmul %transpose3A_58, %mul3A_57, %dot_general3A_59 {dimension_numbers = #tpu.dot_dimension_numbers<[1], [0], [0], [1], [0, 0, 1, 1], [], []>, transpose_lhs_hint = false} : vector<4096x128xf32>, vector<128x128xf32>, vector<4096x128xf32> -> vector<4096x128xf32>
    %mul3A_61 = arith.mulf %get3A_6, %dot_general3A_60 : vector<4096x128xf32>
    %reduce_sum3A = arith.constant dense<0.000000e+00> : vector<4096xf32>
    %reduce_sum3A_62 = vector.multi_reduction <add>, %mul3A_61, %reduce_sum3A [1] : vector<4096x128xf32> to vector<4096xf32>
    %gt3A = arith.constant 0.000000e+00 : f32
    %gt3A_63 = vector.broadcast %gt3A : f32 to vector<128x4096xf32>
    %gt3A_64 = arith.cmpf ogt, %convert_element_type3A_3, %gt3A_63 : vector<128x4096xf32>
    %broadcast_in_dim3A_65 = vector.shape_cast %reduce_sum3A_62 : vector<4096xf32> to vector<1x4096xf32>
    %jit3A = arith.constant -1.000000e+30 : f32
    %broadcast_in_dim3A_66 = vector.shape_cast %broadcast_in_dim3A_65 : vector<1x4096xf32> to vector<1x4096xf32>
    %broadcast_in_dim3A_67 = vector.broadcast %broadcast_in_dim3A_66 : vector<1x4096xf32> to vector<128x4096xf32>
    %broadcast_in_dim3A_68 = vector.broadcast %jit3A : f32 to vector<128x4096xf32>
    %select_n3A = arith.select %gt3A_64, %broadcast_in_dim3A_67, %broadcast_in_dim3A_68 : vector<128x4096xi1>, vector<128x4096xf32>
    %reduce_max3A = arith.constant dense<0xFF800000> : vector<128xf32>
    %reduce_max3A_69 = vector.multi_reduction <maximumf>, %select_n3A, %reduce_max3A [1] : vector<128x4096xf32> to vector<128xf32>
    %broadcast_in_dim3A_70 = vector.shape_cast %reduce_max3A_69 : vector<128xf32> to vector<128x1xf32>
    %mul3A_71 = vector.broadcast %broadcast_in_dim3A_70 : vector<128x1xf32> to vector<128x4096xf32>
    %mul3A_72 = arith.mulf %convert_element_type3A_3, %mul3A_71 : vector<128x4096xf32>
    %reduce_sum3A_73 = arith.constant dense<0.000000e+00> : vector<4096xf32>
    %reduce_sum3A_74 = vector.multi_reduction <add>, %mul3A_72, %reduce_sum3A_73 [0] : vector<128x4096xf32> to vector<4096xf32>
    %sub3A = arith.subf %reduce_sum3A_62, %reduce_sum3A_74 : vector<4096xf32>
    %exp3A = math.exp %sub3A : vector<4096xf32>
    %broadcast_in_dim3A_75 = vector.shape_cast %exp3A : vector<4096xf32> to vector<1x4096xf32>
    %mul3A_76 = vector.broadcast %broadcast_in_dim3A_75 : vector<1x4096xf32> to vector<128x4096xf32>
    %mul3A_77 = arith.mulf %convert_element_type3A_3, %mul3A_76 : vector<128x4096xf32>
    %reduce_sum3A_78 = arith.constant dense<0.000000e+00> : vector<128xf32>
    %reduce_sum3A_79 = vector.multi_reduction <add>, %mul3A_77, %reduce_sum3A_78 [1] : vector<128x4096xf32> to vector<128xf32>
    %broadcast_in_dim3A_80 = vector.shape_cast %reduce_sum3A_79 : vector<128xf32> to vector<128x1xf32>
    %mul3A_81 = vector.broadcast %broadcast_in_dim3A_80 : vector<128x1xf32> to vector<128x4096xf32>
    %mul3A_82 = arith.mulf %convert_element_type3A_3, %mul3A_81 : vector<128x4096xf32>
    %reduce_sum3A_83 = arith.constant dense<0.000000e+00> : vector<4096xf32>
    %reduce_sum3A_84 = vector.multi_reduction <add>, %mul3A_82, %reduce_sum3A_83 [0] : vector<128x4096xf32> to vector<4096xf32>
    %add3A_85 = arith.constant 1.000000e-16 : f32
    %add3A_86 = vector.broadcast %add3A_85 : f32 to vector<4096xf32>
    %add3A_87 = arith.addf %reduce_sum3A_84, %add3A_86 : vector<4096xf32>
    %div3A = arith.divf %exp3A, %add3A_87 : vector<4096xf32>
    %broadcast_in_dim3A_88 = vector.shape_cast %div3A : vector<4096xf32> to vector<4096x1xf32>
    %mul3A_89 = vector.broadcast %broadcast_in_dim3A_88 : vector<4096x1xf32> to vector<4096x128xf32>
    %mul3A_90 = arith.mulf %mul3A_89, %get3A_6 : vector<4096x128xf32>
    %dot_general3A_91 = arith.constant dense<0.000000e+00> : vector<128x128xf32>
    %dot_general3A_92 = tpu.matmul %convert_element_type3A_3, %mul3A_90, %dot_general3A_91 {dimension_numbers = #tpu.dot_dimension_numbers<[1], [0], [0], [1], [0, 0, 1, 1], [], []>, transpose_lhs_hint = false} : vector<128x4096xf32>, vector<4096x128xf32>, vector<128x128xf32> -> vector<128x128xf32>
    %concatenate3A = tpu.concatenate %mul3A_57, %dot_general3A_92 in 1 : vector<128x128xf32>, vector<128x128xf32> -> vector<128x256xf32>
    %get3A_93 = arith.constant 0 : index
    %get3A_94 = arith.constant 0 : index
    %get3A_95 = vector.load %arg4[%get3A_93, %get3A_94] : memref<512x256xf32, #tpu.memory_space<vmem>>, vector<512x256xf32>
    %transpose3A_96 = tpu.transpose %get3A_95, [1, 0] : vector<512x256xf32> -> vector<256x512xf32>
    %dot_general3A_97 = arith.constant dense<0.000000e+00> : vector<128x512xf32>
    %dot_general3A_98 = tpu.matmul %concatenate3A, %transpose3A_96, %dot_general3A_97 {dimension_numbers = #tpu.dot_dimension_numbers<[1], [0], [0], [1], [0, 0, 1, 1], [], []>, transpose_lhs_hint = false} : vector<128x256xf32>, vector<256x512xf32>, vector<128x512xf32> -> vector<128x512xf32>
    %get3A_99 = arith.constant 0 : index
    %get3A_100 = arith.constant 0 : index
    %get3A_101 = vector.load %arg6[%get3A_99, %get3A_100] : memref<1x512xf32, #tpu.memory_space<vmem>>, vector<1x512xf32>
    %add3A_102 = vector.broadcast %get3A_101 : vector<1x512xf32> to vector<128x512xf32>
    %add3A_103 = arith.addf %dot_general3A_98, %add3A_102 : vector<128x512xf32>
    %get3A_104 = arith.constant 0 : index
    %get3A_105 = arith.constant 0 : index
    %get3A_106 = vector.load %arg5[%get3A_104, %get3A_105] : memref<512x128xf32, #tpu.memory_space<vmem>>, vector<512x128xf32>
    %transpose3A_107 = tpu.transpose %get3A_106, [1, 0] : vector<512x128xf32> -> vector<128x512xf32>
    %dot_general3A_108 = arith.constant dense<0.000000e+00> : vector<128x512xf32>
    %dot_general3A_109 = tpu.matmul %mul3A_57, %transpose3A_107, %dot_general3A_108 {dimension_numbers = #tpu.dot_dimension_numbers<[1], [0], [0], [1], [0, 0, 1, 1], [], []>, transpose_lhs_hint = false} : vector<128x128xf32>, vector<128x512xf32>, vector<128x512xf32> -> vector<128x512xf32>
    %add3A_110 = arith.addf %add3A_103, %dot_general3A_109 : vector<128x512xf32>
    %get3A_111 = arith.constant 0 : index
    %get3A_112 = arith.constant 0 : index
    %get3A_113 = vector.load %arg7[%get3A_111, %get3A_112] : memref<1x512xf32, #tpu.memory_space<vmem>>, vector<1x512xf32>
    %add3A_114 = vector.broadcast %get3A_113 : vector<1x512xf32> to vector<128x512xf32>
    %add3A_115 = arith.addf %add3A_110, %add3A_114 : vector<128x512xf32>
    %slice3A_116 = vector.extract_strided_slice %add3A_115 {offsets = [0, 0], sizes = [128, 128], strides = [1, 1]} : vector<128x512xf32> to vector<128x128xf32>
    %slice3A_117 = vector.extract_strided_slice %add3A_115 {offsets = [0, 128], sizes = [128, 128], strides = [1, 1]} : vector<128x512xf32> to vector<128x128xf32>
    %slice3A_118 = vector.extract_strided_slice %add3A_115 {offsets = [0, 256], sizes = [128, 128], strides = [1, 1]} : vector<128x512xf32> to vector<128x128xf32>
    %slice3A_119 = vector.extract_strided_slice %add3A_115 {offsets = [0, 384], sizes = [128, 128], strides = [1, 1]} : vector<128x512xf32> to vector<128x128xf32>
    %logistic3A_120 = arith.negf %slice3A_117 : vector<128x128xf32>
    %logistic3A_121 = math.exp %logistic3A_120 : vector<128x128xf32>
    %logistic3A_122 = arith.constant 1.000000e+00 : f32
    %logistic3A_123 = vector.broadcast %logistic3A_122 : f32 to vector<128x128xf32>
    %logistic3A_124 = arith.addf %logistic3A_123, %logistic3A_121 : vector<128x128xf32>
    %logistic3A_125 = arith.divf %logistic3A_123, %logistic3A_124 : vector<128x128xf32>
    %mul3A_126 = arith.mulf %logistic3A_125, %add3A_49 : vector<128x128xf32>
    %logistic3A_127 = arith.negf %slice3A_116 : vector<128x128xf32>
    %logistic3A_128 = math.exp %logistic3A_127 : vector<128x128xf32>
    %logistic3A_129 = arith.constant 1.000000e+00 : f32
    %logistic3A_130 = vector.broadcast %logistic3A_129 : f32 to vector<128x128xf32>
    %logistic3A_131 = arith.addf %logistic3A_130, %logistic3A_128 : vector<128x128xf32>
    %logistic3A_132 = arith.divf %logistic3A_130, %logistic3A_131 : vector<128x128xf32>
    %tanh3A_133 = math.tanh %slice3A_118 : vector<128x128xf32>
    %mul3A_134 = arith.mulf %logistic3A_132, %tanh3A_133 : vector<128x128xf32>
    %add3A_135 = arith.addf %mul3A_126, %mul3A_134 : vector<128x128xf32>
    %logistic3A_136 = arith.negf %slice3A_119 : vector<128x128xf32>
    %logistic3A_137 = math.exp %logistic3A_136 : vector<128x128xf32>
    %logistic3A_138 = arith.constant 1.000000e+00 : f32
    %logistic3A_139 = vector.broadcast %logistic3A_138 : f32 to vector<128x128xf32>
    %logistic3A_140 = arith.addf %logistic3A_139, %logistic3A_137 : vector<128x128xf32>
    %logistic3A_141 = arith.divf %logistic3A_139, %logistic3A_140 : vector<128x128xf32>
    %tanh3A_142 = math.tanh %add3A_135 : vector<128x128xf32>
    %mul3A_143 = arith.mulf %logistic3A_141, %tanh3A_142 : vector<128x128xf32>
    %transpose3A_144 = tpu.transpose %convert_element_type3A_3, [1, 0] : vector<128x4096xf32> -> vector<4096x128xf32>
    %dot_general3A_145 = arith.constant dense<0.000000e+00> : vector<4096x128xf32>
    %dot_general3A_146 = tpu.matmul %transpose3A_144, %mul3A_143, %dot_general3A_145 {dimension_numbers = #tpu.dot_dimension_numbers<[1], [0], [0], [1], [0, 0, 1, 1], [], []>, transpose_lhs_hint = false} : vector<4096x128xf32>, vector<128x128xf32>, vector<4096x128xf32> -> vector<4096x128xf32>
    %mul3A_147 = arith.mulf %get3A_6, %dot_general3A_146 : vector<4096x128xf32>
    %reduce_sum3A_148 = arith.constant dense<0.000000e+00> : vector<4096xf32>
    %reduce_sum3A_149 = vector.multi_reduction <add>, %mul3A_147, %reduce_sum3A_148 [1] : vector<4096x128xf32> to vector<4096xf32>
    %gt3A_150 = arith.constant 0.000000e+00 : f32
    %gt3A_151 = vector.broadcast %gt3A_150 : f32 to vector<128x4096xf32>
    %gt3A_152 = arith.cmpf ogt, %convert_element_type3A_3, %gt3A_151 : vector<128x4096xf32>
    %broadcast_in_dim3A_153 = vector.shape_cast %reduce_sum3A_149 : vector<4096xf32> to vector<1x4096xf32>
    %jit3A_154 = arith.constant -1.000000e+30 : f32
    %broadcast_in_dim3A_155 = vector.shape_cast %broadcast_in_dim3A_153 : vector<1x4096xf32> to vector<1x4096xf32>
    %broadcast_in_dim3A_156 = vector.broadcast %broadcast_in_dim3A_155 : vector<1x4096xf32> to vector<128x4096xf32>
    %broadcast_in_dim3A_157 = vector.broadcast %jit3A_154 : f32 to vector<128x4096xf32>
    %select_n3A_158 = arith.select %gt3A_152, %broadcast_in_dim3A_156, %broadcast_in_dim3A_157 : vector<128x4096xi1>, vector<128x4096xf32>
    %reduce_max3A_159 = arith.constant dense<0xFF800000> : vector<128xf32>
    %reduce_max3A_160 = vector.multi_reduction <maximumf>, %select_n3A_158, %reduce_max3A_159 [1] : vector<128x4096xf32> to vector<128xf32>
    %broadcast_in_dim3A_161 = vector.shape_cast %reduce_max3A_160 : vector<128xf32> to vector<128x1xf32>
    %mul3A_162 = vector.broadcast %broadcast_in_dim3A_161 : vector<128x1xf32> to vector<128x4096xf32>
    %mul3A_163 = arith.mulf %convert_element_type3A_3, %mul3A_162 : vector<128x4096xf32>
    %reduce_sum3A_164 = arith.constant dense<0.000000e+00> : vector<4096xf32>
    %reduce_sum3A_165 = vector.multi_reduction <add>, %mul3A_163, %reduce_sum3A_164 [0] : vector<128x4096xf32> to vector<4096xf32>
    %sub3A_166 = arith.subf %reduce_sum3A_149, %reduce_sum3A_165 : vector<4096xf32>
    %exp3A_167 = math.exp %sub3A_166 : vector<4096xf32>
    %broadcast_in_dim3A_168 = vector.shape_cast %exp3A_167 : vector<4096xf32> to vector<1x4096xf32>
    %mul3A_169 = vector.broadcast %broadcast_in_dim3A_168 : vector<1x4096xf32> to vector<128x4096xf32>
    %mul3A_170 = arith.mulf %convert_element_type3A_3, %mul3A_169 : vector<128x4096xf32>
    %reduce_sum3A_171 = arith.constant dense<0.000000e+00> : vector<128xf32>
    %reduce_sum3A_172 = vector.multi_reduction <add>, %mul3A_170, %reduce_sum3A_171 [1] : vector<128x4096xf32> to vector<128xf32>
    %broadcast_in_dim3A_173 = vector.shape_cast %reduce_sum3A_172 : vector<128xf32> to vector<128x1xf32>
    %mul3A_174 = vector.broadcast %broadcast_in_dim3A_173 : vector<128x1xf32> to vector<128x4096xf32>
    %mul3A_175 = arith.mulf %convert_element_type3A_3, %mul3A_174 : vector<128x4096xf32>
    %reduce_sum3A_176 = arith.constant dense<0.000000e+00> : vector<4096xf32>
    %reduce_sum3A_177 = vector.multi_reduction <add>, %mul3A_175, %reduce_sum3A_176 [0] : vector<128x4096xf32> to vector<4096xf32>
    %add3A_178 = arith.constant 1.000000e-16 : f32
    %add3A_179 = vector.broadcast %add3A_178 : f32 to vector<4096xf32>
    %add3A_180 = arith.addf %reduce_sum3A_177, %add3A_179 : vector<4096xf32>
    %div3A_181 = arith.divf %exp3A_167, %add3A_180 : vector<4096xf32>
    %broadcast_in_dim3A_182 = vector.shape_cast %div3A_181 : vector<4096xf32> to vector<4096x1xf32>
    %mul3A_183 = vector.broadcast %broadcast_in_dim3A_182 : vector<4096x1xf32> to vector<4096x128xf32>
    %mul3A_184 = arith.mulf %mul3A_183, %get3A_6 : vector<4096x128xf32>
    %dot_general3A_185 = arith.constant dense<0.000000e+00> : vector<128x128xf32>
    %dot_general3A_186 = tpu.matmul %convert_element_type3A_3, %mul3A_184, %dot_general3A_185 {dimension_numbers = #tpu.dot_dimension_numbers<[1], [0], [0], [1], [0, 0, 1, 1], [], []>, transpose_lhs_hint = false} : vector<128x4096xf32>, vector<4096x128xf32>, vector<128x128xf32> -> vector<128x128xf32>
    %concatenate3A_187 = tpu.concatenate %mul3A_143, %dot_general3A_186 in 1 : vector<128x128xf32>, vector<128x128xf32> -> vector<128x256xf32>
    %iota3A_188 = tpu.iota {dimensions = array<i32: 0>} : vector<128x4096xi32>
    %get3A_189 = arith.constant 0 : index
    %get3A_190 = arith.constant 0 : index
    %get3A_191 = vector.load %arg3[%get3A_189, %get3A_190] : memref<4096x8xi32, #tpu.memory_space<vmem>>, vector<4096x8xi32>
    %slice3A_192 = vector.extract_strided_slice %get3A_191 {offsets = [0, 0], sizes = [4096, 1], strides = [1, 1]} : vector<4096x8xi32> to vector<4096x1xi32>
    %squeeze3A_193 = vector.shape_cast %slice3A_192 : vector<4096x1xi32> to vector<4096xi32>
    %broadcast_in_dim3A_194 = vector.shape_cast %squeeze3A_193 : vector<4096xi32> to vector<1x4096xi32>
    %eq3A_195 = vector.broadcast %broadcast_in_dim3A_194 : vector<1x4096xi32> to vector<128x4096xi32>
    %eq3A_196 = arith.cmpi eq, %iota3A_188, %eq3A_195 : vector<128x4096xi32>
    %convert_element_type3A_197 = arith.extui %eq3A_196 : vector<128x4096xi1> to vector<128x4096xi32>
    %convert_element_type3A_198 = arith.sitofp %convert_element_type3A_197 : vector<128x4096xi32> to vector<128x4096xf32>
    %get3A_199 = arith.constant 0 : index
    %get3A_200 = arith.constant 0 : index
    %get3A_201 = vector.load %arg1[%get3A_199, %get3A_200] : memref<4096x128xf32, #tpu.memory_space<vmem>>, vector<4096x128xf32>
    %broadcast_in_dim3A_202 = arith.constant 0.000000e+00 : f32
    %broadcast_in_dim3A_203 = vector.broadcast %broadcast_in_dim3A_202 : f32 to vector<128x256xf32>
    %broadcast_in_dim3A_204 = arith.constant 0.000000e+00 : f32
    %broadcast_in_dim3A_205 = vector.broadcast %broadcast_in_dim3A_204 : f32 to vector<128x128xf32>
    %broadcast_in_dim3A_206 = arith.constant 0.000000e+00 : f32
    %broadcast_in_dim3A_207 = vector.broadcast %broadcast_in_dim3A_206 : f32 to vector<128x128xf32>
    %get3A_208 = arith.constant 0 : index
    %get3A_209 = arith.constant 0 : index
    %get3A_210 = vector.load %arg8[%get3A_208, %get3A_209] : memref<512x256xf32, #tpu.memory_space<vmem>>, vector<512x256xf32>
    %transpose3A_211 = tpu.transpose %get3A_210, [1, 0] : vector<512x256xf32> -> vector<256x512xf32>
    %dot_general3A_212 = arith.constant dense<0.000000e+00> : vector<128x512xf32>
    %dot_general3A_213 = tpu.matmul %broadcast_in_dim3A_203, %transpose3A_211, %dot_general3A_212 {dimension_numbers = #tpu.dot_dimension_numbers<[1], [0], [0], [1], [0, 0, 1, 1], [], []>, transpose_lhs_hint = false} : vector<128x256xf32>, vector<256x512xf32>, vector<128x512xf32> -> vector<128x512xf32>
    %get3A_214 = arith.constant 0 : index
    %get3A_215 = arith.constant 0 : index
    %get3A_216 = vector.load %arg10[%get3A_214, %get3A_215] : memref<1x512xf32, #tpu.memory_space<vmem>>, vector<1x512xf32>
    %add3A_217 = vector.broadcast %get3A_216 : vector<1x512xf32> to vector<128x512xf32>
    %add3A_218 = arith.addf %dot_general3A_213, %add3A_217 : vector<128x512xf32>
    %get3A_219 = arith.constant 0 : index
    %get3A_220 = arith.constant 0 : index
    %get3A_221 = vector.load %arg9[%get3A_219, %get3A_220] : memref<512x128xf32, #tpu.memory_space<vmem>>, vector<512x128xf32>
    %transpose3A_222 = tpu.transpose %get3A_221, [1, 0] : vector<512x128xf32> -> vector<128x512xf32>
    %dot_general3A_223 = arith.constant dense<0.000000e+00> : vector<128x512xf32>
    %dot_general3A_224 = tpu.matmul %broadcast_in_dim3A_205, %transpose3A_222, %dot_general3A_223 {dimension_numbers = #tpu.dot_dimension_numbers<[1], [0], [0], [1], [0, 0, 1, 1], [], []>, transpose_lhs_hint = false} : vector<128x128xf32>, vector<128x512xf32>, vector<128x512xf32> -> vector<128x512xf32>
    %add3A_225 = arith.addf %add3A_218, %dot_general3A_224 : vector<128x512xf32>
    %get3A_226 = arith.constant 0 : index
    %get3A_227 = arith.constant 0 : index
    %get3A_228 = vector.load %arg11[%get3A_226, %get3A_227] : memref<1x512xf32, #tpu.memory_space<vmem>>, vector<1x512xf32>
    %add3A_229 = vector.broadcast %get3A_228 : vector<1x512xf32> to vector<128x512xf32>
    %add3A_230 = arith.addf %add3A_225, %add3A_229 : vector<128x512xf32>
    %slice3A_231 = vector.extract_strided_slice %add3A_230 {offsets = [0, 0], sizes = [128, 128], strides = [1, 1]} : vector<128x512xf32> to vector<128x128xf32>
    %slice3A_232 = vector.extract_strided_slice %add3A_230 {offsets = [0, 128], sizes = [128, 128], strides = [1, 1]} : vector<128x512xf32> to vector<128x128xf32>
    %slice3A_233 = vector.extract_strided_slice %add3A_230 {offsets = [0, 256], sizes = [128, 128], strides = [1, 1]} : vector<128x512xf32> to vector<128x128xf32>
    %slice3A_234 = vector.extract_strided_slice %add3A_230 {offsets = [0, 384], sizes = [128, 128], strides = [1, 1]} : vector<128x512xf32> to vector<128x128xf32>
    %logistic3A_235 = arith.negf %slice3A_232 : vector<128x128xf32>
    %logistic3A_236 = math.exp %logistic3A_235 : vector<128x128xf32>
    %logistic3A_237 = arith.constant 1.000000e+00 : f32
    %logistic3A_238 = vector.broadcast %logistic3A_237 : f32 to vector<128x128xf32>
    %logistic3A_239 = arith.addf %logistic3A_238, %logistic3A_236 : vector<128x128xf32>
    %logistic3A_240 = arith.divf %logistic3A_238, %logistic3A_239 : vector<128x128xf32>
    %mul3A_241 = arith.mulf %logistic3A_240, %broadcast_in_dim3A_207 : vector<128x128xf32>
    %logistic3A_242 = arith.negf %slice3A_231 : vector<128x128xf32>
    %logistic3A_243 = math.exp %logistic3A_242 : vector<128x128xf32>
    %logistic3A_244 = arith.constant 1.000000e+00 : f32
    %logistic3A_245 = vector.broadcast %logistic3A_244 : f32 to vector<128x128xf32>
    %logistic3A_246 = arith.addf %logistic3A_245, %logistic3A_243 : vector<128x128xf32>
    %logistic3A_247 = arith.divf %logistic3A_245, %logistic3A_246 : vector<128x128xf32>
    %tanh3A_248 = math.tanh %slice3A_233 : vector<128x128xf32>
    %mul3A_249 = arith.mulf %logistic3A_247, %tanh3A_248 : vector<128x128xf32>
    %add3A_250 = arith.addf %mul3A_241, %mul3A_249 : vector<128x128xf32>
    %logistic3A_251 = arith.negf %slice3A_234 : vector<128x128xf32>
    %logistic3A_252 = math.exp %logistic3A_251 : vector<128x128xf32>
    %logistic3A_253 = arith.constant 1.000000e+00 : f32
    %logistic3A_254 = vector.broadcast %logistic3A_253 : f32 to vector<128x128xf32>
    %logistic3A_255 = arith.addf %logistic3A_254, %logistic3A_252 : vector<128x128xf32>
    %logistic3A_256 = arith.divf %logistic3A_254, %logistic3A_255 : vector<128x128xf32>
    %tanh3A_257 = math.tanh %add3A_250 : vector<128x128xf32>
    %mul3A_258 = arith.mulf %logistic3A_256, %tanh3A_257 : vector<128x128xf32>
    %transpose3A_259 = tpu.transpose %convert_element_type3A_198, [1, 0] : vector<128x4096xf32> -> vector<4096x128xf32>
    %dot_general3A_260 = arith.constant dense<0.000000e+00> : vector<4096x128xf32>
    %dot_general3A_261 = tpu.matmul %transpose3A_259, %mul3A_258, %dot_general3A_260 {dimension_numbers = #tpu.dot_dimension_numbers<[1], [0], [0], [1], [0, 0, 1, 1], [], []>, transpose_lhs_hint = false} : vector<4096x128xf32>, vector<128x128xf32>, vector<4096x128xf32> -> vector<4096x128xf32>
    %mul3A_262 = arith.mulf %get3A_201, %dot_general3A_261 : vector<4096x128xf32>
    %reduce_sum3A_263 = arith.constant dense<0.000000e+00> : vector<4096xf32>
    %reduce_sum3A_264 = vector.multi_reduction <add>, %mul3A_262, %reduce_sum3A_263 [1] : vector<4096x128xf32> to vector<4096xf32>
    %gt3A_265 = arith.constant 0.000000e+00 : f32
    %gt3A_266 = vector.broadcast %gt3A_265 : f32 to vector<128x4096xf32>
    %gt3A_267 = arith.cmpf ogt, %convert_element_type3A_198, %gt3A_266 : vector<128x4096xf32>
    %broadcast_in_dim3A_268 = vector.shape_cast %reduce_sum3A_264 : vector<4096xf32> to vector<1x4096xf32>
    %jit3A_269 = arith.constant -1.000000e+30 : f32
    %broadcast_in_dim3A_270 = vector.shape_cast %broadcast_in_dim3A_268 : vector<1x4096xf32> to vector<1x4096xf32>
    %broadcast_in_dim3A_271 = vector.broadcast %broadcast_in_dim3A_270 : vector<1x4096xf32> to vector<128x4096xf32>
    %broadcast_in_dim3A_272 = vector.broadcast %jit3A_269 : f32 to vector<128x4096xf32>
    %select_n3A_273 = arith.select %gt3A_267, %broadcast_in_dim3A_271, %broadcast_in_dim3A_272 : vector<128x4096xi1>, vector<128x4096xf32>
    %reduce_max3A_274 = arith.constant dense<0xFF800000> : vector<128xf32>
    %reduce_max3A_275 = vector.multi_reduction <maximumf>, %select_n3A_273, %reduce_max3A_274 [1] : vector<128x4096xf32> to vector<128xf32>
    %broadcast_in_dim3A_276 = vector.shape_cast %reduce_max3A_275 : vector<128xf32> to vector<128x1xf32>
    %mul3A_277 = vector.broadcast %broadcast_in_dim3A_276 : vector<128x1xf32> to vector<128x4096xf32>
    %mul3A_278 = arith.mulf %convert_element_type3A_198, %mul3A_277 : vector<128x4096xf32>
    %reduce_sum3A_279 = arith.constant dense<0.000000e+00> : vector<4096xf32>
    %reduce_sum3A_280 = vector.multi_reduction <add>, %mul3A_278, %reduce_sum3A_279 [0] : vector<128x4096xf32> to vector<4096xf32>
    %sub3A_281 = arith.subf %reduce_sum3A_264, %reduce_sum3A_280 : vector<4096xf32>
    %exp3A_282 = math.exp %sub3A_281 : vector<4096xf32>
    %broadcast_in_dim3A_283 = vector.shape_cast %exp3A_282 : vector<4096xf32> to vector<1x4096xf32>
    %mul3A_284 = vector.broadcast %broadcast_in_dim3A_283 : vector<1x4096xf32> to vector<128x4096xf32>
    %mul3A_285 = arith.mulf %convert_element_type3A_198, %mul3A_284 : vector<128x4096xf32>
    %reduce_sum3A_286 = arith.constant dense<0.000000e+00> : vector<128xf32>
    %reduce_sum3A_287 = vector.multi_reduction <add>, %mul3A_285, %reduce_sum3A_286 [1] : vector<128x4096xf32> to vector<128xf32>
    %broadcast_in_dim3A_288 = vector.shape_cast %reduce_sum3A_287 : vector<128xf32> to vector<128x1xf32>
    %mul3A_289 = vector.broadcast %broadcast_in_dim3A_288 : vector<128x1xf32> to vector<128x4096xf32>
    %mul3A_290 = arith.mulf %convert_element_type3A_198, %mul3A_289 : vector<128x4096xf32>
    %reduce_sum3A_291 = arith.constant dense<0.000000e+00> : vector<4096xf32>
    %reduce_sum3A_292 = vector.multi_reduction <add>, %mul3A_290, %reduce_sum3A_291 [0] : vector<128x4096xf32> to vector<4096xf32>
    %add3A_293 = arith.constant 1.000000e-16 : f32
    %add3A_294 = vector.broadcast %add3A_293 : f32 to vector<4096xf32>
    %add3A_295 = arith.addf %reduce_sum3A_292, %add3A_294 : vector<4096xf32>
    %div3A_296 = arith.divf %exp3A_282, %add3A_295 : vector<4096xf32>
    %broadcast_in_dim3A_297 = vector.shape_cast %div3A_296 : vector<4096xf32> to vector<4096x1xf32>
    %mul3A_298 = vector.broadcast %broadcast_in_dim3A_297 : vector<4096x1xf32> to vector<4096x128xf32>
    %mul3A_299 = arith.mulf %mul3A_298, %get3A_201 : vector<4096x128xf32>
    %dot_general3A_300 = arith.constant dense<0.000000e+00> : vector<128x128xf32>
    %dot_general3A_301 = tpu.matmul %convert_element_type3A_198, %mul3A_299, %dot_general3A_300 {dimension_numbers = #tpu.dot_dimension_numbers<[1], [0], [0], [1], [0, 0, 1, 1], [], []>, transpose_lhs_hint = false} : vector<128x4096xf32>, vector<4096x128xf32>, vector<128x128xf32> -> vector<128x128xf32>
    %concatenate3A_302 = tpu.concatenate %mul3A_258, %dot_general3A_301 in 1 : vector<128x128xf32>, vector<128x128xf32> -> vector<128x256xf32>
    %get3A_303 = arith.constant 0 : index
    %get3A_304 = arith.constant 0 : index
    %get3A_305 = vector.load %arg8[%get3A_303, %get3A_304] : memref<512x256xf32, #tpu.memory_space<vmem>>, vector<512x256xf32>
    %transpose3A_306 = tpu.transpose %get3A_305, [1, 0] : vector<512x256xf32> -> vector<256x512xf32>
    %dot_general3A_307 = arith.constant dense<0.000000e+00> : vector<128x512xf32>
    %dot_general3A_308 = tpu.matmul %concatenate3A_302, %transpose3A_306, %dot_general3A_307 {dimension_numbers = #tpu.dot_dimension_numbers<[1], [0], [0], [1], [0, 0, 1, 1], [], []>, transpose_lhs_hint = false} : vector<128x256xf32>, vector<256x512xf32>, vector<128x512xf32> -> vector<128x512xf32>
    %get3A_309 = arith.constant 0 : index
    %get3A_310 = arith.constant 0 : index
    %get3A_311 = vector.load %arg10[%get3A_309, %get3A_310] : memref<1x512xf32, #tpu.memory_space<vmem>>, vector<1x512xf32>
    %add3A_312 = vector.broadcast %get3A_311 : vector<1x512xf32> to vector<128x512xf32>
    %add3A_313 = arith.addf %dot_general3A_308, %add3A_312 : vector<128x512xf32>
    %get3A_314 = arith.constant 0 : index
    %get3A_315 = arith.constant 0 : index
    %get3A_316 = vector.load %arg9[%get3A_314, %get3A_315] : memref<512x128xf32, #tpu.memory_space<vmem>>, vector<512x128xf32>
    %transpose3A_317 = tpu.transpose %get3A_316, [1, 0] : vector<512x128xf32> -> vector<128x512xf32>
    %dot_general3A_318 = arith.constant dense<0.000000e+00> : vector<128x512xf32>
    %dot_general3A_319 = tpu.matmul %mul3A_258, %transpose3A_317, %dot_general3A_318 {dimension_numbers = #tpu.dot_dimension_numbers<[1], [0], [0], [1], [0, 0, 1, 1], [], []>, transpose_lhs_hint = false} : vector<128x128xf32>, vector<128x512xf32>, vector<128x512xf32> -> vector<128x512xf32>
    %add3A_320 = arith.addf %add3A_313, %dot_general3A_319 : vector<128x512xf32>
    %get3A_321 = arith.constant 0 : index
    %get3A_322 = arith.constant 0 : index
    %get3A_323 = vector.load %arg11[%get3A_321, %get3A_322] : memref<1x512xf32, #tpu.memory_space<vmem>>, vector<1x512xf32>
    %add3A_324 = vector.broadcast %get3A_323 : vector<1x512xf32> to vector<128x512xf32>
    %add3A_325 = arith.addf %add3A_320, %add3A_324 : vector<128x512xf32>
    %slice3A_326 = vector.extract_strided_slice %add3A_325 {offsets = [0, 0], sizes = [128, 128], strides = [1, 1]} : vector<128x512xf32> to vector<128x128xf32>
    %slice3A_327 = vector.extract_strided_slice %add3A_325 {offsets = [0, 128], sizes = [128, 128], strides = [1, 1]} : vector<128x512xf32> to vector<128x128xf32>
    %slice3A_328 = vector.extract_strided_slice %add3A_325 {offsets = [0, 256], sizes = [128, 128], strides = [1, 1]} : vector<128x512xf32> to vector<128x128xf32>
    %slice3A_329 = vector.extract_strided_slice %add3A_325 {offsets = [0, 384], sizes = [128, 128], strides = [1, 1]} : vector<128x512xf32> to vector<128x128xf32>
    %logistic3A_330 = arith.negf %slice3A_327 : vector<128x128xf32>
    %logistic3A_331 = math.exp %logistic3A_330 : vector<128x128xf32>
    %logistic3A_332 = arith.constant 1.000000e+00 : f32
    %logistic3A_333 = vector.broadcast %logistic3A_332 : f32 to vector<128x128xf32>
    %logistic3A_334 = arith.addf %logistic3A_333, %logistic3A_331 : vector<128x128xf32>
    %logistic3A_335 = arith.divf %logistic3A_333, %logistic3A_334 : vector<128x128xf32>
    %mul3A_336 = arith.mulf %logistic3A_335, %add3A_250 : vector<128x128xf32>
    %logistic3A_337 = arith.negf %slice3A_326 : vector<128x128xf32>
    %logistic3A_338 = math.exp %logistic3A_337 : vector<128x128xf32>
    %logistic3A_339 = arith.constant 1.000000e+00 : f32
    %logistic3A_340 = vector.broadcast %logistic3A_339 : f32 to vector<128x128xf32>
    %logistic3A_341 = arith.addf %logistic3A_340, %logistic3A_338 : vector<128x128xf32>
    %logistic3A_342 = arith.divf %logistic3A_340, %logistic3A_341 : vector<128x128xf32>
    %tanh3A_343 = math.tanh %slice3A_328 : vector<128x128xf32>
    %mul3A_344 = arith.mulf %logistic3A_342, %tanh3A_343 : vector<128x128xf32>
    %add3A_345 = arith.addf %mul3A_336, %mul3A_344 : vector<128x128xf32>
    %logistic3A_346 = arith.negf %slice3A_329 : vector<128x128xf32>
    %logistic3A_347 = math.exp %logistic3A_346 : vector<128x128xf32>
    %logistic3A_348 = arith.constant 1.000000e+00 : f32
    %logistic3A_349 = vector.broadcast %logistic3A_348 : f32 to vector<128x128xf32>
    %logistic3A_350 = arith.addf %logistic3A_349, %logistic3A_347 : vector<128x128xf32>
    %logistic3A_351 = arith.divf %logistic3A_349, %logistic3A_350 : vector<128x128xf32>
    %tanh3A_352 = math.tanh %add3A_345 : vector<128x128xf32>
    %mul3A_353 = arith.mulf %logistic3A_351, %tanh3A_352 : vector<128x128xf32>
    %transpose3A_354 = tpu.transpose %convert_element_type3A_198, [1, 0] : vector<128x4096xf32> -> vector<4096x128xf32>
    %dot_general3A_355 = arith.constant dense<0.000000e+00> : vector<4096x128xf32>
    %dot_general3A_356 = tpu.matmul %transpose3A_354, %mul3A_353, %dot_general3A_355 {dimension_numbers = #tpu.dot_dimension_numbers<[1], [0], [0], [1], [0, 0, 1, 1], [], []>, transpose_lhs_hint = false} : vector<4096x128xf32>, vector<128x128xf32>, vector<4096x128xf32> -> vector<4096x128xf32>
    %mul3A_357 = arith.mulf %get3A_201, %dot_general3A_356 : vector<4096x128xf32>
    %reduce_sum3A_358 = arith.constant dense<0.000000e+00> : vector<4096xf32>
    %reduce_sum3A_359 = vector.multi_reduction <add>, %mul3A_357, %reduce_sum3A_358 [1] : vector<4096x128xf32> to vector<4096xf32>
    %gt3A_360 = arith.constant 0.000000e+00 : f32
    %gt3A_361 = vector.broadcast %gt3A_360 : f32 to vector<128x4096xf32>
    %gt3A_362 = arith.cmpf ogt, %convert_element_type3A_198, %gt3A_361 : vector<128x4096xf32>
    %broadcast_in_dim3A_363 = vector.shape_cast %reduce_sum3A_359 : vector<4096xf32> to vector<1x4096xf32>
    %jit3A_364 = arith.constant -1.000000e+30 : f32
    %broadcast_in_dim3A_365 = vector.shape_cast %broadcast_in_dim3A_363 : vector<1x4096xf32> to vector<1x4096xf32>
    %broadcast_in_dim3A_366 = vector.broadcast %broadcast_in_dim3A_365 : vector<1x4096xf32> to vector<128x4096xf32>
    %broadcast_in_dim3A_367 = vector.broadcast %jit3A_364 : f32 to vector<128x4096xf32>
    %select_n3A_368 = arith.select %gt3A_362, %broadcast_in_dim3A_366, %broadcast_in_dim3A_367 : vector<128x4096xi1>, vector<128x4096xf32>
    %reduce_max3A_369 = arith.constant dense<0xFF800000> : vector<128xf32>
    %reduce_max3A_370 = vector.multi_reduction <maximumf>, %select_n3A_368, %reduce_max3A_369 [1] : vector<128x4096xf32> to vector<128xf32>
    %broadcast_in_dim3A_371 = vector.shape_cast %reduce_max3A_370 : vector<128xf32> to vector<128x1xf32>
    %mul3A_372 = vector.broadcast %broadcast_in_dim3A_371 : vector<128x1xf32> to vector<128x4096xf32>
    %mul3A_373 = arith.mulf %convert_element_type3A_198, %mul3A_372 : vector<128x4096xf32>
    %reduce_sum3A_374 = arith.constant dense<0.000000e+00> : vector<4096xf32>
    %reduce_sum3A_375 = vector.multi_reduction <add>, %mul3A_373, %reduce_sum3A_374 [0] : vector<128x4096xf32> to vector<4096xf32>
    %sub3A_376 = arith.subf %reduce_sum3A_359, %reduce_sum3A_375 : vector<4096xf32>
    %exp3A_377 = math.exp %sub3A_376 : vector<4096xf32>
    %broadcast_in_dim3A_378 = vector.shape_cast %exp3A_377 : vector<4096xf32> to vector<1x4096xf32>
    %mul3A_379 = vector.broadcast %broadcast_in_dim3A_378 : vector<1x4096xf32> to vector<128x4096xf32>
    %mul3A_380 = arith.mulf %convert_element_type3A_198, %mul3A_379 : vector<128x4096xf32>
    %reduce_sum3A_381 = arith.constant dense<0.000000e+00> : vector<128xf32>
    %reduce_sum3A_382 = vector.multi_reduction <add>, %mul3A_380, %reduce_sum3A_381 [1] : vector<128x4096xf32> to vector<128xf32>
    %broadcast_in_dim3A_383 = vector.shape_cast %reduce_sum3A_382 : vector<128xf32> to vector<128x1xf32>
    %mul3A_384 = vector.broadcast %broadcast_in_dim3A_383 : vector<128x1xf32> to vector<128x4096xf32>
    %mul3A_385 = arith.mulf %convert_element_type3A_198, %mul3A_384 : vector<128x4096xf32>
    %reduce_sum3A_386 = arith.constant dense<0.000000e+00> : vector<4096xf32>
    %reduce_sum3A_387 = vector.multi_reduction <add>, %mul3A_385, %reduce_sum3A_386 [0] : vector<128x4096xf32> to vector<4096xf32>
    %add3A_388 = arith.constant 1.000000e-16 : f32
    %add3A_389 = vector.broadcast %add3A_388 : f32 to vector<4096xf32>
    %add3A_390 = arith.addf %reduce_sum3A_387, %add3A_389 : vector<4096xf32>
    %div3A_391 = arith.divf %exp3A_377, %add3A_390 : vector<4096xf32>
    %broadcast_in_dim3A_392 = vector.shape_cast %div3A_391 : vector<4096xf32> to vector<4096x1xf32>
    %mul3A_393 = vector.broadcast %broadcast_in_dim3A_392 : vector<4096x1xf32> to vector<4096x128xf32>
    %mul3A_394 = arith.mulf %mul3A_393, %get3A_201 : vector<4096x128xf32>
    %dot_general3A_395 = arith.constant dense<0.000000e+00> : vector<128x128xf32>
    %dot_general3A_396 = tpu.matmul %convert_element_type3A_198, %mul3A_394, %dot_general3A_395 {dimension_numbers = #tpu.dot_dimension_numbers<[1], [0], [0], [1], [0, 0, 1, 1], [], []>, transpose_lhs_hint = false} : vector<128x4096xf32>, vector<4096x128xf32>, vector<128x128xf32> -> vector<128x128xf32>
    %concatenate3A_397 = tpu.concatenate %mul3A_353, %dot_general3A_396 in 1 : vector<128x128xf32>, vector<128x128xf32> -> vector<128x256xf32>
    %concatenate3A_398 = tpu.concatenate %concatenate3A_187, %concatenate3A_397 in 1 : vector<128x256xf32>, vector<128x256xf32> -> vector<128x512xf32>
    %get3A_399 = arith.constant 0 : index
    %get3A_400 = arith.constant 0 : index
    %get3A_401 = vector.load %arg12[%get3A_399, %get3A_400] : memref<256x512xf32, #tpu.memory_space<vmem>>, vector<256x512xf32>
    %transpose3A_402 = tpu.transpose %get3A_401, [1, 0] : vector<256x512xf32> -> vector<512x256xf32>
    %dot_general3A_403 = arith.constant dense<0.000000e+00> : vector<128x256xf32>
    %dot_general3A_404 = tpu.matmul %concatenate3A_398, %transpose3A_402, %dot_general3A_403 {dimension_numbers = #tpu.dot_dimension_numbers<[1], [0], [0], [1], [0, 0, 1, 1], [], []>, transpose_lhs_hint = false} : vector<128x512xf32>, vector<512x256xf32>, vector<128x256xf32> -> vector<128x256xf32>
    %get3A_405 = arith.constant 0 : index
    %get3A_406 = arith.constant 0 : index
    %get3A_407 = vector.load %arg13[%get3A_405, %get3A_406] : memref<1x256xf32, #tpu.memory_space<vmem>>, vector<1x256xf32>
    %add3A_408 = vector.broadcast %get3A_407 : vector<1x256xf32> to vector<128x256xf32>
    %add3A_409 = arith.addf %dot_general3A_404, %add3A_408 : vector<128x256xf32>
    %max3A = arith.constant 0.000000e+00 : f32
    %max3A_410 = vector.broadcast %max3A : f32 to vector<128x256xf32>
    %max3A_411 = arith.maximumf %add3A_409, %max3A_410 : vector<128x256xf32>
    %get3A_412 = arith.constant 0 : index
    %get3A_413 = arith.constant 0 : index
    %get3A_414 = vector.load %arg14[%get3A_412, %get3A_413] : memref<128x256xf32, #tpu.memory_space<vmem>>, vector<128x256xf32>
    %transpose3A_415 = tpu.transpose %get3A_414, [1, 0] : vector<128x256xf32> -> vector<256x128xf32>
    %dot_general3A_416 = arith.constant dense<0.000000e+00> : vector<128x128xf32>
    %dot_general3A_417 = tpu.matmul %max3A_411, %transpose3A_415, %dot_general3A_416 {dimension_numbers = #tpu.dot_dimension_numbers<[1], [0], [0], [1], [0, 0, 1, 1], [], []>, transpose_lhs_hint = false} : vector<128x256xf32>, vector<256x128xf32>, vector<128x128xf32> -> vector<128x128xf32>
    %get3A_418 = arith.constant 0 : index
    %get3A_419 = arith.constant 0 : index
    %get3A_420 = vector.load %arg15[%get3A_418, %get3A_419] : memref<1x128xf32, #tpu.memory_space<vmem>>, vector<1x128xf32>
    %add3A_421 = vector.broadcast %get3A_420 : vector<1x128xf32> to vector<128x128xf32>
    %add3A_422 = arith.addf %dot_general3A_417, %add3A_421 : vector<128x128xf32>
    %max3A_423 = arith.constant 0.000000e+00 : f32
    %max3A_424 = vector.broadcast %max3A_423 : f32 to vector<128x128xf32>
    %max3A_425 = arith.maximumf %add3A_422, %max3A_424 : vector<128x128xf32>
    %get3A_426 = arith.constant 0 : index
    %get3A_427 = arith.constant 0 : index
    %get3A_428 = vector.load %arg16[%get3A_426, %get3A_427] : memref<128x128xf32, #tpu.memory_space<vmem>>, vector<128x128xf32>
    %transpose3A_429 = tpu.transpose %get3A_428, [1, 0] : vector<128x128xf32> -> vector<128x128xf32>
    %dot_general3A_430 = arith.constant dense<0.000000e+00> : vector<128x128xf32>
    %dot_general3A_431 = tpu.matmul %max3A_425, %transpose3A_429, %dot_general3A_430 {dimension_numbers = #tpu.dot_dimension_numbers<[1], [0], [0], [1], [0, 0, 1, 1], [], []>, transpose_lhs_hint = false} : vector<128x128xf32>, vector<128x128xf32>, vector<128x128xf32> -> vector<128x128xf32>
    %swap3A = arith.constant 0 : index
    %swap3A_432 = arith.constant 0 : index
    %swap3A_433 = vector.load %arg17[%swap3A, %swap3A_432] : memref<128x128xf32, #tpu.memory_space<vmem>>, vector<128x128xf32>
    tpu.vector_store %arg17[%swap3A, %swap3A_432], %dot_general3A_431 {strides = array<i32>} : memref<128x128xf32, #tpu.memory_space<vmem>>, vector<128x128xf32>,
    return
  }
}

</mosaic_0001>

<sc_bundles>
// kernel: kernel.29.cloned.1.call-start
scs
__scs_entry_jumppad:
0x0: {  	(pc) =	sbr.rel $0x88, $3  }
0x1: {  	(tag) =	ssettag $0x0;
	lr =	simm.s32 $0x1  }
0x2: {  	[smem:$0x3F77] =	sst lr;
	_ =	strace $0xD0000000  }
0x3: {  	_ = 	snop  }
0x4: {  	_ = 	snop  }
0x5: {  	_ = 	snop  }
0x6: {  	_ = 	snop  }
0x7: {  	_ = 	snop  }
__scs_overlays_trampoline_lowered:
0x8: {  	[smem:$0x3F86] =	sst s0  }
0x9: {  	[smem:$0x3F87] =	sst s1  }
0xa: {  	[smem:$0x3F88] =	sst s2  }
0xb: {  	[smem:$0x3F89] =	sst s3  }
0xc: {  	[smem:$0x3F8A] =	sst s4  }
0xd: {  	[smem:$0x3F8B] =	sst s5  }
0xe: {  	[smem:$0x3F8C] =	sst s6  }
0xf: {  	[smem:$0x3F8D] =	sst s7  }
0x10: {  	[smem:$0x3F8E] =	sst s8  }
0x11: {  	[smem:$0x3F8F] =	sst s9;
	s0 =	simm.s32 @!p0 $0x0  }
0x12: {  	s1 =	sld [smem:$0x3F75];
	s0 =	simm.s32 @p0 $0x1  }
0x13: {  	[smem:$0x3F90] =	sst s0;
	s0 =	simm.s32 @!p1 $0x0  }
0x14: {  	s2 =	sld [smem:$0x3F74];
	s0 =	simm.s32 @p1 $0x1  }
0x15: {  	[smem:$0x3F91] =	sst s0;
	s0 =	simm.s32 @!p2 $0x0  }
0x16: {  	s3 =	sld [smem:$0x3FDB];
	s0 =	simm.s32 @p2 $0x1  }
0x17: {  	s4 =	simm.s32 $0x1BF5;
	[smem:$0x3F93] =	sst s0  }
0x18: {  	s0 =	sld [smem:$0x3F76];
	_ =	swait.ge [sflag:s4], $0x0  }
0x19: {  	s7 =	sld [smem:$0x3F77]  }
0x1a: {  	s8 =	sadd.s32 $0xFFFFE003, lr  }
0x1b: {  	s9 =	sadd.s32 $0xFFFFFEF7, lr;
	s5 =	simm.s32 $0xFFFFFFFF;
	p2 =	slt.u32 s8, $0xFFFFF086  }
0x1c: {  	p1 =	slt.u32 s9, $0xF7A;
	s5 =	simm.s32 @!p2 $0x0  }
0x1d: {  	s5 =	simm.s32 @p1 $0x1;
	p0 =	seq.s32 s7, s2  }
0x1e: {  	s7 =	smul.u32 @!p0 $0xF7A, s2;
	p2 =	seq.s32 @!p0 s5, $0x0  }
0x1f: {  	s9 =	smul.u32 $0xF7A, s1;
	s8 =	simm.s32 @!p0 $0x1BF5;
	p2 =	por !p2, p0  }
0x20: {  	[sflag:s8] =	ssyncset.s32 @!p0 $0xFFFFF086;
	s6 =	sadd.s32 @!p0 s3, s7;
	s7 =	simm.s32 @!p0 $0x108  }
0x21: {  	s3 =	sadd.s32 s3, s9;
	s6 =	sadd.s32 @!p0 $0x88, s6;
	s7 =	simm.s32 @p2 $0x1082  }
0x22: {  	[simem:s7], [sflag:s8] =	dma.local @!p0 [hbm:s6], $0xF7A  }
0x23: {  	s9 =	sor.u32 $0xD0000000, s2;
	s6 =	simm.s32 $0x108;
	_ =	swait.ge @!p0 [sflag:s8], $0x0  }
0x24: {  	s3 =	sadd.s32 $0x88, s3;
	s6 =	simm.s32 @!p1 $0x1082;
	[sflag:s4] =	ssyncset.s32 $0xFFFFF086  }
0x25: {  	[simem:s6], [sflag:s4] =	dma.local [hbm:s3], $0xF7A  }
0x26: {  	[smem:$0x3F77] =	sst s1;
	(tag) =	ssettag s2;
	_ =	strace s9  }
0x27: {  	s1 =	sld [smem:$0x3F87]  }
0x28: {  	s2 =	sld [smem:$0x3F88]  }
0x29: {  	s4 =	sld [smem:$0x3F8A]  }
0x2a: {  	p0 =	seq.s32 s5, $0x0;
	s5 =	sld [smem:$0x3F8B]  }
0x2b: {  	s6 =	sld [smem:$0x3F8C]  }
0x2c: {  	s7 =	sld [smem:$0x3F8D]  }
0x2d: {  	s3 =	simm.s32 $0x108;
	s8 =	sld [smem:$0x3F8E]  }
0x2e: {  	s3 =	simm.s32 @!p0 $0x1082;
	s9 =	sld [smem:$0x3F8F]  }
0x2f: {  	lr =	sadd.s32 s0, s3;
	s0 =	sld [smem:$0x3F86]  }
0x30: {  	s3 =	sld [smem:$0x3F89]  }
0x31: {  	[smem:$0x3F92] =	sst s10  }
0x32: {  	s10 =	sld [smem:$0x3F90];
	_ =	sdelay $0x3  }
0x33: {  	p0 =	seq.s32 s10, $0x1;
	s10 =	sld [smem:$0x3F92];
	_ =	sdelay $0x3  }
0x34: {  	[smem:$0x3F92] =	sst s10  }
0x35: {  	s10 =	sld [smem:$0x3F91];
	_ =	sdelay $0x3  }
0x36: {  	p1 =	seq.s32 s10, $0x1;
	s10 =	sld [smem:$0x3F92];
	_ =	sdelay $0x3  }
0x37: {  	[smem:$0x3F92] =	sst s10  }
0x38: {  	s10 =	sld [smem:$0x3F93]  }
0x39: {  	_ = 	snop;
	(pc) =	sbr.ind lr, $3  }
0x3a: {  	_ = 	snop  }
0x3b: {  	_ = 	snop  }
0x3c: {  	p2 =	seq.s32 s10, $0x1;
	s10 =	sld [smem:$0x3F92]  }
0x3d: {  	_ =	shalt  }
0x3e: {  	_ =	shalt  }
0x3f: {  	_ =	shalt  }
0x40: {  	_ =	shalt  }
0x41: {  	_ =	shalt  }
0x42: {  	_ =	shalt  }
0x43: {  	_ =	shalt  }
0x44: {  	_ =	shalt  }
0x45: {  	_ =	shalt  }
0x46: {  	_ =	shalt  }
0x47: {  	_ =	shalt  }
0x48: {  	_ =	shalt  }
0x49: {  	_ =	shalt  }
0x4a: {  	_ =	shalt  }
0x4b: {  	_ =	shalt  }
0x4c: {  	_ =	shalt  }
0x4d: {  	_ =	shalt  }
0x4e: {  	_ =	shalt  }
0x4f: {  	_ =	shalt  }
0x50: {  	_ =	shalt  }
0x51: {  	_ =	shalt  }
0x52: {  	_ =	shalt  }
0x53: {  	_ =	shalt  }
0x54: {  	_ =	shalt  }
0x55: {  	_ =	shalt  }
0x56: {  	_ =	shalt  }
0x57: {  	_ =	shalt  }
0x58: {  	_ =	shalt  }
0x59: {  	_ =	shalt  }
0x5a: {  	_ =	shalt  }
0x5b: {  	_ =	shalt  }
0x5c: {  	_ =	shalt  }
0x5d: {  	_ =	shalt  }
0x5e: {  	_ =	shalt  }
0x5f: {  	_ =	shalt  }
0x60: {  	_ =	shalt  }
0x61: {  	_ =	shalt  }
0x62: {  	_ =	shalt  }
0x63: {  	_ =	shalt  }
0x64: {  	_ =	shalt  }
0x65: {  	_ =	shalt  }
0x66: {  	_ =	shalt  }
0x67: {  	_ =	shalt  }
0x68: {  	_ =	shalt  }
0x69: {  	_ =	shalt  }
0x6a: {  	_ =	shalt  }
0x6b: {  	_ =	shalt  }
0x6c: {  	_ =	shalt  }
0x6d: {  	_ =	shalt  }
0x6e: {  	_ =	shalt  }
0x6f: {  	_ =	shalt  }
0x70: {  	_ =	shalt  }
0x71: {  	_ =	shalt  }
0x72: {  	_ =	shalt  }
0x73: {  	_ =	shalt  }
0x74: {  	_ =	shalt  }
0x75: {  	_ =	shalt  }
0x76: {  	_ =	shalt  }
0x77: {  	_ =	shalt  }
0x78: {  	_ =	shalt  }
0x79: {  	_ =	shalt  }
0x7a: {  	_ =	shalt  }
0x7b: {  	_ =	shalt  }
0x7c: {  	_ =	shalt  }
0x7d: {  	_ =	shalt  }
0x7e: {  	_ =	shalt  }
0x7f: {  	_ =	shalt  }
0x80: {  	_ =	shalt  }
0x81: {  	_ =	shalt  }
0x82: {  	_ =	shalt  }
0x83: {  	_ =	shalt  }
0x84: {  	_ =	shalt  }
0x85: {  	_ =	shalt  }
0x86: {  	_ =	shalt  }
0x87: {  	_ =	shalt  }
.Lfunc_end0:
.L_simem_size_0:
called_computation_lowered:
.L_overlay_start_0:
0x88: {  	s2 =	sld [smem:$0x3FD9]  }
0x89: {  	s3 =	sld [smem:$0x3FFE];
	_ =	sdelay $0x1  }
0x8a: {  	s1 =	srdreg.scid  }
0x8b: {  	s0 =	sand.u32 $0x1, s1  }
0x8c: {  	s15 =	sshll.u32 s0, $0xA;
	s2 =	sadd.s32 s3, s2  }
0x8d: {  	s2 =	sadd.s32 s2, s15  }
0x8e: {  	[smem:$0x3F9E] =	sst s2  }
0x8f: {  	_ = 	snop  }
0x90: {  	s2 =	sld [smem:$0x3FD0];
	_ =	sdelay $0x2  }
0x91: {  	s16 =	simm.s32 $0xB;
	s4 =	simm.s32 $0x10  }
0x92: {  	[smem:s4], [sflag:s16] =	dma.local [hbm:s2], $0x1  }
0x93: {  	_ =	swait.eq [sflag:s16], $0x1  }
0x94: {  	[sflag:s16] =	ssyncset.done $0x0  }
0x95: {  	[sflag:s16] =	ssyncadd.s32 $0xFFFFFFFF  }
0x96: {  	s17 =	sld [smem:$0x11];
	(tm) =	ssettm $0x1  }
0x97: {  	s18 =	sld [smem:$0x3FFB];
	_ =	sdelay $0x3  }
0x98: {  	_ =	strace s18  }
0x99: {  	s2 =	sld [smem:$0x3FFC];
	_ =	sdelay $0x3  }
0x9a: {  	_ =	strace s2  }
0x9b: {  	s2 =	sld [smem:$0x3FFD];
	_ =	sdelay $0x3  }
0x9c: {  	_ =	strace s2  }
0x9d: {  	_ =	strace $0x8FFFFFFF  }
0x9e: {  	s19 =	sld [smem:$0x3FDB];
	_ =	sdelay $0x1  }
0x9f: {  	s20 =	simm.s32 $_scs_section_size  }
0xa0: {  	s5 =	simm.s32 $_size__tile_overlayer_lowered;
	s6 =	simm.s32 $_tile_overlayer_lowered  }
0xa1: {  	s7 =	simm.s32 $0x1BFF;
	s21 =	sshll.u32 s6, $0x1;
	s4 =	sadd.s32 s20, s19  }
0xa2: {  	s22 =	simm.s32 $0x0;
	s5 =	sshll.u32 s5, $0x1;
	s6 =	sadd.s32 s21, s4  }
0xa3: {  	[timem:s22], [sflag:s7] =	dma.local [hbm:s6], s5  }
0xa4: {  	_ =	swait.ge [sflag:s7], s5  }
0xa5: {  	s5 =	ssub.s32 $0x0, s5;
	[sflag:s7] =	ssyncset.done $0x0  }
0xa6: {  	[sflag:s7] =	ssyncadd.s32 s5;
	_ =	sdelay $0x1  }
0xa7: {  	s23 =	simm.s32 $0x1B8B  }
0xa8: {  	_ =	swait.ge [sflag:s23], $0x1  }
0xa9: {  	[sflag:s23] =	ssyncset.done $0x0  }
0xaa: {  	[sflag:s23] =	ssyncadd.s32 $0xFFFFFFFF  }
0xab: {  	s5 =	sld [smem:$0x0]  }
0xac: {  	s6 =	sand.u32 $0xFFFFFFFE, s1  }
0xad: {  	p0 =	sne.s32 s1, s6  }
0xae: {  	s6 =	sshll.u32 @p0 s6, $0xE  }
0xaf: {  	s6 =	sadd.s32 @p0 $0x11B8D, s6;
	s7 =	sshll.u32 @p0 s5, $0x11  }
0xb0: {  	s6 =	sor.u32 @p0 s7, s6  }
0xb1: {  	[sflag:s6] =	ssyncadd.remote.s32 @p0 $0x1;
	_ =	sdelay $0x1  }
0xb2: {  	s6 =	simm.s32 @p0 $0x1B8D  }
0xb3: {  	_ =	swait.eq @p0 [sflag:s6], $0x1  }
0xb4: {  	[sflag:s6] =	ssyncadd.s32 @p0 $0xFFFFFFFF  }
0xb5: {  	s7 =	sshll.u32 @!p0 s1, $0xE  }
0xb6: {  	s7 =	sor.u32 @!p0 $0x4000, s7;
	s6 =	simm.s32 @!p0 $0x1B8D  }
0xb7: {  	s5 =	sshll.u32 @!p0 s5, $0x11;
	s7 =	sadd.s32 @!p0 $0x11B8D, s7;
	_ =	swait.eq @!p0 [sflag:s6], $0x1  }
0xb8: {  	s5 =	sor.u32 @!p0 s5, s7;
	[sflag:s6] =	ssyncadd.s32 @!p0 $0xFFFFFFFF  }
0xb9: {  	s25 =	simm.s32 $0x1B8E;
	s24 =	sld [smem:$0x3FFE];
	[sflag:s5] =	ssyncadd.remote.s32 @!p0 $0x1  }
0xba: {  	s26 =	simm.s32 $execute0_lowered;
	[smem:$0x3FD2] =	sst s25  }
0xbb: {  	s6 =	sshll.u32 s26, $0x1;
	_ =	strace $0x80000049;
	[dreg:$0x1] =	wrdreg $0xFFFFFFFF  }
0xbc: {  	s28 =	simm.s32 $_size_execute0_lowered;
	s4 =	sadd.s32 s4, s6;
	[dreg:$0x0] =	wrdreg $0x0  }
0xbd: {  	s6 =	sshll.u32 s28, $0x1;
	[dreg:$0x2] =	wrdreg s4  }
0xbe: {  	[dreg:$0x3] =	wrdreg s6  }
0xbf: {  	[dreg:$0x4] =	wrdreg $0xC0  }
0xc0: {  	_ =	task [dreg:s22], $0x5FFFF  }
0xc1: {  	[dreg:$0x1] =	wrdreg $0xFFFFFFFF  }
0xc2: {  	[dreg:$0x0] =	wrdreg $0x60  }
0xc3: {  	[dreg:$0x2] =	wrdreg s24  }
0xc4: {  	[dreg:$0x3] =	wrdreg s17  }
0xc5: {  	[dreg:$0x4] =	wrdreg $0x9  }
0xc6: {  	_ =	task.clear_ibuf [dreg:s22], $0x5FFFF;
	_ =	strace $0x90000049  }
0xc7: {  	s29 =	simm.s32 $0x9;
	_ =	strace $0x8000004B  }
0xc8: {  	_ =	swait.ge [sflag:s29], $0x1  }
0xc9: {  	[sflag:s29] =	ssyncadd.s32 $0xFFFFFFFF  }
0xca: {  	_ =	strace $0x9000004B  }
0xcb: {  	_ =	sfence  }
0xcc: {  	s30 =	sld [smem:$0x0];
	_ =	sdelay $0x2  }
0xcd: {  	s31 =	sshll.u32 s1, $0xD;
	s1 =	sshrl.u32 s1, $0x2  }
0xce: {  	s4 =	sand.u32 $0x4000, s31;
	s1 =	sadd.s32 s1, s30  }
0xcf: {  	s0 =	sor.u32 s4, s0;
	s1 =	sshll.u32 s1, $0x11  }
0xd0: {  	s0 =	sor.u32 s1, s0  }
0xd1: {  	s0 =	sadd.s32 $0x8F2B, s0  }
0xd2: {  	[sflag:s0] =	ssyncadd.remote.s32 $0x1  }
0xd3: {  	_ =	sfence.sel $0xFFFF  }
0xd4: {  	[dreg:$0x0] =	wrdreg $0xFFFFFFFF;
	(pc) =	sbr.abs _section_cstart, $3  }
0xd5: {  	[dreg:$0x1] =	wrdreg $0xFFFFFFFF  }
0xd6: {  	_ =	task.clear_ibuf [dreg:s22], $0x2FFFF;
	_ =	strace $0x9FFFFFFF  }
0xd7: {  	(tm) =	ssettm $0x7FFFFFFF  }
tec
execute0_lowered:
.L_overlay_start_1:
0x0: {  	(tag) =	ssettag $0x1  }
0x1: {  	s1 =	srdreg.scid  }
0x2: {  	s5 =	rddreg [dreg:$0x0];
	s0 =	stileid.u32;
	s10 =	sand.u32 $0x1, s1  }
0x3: {  	s11 =	rddreg [dreg:$0x1];
	s3 =	sshll.u32 s0, $0x9;
	s4 =	sshll.u32 s10, $0x8  }
0x4: {  	s2 =	simm.s32 $0x0;
	s1 =	rddreg [dreg:$0x2];
	s9 =	sor.u32 s4, s3  }
0x5: {  	[smem:$0x7FF] =	sst s2;
	s12 =	sadd.s32 $0x31C00, s5;
	s3 =	sshrl.u32 s9, $0x3  }
0x6: {  	_ =	strace $0x8000004A;
	s4 =	sadd.s32 s12, s3;
	s3 =	simm.s32 $0x2  }
0x7: {  	[tilespmem:s2], [sflag:$0x2] =	stream.linear.gather [hbm4b:s4+s2], $0x80, $0x38;
	[tilespmem:$0x2080] =	vst v63  }
0x8: {  	_ =	swait.ge [sflag:s3], $0x80  }
0x9: {  	s6 =	simm.s32 $0x80;
	[sflag:s3] =	ssyncset.done $0x0  }
0xa: {  	s7 =	simm.s32 $0x1;
	s5 =	sadd.s32 $0x29C00, s5;
	[sflag:s3] =	ssyncadd.s32 $0xFFFFFF80  }
0xb: {  	[tilespmem:s6], [sflag:$0x1] =	stream.indirect.gather [hbm4b:s5+s6], $0x40, s2, s6, $0xb8;
	[tilespmem:$0x2080] =	vst v63  }
0xc: {  	_ =	swait.ge [sflag:s7], $0x2000  }
0xd: {  	s8 =	sshll.u32 s9, $0x3;
	[sflag:s7] =	ssyncset.done $0x0  }
0xe: {  	s8 =	sadd.s32 s11, s8;
	[sflag:s7] =	ssyncadd.s32 $0xFFFFE000  }
0xf: {  	[hbm4b:s8+s2] =	stream.linear.scatter [tilespmem:s6], [sflag:$0x2], $0x2000, $0x38;
	[tilespmem:$0x2080] =	vst v63  }
0x10: {  	s13 =	sor.u32 $0x80, s9;
	_ =	swait.ge [sflag:s3], $0x2000  }
0x11: {  	s9 =	sshrl.u32 s13, $0x3;
	[sflag:s3] =	ssyncset.done $0x0  }
0x12: {  	s10 =	ssub.s32 $0x2, s10;
	s9 =	sadd.s32 s12, s9;
	[sflag:s3] =	ssyncadd.s32 $0xFFFFE000  }
0x13: {  	[tilespmem:s2], [sflag:$0x2] =	stream.linear.gather [hbm4b:s9+s2], $0x80, $0x38;
	[tilespmem:$0x2080] =	vst v63  }
0x14: {  	s29 =	sshrl.u32 s10, $0x1;
	_ =	swait.ge [sflag:s3], $0x80  }
0x15: {  	s12 =	ssub.s32 s10, s29;
	[sflag:s3] =	ssyncset.done $0x0  }
0x16: {  	s31 =	smax.u32 s12, $0x1;
	[sflag:s3] =	ssyncadd.s32 $0xFFFFFF80  }
0x17: {  	[tilespmem:s6], [sflag:$0x1] =	stream.indirect.gather [hbm4b:s5+s6], $0x40, s2, s6, $0xb8;
	[tilespmem:$0x2080] =	vst v63  }
0x18: {  	p0 =	sne.s32 s31, $0x1;
	_ =	swait.ge [sflag:s7], $0x2000  }
.Ltmp0:
0x19: {  	s30 =	sshll.u32 s13, $0x3;
	[sflag:s7] =	ssyncset.done $0x0;
	(pc) =	sbr.rel @!p0 .LBB2_2-.Ltmp0, $4  }
0x1a: {  	s10 =	sadd.s32 s11, s30;
	[sflag:s7] =	ssyncadd.s32 $0xFFFFE000  }
0x1b: {  	[hbm4b:s10+s2] =	stream.linear.scatter [tilespmem:s6], [sflag:$0x2], $0x2000, $0x38;
	[tilespmem:$0x2080] =	vst v63  }
0x1c: {  	_ =	swait.ge [sflag:s3], $0x2000  }
0x1d: {  	s11 =	sadd.s32 $0xFFFFFFFF, s31;
	[sflag:s3] =	ssyncset.done $0x0  }
.LBB2_1:
0x1e: {  	p0 =	sne.s32 s11, $0x1;
	s11 =	sadd.s32 $0xFFFFFFFF, s11;
	[sflag:s3] =	ssyncadd.s32 $0xFFFFE000  }
0x1f: {  	[tilespmem:s2], [sflag:$0x2] =	stream.linear.gather [hbm4b:s4+s2], $0x80, $0x38;
	[tilespmem:$0x2080] =	vst v63  }
0x20: {  	_ =	swait.ge [sflag:s3], $0x80  }
0x21: {  	[sflag:s3] =	ssyncset.done $0x0  }
0x22: {  	[sflag:s3] =	ssyncadd.s32 $0xFFFFFF80  }
0x23: {  	[tilespmem:s6], [sflag:$0x1] =	stream.indirect.gather [hbm4b:s5+s6], $0x40, s2, s6, $0xb8;
	[tilespmem:$0x2080] =	vst v63  }
0x24: {  	_ =	swait.ge [sflag:s7], $0x2000  }
0x25: {  	[sflag:s7] =	ssyncset.done $0x0  }
0x26: {  	[sflag:s7] =	ssyncadd.s32 $0xFFFFE000  }
0x27: {  	[hbm4b:s8+s2] =	stream.linear.scatter [tilespmem:s6], [sflag:$0x2], $0x2000, $0x38;
	[tilespmem:$0x2080] =	vst v63  }
0x28: {  	_ =	swait.ge [sflag:s3], $0x2000  }
0x29: {  	[sflag:s3] =	ssyncset.done $0x0  }
0x2a: {  	[sflag:s3] =	ssyncadd.s32 $0xFFFFE000  }
0x2b: {  	[tilespmem:s2], [sflag:$0x2] =	stream.linear.gather [hbm4b:s9+s2], $0x80, $0x38;
	[tilespmem:$0x2080] =	vst v63  }
0x2c: {  	_ =	swait.ge [sflag:s3], $0x80  }
0x2d: {  	[sflag:s3] =	ssyncset.done $0x0  }
0x2e: {  	[sflag:s3] =	ssyncadd.s32 $0xFFFFFF80  }
0x2f: {  	[tilespmem:s6], [sflag:$0x1] =	stream.indirect.gather [hbm4b:s5+s6], $0x40, s2, s6, $0xb8;
	[tilespmem:$0x2080] =	vst v63  }
0x30: {  	_ =	swait.ge [sflag:s7], $0x2000  }
.Ltmp1:
0x31: {  	[sflag:s7] =	ssyncset.done $0x0;
	(pc) =	sbr.rel @p0 .LBB2_1-.Ltmp1, $4  }
0x32: {  	[sflag:s7] =	ssyncadd.s32 $0xFFFFE000  }
0x33: {  	[hbm4b:s10+s2] =	stream.linear.scatter [tilespmem:s6], [sflag:$0x2], $0x2000, $0x38;
	[tilespmem:$0x2080] =	vst v63  }
0x34: {  	_ =	swait.ge [sflag:s3], $0x2000  }
0x35: {  	[sflag:s3] =	ssyncset.done $0x0  }
.LBB2_2:
0x36: {  	[sflag:s3] =	ssyncadd.s32 $0xFFFFE000  }
0x37: {  	_ =	sfence.sel $0x180000  }
0x38: {  	[bflag:$0x0] =	sbarrier.arrive $0xFFFF  }
0x39: {  	p0 =	sne.s32 s0, $0x0;
	_ =	strace $0x9000004A  }
0x3a: {  	s0 =	sadd.s32 @!p0 $0x100000, s1;
	[bflag:$0x2] =	sbarrier.arrive $0xFFFF  }
0x3b: {  	[sflag:s0] =	ssyncadd.tile.s32 @!p0 $0x1;
	_ =	shalt  }
.Lfunc_end2:
_tile_overlayer_lowered:
.L_overlay_start_2:
0x3c: {  	(tag) =	ssettag $0x2  }
0x3d: {  	s0 =	rddreg [dreg:$0x0];
	s2 =	stileid.u32  }
0x3e: {  	s1 =	rddreg [dreg:$0x1];
	p0 =	sne.s32 s2, $0x0  }
0x3f: {  	s3 =	rddreg [dreg:$0x2];
	[bflag:$0x3] =	sbarrier.arrive $0xFFFF;
	s2 =	simm.s32 @!p0 $0x1C02  }
0x40: {  	[timem:s3], [sflag:s2] =	dma.local @!p0 [hbm:s0], s1  }
0x41: {  	s0 =	simm.s32 @!p0 $0x2  }
0x42: {  	_ =	swait.ge @!p0 [sflag:s0], s1  }
0x43: {  	s1 =	ssub.s32 @!p0 $0x0, s1;
	[sflag:s0] =	ssyncset.done @!p0 $0x0  }
0x44: {  	[sflag:s0] =	ssyncadd.s32 @!p0 s1  }
0x45: {  	[bflag:$0x3] =	sbarrier.arrive $0xFFFF  }
0x46: {  	_ =	shalt  }

// kernel: kernel.32.cloned.1.call-start
scs
__scs_entry_jumppad:
0x0: {  	(pc) =	sbr.rel $0x88, $3  }
0x1: {  	(tag) =	ssettag $0x0;
	lr =	simm.s32 $0x1  }
0x2: {  	[smem:$0x3F77] =	sst lr;
	_ =	strace $0xD0000000  }
0x3: {  	_ = 	snop  }
0x4: {  	_ = 	snop  }
0x5: {  	_ = 	snop  }
0x6: {  	_ = 	snop  }
0x7: {  	_ = 	snop  }
__scs_overlays_trampoline_lowered:
0x8: {  	[smem:$0x3F86] =	sst s0  }
0x9: {  	[smem:$0x3F87] =	sst s1  }
0xa: {  	[smem:$0x3F88] =	sst s2  }
0xb: {  	[smem:$0x3F89] =	sst s3  }
0xc: {  	[smem:$0x3F8A] =	sst s4  }
0xd: {  	[smem:$0x3F8B] =	sst s5  }
0xe: {  	[smem:$0x3F8C] =	sst s6  }
0xf: {  	[smem:$0x3F8D] =	sst s7  }
0x10: {  	[smem:$0x3F8E] =	sst s8  }
0x11: {  	[smem:$0x3F8F] =	sst s9;
	s0 =	simm.s32 @!p0 $0x0  }
0x12: {  	s1 =	sld [smem:$0x3F75];
	s0 =	simm.s32 @p0 $0x1  }
0x13: {  	[smem:$0x3F90] =	sst s0;
	s0 =	simm.s32 @!p1 $0x0  }
0x14: {  	s2 =	sld [smem:$0x3F74];
	s0 =	simm.s32 @p1 $0x1  }
0x15: {  	[smem:$0x3F91] =	sst s0;
	s0 =	simm.s32 @!p2 $0x0  }
0x16: {  	s3 =	sld [smem:$0x3FDB];
	s0 =	simm.s32 @p2 $0x1  }
0x17: {  	s4 =	simm.s32 $0x1BF5;
	[smem:$0x3F93] =	sst s0  }
0x18: {  	s0 =	sld [smem:$0x3F76];
	_ =	swait.ge [sflag:s4], $0x0  }
0x19: {  	s7 =	sld [smem:$0x3F77]  }
0x1a: {  	s8 =	sadd.s32 $0xFFFFE003, lr  }
0x1b: {  	s9 =	sadd.s32 $0xFFFFFEF7, lr;
	s5 =	simm.s32 $0xFFFFFFFF;
	p2 =	slt.u32 s8, $0xFFFFF086  }
0x1c: {  	p1 =	slt.u32 s9, $0xF7A;
	s5 =	simm.s32 @!p2 $0x0  }
0x1d: {  	s5 =	simm.s32 @p1 $0x1;
	p0 =	seq.s32 s7, s2  }
0x1e: {  	s7 =	smul.u32 @!p0 $0xF7A, s2;
	p2 =	seq.s32 @!p0 s5, $0x0  }
0x1f: {  	s9 =	smul.u32 $0xF7A, s1;
	s8 =	simm.s32 @!p0 $0x1BF5;
	p2 =	por !p2, p0  }
0x20: {  	[sflag:s8] =	ssyncset.s32 @!p0 $0xFFFFF086;
	s6 =	sadd.s32 @!p0 s3, s7;
	s7 =	simm.s32 @!p0 $0x108  }
0x21: {  	s3 =	sadd.s32 s3, s9;
	s6 =	sadd.s32 @!p0 $0x88, s6;
	s7 =	simm.s32 @p2 $0x1082  }
0x22: {  	[simem:s7], [sflag:s8] =	dma.local @!p0 [hbm:s6], $0xF7A  }
0x23: {  	s9 =	sor.u32 $0xD0000000, s2;
	s6 =	simm.s32 $0x108;
	_ =	swait.ge @!p0 [sflag:s8], $0x0  }
0x24: {  	s3 =	sadd.s32 $0x88, s3;
	s6 =	simm.s32 @!p1 $0x1082;
	[sflag:s4] =	ssyncset.s32 $0xFFFFF086  }
0x25: {  	[simem:s6], [sflag:s4] =	dma.local [hbm:s3], $0xF7A  }
0x26: {  	[smem:$0x3F77] =	sst s1;
	(tag) =	ssettag s2;
	_ =	strace s9  }
0x27: {  	s1 =	sld [smem:$0x3F87]  }
0x28: {  	s2 =	sld [smem:$0x3F88]  }
0x29: {  	s4 =	sld [smem:$0x3F8A]  }
0x2a: {  	p0 =	seq.s32 s5, $0x0;
	s5 =	sld [smem:$0x3F8B]  }
0x2b: {  	s6 =	sld [smem:$0x3F8C]  }
0x2c: {  	s7 =	sld [smem:$0x3F8D]  }
0x2d: {  	s3 =	simm.s32 $0x108;
	s8 =	sld [smem:$0x3F8E]  }
0x2e: {  	s3 =	simm.s32 @!p0 $0x1082;
	s9 =	sld [smem:$0x3F8F]  }
0x2f: {  	lr =	sadd.s32 s0, s3;
	s0 =	sld [smem:$0x3F86]  }
0x30: {  	s3 =	sld [smem:$0x3F89]  }
0x31: {  	[smem:$0x3F92] =	sst s10  }
0x32: {  	s10 =	sld [smem:$0x3F90];
	_ =	sdelay $0x3  }
0x33: {  	p0 =	seq.s32 s10, $0x1;
	s10 =	sld [smem:$0x3F92];
	_ =	sdelay $0x3  }
0x34: {  	[smem:$0x3F92] =	sst s10  }
0x35: {  	s10 =	sld [smem:$0x3F91];
	_ =	sdelay $0x3  }
0x36: {  	p1 =	seq.s32 s10, $0x1;
	s10 =	sld [smem:$0x3F92];
	_ =	sdelay $0x3  }
0x37: {  	[smem:$0x3F92] =	sst s10  }
0x38: {  	s10 =	sld [smem:$0x3F93]  }
0x39: {  	_ = 	snop;
	(pc) =	sbr.ind lr, $3  }
0x3a: {  	_ = 	snop  }
0x3b: {  	_ = 	snop  }
0x3c: {  	p2 =	seq.s32 s10, $0x1;
	s10 =	sld [smem:$0x3F92]  }
0x3d: {  	_ =	shalt  }
0x3e: {  	_ =	shalt  }
0x3f: {  	_ =	shalt  }
0x40: {  	_ =	shalt  }
0x41: {  	_ =	shalt  }
0x42: {  	_ =	shalt  }
0x43: {  	_ =	shalt  }
0x44: {  	_ =	shalt  }
0x45: {  	_ =	shalt  }
0x46: {  	_ =	shalt  }
0x47: {  	_ =	shalt  }
0x48: {  	_ =	shalt  }
0x49: {  	_ =	shalt  }
0x4a: {  	_ =	shalt  }
0x4b: {  	_ =	shalt  }
0x4c: {  	_ =	shalt  }
0x4d: {  	_ =	shalt  }
0x4e: {  	_ =	shalt  }
0x4f: {  	_ =	shalt  }
0x50: {  	_ =	shalt  }
0x51: {  	_ =	shalt  }
0x52: {  	_ =	shalt  }
0x53: {  	_ =	shalt  }
0x54: {  	_ =	shalt  }
0x55: {  	_ =	shalt  }
0x56: {  	_ =	shalt  }
0x57: {  	_ =	shalt  }
0x58: {  	_ =	shalt  }
0x59: {  	_ =	shalt  }
0x5a: {  	_ =	shalt  }
0x5b: {  	_ =	shalt  }
0x5c: {  	_ =	shalt  }
0x5d: {  	_ =	shalt  }
0x5e: {  	_ =	shalt  }
0x5f: {  	_ =	shalt  }
0x60: {  	_ =	shalt  }
0x61: {  	_ =	shalt  }
0x62: {  	_ =	shalt  }
0x63: {  	_ =	shalt  }
0x64: {  	_ =	shalt  }
0x65: {  	_ =	shalt  }
0x66: {  	_ =	shalt  }
0x67: {  	_ =	shalt  }
0x68: {  	_ =	shalt  }
0x69: {  	_ =	shalt  }
0x6a: {  	_ =	shalt  }
0x6b: {  	_ =	shalt  }
0x6c: {  	_ =	shalt  }
0x6d: {  	_ =	shalt  }
0x6e: {  	_ =	shalt  }
0x6f: {  	_ =	shalt  }
0x70: {  	_ =	shalt  }
0x71: {  	_ =	shalt  }
0x72: {  	_ =	shalt  }
0x73: {  	_ =	shalt  }
0x74: {  	_ =	shalt  }
0x75: {  	_ =	shalt  }
0x76: {  	_ =	shalt  }
0x77: {  	_ =	shalt  }
0x78: {  	_ =	shalt  }
0x79: {  	_ =	shalt  }
0x7a: {  	_ =	shalt  }
0x7b: {  	_ =	shalt  }
0x7c: {  	_ =	shalt  }
0x7d: {  	_ =	shalt  }
0x7e: {  	_ =	shalt  }
0x7f: {  	_ =	shalt  }
0x80: {  	_ =	shalt  }
0x81: {  	_ =	shalt  }
0x82: {  	_ =	shalt  }
0x83: {  	_ =	shalt  }
0x84: {  	_ =	shalt  }
0x85: {  	_ =	shalt  }
0x86: {  	_ =	shalt  }
0x87: {  	_ =	shalt  }
.Lfunc_end0:
.L_simem_size_0:
called_computation.1_lowered:
.L_overlay_start_0:
0x88: {  	s2 =	sld [smem:$0x3FD9]  }
0x89: {  	s3 =	sld [smem:$0x3FFE];
	_ =	sdelay $0x1  }
0x8a: {  	s1 =	srdreg.scid  }
0x8b: {  	s0 =	sand.u32 $0x1, s1  }
0x8c: {  	s16 =	sshll.u32 s0, $0xA;
	s2 =	sadd.s32 s3, s2  }
0x8d: {  	s2 =	sadd.s32 s2, s16  }
0x8e: {  	[smem:$0x3F9E] =	sst s2  }
0x8f: {  	_ = 	snop  }
0x90: {  	(tm) =	ssettm $0x1  }
0x91: {  	s17 =	sld [smem:$0x3FFB];
	_ =	sdelay $0x3  }
0x92: {  	_ =	strace s17  }
0x93: {  	s2 =	sld [smem:$0x3FFC];
	_ =	sdelay $0x3  }
0x94: {  	_ =	strace s2  }
0x95: {  	s2 =	sld [smem:$0x3FFD];
	_ =	sdelay $0x3  }
0x96: {  	_ =	strace s2  }
0x97: {  	_ =	strace $0x8FFFFFFF  }
0x98: {  	s18 =	sld [smem:$0x3FDB];
	_ =	sdelay $0x1  }
0x99: {  	s19 =	simm.s32 $_scs_section_size  }
0x9a: {  	s4 =	simm.s32 $_size__tile_overlayer_lowered;
	s5 =	simm.s32 $_tile_overlayer_lowered  }
0x9b: {  	s22 =	simm.s32 $0x1BFF;
	s21 =	sshll.u32 s5, $0x1;
	s2 =	sadd.s32 s19, s18  }
0x9c: {  	s6 =	simm.s32 $0x0;
	s20 =	sshll.u32 s4, $0x1;
	s4 =	sadd.s32 s21, s2  }
0x9d: {  	[timem:s6], [sflag:s22] =	dma.local [hbm:s4], s20  }
0x9e: {  	_ =	swait.ge [sflag:s22], s20  }
0x9f: {  	s3 =	ssub.s32 $0x0, s20;
	[sflag:s22] =	ssyncset.done $0x0  }
0xa0: {  	[sflag:s22] =	ssyncadd.s32 s3;
	_ =	sdelay $0x1  }
0xa1: {  	s23 =	simm.s32 $0x1B8B  }
0xa2: {  	_ =	swait.ge [sflag:s23], $0x1  }
0xa3: {  	[sflag:s23] =	ssyncset.done $0x0  }
0xa4: {  	s25 =	simm.s32 $0x1B8E;
	s24 =	sld [smem:$0x3FFE];
	[sflag:s23] =	ssyncadd.s32 $0xFFFFFFFF  }
0xa5: {  	s26 =	simm.s32 $execute0_lowered;
	[smem:$0x3FD2] =	sst s25  }
0xa6: {  	s4 =	sshll.u32 s26, $0x1;
	_ =	strace $0x80000046;
	[dreg:$0x1] =	wrdreg $0xFFFFFFFF  }
0xa7: {  	s28 =	simm.s32 $_size_execute0_lowered;
	s2 =	sadd.s32 s2, s4;
	[dreg:$0x0] =	wrdreg $0x0  }
0xa8: {  	s4 =	sshll.u32 s28, $0x1;
	[dreg:$0x2] =	wrdreg s2  }
0xa9: {  	[dreg:$0x3] =	wrdreg s4  }
0xaa: {  	[dreg:$0x4] =	wrdreg $0xC0  }
0xab: {  	_ =	task [dreg:s6], $0x5FFFF  }
0xac: {  	[dreg:$0x1] =	wrdreg $0xFFFFFFFF  }
0xad: {  	[dreg:$0x0] =	wrdreg $0x60  }
0xae: {  	[dreg:$0x2] =	wrdreg s24  }
0xaf: {  	[dreg:$0x3] =	wrdreg $0xA  }
0xb0: {  	_ =	task.clear_ibuf [dreg:s6], $0x4FFFF;
	_ =	strace $0x90000046  }
0xb1: {  	s29 =	simm.s32 $0xA;
	_ =	strace $0x80000048  }
0xb2: {  	_ =	swait.ge [sflag:s29], $0x1  }
0xb3: {  	[sflag:s29] =	ssyncadd.s32 $0xFFFFFFFF  }
0xb4: {  	_ =	strace $0x90000048  }
0xb5: {  	_ =	sfence  }
0xb6: {  	s30 =	sld [smem:$0x0];
	_ =	sdelay $0x2  }
0xb7: {  	s31 =	sshll.u32 s1, $0xD;
	s1 =	sshrl.u32 s1, $0x2  }
0xb8: {  	s3 =	sand.u32 $0x4000, s31;
	s1 =	sadd.s32 s1, s30  }
0xb9: {  	s0 =	sor.u32 s3, s0;
	s1 =	sshll.u32 s1, $0x11  }
0xba: {  	s0 =	sor.u32 s1, s0  }
0xbb: {  	s0 =	sadd.s32 $0x8F2B, s0  }
0xbc: {  	[sflag:s0] =	ssyncadd.remote.s32 $0x1  }
0xbd: {  	_ =	sfence.sel $0xFFFF  }
0xbe: {  	[dreg:$0x0] =	wrdreg $0xFFFFFFFF;
	(pc) =	sbr.abs _section_cstart, $3  }
0xbf: {  	[dreg:$0x1] =	wrdreg $0xFFFFFFFF  }
0xc0: {  	_ =	task.clear_ibuf [dreg:s6], $0x2FFFF;
	_ =	strace $0x9FFFFFFF  }
0xc1: {  	(tm) =	ssettm $0x7FFFFFFF  }
tec
execute0_lowered:
.L_overlay_start_1:
0x0: {  	(tag) =	ssettag $0x1  }
0x1: {  	s1 =	srdreg.scid  }
0x2: {  	s0 =	stileid.u32;
	s10 =	sand.u32 $0x1, s1  }
0x3: {  	s8 =	rddreg [dreg:$0x0];
	s3 =	sshll.u32 s0, $0x9;
	s4 =	sshll.u32 s10, $0x8  }
0x4: {  	s2 =	simm.s32 $0x0;
	s1 =	rddreg [dreg:$0x1];
	s9 =	sor.u32 s4, s3  }
0x5: {  	[smem:$0x7FF] =	sst s2;
	s11 =	sadd.s32 $0x19400, s8;
	s3 =	sshrl.u32 s9, $0x3  }
0x6: {  	_ =	strace $0x80000047;
	s4 =	sadd.s32 s11, s3;
	s3 =	simm.s32 $0x2  }
0x7: {  	[tilespmem:s2], [sflag:$0x2] =	stream.linear.gather [hbm4b:s4+s2], $0x80, $0x38;
	[tilespmem:$0x2080] =	vst v63  }
0x8: {  	_ =	swait.ge [sflag:s3], $0x80  }
0x9: {  	s6 =	simm.s32 $0x80;
	[sflag:s3] =	ssyncset.done $0x0  }
0xa: {  	s7 =	simm.s32 $0x1;
	s5 =	sadd.s32 $0x11400, s8;
	[sflag:s3] =	ssyncadd.s32 $0xFFFFFF80  }
0xb: {  	[tilespmem:s6], [sflag:$0x1] =	stream.indirect.gather [hbm4b:s5+s6], $0x40, s2, s6, $0xb8;
	[tilespmem:$0x2080] =	vst v63  }
0xc: {  	_ =	swait.ge [sflag:s7], $0x2000  }
0xd: {  	s12 =	sadd.s32 $0x19C00, s8;
	s29 =	sshll.u32 s9, $0x3;
	[sflag:s7] =	ssyncset.done $0x0  }
0xe: {  	s8 =	sadd.s32 s12, s29;
	[sflag:s7] =	ssyncadd.s32 $0xFFFFE000  }
0xf: {  	[hbm4b:s8+s2] =	stream.linear.scatter [tilespmem:s6], [sflag:$0x2], $0x2000, $0x38;
	[tilespmem:$0x2080] =	vst v63  }
0x10: {  	s13 =	sor.u32 $0x80, s9;
	_ =	swait.ge [sflag:s3], $0x2000  }
0x11: {  	s9 =	sshrl.u32 s13, $0x3;
	[sflag:s3] =	ssyncset.done $0x0  }
0x12: {  	s10 =	ssub.s32 $0x2, s10;
	s9 =	sadd.s32 s11, s9;
	[sflag:s3] =	ssyncadd.s32 $0xFFFFE000  }
0x13: {  	[tilespmem:s2], [sflag:$0x2] =	stream.linear.gather [hbm4b:s9+s2], $0x80, $0x38;
	[tilespmem:$0x2080] =	vst v63  }
0x14: {  	s30 =	sshrl.u32 s10, $0x1;
	_ =	swait.ge [sflag:s3], $0x80  }
0x15: {  	s11 =	ssub.s32 s10, s30;
	[sflag:s3] =	ssyncset.done $0x0  }
0x16: {  	s11 =	smax.u32 s11, $0x1;
	[sflag:s3] =	ssyncadd.s32 $0xFFFFFF80  }
0x17: {  	[tilespmem:s6], [sflag:$0x1] =	stream.indirect.gather [hbm4b:s5+s6], $0x40, s2, s6, $0xb8;
	[tilespmem:$0x2080] =	vst v63  }
0x18: {  	p0 =	sne.s32 s11, $0x1;
	_ =	swait.ge [sflag:s7], $0x2000  }
.Ltmp0:
0x19: {  	s31 =	sshll.u32 s13, $0x3;
	[sflag:s7] =	ssyncset.done $0x0;
	(pc) =	sbr.rel @!p0 .LBB2_2-.Ltmp0, $4  }
0x1a: {  	s10 =	sadd.s32 s12, s31;
	[sflag:s7] =	ssyncadd.s32 $0xFFFFE000  }
0x1b: {  	[hbm4b:s10+s2] =	stream.linear.scatter [tilespmem:s6], [sflag:$0x2], $0x2000, $0x38;
	[tilespmem:$0x2080] =	vst v63  }
0x1c: {  	_ =	swait.ge [sflag:s3], $0x2000  }
0x1d: {  	s11 =	sadd.s32 $0xFFFFFFFF, s11;
	[sflag:s3] =	ssyncset.done $0x0  }
.LBB2_1:
0x1e: {  	p0 =	sne.s32 s11, $0x1;
	s11 =	sadd.s32 $0xFFFFFFFF, s11;
	[sflag:s3] =	ssyncadd.s32 $0xFFFFE000  }
0x1f: {  	[tilespmem:s2], [sflag:$0x2] =	stream.linear.gather [hbm4b:s4+s2], $0x80, $0x38;
	[tilespmem:$0x2080] =	vst v63  }
0x20: {  	_ =	swait.ge [sflag:s3], $0x80  }
0x21: {  	[sflag:s3] =	ssyncset.done $0x0  }
0x22: {  	[sflag:s3] =	ssyncadd.s32 $0xFFFFFF80  }
0x23: {  	[tilespmem:s6], [sflag:$0x1] =	stream.indirect.gather [hbm4b:s5+s6], $0x40, s2, s6, $0xb8;
	[tilespmem:$0x2080] =	vst v63  }
0x24: {  	_ =	swait.ge [sflag:s7], $0x2000  }
0x25: {  	[sflag:s7] =	ssyncset.done $0x0  }
0x26: {  	[sflag:s7] =	ssyncadd.s32 $0xFFFFE000  }
0x27: {  	[hbm4b:s8+s2] =	stream.linear.scatter [tilespmem:s6], [sflag:$0x2], $0x2000, $0x38;
	[tilespmem:$0x2080] =	vst v63  }
0x28: {  	_ =	swait.ge [sflag:s3], $0x2000  }
0x29: {  	[sflag:s3] =	ssyncset.done $0x0  }
0x2a: {  	[sflag:s3] =	ssyncadd.s32 $0xFFFFE000  }
0x2b: {  	[tilespmem:s2], [sflag:$0x2] =	stream.linear.gather [hbm4b:s9+s2], $0x80, $0x38;
	[tilespmem:$0x2080] =	vst v63  }
0x2c: {  	_ =	swait.ge [sflag:s3], $0x80  }
0x2d: {  	[sflag:s3] =	ssyncset.done $0x0  }
0x2e: {  	[sflag:s3] =	ssyncadd.s32 $0xFFFFFF80  }
0x2f: {  	[tilespmem:s6], [sflag:$0x1] =	stream.indirect.gather [hbm4b:s5+s6], $0x40, s2, s6, $0xb8;
	[tilespmem:$0x2080] =	vst v63  }
0x30: {  	_ =	swait.ge [sflag:s7], $0x2000  }
.Ltmp1:
0x31: {  	[sflag:s7] =	ssyncset.done $0x0;
	(pc) =	sbr.rel @p0 .LBB2_1-.Ltmp1, $4  }
0x32: {  	[sflag:s7] =	ssyncadd.s32 $0xFFFFE000  }
0x33: {  	[hbm4b:s10+s2] =	stream.linear.scatter [tilespmem:s6], [sflag:$0x2], $0x2000, $0x38;
	[tilespmem:$0x2080] =	vst v63  }
0x34: {  	_ =	swait.ge [sflag:s3], $0x2000  }
0x35: {  	[sflag:s3] =	ssyncset.done $0x0  }
.LBB2_2:
0x36: {  	[sflag:s3] =	ssyncadd.s32 $0xFFFFE000  }
0x37: {  	_ =	sfence.sel $0x180000  }
0x38: {  	[bflag:$0x0] =	sbarrier.arrive $0xFFFF  }
0x39: {  	p0 =	sne.s32 s0, $0x0;
	_ =	strace $0x90000047  }
0x3a: {  	s0 =	sadd.s32 @!p0 $0x100000, s1;
	[bflag:$0x2] =	sbarrier.arrive $0xFFFF  }
0x3b: {  	[sflag:s0] =	ssyncadd.tile.s32 @!p0 $0x1;
	_ =	shalt  }
.Lfunc_end2:
_tile_overlayer_lowered:
.L_overlay_start_2:
0x3c: {  	(tag) =	ssettag $0x2  }
0x3d: {  	s0 =	rddreg [dreg:$0x0];
	s2 =	stileid.u32  }
0x3e: {  	s1 =	rddreg [dreg:$0x1];
	p0 =	sne.s32 s2, $0x0  }
0x3f: {  	s3 =	rddreg [dreg:$0x2];
	[bflag:$0x3] =	sbarrier.arrive $0xFFFF;
	s2 =	simm.s32 @!p0 $0x1C02  }
0x40: {  	[timem:s3], [sflag:s2] =	dma.local @!p0 [hbm:s0], s1  }
0x41: {  	s0 =	simm.s32 @!p0 $0x2  }
0x42: {  	_ =	swait.ge @!p0 [sflag:s0], s1  }
0x43: {  	s1 =	ssub.s32 @!p0 $0x0, s1;
	[sflag:s0] =	ssyncset.done @!p0 $0x0  }
0x44: {  	[sflag:s0] =	ssyncadd.s32 @!p0 s1  }
0x45: {  	[bflag:$0x3] =	sbarrier.arrive $0xFFFF  }
0x46: {  	_ =	shalt  }

// kernel: kernel.35.cloned.1.call-start
scs
__scs_entry_jumppad:
0x0: {  	(pc) =	sbr.rel $0x88, $3  }
0x1: {  	(tag) =	ssettag $0x0;
	lr =	simm.s32 $0x1  }
0x2: {  	[smem:$0x3F77] =	sst lr;
	_ =	strace $0xD0000000  }
0x3: {  	_ = 	snop  }
0x4: {  	_ = 	snop  }
0x5: {  	_ = 	snop  }
0x6: {  	_ = 	snop  }
0x7: {  	_ = 	snop  }
__scs_overlays_trampoline_lowered:
0x8: {  	[smem:$0x3F86] =	sst s0  }
0x9: {  	[smem:$0x3F87] =	sst s1  }
0xa: {  	[smem:$0x3F88] =	sst s2  }
0xb: {  	[smem:$0x3F89] =	sst s3  }
0xc: {  	[smem:$0x3F8A] =	sst s4  }
0xd: {  	[smem:$0x3F8B] =	sst s5  }
0xe: {  	[smem:$0x3F8C] =	sst s6  }
0xf: {  	[smem:$0x3F8D] =	sst s7  }
0x10: {  	[smem:$0x3F8E] =	sst s8  }
0x11: {  	[smem:$0x3F8F] =	sst s9;
	s0 =	simm.s32 @!p0 $0x0  }
0x12: {  	s1 =	sld [smem:$0x3F75];
	s0 =	simm.s32 @p0 $0x1  }
0x13: {  	[smem:$0x3F90] =	sst s0;
	s0 =	simm.s32 @!p1 $0x0  }
0x14: {  	s2 =	sld [smem:$0x3F74];
	s0 =	simm.s32 @p1 $0x1  }
0x15: {  	[smem:$0x3F91] =	sst s0;
	s0 =	simm.s32 @!p2 $0x0  }
0x16: {  	s3 =	sld [smem:$0x3FDB];
	s0 =	simm.s32 @p2 $0x1  }
0x17: {  	s4 =	simm.s32 $0x1BF5;
	[smem:$0x3F93] =	sst s0  }
0x18: {  	s0 =	sld [smem:$0x3F76];
	_ =	swait.ge [sflag:s4], $0x0  }
0x19: {  	s7 =	sld [smem:$0x3F77]  }
0x1a: {  	s8 =	sadd.s32 $0xFFFFE003, lr  }
0x1b: {  	s9 =	sadd.s32 $0xFFFFFEF7, lr;
	s5 =	simm.s32 $0xFFFFFFFF;
	p2 =	slt.u32 s8, $0xFFFFF086  }
0x1c: {  	p1 =	slt.u32 s9, $0xF7A;
	s5 =	simm.s32 @!p2 $0x0  }
0x1d: {  	s5 =	simm.s32 @p1 $0x1;
	p0 =	seq.s32 s7, s2  }
0x1e: {  	s7 =	smul.u32 @!p0 $0xF7A, s2;
	p2 =	seq.s32 @!p0 s5, $0x0  }
0x1f: {  	s9 =	smul.u32 $0xF7A, s1;
	s8 =	simm.s32 @!p0 $0x1BF5;
	p2 =	por !p2, p0  }
0x20: {  	[sflag:s8] =	ssyncset.s32 @!p0 $0xFFFFF086;
	s6 =	sadd.s32 @!p0 s3, s7;
	s7 =	simm.s32 @!p0 $0x108  }
0x21: {  	s3 =	sadd.s32 s3, s9;
	s6 =	sadd.s32 @!p0 $0x88, s6;
	s7 =	simm.s32 @p2 $0x1082  }
0x22: {  	[simem:s7], [sflag:s8] =	dma.local @!p0 [hbm:s6], $0xF7A  }
0x23: {  	s9 =	sor.u32 $0xD0000000, s2;
	s6 =	simm.s32 $0x108;
	_ =	swait.ge @!p0 [sflag:s8], $0x0  }
0x24: {  	s3 =	sadd.s32 $0x88, s3;
	s6 =	simm.s32 @!p1 $0x1082;
	[sflag:s4] =	ssyncset.s32 $0xFFFFF086  }
0x25: {  	[simem:s6], [sflag:s4] =	dma.local [hbm:s3], $0xF7A  }
0x26: {  	[smem:$0x3F77] =	sst s1;
	(tag) =	ssettag s2;
	_ =	strace s9  }
0x27: {  	s1 =	sld [smem:$0x3F87]  }
0x28: {  	s2 =	sld [smem:$0x3F88]  }
0x29: {  	s4 =	sld [smem:$0x3F8A]  }
0x2a: {  	p0 =	seq.s32 s5, $0x0;
	s5 =	sld [smem:$0x3F8B]  }
0x2b: {  	s6 =	sld [smem:$0x3F8C]  }
0x2c: {  	s7 =	sld [smem:$0x3F8D]  }
0x2d: {  	s3 =	simm.s32 $0x108;
	s8 =	sld [smem:$0x3F8E]  }
0x2e: {  	s3 =	simm.s32 @!p0 $0x1082;
	s9 =	sld [smem:$0x3F8F]  }
0x2f: {  	lr =	sadd.s32 s0, s3;
	s0 =	sld [smem:$0x3F86]  }
0x30: {  	s3 =	sld [smem:$0x3F89]  }
0x31: {  	[smem:$0x3F92] =	sst s10  }
0x32: {  	s10 =	sld [smem:$0x3F90];
	_ =	sdelay $0x3  }
0x33: {  	p0 =	seq.s32 s10, $0x1;
	s10 =	sld [smem:$0x3F92];
	_ =	sdelay $0x3  }
0x34: {  	[smem:$0x3F92] =	sst s10  }
0x35: {  	s10 =	sld [smem:$0x3F91];
	_ =	sdelay $0x3  }
0x36: {  	p1 =	seq.s32 s10, $0x1;
	s10 =	sld [smem:$0x3F92];
	_ =	sdelay $0x3  }
0x37: {  	[smem:$0x3F92] =	sst s10  }
0x38: {  	s10 =	sld [smem:$0x3F93]  }
0x39: {  	_ = 	snop;
	(pc) =	sbr.ind lr, $3  }
0x3a: {  	_ = 	snop  }
0x3b: {  	_ = 	snop  }
0x3c: {  	p2 =	seq.s32 s10, $0x1;
	s10 =	sld [smem:$0x3F92]  }
0x3d: {  	_ =	shalt  }
0x3e: {  	_ =	shalt  }
0x3f: {  	_ =	shalt  }
0x40: {  	_ =	shalt  }
0x41: {  	_ =	shalt  }
0x42: {  	_ =	shalt  }
0x43: {  	_ =	shalt  }
0x44: {  	_ =	shalt  }
0x45: {  	_ =	shalt  }
0x46: {  	_ =	shalt  }
0x47: {  	_ =	shalt  }
0x48: {  	_ =	shalt  }
0x49: {  	_ =	shalt  }
0x4a: {  	_ =	shalt  }
0x4b: {  	_ =	shalt  }
0x4c: {  	_ =	shalt  }
0x4d: {  	_ =	shalt  }
0x4e: {  	_ =	shalt  }
0x4f: {  	_ =	shalt  }
0x50: {  	_ =	shalt  }
0x51: {  	_ =	shalt  }
0x52: {  	_ =	shalt  }
0x53: {  	_ =	shalt  }
0x54: {  	_ =	shalt  }
0x55: {  	_ =	shalt  }
0x56: {  	_ =	shalt  }
0x57: {  	_ =	shalt  }
0x58: {  	_ =	shalt  }
0x59: {  	_ =	shalt  }
0x5a: {  	_ =	shalt  }
0x5b: {  	_ =	shalt  }
0x5c: {  	_ =	shalt  }
0x5d: {  	_ =	shalt  }
0x5e: {  	_ =	shalt  }
0x5f: {  	_ =	shalt  }
0x60: {  	_ =	shalt  }
0x61: {  	_ =	shalt  }
0x62: {  	_ =	shalt  }
0x63: {  	_ =	shalt  }
0x64: {  	_ =	shalt  }
0x65: {  	_ =	shalt  }
0x66: {  	_ =	shalt  }
0x67: {  	_ =	shalt  }
0x68: {  	_ =	shalt  }
0x69: {  	_ =	shalt  }
0x6a: {  	_ =	shalt  }
0x6b: {  	_ =	shalt  }
0x6c: {  	_ =	shalt  }
0x6d: {  	_ =	shalt  }
0x6e: {  	_ =	shalt  }
0x6f: {  	_ =	shalt  }
0x70: {  	_ =	shalt  }
0x71: {  	_ =	shalt  }
0x72: {  	_ =	shalt  }
0x73: {  	_ =	shalt  }
0x74: {  	_ =	shalt  }
0x75: {  	_ =	shalt  }
0x76: {  	_ =	shalt  }
0x77: {  	_ =	shalt  }
0x78: {  	_ =	shalt  }
0x79: {  	_ =	shalt  }
0x7a: {  	_ =	shalt  }
0x7b: {  	_ =	shalt  }
0x7c: {  	_ =	shalt  }
0x7d: {  	_ =	shalt  }
0x7e: {  	_ =	shalt  }
0x7f: {  	_ =	shalt  }
0x80: {  	_ =	shalt  }
0x81: {  	_ =	shalt  }
0x82: {  	_ =	shalt  }
0x83: {  	_ =	shalt  }
0x84: {  	_ =	shalt  }
0x85: {  	_ =	shalt  }
0x86: {  	_ =	shalt  }
0x87: {  	_ =	shalt  }
.Lfunc_end0:
.L_simem_size_0:
called_computation.2_lowered:
.L_overlay_start_0:
0x88: {  	s2 =	sld [smem:$0x3FD9]  }
0x89: {  	s3 =	sld [smem:$0x3FFE];
	_ =	sdelay $0x1  }
0x8a: {  	s1 =	srdreg.scid  }
0x8b: {  	s0 =	sand.u32 $0x1, s1  }
0x8c: {  	s15 =	sshll.u32 s0, $0xA;
	s2 =	sadd.s32 s3, s2  }
0x8d: {  	s2 =	sadd.s32 s2, s15  }
0x8e: {  	[smem:$0x3F9E] =	sst s2  }
0x8f: {  	_ = 	snop  }
0x90: {  	s2 =	sld [smem:$0x3FD0];
	_ =	sdelay $0x2  }
0x91: {  	s16 =	simm.s32 $0xB;
	s4 =	simm.s32 $0x10  }
0x92: {  	[smem:s4], [sflag:s16] =	dma.local [hbm:s2], $0x1  }
0x93: {  	_ =	swait.eq [sflag:s16], $0x1  }
0x94: {  	[sflag:s16] =	ssyncset.done $0x0  }
0x95: {  	[sflag:s16] =	ssyncadd.s32 $0xFFFFFFFF  }
0x96: {  	s17 =	sld [smem:$0x11];
	(tm) =	ssettm $0x1  }
0x97: {  	s18 =	sld [smem:$0x3FFB];
	_ =	sdelay $0x3  }
0x98: {  	_ =	strace s18  }
0x99: {  	s2 =	sld [smem:$0x3FFC];
	_ =	sdelay $0x3  }
0x9a: {  	_ =	strace s2  }
0x9b: {  	s2 =	sld [smem:$0x3FFD];
	_ =	sdelay $0x3  }
0x9c: {  	_ =	strace s2  }
0x9d: {  	_ =	strace $0x8FFFFFFF  }
0x9e: {  	s19 =	sld [smem:$0x3FDB];
	_ =	sdelay $0x1  }
0x9f: {  	s20 =	simm.s32 $_scs_section_size  }
0xa0: {  	s5 =	simm.s32 $_size__tile_overlayer_lowered;
	s6 =	simm.s32 $_tile_overlayer_lowered  }
0xa1: {  	s7 =	simm.s32 $0x1BFF;
	s21 =	sshll.u32 s6, $0x1;
	s4 =	sadd.s32 s20, s19  }
0xa2: {  	s22 =	simm.s32 $0x0;
	s5 =	sshll.u32 s5, $0x1;
	s6 =	sadd.s32 s21, s4  }
0xa3: {  	[timem:s22], [sflag:s7] =	dma.local [hbm:s6], s5  }
0xa4: {  	_ =	swait.ge [sflag:s7], s5  }
0xa5: {  	s5 =	ssub.s32 $0x0, s5;
	[sflag:s7] =	ssyncset.done $0x0  }
0xa6: {  	[sflag:s7] =	ssyncadd.s32 s5;
	_ =	sdelay $0x1  }
0xa7: {  	s23 =	simm.s32 $0x1B8B  }
0xa8: {  	_ =	swait.ge [sflag:s23], $0x1  }
0xa9: {  	[sflag:s23] =	ssyncset.done $0x0  }
0xaa: {  	[sflag:s23] =	ssyncadd.s32 $0xFFFFFFFF  }
0xab: {  	s5 =	sld [smem:$0x0]  }
0xac: {  	s6 =	sand.u32 $0xFFFFFFFE, s1  }
0xad: {  	p0 =	sne.s32 s1, s6  }
0xae: {  	s6 =	sshll.u32 @p0 s6, $0xE  }
0xaf: {  	s6 =	sadd.s32 @p0 $0x11B8D, s6;
	s7 =	sshll.u32 @p0 s5, $0x11  }
0xb0: {  	s6 =	sor.u32 @p0 s7, s6  }
0xb1: {  	[sflag:s6] =	ssyncadd.remote.s32 @p0 $0x1;
	_ =	sdelay $0x1  }
0xb2: {  	s6 =	simm.s32 @p0 $0x1B8D  }
0xb3: {  	_ =	swait.eq @p0 [sflag:s6], $0x1  }
0xb4: {  	[sflag:s6] =	ssyncadd.s32 @p0 $0xFFFFFFFF  }
0xb5: {  	s7 =	sshll.u32 @!p0 s1, $0xE  }
0xb6: {  	s7 =	sor.u32 @!p0 $0x4000, s7;
	s6 =	simm.s32 @!p0 $0x1B8D  }
0xb7: {  	s5 =	sshll.u32 @!p0 s5, $0x11;
	s7 =	sadd.s32 @!p0 $0x11B8D, s7;
	_ =	swait.eq @!p0 [sflag:s6], $0x1  }
0xb8: {  	s5 =	sor.u32 @!p0 s5, s7;
	[sflag:s6] =	ssyncadd.s32 @!p0 $0xFFFFFFFF  }
0xb9: {  	s25 =	simm.s32 $0x1B8E;
	s24 =	sld [smem:$0x3FFE];
	[sflag:s5] =	ssyncadd.remote.s32 @!p0 $0x1  }
0xba: {  	s26 =	simm.s32 $execute0_lowered;
	[smem:$0x3FD2] =	sst s25  }
0xbb: {  	s6 =	sshll.u32 s26, $0x1;
	_ =	strace $0x8000004F;
	[dreg:$0x1] =	wrdreg $0xFFFFFFFF  }
0xbc: {  	s28 =	simm.s32 $_size_execute0_lowered;
	s4 =	sadd.s32 s4, s6;
	[dreg:$0x0] =	wrdreg $0x0  }
0xbd: {  	s6 =	sshll.u32 s28, $0x1;
	[dreg:$0x2] =	wrdreg s4  }
0xbe: {  	[dreg:$0x3] =	wrdreg s6  }
0xbf: {  	[dreg:$0x4] =	wrdreg $0xC0  }
0xc0: {  	_ =	task [dreg:s22], $0x5FFFF  }
0xc1: {  	[dreg:$0x1] =	wrdreg $0xFFFFFFFF  }
0xc2: {  	[dreg:$0x0] =	wrdreg $0x60  }
0xc3: {  	[dreg:$0x2] =	wrdreg s17  }
0xc4: {  	[dreg:$0x3] =	wrdreg s24  }
0xc5: {  	[dreg:$0x4] =	wrdreg $0x28800  }
0xc6: {  	[dreg:$0x5] =	wrdreg $0x9  }
0xc7: {  	_ =	task.clear_ibuf [dreg:s22], $0x6FFFF;
	_ =	strace $0x9000004F  }
0xc8: {  	s29 =	simm.s32 $0x9;
	_ =	strace $0x80000051  }
0xc9: {  	_ =	swait.ge [sflag:s29], $0x1  }
0xca: {  	[sflag:s29] =	ssyncadd.s32 $0xFFFFFFFF  }
0xcb: {  	_ =	strace $0x90000051  }
0xcc: {  	_ =	sfence  }
0xcd: {  	s30 =	sld [smem:$0x0];
	_ =	sdelay $0x2  }
0xce: {  	s31 =	sshll.u32 s1, $0xD;
	s1 =	sshrl.u32 s1, $0x2  }
0xcf: {  	s4 =	sand.u32 $0x4000, s31;
	s1 =	sadd.s32 s1, s30  }
0xd0: {  	s0 =	sor.u32 s4, s0;
	s1 =	sshll.u32 s1, $0x11  }
0xd1: {  	s0 =	sor.u32 s1, s0  }
0xd2: {  	s0 =	sadd.s32 $0x8F2B, s0  }
0xd3: {  	[sflag:s0] =	ssyncadd.remote.s32 $0x1  }
0xd4: {  	_ =	sfence.sel $0xFFFF  }
0xd5: {  	[dreg:$0x0] =	wrdreg $0xFFFFFFFF;
	(pc) =	sbr.abs _section_cstart, $3  }
0xd6: {  	[dreg:$0x1] =	wrdreg $0xFFFFFFFF  }
0xd7: {  	_ =	task.clear_ibuf [dreg:s22], $0x2FFFF;
	_ =	strace $0x9FFFFFFF  }
0xd8: {  	(tm) =	ssettm $0x7FFFFFFF  }
0xd9: {  	_ =	shalt  }
tec
execute0_lowered:
.L_overlay_start_1:
0x0: {  	(tag) =	ssettag $0x1  }
0x1: {  	s12 =	rddreg [dreg:$0x0]  }
0x2: {  	s13 =	rddreg [dreg:$0x1]  }
0x3: {  	s2 =	rddreg [dreg:$0x2]  }
0x4: {  	s0 =	stileid.u32;
	s1 =	rddreg [dreg:$0x3]  }
0x5: {  	s3 =	simm.s32 $0x0;
	s5 =	srdreg.scid;
	s14 =	smul.u32 $0x5000, s0  }
0x6: {  	[smem:$0x7FF] =	sst s3;
	s15 =	sand.u32 $0x1, s5  }
0x7: {  	s26 =	sshll.u32 s0, $0x6;
	_ =	strace $0x80000050;
	s4 =	sshrl.u32 s14, $0x3  }
0x8: {  	s5 =	sor.u32 $0x1C01, s26;
	s6 =	sadd.s32 s14, s2;
	s4 =	sadd.s32 s4, s13  }
0x9: {  	s7 =	sshrl.u32 s6, $0x3;
	s6 =	simm.s32 $0x1;
	s4 =	sadd.s32 $0x19C00, s4  }
0xa: {  	[spmem:s7], [sflag:s5] =	dma.local [hbm:s4], $0xA00  }
0xb: {  	s8 =	sshll.u32 s0, $0x8;
	s9 =	sshll.u32 s15, $0xC;
	_ =	swait.ge [sflag:s6], $0xA00  }
0xc: {  	s11 =	sor.u32 s8, s9;
	[sflag:s6] =	ssyncset.done $0x0  }
0xd: {  	s16 =	sadd.s32 $0x32000, s13;
	s8 =	sshrl.u32 s11, $0x3;
	[sflag:s6] =	ssyncadd.s32 $0xFFFFF600  }
0xe: {  	s8 =	sadd.s32 s16, s8;
	[bflag:$0x0] =	sbarrier.arrive $0xFFFF  }
0xf: {  	[tilespmem:s3], [sflag:$0x1] =	stream.linear.gather [hbm4b:s8+s3], $0x80, $0x38;
	[tilespmem:$0x7880] =	vst v63  }
0x10: {  	s9 =	smul.u32 $0xA, s11;
	_ =	swait.ge [sflag:s6], $0x80  }
0x11: {  	[sflag:s6] =	ssyncset.done $0x0  }
0x12: {  	s10 =	simm.s32 $0x80;
	s9 =	sadd.s32 s12, s9;
	[sflag:s6] =	ssyncadd.s32 $0xFFFFFF80  }
0x13: {  	[tilespmem:s10], [sflag:$0x1] =	stream.linear.gather [hbm4b:s9+s3], $0x2800, $0x38;
	[tilespmem:$0x7880] =	vst v63  }
0x14: {  	_ =	swait.ge [sflag:s6], $0x2800  }
0x15: {  	[sflag:s6] =	ssyncset.done $0x0  }
0x16: {  	[sflag:s6] =	ssyncadd.s32 $0xFFFFD800  }
0x17: {  	[spmem:s2] =	stream.indirect.scatter.add.f32 [tilespmem:s10], [sflag:$0x1], $0x50, s3, s10, $0xb8;
	[tilespmem:$0x7880] =	vst v63  }
0x18: {  	s17 =	sor.u32 $0x80, s11;
	_ =	swait.ge [sflag:s6], $0x2800  }
0x19: {  	s11 =	sshrl.u32 s17, $0x3;
	[sflag:s6] =	ssyncset.done $0x0  }
0x1a: {  	s11 =	sadd.s32 s16, s11;
	[sflag:s6] =	ssyncadd.s32 $0xFFFFD800  }
0x1b: {  	[tilespmem:s3], [sflag:$0x1] =	stream.linear.gather [hbm4b:s11+s3], $0x80, $0x38;
	[tilespmem:$0x7880] =	vst v63  }
0x1c: {  	s28 =	smul.u32 $0xA, s17;
	_ =	swait.ge [sflag:s6], $0x80  }
0x1d: {  	[sflag:s6] =	ssyncset.done $0x0  }
0x1e: {  	s29 =	smul.u32 $0x50000, s15;
	s12 =	sadd.s32 s12, s28;
	[sflag:s6] =	ssyncadd.s32 $0xFFFFFF80  }
0x1f: {  	[tilespmem:s10], [sflag:$0x1] =	stream.linear.gather [hbm4b:s12+s3], $0x2800, $0x38;
	[tilespmem:$0x7880] =	vst v63  }
0x20: {  	s15 =	ssub.s32 $0x2, s15;
	_ =	swait.ge [sflag:s6], $0x2800  }
0x21: {  	s30 =	sshrl.u32 s15, $0x1;
	s14 =	sadd.s32 s14, s29;
	[sflag:s6] =	ssyncset.done $0x0  }
0x22: {  	s31 =	ssub.s32 s15, s30;
	s14 =	sshrl.u32 s14, $0x3;
	[sflag:s6] =	ssyncadd.s32 $0xFFFFD800  }
0x23: {  	[spmem:s2] =	stream.indirect.scatter.add.f32 [tilespmem:s10], [sflag:$0x1], $0x50, s3, s10, $0xb8;
	[tilespmem:$0x7880] =	vst v63  }
0x24: {  	s13 =	sadd.s32 s14, s13;
	s14 =	smax.u32 s31, $0x1;
	_ =	swait.ge [sflag:s6], $0x2800  }
0x25: {  	p0 =	sne.s32 s14, $0x1;
	[sflag:s6] =	ssyncset.done $0x0  }
.Ltmp0:
0x26: {  	[sflag:s6] =	ssyncadd.s32 $0xFFFFD800;
	(pc) =	sbr.rel @!p0 .LBB2_2-.Ltmp0, $4  }
0x27: {  	s13 =	sadd.s32 $0x5CC00, s13;
	[bflag:$0x0] =	sbarrier.arrive $0xFFFF  }
0x28: {  	[hbm:s13], [sflag:s5] =	dma.local [spmem:s7], $0xA00  }
0x29: {  	_ =	swait.ge [sflag:s6], $0xA00  }
0x2a: {  	s14 =	sadd.s32 $0xFFFFFFFF, s14;
	[sflag:s6] =	ssyncset.done $0x0  }
.LBB2_1:
0x2b: {  	p0 =	sne.s32 s14, $0x1;
	s14 =	sadd.s32 $0xFFFFFFFF, s14;
	[sflag:s6] =	ssyncadd.s32 $0xFFFFF600  }
0x2c: {  	[spmem:s7], [sflag:s5] =	dma.local [hbm:s4], $0xA00  }
0x2d: {  	_ =	swait.ge [sflag:s6], $0xA00  }
0x2e: {  	[sflag:s6] =	ssyncset.done $0x0  }
0x2f: {  	[sflag:s6] =	ssyncadd.s32 $0xFFFFF600  }
0x30: {  	[bflag:$0x0] =	sbarrier.arrive $0xFFFF  }
0x31: {  	[tilespmem:s3], [sflag:$0x1] =	stream.linear.gather [hbm4b:s8+s3], $0x80, $0x38;
	[tilespmem:$0x7880] =	vst v63  }
0x32: {  	_ =	swait.ge [sflag:s6], $0x80  }
0x33: {  	[sflag:s6] =	ssyncset.done $0x0  }
0x34: {  	[sflag:s6] =	ssyncadd.s32 $0xFFFFFF80  }
0x35: {  	[tilespmem:s10], [sflag:$0x1] =	stream.linear.gather [hbm4b:s9+s3], $0x2800, $0x38;
	[tilespmem:$0x7880] =	vst v63  }
0x36: {  	_ =	swait.ge [sflag:s6], $0x2800  }
0x37: {  	[sflag:s6] =	ssyncset.done $0x0  }
0x38: {  	[sflag:s6] =	ssyncadd.s32 $0xFFFFD800  }
0x39: {  	[spmem:s2] =	stream.indirect.scatter.add.f32 [tilespmem:s10], [sflag:$0x1], $0x50, s3, s10, $0xb8;
	[tilespmem:$0x7880] =	vst v63  }
0x3a: {  	_ =	swait.ge [sflag:s6], $0x2800  }
0x3b: {  	[sflag:s6] =	ssyncset.done $0x0  }
0x3c: {  	[sflag:s6] =	ssyncadd.s32 $0xFFFFD800  }
0x3d: {  	[tilespmem:s3], [sflag:$0x1] =	stream.linear.gather [hbm4b:s11+s3], $0x80, $0x38;
	[tilespmem:$0x7880] =	vst v63  }
0x3e: {  	_ =	swait.ge [sflag:s6], $0x80  }
0x3f: {  	[sflag:s6] =	ssyncset.done $0x0  }
0x40: {  	[sflag:s6] =	ssyncadd.s32 $0xFFFFFF80  }
0x41: {  	[tilespmem:s10], [sflag:$0x1] =	stream.linear.gather [hbm4b:s12+s3], $0x2800, $0x38;
	[tilespmem:$0x7880] =	vst v63  }
0x42: {  	_ =	swait.ge [sflag:s6], $0x2800  }
0x43: {  	[sflag:s6] =	ssyncset.done $0x0  }
0x44: {  	[sflag:s6] =	ssyncadd.s32 $0xFFFFD800  }
0x45: {  	[spmem:s2] =	stream.indirect.scatter.add.f32 [tilespmem:s10], [sflag:$0x1], $0x50, s3, s10, $0xb8;
	[tilespmem:$0x7880] =	vst v63  }
0x46: {  	_ =	swait.ge [sflag:s6], $0x2800  }
0x47: {  	[sflag:s6] =	ssyncset.done $0x0  }
.Ltmp1:
0x48: {  	[sflag:s6] =	ssyncadd.s32 $0xFFFFD800;
	(pc) =	sbr.rel @p0 .LBB2_1-.Ltmp1, $4  }
0x49: {  	[bflag:$0x0] =	sbarrier.arrive $0xFFFF  }
0x4a: {  	[hbm:s13], [sflag:s5] =	dma.local [spmem:s7], $0xA00  }
0x4b: {  	_ =	swait.ge [sflag:s6], $0xA00  }
0x4c: {  	[sflag:s6] =	ssyncset.done $0x0  }
.LBB2_2:
0x4d: {  	[sflag:s6] =	ssyncadd.s32 $0xFFFFF600  }
0x4e: {  	_ =	sfence.sel $0x180000  }
0x4f: {  	[bflag:$0x0] =	sbarrier.arrive $0xFFFF  }
0x50: {  	p0 =	sne.s32 s0, $0x0;
	_ =	strace $0x90000050  }
0x51: {  	s0 =	sadd.s32 @!p0 $0x100000, s1;
	[bflag:$0x2] =	sbarrier.arrive $0xFFFF  }
0x52: {  	[sflag:s0] =	ssyncadd.tile.s32 @!p0 $0x1;
	_ =	shalt  }
.Lfunc_end2:
_tile_overlayer_lowered:
.L_overlay_start_2:
0x53: {  	(tag) =	ssettag $0x2  }
0x54: {  	s0 =	rddreg [dreg:$0x0];
	s2 =	stileid.u32  }
0x55: {  	s1 =	rddreg [dreg:$0x1];
	p0 =	sne.s32 s2, $0x0  }
0x56: {  	s3 =	rddreg [dreg:$0x2];
	[bflag:$0x3] =	sbarrier.arrive $0xFFFF;
	s2 =	simm.s32 @!p0 $0x1C01  }
0x57: {  	[timem:s3], [sflag:s2] =	dma.local @!p0 [hbm:s0], s1  }
0x58: {  	s0 =	simm.s32 @!p0 $0x1  }
0x59: {  	_ =	swait.ge @!p0 [sflag:s0], s1  }
0x5a: {  	s1 =	ssub.s32 @!p0 $0x0, s1;
	[sflag:s0] =	ssyncset.done @!p0 $0x0  }
0x5b: {  	[sflag:s0] =	ssyncadd.s32 @!p0 s1  }
0x5c: {  	[bflag:$0x3] =	sbarrier.arrive $0xFFFF  }
0x5d: {  	_ =	shalt  }

// kernel: kernel.38.cloned.1.call-start
scs
__scs_entry_jumppad:
0x0: {  	(pc) =	sbr.rel $0x88, $3  }
0x1: {  	(tag) =	ssettag $0x0;
	lr =	simm.s32 $0x1  }
0x2: {  	[smem:$0x3F77] =	sst lr;
	_ =	strace $0xD0000000  }
0x3: {  	_ = 	snop  }
0x4: {  	_ = 	snop  }
0x5: {  	_ = 	snop  }
0x6: {  	_ = 	snop  }
0x7: {  	_ = 	snop  }
__scs_overlays_trampoline_lowered:
0x8: {  	[smem:$0x3F86] =	sst s0  }
0x9: {  	[smem:$0x3F87] =	sst s1  }
0xa: {  	[smem:$0x3F88] =	sst s2  }
0xb: {  	[smem:$0x3F89] =	sst s3  }
0xc: {  	[smem:$0x3F8A] =	sst s4  }
0xd: {  	[smem:$0x3F8B] =	sst s5  }
0xe: {  	[smem:$0x3F8C] =	sst s6  }
0xf: {  	[smem:$0x3F8D] =	sst s7  }
0x10: {  	[smem:$0x3F8E] =	sst s8  }
0x11: {  	[smem:$0x3F8F] =	sst s9;
	s0 =	simm.s32 @!p0 $0x0  }
0x12: {  	s1 =	sld [smem:$0x3F75];
	s0 =	simm.s32 @p0 $0x1  }
0x13: {  	[smem:$0x3F90] =	sst s0;
	s0 =	simm.s32 @!p1 $0x0  }
0x14: {  	s2 =	sld [smem:$0x3F74];
	s0 =	simm.s32 @p1 $0x1  }
0x15: {  	[smem:$0x3F91] =	sst s0;
	s0 =	simm.s32 @!p2 $0x0  }
0x16: {  	s3 =	sld [smem:$0x3FDB];
	s0 =	simm.s32 @p2 $0x1  }
0x17: {  	s4 =	simm.s32 $0x1BF5;
	[smem:$0x3F93] =	sst s0  }
0x18: {  	s0 =	sld [smem:$0x3F76];
	_ =	swait.ge [sflag:s4], $0x0  }
0x19: {  	s7 =	sld [smem:$0x3F77]  }
0x1a: {  	s8 =	sadd.s32 $0xFFFFE003, lr  }
0x1b: {  	s9 =	sadd.s32 $0xFFFFFEF7, lr;
	s5 =	simm.s32 $0xFFFFFFFF;
	p2 =	slt.u32 s8, $0xFFFFF086  }
0x1c: {  	p1 =	slt.u32 s9, $0xF7A;
	s5 =	simm.s32 @!p2 $0x0  }
0x1d: {  	s5 =	simm.s32 @p1 $0x1;
	p0 =	seq.s32 s7, s2  }
0x1e: {  	s7 =	smul.u32 @!p0 $0xF7A, s2;
	p2 =	seq.s32 @!p0 s5, $0x0  }
0x1f: {  	s9 =	smul.u32 $0xF7A, s1;
	s8 =	simm.s32 @!p0 $0x1BF5;
	p2 =	por !p2, p0  }
0x20: {  	[sflag:s8] =	ssyncset.s32 @!p0 $0xFFFFF086;
	s6 =	sadd.s32 @!p0 s3, s7;
	s7 =	simm.s32 @!p0 $0x108  }
0x21: {  	s3 =	sadd.s32 s3, s9;
	s6 =	sadd.s32 @!p0 $0x88, s6;
	s7 =	simm.s32 @p2 $0x1082  }
0x22: {  	[simem:s7], [sflag:s8] =	dma.local @!p0 [hbm:s6], $0xF7A  }
0x23: {  	s9 =	sor.u32 $0xD0000000, s2;
	s6 =	simm.s32 $0x108;
	_ =	swait.ge @!p0 [sflag:s8], $0x0  }
0x24: {  	s3 =	sadd.s32 $0x88, s3;
	s6 =	simm.s32 @!p1 $0x1082;
	[sflag:s4] =	ssyncset.s32 $0xFFFFF086  }
0x25: {  	[simem:s6], [sflag:s4] =	dma.local [hbm:s3], $0xF7A  }
0x26: {  	[smem:$0x3F77] =	sst s1;
	(tag) =	ssettag s2;
	_ =	strace s9  }
0x27: {  	s1 =	sld [smem:$0x3F87]  }
0x28: {  	s2 =	sld [smem:$0x3F88]  }
0x29: {  	s4 =	sld [smem:$0x3F8A]  }
0x2a: {  	p0 =	seq.s32 s5, $0x0;
	s5 =	sld [smem:$0x3F8B]  }
0x2b: {  	s6 =	sld [smem:$0x3F8C]  }
0x2c: {  	s7 =	sld [smem:$0x3F8D]  }
0x2d: {  	s3 =	simm.s32 $0x108;
	s8 =	sld [smem:$0x3F8E]  }
0x2e: {  	s3 =	simm.s32 @!p0 $0x1082;
	s9 =	sld [smem:$0x3F8F]  }
0x2f: {  	lr =	sadd.s32 s0, s3;
	s0 =	sld [smem:$0x3F86]  }
0x30: {  	s3 =	sld [smem:$0x3F89]  }
0x31: {  	[smem:$0x3F92] =	sst s10  }
0x32: {  	s10 =	sld [smem:$0x3F90];
	_ =	sdelay $0x3  }
0x33: {  	p0 =	seq.s32 s10, $0x1;
	s10 =	sld [smem:$0x3F92];
	_ =	sdelay $0x3  }
0x34: {  	[smem:$0x3F92] =	sst s10  }
0x35: {  	s10 =	sld [smem:$0x3F91];
	_ =	sdelay $0x3  }
0x36: {  	p1 =	seq.s32 s10, $0x1;
	s10 =	sld [smem:$0x3F92];
	_ =	sdelay $0x3  }
0x37: {  	[smem:$0x3F92] =	sst s10  }
0x38: {  	s10 =	sld [smem:$0x3F93]  }
0x39: {  	_ = 	snop;
	(pc) =	sbr.ind lr, $3  }
0x3a: {  	_ = 	snop  }
0x3b: {  	_ = 	snop  }
0x3c: {  	p2 =	seq.s32 s10, $0x1;
	s10 =	sld [smem:$0x3F92]  }
0x3d: {  	_ =	shalt  }
0x3e: {  	_ =	shalt  }
0x3f: {  	_ =	shalt  }
0x40: {  	_ =	shalt  }
0x41: {  	_ =	shalt  }
0x42: {  	_ =	shalt  }
0x43: {  	_ =	shalt  }
0x44: {  	_ =	shalt  }
0x45: {  	_ =	shalt  }
0x46: {  	_ =	shalt  }
0x47: {  	_ =	shalt  }
0x48: {  	_ =	shalt  }
0x49: {  	_ =	shalt  }
0x4a: {  	_ =	shalt  }
0x4b: {  	_ =	shalt  }
0x4c: {  	_ =	shalt  }
0x4d: {  	_ =	shalt  }
0x4e: {  	_ =	shalt  }
0x4f: {  	_ =	shalt  }
0x50: {  	_ =	shalt  }
0x51: {  	_ =	shalt  }
0x52: {  	_ =	shalt  }
0x53: {  	_ =	shalt  }
0x54: {  	_ =	shalt  }
0x55: {  	_ =	shalt  }
0x56: {  	_ =	shalt  }
0x57: {  	_ =	shalt  }
0x58: {  	_ =	shalt  }
0x59: {  	_ =	shalt  }
0x5a: {  	_ =	shalt  }
0x5b: {  	_ =	shalt  }
0x5c: {  	_ =	shalt  }
0x5d: {  	_ =	shalt  }
0x5e: {  	_ =	shalt  }
0x5f: {  	_ =	shalt  }
0x60: {  	_ =	shalt  }
0x61: {  	_ =	shalt  }
0x62: {  	_ =	shalt  }
0x63: {  	_ =	shalt  }
0x64: {  	_ =	shalt  }
0x65: {  	_ =	shalt  }
0x66: {  	_ =	shalt  }
0x67: {  	_ =	shalt  }
0x68: {  	_ =	shalt  }
0x69: {  	_ =	shalt  }
0x6a: {  	_ =	shalt  }
0x6b: {  	_ =	shalt  }
0x6c: {  	_ =	shalt  }
0x6d: {  	_ =	shalt  }
0x6e: {  	_ =	shalt  }
0x6f: {  	_ =	shalt  }
0x70: {  	_ =	shalt  }
0x71: {  	_ =	shalt  }
0x72: {  	_ =	shalt  }
0x73: {  	_ =	shalt  }
0x74: {  	_ =	shalt  }
0x75: {  	_ =	shalt  }
0x76: {  	_ =	shalt  }
0x77: {  	_ =	shalt  }
0x78: {  	_ =	shalt  }
0x79: {  	_ =	shalt  }
0x7a: {  	_ =	shalt  }
0x7b: {  	_ =	shalt  }
0x7c: {  	_ =	shalt  }
0x7d: {  	_ =	shalt  }
0x7e: {  	_ =	shalt  }
0x7f: {  	_ =	shalt  }
0x80: {  	_ =	shalt  }
0x81: {  	_ =	shalt  }
0x82: {  	_ =	shalt  }
0x83: {  	_ =	shalt  }
0x84: {  	_ =	shalt  }
0x85: {  	_ =	shalt  }
0x86: {  	_ =	shalt  }
0x87: {  	_ =	shalt  }
.Lfunc_end0:
.L_simem_size_0:
called_computation.3_lowered:
.L_overlay_start_0:
0x88: {  	s2 =	sld [smem:$0x3FD9]  }
0x89: {  	s3 =	sld [smem:$0x3FFE];
	_ =	sdelay $0x1  }
0x8a: {  	s1 =	srdreg.scid  }
0x8b: {  	s0 =	sand.u32 $0x1, s1  }
0x8c: {  	s17 =	sshll.u32 s0, $0xA;
	s2 =	sadd.s32 s3, s2  }
0x8d: {  	s2 =	sadd.s32 s2, s17  }
0x8e: {  	[smem:$0x3F9E] =	sst s2  }
0x8f: {  	_ = 	snop  }
0x90: {  	(tm) =	ssettm $0x1  }
0x91: {  	s18 =	sld [smem:$0x3FFB];
	_ =	sdelay $0x3  }
0x92: {  	_ =	strace s18  }
0x93: {  	s2 =	sld [smem:$0x3FFC];
	_ =	sdelay $0x3  }
0x94: {  	_ =	strace s2  }
0x95: {  	s2 =	sld [smem:$0x3FFD];
	_ =	sdelay $0x3  }
0x96: {  	_ =	strace s2  }
0x97: {  	_ =	strace $0x8FFFFFFF  }
0x98: {  	s19 =	sld [smem:$0x3FDB];
	_ =	sdelay $0x1  }
0x99: {  	s20 =	simm.s32 $_scs_section_size  }
0x9a: {  	s4 =	simm.s32 $_size__tile_overlayer_lowered;
	s5 =	simm.s32 $_tile_overlayer_lowered  }
0x9b: {  	s6 =	simm.s32 $0x1BFF;
	s21 =	sshll.u32 s5, $0x1;
	s3 =	sadd.s32 s20, s19  }
0x9c: {  	s22 =	simm.s32 $0x0;
	s4 =	sshll.u32 s4, $0x1;
	s5 =	sadd.s32 s21, s3  }
0x9d: {  	[timem:s22], [sflag:s6] =	dma.local [hbm:s5], s4  }
0x9e: {  	_ =	swait.ge [sflag:s6], s4  }
0x9f: {  	s4 =	ssub.s32 $0x0, s4;
	[sflag:s6] =	ssyncset.done $0x0  }
0xa0: {  	[sflag:s6] =	ssyncadd.s32 s4;
	_ =	sdelay $0x1  }
0xa1: {  	s23 =	simm.s32 $0x1B8B  }
0xa2: {  	_ =	swait.ge [sflag:s23], $0x1  }
0xa3: {  	[sflag:s23] =	ssyncset.done $0x0  }
0xa4: {  	[sflag:s23] =	ssyncadd.s32 $0xFFFFFFFF  }
0xa5: {  	s4 =	sld [smem:$0x0]  }
0xa6: {  	s5 =	sand.u32 $0xFFFFFFFE, s1  }
0xa7: {  	p0 =	sne.s32 s1, s5  }
0xa8: {  	s5 =	sshll.u32 @p0 s5, $0xE  }
0xa9: {  	s5 =	sadd.s32 @p0 $0x11B8D, s5;
	s6 =	sshll.u32 @p0 s4, $0x11  }
0xaa: {  	s5 =	sor.u32 @p0 s6, s5  }
0xab: {  	[sflag:s5] =	ssyncadd.remote.s32 @p0 $0x1;
	_ =	sdelay $0x1  }
0xac: {  	s5 =	simm.s32 @p0 $0x1B8D  }
0xad: {  	_ =	swait.eq @p0 [sflag:s5], $0x1  }
0xae: {  	[sflag:s5] =	ssyncadd.s32 @p0 $0xFFFFFFFF  }
0xaf: {  	s6 =	sshll.u32 @!p0 s1, $0xE  }
0xb0: {  	s6 =	sor.u32 @!p0 $0x4000, s6;
	s5 =	simm.s32 @!p0 $0x1B8D  }
0xb1: {  	s4 =	sshll.u32 @!p0 s4, $0x11;
	s6 =	sadd.s32 @!p0 $0x11B8D, s6;
	_ =	swait.eq @!p0 [sflag:s5], $0x1  }
0xb2: {  	s4 =	sor.u32 @!p0 s4, s6;
	[sflag:s5] =	ssyncadd.s32 @!p0 $0xFFFFFFFF  }
0xb3: {  	s25 =	simm.s32 $0x1B8E;
	s24 =	sld [smem:$0x3FFE];
	[sflag:s4] =	ssyncadd.remote.s32 @!p0 $0x1  }
0xb4: {  	s26 =	simm.s32 $execute0_lowered;
	[smem:$0x3FD2] =	sst s25  }
0xb5: {  	s5 =	sshll.u32 s26, $0x1;
	_ =	strace $0x8000004C;
	[dreg:$0x1] =	wrdreg $0xFFFFFFFF  }
0xb6: {  	s28 =	simm.s32 $_size_execute0_lowered;
	s3 =	sadd.s32 s3, s5;
	[dreg:$0x0] =	wrdreg $0x0  }
0xb7: {  	s5 =	sshll.u32 s28, $0x1;
	[dreg:$0x2] =	wrdreg s3  }
0xb8: {  	[dreg:$0x3] =	wrdreg s5  }
0xb9: {  	[dreg:$0x4] =	wrdreg $0xC0  }
0xba: {  	_ =	task [dreg:s22], $0x5FFFF  }
0xbb: {  	[dreg:$0x1] =	wrdreg $0xFFFFFFFF  }
0xbc: {  	[dreg:$0x0] =	wrdreg $0x60  }
0xbd: {  	[dreg:$0x2] =	wrdreg s24  }
0xbe: {  	[dreg:$0x3] =	wrdreg $0x28800  }
0xbf: {  	[dreg:$0x4] =	wrdreg $0xA  }
0xc0: {  	_ =	task.clear_ibuf [dreg:s22], $0x5FFFF;
	_ =	strace $0x9000004C  }
0xc1: {  	s29 =	simm.s32 $0xA;
	_ =	strace $0x8000004E  }
0xc2: {  	_ =	swait.ge [sflag:s29], $0x1  }
0xc3: {  	[sflag:s29] =	ssyncadd.s32 $0xFFFFFFFF  }
0xc4: {  	_ =	strace $0x9000004E  }
0xc5: {  	_ =	sfence  }
0xc6: {  	s30 =	sld [smem:$0x0];
	_ =	sdelay $0x2  }
0xc7: {  	s31 =	sshll.u32 s1, $0xD;
	s1 =	sshrl.u32 s1, $0x2  }
0xc8: {  	s4 =	sand.u32 $0x4000, s31;
	s1 =	sadd.s32 s1, s30  }
0xc9: {  	s0 =	sor.u32 s4, s0;
	s1 =	sshll.u32 s1, $0x11  }
0xca: {  	s0 =	sor.u32 s1, s0  }
0xcb: {  	s0 =	sadd.s32 $0x8F2B, s0  }
0xcc: {  	[sflag:s0] =	ssyncadd.remote.s32 $0x1  }
0xcd: {  	_ =	sfence.sel $0xFFFF  }
0xce: {  	[dreg:$0x0] =	wrdreg $0xFFFFFFFF;
	(pc) =	sbr.abs _section_cstart, $3  }
0xcf: {  	[dreg:$0x1] =	wrdreg $0xFFFFFFFF  }
0xd0: {  	_ =	task.clear_ibuf [dreg:s22], $0x2FFFF;
	_ =	strace $0x9FFFFFFF  }
0xd1: {  	(tm) =	ssettm $0x7FFFFFFF  }
tec
execute0_lowered:
.L_overlay_start_1:
0x0: {  	(tag) =	ssettag $0x1  }
0x1: {  	s13 =	rddreg [dreg:$0x0]  }
0x2: {  	s2 =	rddreg [dreg:$0x1]  }
0x3: {  	s0 =	stileid.u32;
	s1 =	rddreg [dreg:$0x2]  }
0x4: {  	s3 =	simm.s32 $0x0;
	s5 =	srdreg.scid;
	s14 =	smul.u32 $0x5000, s0  }
0x5: {  	[smem:$0x7FF] =	sst s3;
	s15 =	sand.u32 $0x1, s5  }
0x6: {  	s26 =	sshll.u32 s0, $0x6;
	_ =	strace $0x8000004D;
	s4 =	sshrl.u32 s14, $0x3  }
0x7: {  	s5 =	sor.u32 $0x1C01, s26;
	s6 =	sadd.s32 s14, s2;
	s4 =	sadd.s32 s4, s13  }
0x8: {  	s7 =	sshrl.u32 s6, $0x3;
	s6 =	simm.s32 $0x1;
	s4 =	sadd.s32 $0x19C00, s4  }
0x9: {  	[spmem:s7], [sflag:s5] =	dma.local [hbm:s4], $0xA00  }
0xa: {  	s8 =	sshll.u32 s0, $0x8;
	s9 =	sshll.u32 s15, $0xC;
	_ =	swait.ge [sflag:s6], $0xA00  }
0xb: {  	s11 =	sor.u32 s8, s9;
	[sflag:s6] =	ssyncset.done $0x0  }
0xc: {  	s12 =	sadd.s32 $0x19800, s13;
	s8 =	sshrl.u32 s11, $0x3;
	[sflag:s6] =	ssyncadd.s32 $0xFFFFF600  }
0xd: {  	s8 =	sadd.s32 s12, s8;
	[bflag:$0x0] =	sbarrier.arrive $0xFFFF  }
0xe: {  	[tilespmem:s3], [sflag:$0x1] =	stream.linear.gather [hbm4b:s8+s3], $0x80, $0x38;
	[tilespmem:$0x7880] =	vst v63  }
0xf: {  	s9 =	smul.u32 $0xA, s11;
	_ =	swait.ge [sflag:s6], $0x80  }
0x10: {  	s16 =	sadd.s32 $0x34C00, s13;
	[sflag:s6] =	ssyncset.done $0x0  }
0x11: {  	s10 =	simm.s32 $0x80;
	s9 =	sadd.s32 s16, s9;
	[sflag:s6] =	ssyncadd.s32 $0xFFFFFF80  }
0x12: {  	[tilespmem:s10], [sflag:$0x1] =	stream.linear.gather [hbm4b:s9+s3], $0x2800, $0x38;
	[tilespmem:$0x7880] =	vst v63  }
0x13: {  	_ =	swait.ge [sflag:s6], $0x2800  }
0x14: {  	[sflag:s6] =	ssyncset.done $0x0  }
0x15: {  	[sflag:s6] =	ssyncadd.s32 $0xFFFFD800  }
0x16: {  	[spmem:s2] =	stream.indirect.scatter.add.f32 [tilespmem:s10], [sflag:$0x1], $0x50, s3, s10, $0xb8;
	[tilespmem:$0x7880] =	vst v63  }
0x17: {  	s17 =	sor.u32 $0x80, s11;
	_ =	swait.ge [sflag:s6], $0x2800  }
0x18: {  	s11 =	sshrl.u32 s17, $0x3;
	[sflag:s6] =	ssyncset.done $0x0  }
0x19: {  	s11 =	sadd.s32 s12, s11;
	[sflag:s6] =	ssyncadd.s32 $0xFFFFD800  }
0x1a: {  	[tilespmem:s3], [sflag:$0x1] =	stream.linear.gather [hbm4b:s11+s3], $0x80, $0x38;
	[tilespmem:$0x7880] =	vst v63  }
0x1b: {  	s28 =	smul.u32 $0xA, s17;
	_ =	swait.ge [sflag:s6], $0x80  }
0x1c: {  	[sflag:s6] =	ssyncset.done $0x0  }
0x1d: {  	s29 =	smul.u32 $0x50000, s15;
	s12 =	sadd.s32 s16, s28;
	[sflag:s6] =	ssyncadd.s32 $0xFFFFFF80  }
0x1e: {  	[tilespmem:s10], [sflag:$0x1] =	stream.linear.gather [hbm4b:s12+s3], $0x2800, $0x38;
	[tilespmem:$0x7880] =	vst v63  }
0x1f: {  	s15 =	ssub.s32 $0x2, s15;
	_ =	swait.ge [sflag:s6], $0x2800  }
0x20: {  	s30 =	sshrl.u32 s15, $0x1;
	s14 =	sadd.s32 s14, s29;
	[sflag:s6] =	ssyncset.done $0x0  }
0x21: {  	s31 =	ssub.s32 s15, s30;
	s14 =	sshrl.u32 s14, $0x3;
	[sflag:s6] =	ssyncadd.s32 $0xFFFFD800  }
0x22: {  	[spmem:s2] =	stream.indirect.scatter.add.f32 [tilespmem:s10], [sflag:$0x1], $0x50, s3, s10, $0xb8;
	[tilespmem:$0x7880] =	vst v63  }
0x23: {  	s13 =	sadd.s32 s14, s13;
	s14 =	smax.u32 s31, $0x1;
	_ =	swait.ge [sflag:s6], $0x2800  }
0x24: {  	p0 =	sne.s32 s14, $0x1;
	[sflag:s6] =	ssyncset.done $0x0  }
.Ltmp0:
0x25: {  	[sflag:s6] =	ssyncadd.s32 $0xFFFFD800;
	(pc) =	sbr.rel @!p0 .LBB2_2-.Ltmp0, $4  }
0x26: {  	s13 =	sadd.s32 $0x48C00, s13;
	[bflag:$0x0] =	sbarrier.arrive $0xFFFF  }
0x27: {  	[hbm:s13], [sflag:s5] =	dma.local [spmem:s7], $0xA00  }
0x28: {  	_ =	swait.ge [sflag:s6], $0xA00  }
0x29: {  	s14 =	sadd.s32 $0xFFFFFFFF, s14;
	[sflag:s6] =	ssyncset.done $0x0  }
.LBB2_1:
0x2a: {  	p0 =	sne.s32 s14, $0x1;
	s14 =	sadd.s32 $0xFFFFFFFF, s14;
	[sflag:s6] =	ssyncadd.s32 $0xFFFFF600  }
0x2b: {  	[spmem:s7], [sflag:s5] =	dma.local [hbm:s4], $0xA00  }
0x2c: {  	_ =	swait.ge [sflag:s6], $0xA00  }
0x2d: {  	[sflag:s6] =	ssyncset.done $0x0  }
0x2e: {  	[sflag:s6] =	ssyncadd.s32 $0xFFFFF600  }
0x2f: {  	[bflag:$0x0] =	sbarrier.arrive $0xFFFF  }
0x30: {  	[tilespmem:s3], [sflag:$0x1] =	stream.linear.gather [hbm4b:s8+s3], $0x80, $0x38;
	[tilespmem:$0x7880] =	vst v63  }
0x31: {  	_ =	swait.ge [sflag:s6], $0x80  }
0x32: {  	[sflag:s6] =	ssyncset.done $0x0  }
0x33: {  	[sflag:s6] =	ssyncadd.s32 $0xFFFFFF80  }
0x34: {  	[tilespmem:s10], [sflag:$0x1] =	stream.linear.gather [hbm4b:s9+s3], $0x2800, $0x38;
	[tilespmem:$0x7880] =	vst v63  }
0x35: {  	_ =	swait.ge [sflag:s6], $0x2800  }
0x36: {  	[sflag:s6] =	ssyncset.done $0x0  }
0x37: {  	[sflag:s6] =	ssyncadd.s32 $0xFFFFD800  }
0x38: {  	[spmem:s2] =	stream.indirect.scatter.add.f32 [tilespmem:s10], [sflag:$0x1], $0x50, s3, s10, $0xb8;
	[tilespmem:$0x7880] =	vst v63  }
0x39: {  	_ =	swait.ge [sflag:s6], $0x2800  }
0x3a: {  	[sflag:s6] =	ssyncset.done $0x0  }
0x3b: {  	[sflag:s6] =	ssyncadd.s32 $0xFFFFD800  }
0x3c: {  	[tilespmem:s3], [sflag:$0x1] =	stream.linear.gather [hbm4b:s11+s3], $0x80, $0x38;
	[tilespmem:$0x7880] =	vst v63  }
0x3d: {  	_ =	swait.ge [sflag:s6], $0x80  }
0x3e: {  	[sflag:s6] =	ssyncset.done $0x0  }
0x3f: {  	[sflag:s6] =	ssyncadd.s32 $0xFFFFFF80  }
0x40: {  	[tilespmem:s10], [sflag:$0x1] =	stream.linear.gather [hbm4b:s12+s3], $0x2800, $0x38;
	[tilespmem:$0x7880] =	vst v63  }
0x41: {  	_ =	swait.ge [sflag:s6], $0x2800  }
0x42: {  	[sflag:s6] =	ssyncset.done $0x0  }
0x43: {  	[sflag:s6] =	ssyncadd.s32 $0xFFFFD800  }
0x44: {  	[spmem:s2] =	stream.indirect.scatter.add.f32 [tilespmem:s10], [sflag:$0x1], $0x50, s3, s10, $0xb8;
	[tilespmem:$0x7880] =	vst v63  }
0x45: {  	_ =	swait.ge [sflag:s6], $0x2800  }
0x46: {  	[sflag:s6] =	ssyncset.done $0x0  }
.Ltmp1:
0x47: {  	[sflag:s6] =	ssyncadd.s32 $0xFFFFD800;
	(pc) =	sbr.rel @p0 .LBB2_1-.Ltmp1, $4  }
0x48: {  	[bflag:$0x0] =	sbarrier.arrive $0xFFFF  }
0x49: {  	[hbm:s13], [sflag:s5] =	dma.local [spmem:s7], $0xA00  }
0x4a: {  	_ =	swait.ge [sflag:s6], $0xA00  }
0x4b: {  	[sflag:s6] =	ssyncset.done $0x0  }
.LBB2_2:
0x4c: {  	[sflag:s6] =	ssyncadd.s32 $0xFFFFF600  }
0x4d: {  	_ =	sfence.sel $0x180000  }
0x4e: {  	[bflag:$0x0] =	sbarrier.arrive $0xFFFF  }
0x4f: {  	p0 =	sne.s32 s0, $0x0;
	_ =	strace $0x9000004D  }
0x50: {  	s0 =	sadd.s32 @!p0 $0x100000, s1;
	[bflag:$0x2] =	sbarrier.arrive $0xFFFF  }
0x51: {  	[sflag:s0] =	ssyncadd.tile.s32 @!p0 $0x1;
	_ =	shalt  }
.Lfunc_end2:
_tile_overlayer_lowered:
.L_overlay_start_2:
0x52: {  	(tag) =	ssettag $0x2  }
0x53: {  	s0 =	rddreg [dreg:$0x0];
	s2 =	stileid.u32  }
0x54: {  	s1 =	rddreg [dreg:$0x1];
	p0 =	sne.s32 s2, $0x0  }
0x55: {  	s3 =	rddreg [dreg:$0x2];
	[bflag:$0x3] =	sbarrier.arrive $0xFFFF;
	s2 =	simm.s32 @!p0 $0x1C01  }
0x56: {  	[timem:s3], [sflag:s2] =	dma.local @!p0 [hbm:s0], s1  }
0x57: {  	s0 =	simm.s32 @!p0 $0x1  }
0x58: {  	_ =	swait.ge @!p0 [sflag:s0], s1  }
0x59: {  	s1 =	ssub.s32 @!p0 $0x0, s1;
	[sflag:s0] =	ssyncset.done @!p0 $0x0  }
0x5a: {  	[sflag:s0] =	ssyncadd.s32 @!p0 s1  }
0x5b: {  	[bflag:$0x3] =	sbarrier.arrive $0xFFFF  }
0x5c: {  	_ =	shalt  }

// kernel: kernel.41.cloned.1.call-start
scs
__scs_entry_jumppad:
0x0: {  	(pc) =	sbr.rel $0x88, $3  }
0x1: {  	(tag) =	ssettag $0x0;
	lr =	simm.s32 $0x1  }
0x2: {  	[smem:$0x3F77] =	sst lr;
	_ =	strace $0xD0000000  }
0x3: {  	_ = 	snop  }
0x4: {  	_ = 	snop  }
0x5: {  	_ = 	snop  }
0x6: {  	_ = 	snop  }
0x7: {  	_ = 	snop  }
__scs_overlays_trampoline_lowered:
0x8: {  	[smem:$0x3F86] =	sst s0  }
0x9: {  	[smem:$0x3F87] =	sst s1  }
0xa: {  	[smem:$0x3F88] =	sst s2  }
0xb: {  	[smem:$0x3F89] =	sst s3  }
0xc: {  	[smem:$0x3F8A] =	sst s4  }
0xd: {  	[smem:$0x3F8B] =	sst s5  }
0xe: {  	[smem:$0x3F8C] =	sst s6  }
0xf: {  	[smem:$0x3F8D] =	sst s7  }
0x10: {  	[smem:$0x3F8E] =	sst s8  }
0x11: {  	[smem:$0x3F8F] =	sst s9;
	s0 =	simm.s32 @!p0 $0x0  }
0x12: {  	s1 =	sld [smem:$0x3F75];
	s0 =	simm.s32 @p0 $0x1  }
0x13: {  	[smem:$0x3F90] =	sst s0;
	s0 =	simm.s32 @!p1 $0x0  }
0x14: {  	s2 =	sld [smem:$0x3F74];
	s0 =	simm.s32 @p1 $0x1  }
0x15: {  	[smem:$0x3F91] =	sst s0;
	s0 =	simm.s32 @!p2 $0x0  }
0x16: {  	s3 =	sld [smem:$0x3FDB];
	s0 =	simm.s32 @p2 $0x1  }
0x17: {  	s4 =	simm.s32 $0x1BF5;
	[smem:$0x3F93] =	sst s0  }
0x18: {  	s0 =	sld [smem:$0x3F76];
	_ =	swait.ge [sflag:s4], $0x0  }
0x19: {  	s7 =	sld [smem:$0x3F77]  }
0x1a: {  	s8 =	sadd.s32 $0xFFFFE003, lr  }
0x1b: {  	s9 =	sadd.s32 $0xFFFFFEF7, lr;
	s5 =	simm.s32 $0xFFFFFFFF;
	p2 =	slt.u32 s8, $0xFFFFF086  }
0x1c: {  	p1 =	slt.u32 s9, $0xF7A;
	s5 =	simm.s32 @!p2 $0x0  }
0x1d: {  	s5 =	simm.s32 @p1 $0x1;
	p0 =	seq.s32 s7, s2  }
0x1e: {  	s7 =	smul.u32 @!p0 $0xF7A, s2;
	p2 =	seq.s32 @!p0 s5, $0x0  }
0x1f: {  	s9 =	smul.u32 $0xF7A, s1;
	s8 =	simm.s32 @!p0 $0x1BF5;
	p2 =	por !p2, p0  }
0x20: {  	[sflag:s8] =	ssyncset.s32 @!p0 $0xFFFFF086;
	s6 =	sadd.s32 @!p0 s3, s7;
	s7 =	simm.s32 @!p0 $0x108  }
0x21: {  	s3 =	sadd.s32 s3, s9;
	s6 =	sadd.s32 @!p0 $0x88, s6;
	s7 =	simm.s32 @p2 $0x1082  }
0x22: {  	[simem:s7], [sflag:s8] =	dma.local @!p0 [hbm:s6], $0xF7A  }
0x23: {  	s9 =	sor.u32 $0xD0000000, s2;
	s6 =	simm.s32 $0x108;
	_ =	swait.ge @!p0 [sflag:s8], $0x0  }
0x24: {  	s3 =	sadd.s32 $0x88, s3;
	s6 =	simm.s32 @!p1 $0x1082;
	[sflag:s4] =	ssyncset.s32 $0xFFFFF086  }
0x25: {  	[simem:s6], [sflag:s4] =	dma.local [hbm:s3], $0xF7A  }
0x26: {  	[smem:$0x3F77] =	sst s1;
	(tag) =	ssettag s2;
	_ =	strace s9  }
0x27: {  	s1 =	sld [smem:$0x3F87]  }
0x28: {  	s2 =	sld [smem:$0x3F88]  }
0x29: {  	s4 =	sld [smem:$0x3F8A]  }
0x2a: {  	p0 =	seq.s32 s5, $0x0;
	s5 =	sld [smem:$0x3F8B]  }
0x2b: {  	s6 =	sld [smem:$0x3F8C]  }
0x2c: {  	s7 =	sld [smem:$0x3F8D]  }
0x2d: {  	s3 =	simm.s32 $0x108;
	s8 =	sld [smem:$0x3F8E]  }
0x2e: {  	s3 =	simm.s32 @!p0 $0x1082;
	s9 =	sld [smem:$0x3F8F]  }
0x2f: {  	lr =	sadd.s32 s0, s3;
	s0 =	sld [smem:$0x3F86]  }
0x30: {  	s3 =	sld [smem:$0x3F89]  }
0x31: {  	[smem:$0x3F92] =	sst s10  }
0x32: {  	s10 =	sld [smem:$0x3F90];
	_ =	sdelay $0x3  }
0x33: {  	p0 =	seq.s32 s10, $0x1;
	s10 =	sld [smem:$0x3F92];
	_ =	sdelay $0x3  }
0x34: {  	[smem:$0x3F92] =	sst s10  }
0x35: {  	s10 =	sld [smem:$0x3F91];
	_ =	sdelay $0x3  }
0x36: {  	p1 =	seq.s32 s10, $0x1;
	s10 =	sld [smem:$0x3F92];
	_ =	sdelay $0x3  }
0x37: {  	[smem:$0x3F92] =	sst s10  }
0x38: {  	s10 =	sld [smem:$0x3F93]  }
0x39: {  	_ = 	snop;
	(pc) =	sbr.ind lr, $3  }
0x3a: {  	_ = 	snop  }
0x3b: {  	_ = 	snop  }
0x3c: {  	p2 =	seq.s32 s10, $0x1;
	s10 =	sld [smem:$0x3F92]  }
0x3d: {  	_ =	shalt  }
0x3e: {  	_ =	shalt  }
0x3f: {  	_ =	shalt  }
0x40: {  	_ =	shalt  }
0x41: {  	_ =	shalt  }
0x42: {  	_ =	shalt  }
0x43: {  	_ =	shalt  }
0x44: {  	_ =	shalt  }
0x45: {  	_ =	shalt  }
0x46: {  	_ =	shalt  }
0x47: {  	_ =	shalt  }
0x48: {  	_ =	shalt  }
0x49: {  	_ =	shalt  }
0x4a: {  	_ =	shalt  }
0x4b: {  	_ =	shalt  }
0x4c: {  	_ =	shalt  }
0x4d: {  	_ =	shalt  }
0x4e: {  	_ =	shalt  }
0x4f: {  	_ =	shalt  }
0x50: {  	_ =	shalt  }
0x51: {  	_ =	shalt  }
0x52: {  	_ =	shalt  }
0x53: {  	_ =	shalt  }
0x54: {  	_ =	shalt  }
0x55: {  	_ =	shalt  }
0x56: {  	_ =	shalt  }
0x57: {  	_ =	shalt  }
0x58: {  	_ =	shalt  }
0x59: {  	_ =	shalt  }
0x5a: {  	_ =	shalt  }
0x5b: {  	_ =	shalt  }
0x5c: {  	_ =	shalt  }
0x5d: {  	_ =	shalt  }
0x5e: {  	_ =	shalt  }
0x5f: {  	_ =	shalt  }
0x60: {  	_ =	shalt  }
0x61: {  	_ =	shalt  }
0x62: {  	_ =	shalt  }
0x63: {  	_ =	shalt  }
0x64: {  	_ =	shalt  }
0x65: {  	_ =	shalt  }
0x66: {  	_ =	shalt  }
0x67: {  	_ =	shalt  }
0x68: {  	_ =	shalt  }
0x69: {  	_ =	shalt  }
0x6a: {  	_ =	shalt  }
0x6b: {  	_ =	shalt  }
0x6c: {  	_ =	shalt  }
0x6d: {  	_ =	shalt  }
0x6e: {  	_ =	shalt  }
0x6f: {  	_ =	shalt  }
0x70: {  	_ =	shalt  }
0x71: {  	_ =	shalt  }
0x72: {  	_ =	shalt  }
0x73: {  	_ =	shalt  }
0x74: {  	_ =	shalt  }
0x75: {  	_ =	shalt  }
0x76: {  	_ =	shalt  }
0x77: {  	_ =	shalt  }
0x78: {  	_ =	shalt  }
0x79: {  	_ =	shalt  }
0x7a: {  	_ =	shalt  }
0x7b: {  	_ =	shalt  }
0x7c: {  	_ =	shalt  }
0x7d: {  	_ =	shalt  }
0x7e: {  	_ =	shalt  }
0x7f: {  	_ =	shalt  }
0x80: {  	_ =	shalt  }
0x81: {  	_ =	shalt  }
0x82: {  	_ =	shalt  }
0x83: {  	_ =	shalt  }
0x84: {  	_ =	shalt  }
0x85: {  	_ =	shalt  }
0x86: {  	_ =	shalt  }
0x87: {  	_ =	shalt  }
.Lfunc_end0:
.L_simem_size_0:
called_computation.4_lowered:
.L_overlay_start_0:
0x88: {  	s2 =	sld [smem:$0x3FD9]  }
0x89: {  	s3 =	sld [smem:$0x3FFE];
	_ =	sdelay $0x1  }
0x8a: {  	s1 =	srdreg.scid  }
0x8b: {  	s0 =	sand.u32 $0x1, s1  }
0x8c: {  	s15 =	sshll.u32 s0, $0xA;
	s2 =	sadd.s32 s3, s2  }
0x8d: {  	s2 =	sadd.s32 s2, s15  }
0x8e: {  	[smem:$0x3F9E] =	sst s2  }
0x8f: {  	_ = 	snop  }
0x90: {  	s2 =	sld [smem:$0x3FD0];
	_ =	sdelay $0x2  }
0x91: {  	s16 =	simm.s32 $0xB;
	s4 =	simm.s32 $0x10  }
0x92: {  	[smem:s4], [sflag:s16] =	dma.local [hbm:s2], $0x1  }
0x93: {  	_ =	swait.eq [sflag:s16], $0x1  }
0x94: {  	[sflag:s16] =	ssyncset.done $0x0  }
0x95: {  	[sflag:s16] =	ssyncadd.s32 $0xFFFFFFFF  }
0x96: {  	s17 =	sld [smem:$0x11];
	(tm) =	ssettm $0x1  }
0x97: {  	s18 =	sld [smem:$0x3FFB];
	_ =	sdelay $0x3  }
0x98: {  	_ =	strace s18  }
0x99: {  	s2 =	sld [smem:$0x3FFC];
	_ =	sdelay $0x3  }
0x9a: {  	_ =	strace s2  }
0x9b: {  	s2 =	sld [smem:$0x3FFD];
	_ =	sdelay $0x3  }
0x9c: {  	_ =	strace s2  }
0x9d: {  	_ =	strace $0x8FFFFFFF  }
0x9e: {  	s19 =	sld [smem:$0x3FDB];
	_ =	sdelay $0x1  }
0x9f: {  	s20 =	simm.s32 $_scs_section_size  }
0xa0: {  	s5 =	simm.s32 $_size__tile_overlayer_lowered;
	s6 =	simm.s32 $_tile_overlayer_lowered  }
0xa1: {  	s7 =	simm.s32 $0x1BFF;
	s21 =	sshll.u32 s6, $0x1;
	s4 =	sadd.s32 s20, s19  }
0xa2: {  	s22 =	simm.s32 $0x0;
	s5 =	sshll.u32 s5, $0x1;
	s6 =	sadd.s32 s21, s4  }
0xa3: {  	[timem:s22], [sflag:s7] =	dma.local [hbm:s6], s5  }
0xa4: {  	_ =	swait.ge [sflag:s7], s5  }
0xa5: {  	s5 =	ssub.s32 $0x0, s5;
	[sflag:s7] =	ssyncset.done $0x0  }
0xa6: {  	[sflag:s7] =	ssyncadd.s32 s5;
	_ =	sdelay $0x1  }
0xa7: {  	s23 =	simm.s32 $0x1B8B  }
0xa8: {  	_ =	swait.ge [sflag:s23], $0x1  }
0xa9: {  	[sflag:s23] =	ssyncset.done $0x0  }
0xaa: {  	[sflag:s23] =	ssyncadd.s32 $0xFFFFFFFF  }
0xab: {  	s5 =	sld [smem:$0x0]  }
0xac: {  	s6 =	sand.u32 $0xFFFFFFFE, s1  }
0xad: {  	p0 =	sne.s32 s1, s6  }
0xae: {  	s6 =	sshll.u32 @p0 s6, $0xE  }
0xaf: {  	s6 =	sadd.s32 @p0 $0x11B8D, s6;
	s7 =	sshll.u32 @p0 s5, $0x11  }
0xb0: {  	s6 =	sor.u32 @p0 s7, s6  }
0xb1: {  	[sflag:s6] =	ssyncadd.remote.s32 @p0 $0x1;
	_ =	sdelay $0x1  }
0xb2: {  	s6 =	simm.s32 @p0 $0x1B8D  }
0xb3: {  	_ =	swait.eq @p0 [sflag:s6], $0x1  }
0xb4: {  	[sflag:s6] =	ssyncadd.s32 @p0 $0xFFFFFFFF  }
0xb5: {  	s7 =	sshll.u32 @!p0 s1, $0xE  }
0xb6: {  	s7 =	sor.u32 @!p0 $0x4000, s7;
	s6 =	simm.s32 @!p0 $0x1B8D  }
0xb7: {  	s5 =	sshll.u32 @!p0 s5, $0x11;
	s7 =	sadd.s32 @!p0 $0x11B8D, s7;
	_ =	swait.eq @!p0 [sflag:s6], $0x1  }
0xb8: {  	s5 =	sor.u32 @!p0 s5, s7;
	[sflag:s6] =	ssyncadd.s32 @!p0 $0xFFFFFFFF  }
0xb9: {  	s25 =	simm.s32 $0x1B8E;
	s24 =	sld [smem:$0x3FFE];
	[sflag:s5] =	ssyncadd.remote.s32 @!p0 $0x1  }
0xba: {  	s26 =	simm.s32 $execute0_lowered;
	[smem:$0x3FD2] =	sst s25  }
0xbb: {  	s6 =	sshll.u32 s26, $0x1;
	_ =	strace $0x80000055;
	[dreg:$0x1] =	wrdreg $0xFFFFFFFF  }
0xbc: {  	s28 =	simm.s32 $_size_execute0_lowered;
	s4 =	sadd.s32 s4, s6;
	[dreg:$0x0] =	wrdreg $0x0  }
0xbd: {  	s6 =	sshll.u32 s28, $0x1;
	[dreg:$0x2] =	wrdreg s4  }
0xbe: {  	[dreg:$0x3] =	wrdreg s6  }
0xbf: {  	[dreg:$0x4] =	wrdreg $0xC0  }
0xc0: {  	_ =	task [dreg:s22], $0x5FFFF  }
0xc1: {  	[dreg:$0x1] =	wrdreg $0xFFFFFFFF  }
0xc2: {  	[dreg:$0x0] =	wrdreg $0x60  }
0xc3: {  	[dreg:$0x2] =	wrdreg s24  }
0xc4: {  	[dreg:$0x3] =	wrdreg s17  }
0xc5: {  	[dreg:$0x4] =	wrdreg $0x9  }
0xc6: {  	_ =	task.clear_ibuf [dreg:s22], $0x5FFFF;
	_ =	strace $0x90000055  }
0xc7: {  	s29 =	simm.s32 $0x9;
	_ =	strace $0x80000057  }
0xc8: {  	_ =	swait.ge [sflag:s29], $0x1  }
0xc9: {  	[sflag:s29] =	ssyncadd.s32 $0xFFFFFFFF  }
0xca: {  	_ =	strace $0x90000057  }
0xcb: {  	_ =	sfence  }
0xcc: {  	s30 =	sld [smem:$0x0];
	_ =	sdelay $0x2  }
0xcd: {  	s31 =	sshll.u32 s1, $0xD;
	s1 =	sshrl.u32 s1, $0x2  }
0xce: {  	s4 =	sand.u32 $0x4000, s31;
	s1 =	sadd.s32 s1, s30  }
0xcf: {  	s0 =	sor.u32 s4, s0;
	s1 =	sshll.u32 s1, $0x11  }
0xd0: {  	s0 =	sor.u32 s1, s0  }
0xd1: {  	s0 =	sadd.s32 $0x8F2B, s0  }
0xd2: {  	[sflag:s0] =	ssyncadd.remote.s32 $0x1  }
0xd3: {  	_ =	sfence.sel $0xFFFF  }
0xd4: {  	[dreg:$0x0] =	wrdreg $0xFFFFFFFF;
	(pc) =	sbr.abs _section_cstart, $3  }
0xd5: {  	[dreg:$0x1] =	wrdreg $0xFFFFFFFF  }
0xd6: {  	_ =	task.clear_ibuf [dreg:s22], $0x2FFFF;
	_ =	strace $0x9FFFFFFF  }
0xd7: {  	(tm) =	ssettm $0x7FFFFFFF  }
tec
execute0_lowered:
.L_overlay_start_1:
0x0: {  	(tag) =	ssettag $0x1  }
0x1: {  	s1 =	srdreg.scid  }
0x2: {  	s5 =	rddreg [dreg:$0x0];
	s0 =	stileid.u32;
	s10 =	sand.u32 $0x1, s1  }
0x3: {  	s11 =	rddreg [dreg:$0x1];
	s3 =	sshll.u32 s0, $0x9;
	s4 =	sshll.u32 s10, $0x8  }
0x4: {  	s2 =	simm.s32 $0x0;
	s1 =	rddreg [dreg:$0x2];
	s9 =	sor.u32 s4, s3  }
0x5: {  	[smem:$0x7FF] =	sst s2;
	s12 =	sadd.s32 $0x31C00, s5;
	s3 =	sshrl.u32 s9, $0x3  }
0x6: {  	_ =	strace $0x80000056;
	s4 =	sadd.s32 s12, s3;
	s3 =	simm.s32 $0x2  }
0x7: {  	[tilespmem:s2], [sflag:$0x2] =	stream.linear.gather [hbm4b:s4+s2], $0x80, $0x38;
	[tilespmem:$0x2080] =	vst v63  }
0x8: {  	_ =	swait.ge [sflag:s3], $0x80  }
0x9: {  	s6 =	simm.s32 $0x80;
	[sflag:s3] =	ssyncset.done $0x0  }
0xa: {  	s7 =	simm.s32 $0x1;
	s5 =	sadd.s32 $0x23C00, s5;
	[sflag:s3] =	ssyncadd.s32 $0xFFFFFF80  }
0xb: {  	[tilespmem:s6], [sflag:$0x1] =	stream.indirect.gather [hbm4b:s5+s6], $0x40, s2, s6, $0xb8;
	[tilespmem:$0x2080] =	vst v63  }
0xc: {  	_ =	swait.ge [sflag:s7], $0x2000  }
0xd: {  	s8 =	sshll.u32 s9, $0x3;
	[sflag:s7] =	ssyncset.done $0x0  }
0xe: {  	s8 =	sadd.s32 s11, s8;
	[sflag:s7] =	ssyncadd.s32 $0xFFFFE000  }
0xf: {  	[hbm4b:s8+s2] =	stream.linear.scatter [tilespmem:s6], [sflag:$0x2], $0x2000, $0x38;
	[tilespmem:$0x2080] =	vst v63  }
0x10: {  	s13 =	sor.u32 $0x80, s9;
	_ =	swait.ge [sflag:s3], $0x2000  }
0x11: {  	s9 =	sshrl.u32 s13, $0x3;
	[sflag:s3] =	ssyncset.done $0x0  }
0x12: {  	s10 =	ssub.s32 $0x2, s10;
	s9 =	sadd.s32 s12, s9;
	[sflag:s3] =	ssyncadd.s32 $0xFFFFE000  }
0x13: {  	[tilespmem:s2], [sflag:$0x2] =	stream.linear.gather [hbm4b:s9+s2], $0x80, $0x38;
	[tilespmem:$0x2080] =	vst v63  }
0x14: {  	s29 =	sshrl.u32 s10, $0x1;
	_ =	swait.ge [sflag:s3], $0x80  }
0x15: {  	s12 =	ssub.s32 s10, s29;
	[sflag:s3] =	ssyncset.done $0x0  }
0x16: {  	s31 =	smax.u32 s12, $0x1;
	[sflag:s3] =	ssyncadd.s32 $0xFFFFFF80  }
0x17: {  	[tilespmem:s6], [sflag:$0x1] =	stream.indirect.gather [hbm4b:s5+s6], $0x40, s2, s6, $0xb8;
	[tilespmem:$0x2080] =	vst v63  }
0x18: {  	p0 =	sne.s32 s31, $0x1;
	_ =	swait.ge [sflag:s7], $0x2000  }
.Ltmp0:
0x19: {  	s30 =	sshll.u32 s13, $0x3;
	[sflag:s7] =	ssyncset.done $0x0;
	(pc) =	sbr.rel @!p0 .LBB2_2-.Ltmp0, $4  }
0x1a: {  	s10 =	sadd.s32 s11, s30;
	[sflag:s7] =	ssyncadd.s32 $0xFFFFE000  }
0x1b: {  	[hbm4b:s10+s2] =	stream.linear.scatter [tilespmem:s6], [sflag:$0x2], $0x2000, $0x38;
	[tilespmem:$0x2080] =	vst v63  }
0x1c: {  	_ =	swait.ge [sflag:s3], $0x2000  }
0x1d: {  	s11 =	sadd.s32 $0xFFFFFFFF, s31;
	[sflag:s3] =	ssyncset.done $0x0  }
.LBB2_1:
0x1e: {  	p0 =	sne.s32 s11, $0x1;
	s11 =	sadd.s32 $0xFFFFFFFF, s11;
	[sflag:s3] =	ssyncadd.s32 $0xFFFFE000  }
0x1f: {  	[tilespmem:s2], [sflag:$0x2] =	stream.linear.gather [hbm4b:s4+s2], $0x80, $0x38;
	[tilespmem:$0x2080] =	vst v63  }
0x20: {  	_ =	swait.ge [sflag:s3], $0x80  }
0x21: {  	[sflag:s3] =	ssyncset.done $0x0  }
0x22: {  	[sflag:s3] =	ssyncadd.s32 $0xFFFFFF80  }
0x23: {  	[tilespmem:s6], [sflag:$0x1] =	stream.indirect.gather [hbm4b:s5+s6], $0x40, s2, s6, $0xb8;
	[tilespmem:$0x2080] =	vst v63  }
0x24: {  	_ =	swait.ge [sflag:s7], $0x2000  }
0x25: {  	[sflag:s7] =	ssyncset.done $0x0  }
0x26: {  	[sflag:s7] =	ssyncadd.s32 $0xFFFFE000  }
0x27: {  	[hbm4b:s8+s2] =	stream.linear.scatter [tilespmem:s6], [sflag:$0x2], $0x2000, $0x38;
	[tilespmem:$0x2080] =	vst v63  }
0x28: {  	_ =	swait.ge [sflag:s3], $0x2000  }
0x29: {  	[sflag:s3] =	ssyncset.done $0x0  }
0x2a: {  	[sflag:s3] =	ssyncadd.s32 $0xFFFFE000  }
0x2b: {  	[tilespmem:s2], [sflag:$0x2] =	stream.linear.gather [hbm4b:s9+s2], $0x80, $0x38;
	[tilespmem:$0x2080] =	vst v63  }
0x2c: {  	_ =	swait.ge [sflag:s3], $0x80  }
0x2d: {  	[sflag:s3] =	ssyncset.done $0x0  }
0x2e: {  	[sflag:s3] =	ssyncadd.s32 $0xFFFFFF80  }
0x2f: {  	[tilespmem:s6], [sflag:$0x1] =	stream.indirect.gather [hbm4b:s5+s6], $0x40, s2, s6, $0xb8;
	[tilespmem:$0x2080] =	vst v63  }
0x30: {  	_ =	swait.ge [sflag:s7], $0x2000  }
.Ltmp1:
0x31: {  	[sflag:s7] =	ssyncset.done $0x0;
	(pc) =	sbr.rel @p0 .LBB2_1-.Ltmp1, $4  }
0x32: {  	[sflag:s7] =	ssyncadd.s32 $0xFFFFE000  }
0x33: {  	[hbm4b:s10+s2] =	stream.linear.scatter [tilespmem:s6], [sflag:$0x2], $0x2000, $0x38;
	[tilespmem:$0x2080] =	vst v63  }
0x34: {  	_ =	swait.ge [sflag:s3], $0x2000  }
0x35: {  	[sflag:s3] =	ssyncset.done $0x0  }
.LBB2_2:
0x36: {  	[sflag:s3] =	ssyncadd.s32 $0xFFFFE000  }
0x37: {  	_ =	sfence.sel $0x180000  }
0x38: {  	[bflag:$0x0] =	sbarrier.arrive $0xFFFF  }
0x39: {  	p0 =	sne.s32 s0, $0x0;
	_ =	strace $0x90000056  }
0x3a: {  	s0 =	sadd.s32 @!p0 $0x100000, s1;
	[bflag:$0x2] =	sbarrier.arrive $0xFFFF  }
0x3b: {  	[sflag:s0] =	ssyncadd.tile.s32 @!p0 $0x1;
	_ =	shalt  }
.Lfunc_end2:
_tile_overlayer_lowered:
.L_overlay_start_2:
0x3c: {  	(tag) =	ssettag $0x2  }
0x3d: {  	s0 =	rddreg [dreg:$0x0];
	s2 =	stileid.u32  }
0x3e: {  	s1 =	rddreg [dreg:$0x1];
	p0 =	sne.s32 s2, $0x0  }
0x3f: {  	s3 =	rddreg [dreg:$0x2];
	[bflag:$0x3] =	sbarrier.arrive $0xFFFF;
	s2 =	simm.s32 @!p0 $0x1C02  }
0x40: {  	[timem:s3], [sflag:s2] =	dma.local @!p0 [hbm:s0], s1  }
0x41: {  	s0 =	simm.s32 @!p0 $0x2  }
0x42: {  	_ =	swait.ge @!p0 [sflag:s0], s1  }
0x43: {  	s1 =	ssub.s32 @!p0 $0x0, s1;
	[sflag:s0] =	ssyncset.done @!p0 $0x0  }
0x44: {  	[sflag:s0] =	ssyncadd.s32 @!p0 s1  }
0x45: {  	[bflag:$0x3] =	sbarrier.arrive $0xFFFF  }
0x46: {  	_ =	shalt  }

// kernel: kernel.44.cloned.1.call-start
scs
__scs_entry_jumppad:
0x0: {  	(pc) =	sbr.rel $0x88, $3  }
0x1: {  	(tag) =	ssettag $0x0;
	lr =	simm.s32 $0x1  }
0x2: {  	[smem:$0x3F77] =	sst lr;
	_ =	strace $0xD0000000  }
0x3: {  	_ = 	snop  }
0x4: {  	_ = 	snop  }
0x5: {  	_ = 	snop  }
0x6: {  	_ = 	snop  }
0x7: {  	_ = 	snop  }
__scs_overlays_trampoline_lowered:
0x8: {  	[smem:$0x3F86] =	sst s0  }
0x9: {  	[smem:$0x3F87] =	sst s1  }
0xa: {  	[smem:$0x3F88] =	sst s2  }
0xb: {  	[smem:$0x3F89] =	sst s3  }
0xc: {  	[smem:$0x3F8A] =	sst s4  }
0xd: {  	[smem:$0x3F8B] =	sst s5  }
0xe: {  	[smem:$0x3F8C] =	sst s6  }
0xf: {  	[smem:$0x3F8D] =	sst s7  }
0x10: {  	[smem:$0x3F8E] =	sst s8  }
0x11: {  	[smem:$0x3F8F] =	sst s9;
	s0 =	simm.s32 @!p0 $0x0  }
0x12: {  	s1 =	sld [smem:$0x3F75];
	s0 =	simm.s32 @p0 $0x1  }
0x13: {  	[smem:$0x3F90] =	sst s0;
	s0 =	simm.s32 @!p1 $0x0  }
0x14: {  	s2 =	sld [smem:$0x3F74];
	s0 =	simm.s32 @p1 $0x1  }
0x15: {  	[smem:$0x3F91] =	sst s0;
	s0 =	simm.s32 @!p2 $0x0  }
0x16: {  	s3 =	sld [smem:$0x3FDB];
	s0 =	simm.s32 @p2 $0x1  }
0x17: {  	s4 =	simm.s32 $0x1BF5;
	[smem:$0x3F93] =	sst s0  }
0x18: {  	s0 =	sld [smem:$0x3F76];
	_ =	swait.ge [sflag:s4], $0x0  }
0x19: {  	s7 =	sld [smem:$0x3F77]  }
0x1a: {  	s8 =	sadd.s32 $0xFFFFE003, lr  }
0x1b: {  	s9 =	sadd.s32 $0xFFFFFEF7, lr;
	s5 =	simm.s32 $0xFFFFFFFF;
	p2 =	slt.u32 s8, $0xFFFFF086  }
0x1c: {  	p1 =	slt.u32 s9, $0xF7A;
	s5 =	simm.s32 @!p2 $0x0  }
0x1d: {  	s5 =	simm.s32 @p1 $0x1;
	p0 =	seq.s32 s7, s2  }
0x1e: {  	s7 =	smul.u32 @!p0 $0xF7A, s2;
	p2 =	seq.s32 @!p0 s5, $0x0  }
0x1f: {  	s9 =	smul.u32 $0xF7A, s1;
	s8 =	simm.s32 @!p0 $0x1BF5;
	p2 =	por !p2, p0  }
0x20: {  	[sflag:s8] =	ssyncset.s32 @!p0 $0xFFFFF086;
	s6 =	sadd.s32 @!p0 s3, s7;
	s7 =	simm.s32 @!p0 $0x108  }
0x21: {  	s3 =	sadd.s32 s3, s9;
	s6 =	sadd.s32 @!p0 $0x88, s6;
	s7 =	simm.s32 @p2 $0x1082  }
0x22: {  	[simem:s7], [sflag:s8] =	dma.local @!p0 [hbm:s6], $0xF7A  }
0x23: {  	s9 =	sor.u32 $0xD0000000, s2;
	s6 =	simm.s32 $0x108;
	_ =	swait.ge @!p0 [sflag:s8], $0x0  }
0x24: {  	s3 =	sadd.s32 $0x88, s3;
	s6 =	simm.s32 @!p1 $0x1082;
	[sflag:s4] =	ssyncset.s32 $0xFFFFF086  }
0x25: {  	[simem:s6], [sflag:s4] =	dma.local [hbm:s3], $0xF7A  }
0x26: {  	[smem:$0x3F77] =	sst s1;
	(tag) =	ssettag s2;
	_ =	strace s9  }
0x27: {  	s1 =	sld [smem:$0x3F87]  }
0x28: {  	s2 =	sld [smem:$0x3F88]  }
0x29: {  	s4 =	sld [smem:$0x3F8A]  }
0x2a: {  	p0 =	seq.s32 s5, $0x0;
	s5 =	sld [smem:$0x3F8B]  }
0x2b: {  	s6 =	sld [smem:$0x3F8C]  }
0x2c: {  	s7 =	sld [smem:$0x3F8D]  }
0x2d: {  	s3 =	simm.s32 $0x108;
	s8 =	sld [smem:$0x3F8E]  }
0x2e: {  	s3 =	simm.s32 @!p0 $0x1082;
	s9 =	sld [smem:$0x3F8F]  }
0x2f: {  	lr =	sadd.s32 s0, s3;
	s0 =	sld [smem:$0x3F86]  }
0x30: {  	s3 =	sld [smem:$0x3F89]  }
0x31: {  	[smem:$0x3F92] =	sst s10  }
0x32: {  	s10 =	sld [smem:$0x3F90];
	_ =	sdelay $0x3  }
0x33: {  	p0 =	seq.s32 s10, $0x1;
	s10 =	sld [smem:$0x3F92];
	_ =	sdelay $0x3  }
0x34: {  	[smem:$0x3F92] =	sst s10  }
0x35: {  	s10 =	sld [smem:$0x3F91];
	_ =	sdelay $0x3  }
0x36: {  	p1 =	seq.s32 s10, $0x1;
	s10 =	sld [smem:$0x3F92];
	_ =	sdelay $0x3  }
0x37: {  	[smem:$0x3F92] =	sst s10  }
0x38: {  	s10 =	sld [smem:$0x3F93]  }
0x39: {  	_ = 	snop;
	(pc) =	sbr.ind lr, $3  }
0x3a: {  	_ = 	snop  }
0x3b: {  	_ = 	snop  }
0x3c: {  	p2 =	seq.s32 s10, $0x1;
	s10 =	sld [smem:$0x3F92]  }
0x3d: {  	_ =	shalt  }
0x3e: {  	_ =	shalt  }
0x3f: {  	_ =	shalt  }
0x40: {  	_ =	shalt  }
0x41: {  	_ =	shalt  }
0x42: {  	_ =	shalt  }
0x43: {  	_ =	shalt  }
0x44: {  	_ =	shalt  }
0x45: {  	_ =	shalt  }
0x46: {  	_ =	shalt  }
0x47: {  	_ =	shalt  }
0x48: {  	_ =	shalt  }
0x49: {  	_ =	shalt  }
0x4a: {  	_ =	shalt  }
0x4b: {  	_ =	shalt  }
0x4c: {  	_ =	shalt  }
0x4d: {  	_ =	shalt  }
0x4e: {  	_ =	shalt  }
0x4f: {  	_ =	shalt  }
0x50: {  	_ =	shalt  }
0x51: {  	_ =	shalt  }
0x52: {  	_ =	shalt  }
0x53: {  	_ =	shalt  }
0x54: {  	_ =	shalt  }
0x55: {  	_ =	shalt  }
0x56: {  	_ =	shalt  }
0x57: {  	_ =	shalt  }
0x58: {  	_ =	shalt  }
0x59: {  	_ =	shalt  }
0x5a: {  	_ =	shalt  }
0x5b: {  	_ =	shalt  }
0x5c: {  	_ =	shalt  }
0x5d: {  	_ =	shalt  }
0x5e: {  	_ =	shalt  }
0x5f: {  	_ =	shalt  }
0x60: {  	_ =	shalt  }
0x61: {  	_ =	shalt  }
0x62: {  	_ =	shalt  }
0x63: {  	_ =	shalt  }
0x64: {  	_ =	shalt  }
0x65: {  	_ =	shalt  }
0x66: {  	_ =	shalt  }
0x67: {  	_ =	shalt  }
0x68: {  	_ =	shalt  }
0x69: {  	_ =	shalt  }
0x6a: {  	_ =	shalt  }
0x6b: {  	_ =	shalt  }
0x6c: {  	_ =	shalt  }
0x6d: {  	_ =	shalt  }
0x6e: {  	_ =	shalt  }
0x6f: {  	_ =	shalt  }
0x70: {  	_ =	shalt  }
0x71: {  	_ =	shalt  }
0x72: {  	_ =	shalt  }
0x73: {  	_ =	shalt  }
0x74: {  	_ =	shalt  }
0x75: {  	_ =	shalt  }
0x76: {  	_ =	shalt  }
0x77: {  	_ =	shalt  }
0x78: {  	_ =	shalt  }
0x79: {  	_ =	shalt  }
0x7a: {  	_ =	shalt  }
0x7b: {  	_ =	shalt  }
0x7c: {  	_ =	shalt  }
0x7d: {  	_ =	shalt  }
0x7e: {  	_ =	shalt  }
0x7f: {  	_ =	shalt  }
0x80: {  	_ =	shalt  }
0x81: {  	_ =	shalt  }
0x82: {  	_ =	shalt  }
0x83: {  	_ =	shalt  }
0x84: {  	_ =	shalt  }
0x85: {  	_ =	shalt  }
0x86: {  	_ =	shalt  }
0x87: {  	_ =	shalt  }
.Lfunc_end0:
.L_simem_size_0:
called_computation.5_lowered:
.L_overlay_start_0:
0x88: {  	s2 =	sld [smem:$0x3FD9]  }
0x89: {  	s3 =	sld [smem:$0x3FFE];
	_ =	sdelay $0x1  }
0x8a: {  	s1 =	srdreg.scid  }
0x8b: {  	s0 =	sand.u32 $0x1, s1  }
0x8c: {  	s17 =	sshll.u32 s0, $0xA;
	s2 =	sadd.s32 s3, s2  }
0x8d: {  	s2 =	sadd.s32 s2, s17  }
0x8e: {  	[smem:$0x3F9E] =	sst s2  }
0x8f: {  	_ = 	snop  }
0x90: {  	(tm) =	ssettm $0x1  }
0x91: {  	s18 =	sld [smem:$0x3FFB];
	_ =	sdelay $0x3  }
0x92: {  	_ =	strace s18  }
0x93: {  	s2 =	sld [smem:$0x3FFC];
	_ =	sdelay $0x3  }
0x94: {  	_ =	strace s2  }
0x95: {  	s2 =	sld [smem:$0x3FFD];
	_ =	sdelay $0x3  }
0x96: {  	_ =	strace s2  }
0x97: {  	_ =	strace $0x8FFFFFFF  }
0x98: {  	s19 =	sld [smem:$0x3FDB];
	_ =	sdelay $0x1  }
0x99: {  	s20 =	simm.s32 $_scs_section_size  }
0x9a: {  	s4 =	simm.s32 $_size__tile_overlayer_lowered;
	s5 =	simm.s32 $_tile_overlayer_lowered  }
0x9b: {  	s6 =	simm.s32 $0x1BFF;
	s21 =	sshll.u32 s5, $0x1;
	s3 =	sadd.s32 s20, s19  }
0x9c: {  	s22 =	simm.s32 $0x0;
	s4 =	sshll.u32 s4, $0x1;
	s5 =	sadd.s32 s21, s3  }
0x9d: {  	[timem:s22], [sflag:s6] =	dma.local [hbm:s5], s4  }
0x9e: {  	_ =	swait.ge [sflag:s6], s4  }
0x9f: {  	s4 =	ssub.s32 $0x0, s4;
	[sflag:s6] =	ssyncset.done $0x0  }
0xa0: {  	[sflag:s6] =	ssyncadd.s32 s4;
	_ =	sdelay $0x1  }
0xa1: {  	s23 =	simm.s32 $0x1B8B  }
0xa2: {  	_ =	swait.ge [sflag:s23], $0x1  }
0xa3: {  	[sflag:s23] =	ssyncset.done $0x0  }
0xa4: {  	[sflag:s23] =	ssyncadd.s32 $0xFFFFFFFF  }
0xa5: {  	s4 =	sld [smem:$0x0]  }
0xa6: {  	s5 =	sand.u32 $0xFFFFFFFE, s1  }
0xa7: {  	p0 =	sne.s32 s1, s5  }
0xa8: {  	s5 =	sshll.u32 @p0 s5, $0xE  }
0xa9: {  	s5 =	sadd.s32 @p0 $0x11B8D, s5;
	s6 =	sshll.u32 @p0 s4, $0x11  }
0xaa: {  	s5 =	sor.u32 @p0 s6, s5  }
0xab: {  	[sflag:s5] =	ssyncadd.remote.s32 @p0 $0x1;
	_ =	sdelay $0x1  }
0xac: {  	s5 =	simm.s32 @p0 $0x1B8D  }
0xad: {  	_ =	swait.eq @p0 [sflag:s5], $0x1  }
0xae: {  	[sflag:s5] =	ssyncadd.s32 @p0 $0xFFFFFFFF  }
0xaf: {  	s6 =	sshll.u32 @!p0 s1, $0xE  }
0xb0: {  	s6 =	sor.u32 @!p0 $0x4000, s6;
	s5 =	simm.s32 @!p0 $0x1B8D  }
0xb1: {  	s4 =	sshll.u32 @!p0 s4, $0x11;
	s6 =	sadd.s32 @!p0 $0x11B8D, s6;
	_ =	swait.eq @!p0 [sflag:s5], $0x1  }
0xb2: {  	s4 =	sor.u32 @!p0 s4, s6;
	[sflag:s5] =	ssyncadd.s32 @!p0 $0xFFFFFFFF  }
0xb3: {  	s25 =	simm.s32 $0x1B8E;
	s24 =	sld [smem:$0x3FFE];
	[sflag:s4] =	ssyncadd.remote.s32 @!p0 $0x1  }
0xb4: {  	s26 =	simm.s32 $execute0_lowered;
	[smem:$0x3FD2] =	sst s25  }
0xb5: {  	s5 =	sshll.u32 s26, $0x1;
	_ =	strace $0x80000052;
	[dreg:$0x1] =	wrdreg $0xFFFFFFFF  }
0xb6: {  	s28 =	simm.s32 $_size_execute0_lowered;
	s3 =	sadd.s32 s3, s5;
	[dreg:$0x0] =	wrdreg $0x0  }
0xb7: {  	s5 =	sshll.u32 s28, $0x1;
	[dreg:$0x2] =	wrdreg s3  }
0xb8: {  	[dreg:$0x3] =	wrdreg s5  }
0xb9: {  	[dreg:$0x4] =	wrdreg $0xC0  }
0xba: {  	_ =	task [dreg:s22], $0x5FFFF  }
0xbb: {  	[dreg:$0x1] =	wrdreg $0xFFFFFFFF  }
0xbc: {  	[dreg:$0x0] =	wrdreg $0x60  }
0xbd: {  	[dreg:$0x2] =	wrdreg s24  }
0xbe: {  	[dreg:$0x3] =	wrdreg $0xA  }
0xbf: {  	_ =	task.clear_ibuf [dreg:s22], $0x4FFFF;
	_ =	strace $0x90000052  }
0xc0: {  	s29 =	simm.s32 $0xA;
	_ =	strace $0x80000054  }
0xc1: {  	_ =	swait.ge [sflag:s29], $0x1  }
0xc2: {  	[sflag:s29] =	ssyncadd.s32 $0xFFFFFFFF  }
0xc3: {  	_ =	strace $0x90000054  }
0xc4: {  	_ =	sfence  }
0xc5: {  	s30 =	sld [smem:$0x0];
	_ =	sdelay $0x2  }
0xc6: {  	s31 =	sshll.u32 s1, $0xD;
	s1 =	sshrl.u32 s1, $0x2  }
0xc7: {  	s4 =	sand.u32 $0x4000, s31;
	s1 =	sadd.s32 s1, s30  }
0xc8: {  	s0 =	sor.u32 s4, s0;
	s1 =	sshll.u32 s1, $0x11  }
0xc9: {  	s0 =	sor.u32 s1, s0  }
0xca: {  	s0 =	sadd.s32 $0x8F2B, s0  }
0xcb: {  	[sflag:s0] =	ssyncadd.remote.s32 $0x1  }
0xcc: {  	_ =	sfence.sel $0xFFFF  }
0xcd: {  	[dreg:$0x0] =	wrdreg $0xFFFFFFFF;
	(pc) =	sbr.abs _section_cstart, $3  }
0xce: {  	[dreg:$0x1] =	wrdreg $0xFFFFFFFF  }
0xcf: {  	_ =	task.clear_ibuf [dreg:s22], $0x2FFFF;
	_ =	strace $0x9FFFFFFF  }
0xd0: {  	(tm) =	ssettm $0x7FFFFFFF  }
0xd1: {  	_ =	shalt  }
tec
execute0_lowered:
.L_overlay_start_1:
0x0: {  	(tag) =	ssettag $0x1  }
0x1: {  	s1 =	srdreg.scid  }
0x2: {  	s0 =	stileid.u32;
	s10 =	sand.u32 $0x1, s1  }
0x3: {  	s8 =	rddreg [dreg:$0x0];
	s3 =	sshll.u32 s0, $0x9;
	s4 =	sshll.u32 s10, $0x8  }
0x4: {  	s2 =	simm.s32 $0x0;
	s1 =	rddreg [dreg:$0x1];
	s9 =	sor.u32 s4, s3  }
0x5: {  	[smem:$0x7FF] =	sst s2;
	s11 =	sadd.s32 $0x19400, s8;
	s3 =	sshrl.u32 s9, $0x3  }
0x6: {  	_ =	strace $0x80000053;
	s4 =	sadd.s32 s11, s3;
	s3 =	simm.s32 $0x2  }
0x7: {  	[tilespmem:s2], [sflag:$0x2] =	stream.linear.gather [hbm4b:s4+s2], $0x80, $0x38;
	[tilespmem:$0x2080] =	vst v63  }
0x8: {  	_ =	swait.ge [sflag:s3], $0x80  }
0x9: {  	s6 =	simm.s32 $0x80;
	[sflag:s3] =	ssyncset.done $0x0  }
0xa: {  	s7 =	simm.s32 $0x1;
	s5 =	sadd.s32 $0x11400, s8;
	[sflag:s3] =	ssyncadd.s32 $0xFFFFFF80  }
0xb: {  	[tilespmem:s6], [sflag:$0x1] =	stream.indirect.gather [hbm4b:s5+s6], $0x40, s2, s6, $0xb8;
	[tilespmem:$0x2080] =	vst v63  }
0xc: {  	_ =	swait.ge [sflag:s7], $0x2000  }
0xd: {  	s12 =	sadd.s32 $0x33C00, s8;
	s29 =	sshll.u32 s9, $0x3;
	[sflag:s7] =	ssyncset.done $0x0  }
0xe: {  	s8 =	sadd.s32 s12, s29;
	[sflag:s7] =	ssyncadd.s32 $0xFFFFE000  }
0xf: {  	[hbm4b:s8+s2] =	stream.linear.scatter [tilespmem:s6], [sflag:$0x2], $0x2000, $0x38;
	[tilespmem:$0x2080] =	vst v63  }
0x10: {  	s13 =	sor.u32 $0x80, s9;
	_ =	swait.ge [sflag:s3], $0x2000  }
0x11: {  	s9 =	sshrl.u32 s13, $0x3;
	[sflag:s3] =	ssyncset.done $0x0  }
0x12: {  	s10 =	ssub.s32 $0x2, s10;
	s9 =	sadd.s32 s11, s9;
	[sflag:s3] =	ssyncadd.s32 $0xFFFFE000  }
0x13: {  	[tilespmem:s2], [sflag:$0x2] =	stream.linear.gather [hbm4b:s9+s2], $0x80, $0x38;
	[tilespmem:$0x2080] =	vst v63  }
0x14: {  	s30 =	sshrl.u32 s10, $0x1;
	_ =	swait.ge [sflag:s3], $0x80  }
0x15: {  	s11 =	ssub.s32 s10, s30;
	[sflag:s3] =	ssyncset.done $0x0  }
0x16: {  	s11 =	smax.u32 s11, $0x1;
	[sflag:s3] =	ssyncadd.s32 $0xFFFFFF80  }
0x17: {  	[tilespmem:s6], [sflag:$0x1] =	stream.indirect.gather [hbm4b:s5+s6], $0x40, s2, s6, $0xb8;
	[tilespmem:$0x2080] =	vst v63  }
0x18: {  	p0 =	sne.s32 s11, $0x1;
	_ =	swait.ge [sflag:s7], $0x2000  }
.Ltmp0:
0x19: {  	s31 =	sshll.u32 s13, $0x3;
	[sflag:s7] =	ssyncset.done $0x0;
	(pc) =	sbr.rel @!p0 .LBB2_2-.Ltmp0, $4  }
0x1a: {  	s10 =	sadd.s32 s12, s31;
	[sflag:s7] =	ssyncadd.s32 $0xFFFFE000  }
0x1b: {  	[hbm4b:s10+s2] =	stream.linear.scatter [tilespmem:s6], [sflag:$0x2], $0x2000, $0x38;
	[tilespmem:$0x2080] =	vst v63  }
0x1c: {  	_ =	swait.ge [sflag:s3], $0x2000  }
0x1d: {  	s11 =	sadd.s32 $0xFFFFFFFF, s11;
	[sflag:s3] =	ssyncset.done $0x0  }
.LBB2_1:
0x1e: {  	p0 =	sne.s32 s11, $0x1;
	s11 =	sadd.s32 $0xFFFFFFFF, s11;
	[sflag:s3] =	ssyncadd.s32 $0xFFFFE000  }
0x1f: {  	[tilespmem:s2], [sflag:$0x2] =	stream.linear.gather [hbm4b:s4+s2], $0x80, $0x38;
	[tilespmem:$0x2080] =	vst v63  }
0x20: {  	_ =	swait.ge [sflag:s3], $0x80  }
0x21: {  	[sflag:s3] =	ssyncset.done $0x0  }
0x22: {  	[sflag:s3] =	ssyncadd.s32 $0xFFFFFF80  }
0x23: {  	[tilespmem:s6], [sflag:$0x1] =	stream.indirect.gather [hbm4b:s5+s6], $0x40, s2, s6, $0xb8;
	[tilespmem:$0x2080] =	vst v63  }
0x24: {  	_ =	swait.ge [sflag:s7], $0x2000  }
0x25: {  	[sflag:s7] =	ssyncset.done $0x0  }
0x26: {  	[sflag:s7] =	ssyncadd.s32 $0xFFFFE000  }
0x27: {  	[hbm4b:s8+s2] =	stream.linear.scatter [tilespmem:s6], [sflag:$0x2], $0x2000, $0x38;
	[tilespmem:$0x2080] =	vst v63  }
0x28: {  	_ =	swait.ge [sflag:s3], $0x2000  }
0x29: {  	[sflag:s3] =	ssyncset.done $0x0  }
0x2a: {  	[sflag:s3] =	ssyncadd.s32 $0xFFFFE000  }
0x2b: {  	[tilespmem:s2], [sflag:$0x2] =	stream.linear.gather [hbm4b:s9+s2], $0x80, $0x38;
	[tilespmem:$0x2080] =	vst v63  }
0x2c: {  	_ =	swait.ge [sflag:s3], $0x80  }
0x2d: {  	[sflag:s3] =	ssyncset.done $0x0  }
0x2e: {  	[sflag:s3] =	ssyncadd.s32 $0xFFFFFF80  }
0x2f: {  	[tilespmem:s6], [sflag:$0x1] =	stream.indirect.gather [hbm4b:s5+s6], $0x40, s2, s6, $0xb8;
	[tilespmem:$0x2080] =	vst v63  }
0x30: {  	_ =	swait.ge [sflag:s7], $0x2000  }
.Ltmp1:
0x31: {  	[sflag:s7] =	ssyncset.done $0x0;
	(pc) =	sbr.rel @p0 .LBB2_1-.Ltmp1, $4  }
0x32: {  	[sflag:s7] =	ssyncadd.s32 $0xFFFFE000  }
0x33: {  	[hbm4b:s10+s2] =	stream.linear.scatter [tilespmem:s6], [sflag:$0x2], $0x2000, $0x38;
	[tilespmem:$0x2080] =	vst v63  }
0x34: {  	_ =	swait.ge [sflag:s3], $0x2000  }
0x35: {  	[sflag:s3] =	ssyncset.done $0x0  }
.LBB2_2:
0x36: {  	[sflag:s3] =	ssyncadd.s32 $0xFFFFE000  }
0x37: {  	_ =	sfence.sel $0x180000  }
0x38: {  	[bflag:$0x0] =	sbarrier.arrive $0xFFFF  }
0x39: {  	p0 =	sne.s32 s0, $0x0;
	_ =	strace $0x90000053  }
0x3a: {  	s0 =	sadd.s32 @!p0 $0x100000, s1;
	[bflag:$0x2] =	sbarrier.arrive $0xFFFF  }
0x3b: {  	[sflag:s0] =	ssyncadd.tile.s32 @!p0 $0x1;
	_ =	shalt  }
.Lfunc_end2:
_tile_overlayer_lowered:
.L_overlay_start_2:
0x3c: {  	(tag) =	ssettag $0x2  }
0x3d: {  	s0 =	rddreg [dreg:$0x0];
	s2 =	stileid.u32  }
0x3e: {  	s1 =	rddreg [dreg:$0x1];
	p0 =	sne.s32 s2, $0x0  }
0x3f: {  	s3 =	rddreg [dreg:$0x2];
	[bflag:$0x3] =	sbarrier.arrive $0xFFFF;
	s2 =	simm.s32 @!p0 $0x1C02  }
0x40: {  	[timem:s3], [sflag:s2] =	dma.local @!p0 [hbm:s0], s1  }
0x41: {  	s0 =	simm.s32 @!p0 $0x2  }
0x42: {  	_ =	swait.ge @!p0 [sflag:s0], s1  }
0x43: {  	s1 =	ssub.s32 @!p0 $0x0, s1;
	[sflag:s0] =	ssyncset.done @!p0 $0x0  }
0x44: {  	[sflag:s0] =	ssyncadd.s32 @!p0 s1  }
0x45: {  	[bflag:$0x3] =	sbarrier.arrive $0xFFFF  }
0x46: {  	_ =	shalt  }

// kernel: kernel.47.cloned.1.call-start
scs
__scs_entry_jumppad:
0x0: {  	(pc) =	sbr.rel $0x88, $3  }
0x1: {  	(tag) =	ssettag $0x0;
	lr =	simm.s32 $0x1  }
0x2: {  	[smem:$0x3F77] =	sst lr;
	_ =	strace $0xD0000000  }
0x3: {  	_ = 	snop  }
0x4: {  	_ = 	snop  }
0x5: {  	_ = 	snop  }
0x6: {  	_ = 	snop  }
0x7: {  	_ = 	snop  }
__scs_overlays_trampoline_lowered:
0x8: {  	[smem:$0x3F86] =	sst s0  }
0x9: {  	[smem:$0x3F87] =	sst s1  }
0xa: {  	[smem:$0x3F88] =	sst s2  }
0xb: {  	[smem:$0x3F89] =	sst s3  }
0xc: {  	[smem:$0x3F8A] =	sst s4  }
0xd: {  	[smem:$0x3F8B] =	sst s5  }
0xe: {  	[smem:$0x3F8C] =	sst s6  }
0xf: {  	[smem:$0x3F8D] =	sst s7  }
0x10: {  	[smem:$0x3F8E] =	sst s8  }
0x11: {  	[smem:$0x3F8F] =	sst s9;
	s0 =	simm.s32 @!p0 $0x0  }
0x12: {  	s1 =	sld [smem:$0x3F75];
	s0 =	simm.s32 @p0 $0x1  }
0x13: {  	[smem:$0x3F90] =	sst s0;
	s0 =	simm.s32 @!p1 $0x0  }
0x14: {  	s2 =	sld [smem:$0x3F74];
	s0 =	simm.s32 @p1 $0x1  }
0x15: {  	[smem:$0x3F91] =	sst s0;
	s0 =	simm.s32 @!p2 $0x0  }
0x16: {  	s3 =	sld [smem:$0x3FDB];
	s0 =	simm.s32 @p2 $0x1  }
0x17: {  	s4 =	simm.s32 $0x1BF5;
	[smem:$0x3F93] =	sst s0  }
0x18: {  	s0 =	sld [smem:$0x3F76];
	_ =	swait.ge [sflag:s4], $0x0  }
0x19: {  	s7 =	sld [smem:$0x3F77]  }
0x1a: {  	s8 =	sadd.s32 $0xFFFFE003, lr  }
0x1b: {  	s9 =	sadd.s32 $0xFFFFFEF7, lr;
	s5 =	simm.s32 $0xFFFFFFFF;
	p2 =	slt.u32 s8, $0xFFFFF086  }
0x1c: {  	p1 =	slt.u32 s9, $0xF7A;
	s5 =	simm.s32 @!p2 $0x0  }
0x1d: {  	s5 =	simm.s32 @p1 $0x1;
	p0 =	seq.s32 s7, s2  }
0x1e: {  	s7 =	smul.u32 @!p0 $0xF7A, s2;
	p2 =	seq.s32 @!p0 s5, $0x0  }
0x1f: {  	s9 =	smul.u32 $0xF7A, s1;
	s8 =	simm.s32 @!p0 $0x1BF5;
	p2 =	por !p2, p0  }
0x20: {  	[sflag:s8] =	ssyncset.s32 @!p0 $0xFFFFF086;
	s6 =	sadd.s32 @!p0 s3, s7;
	s7 =	simm.s32 @!p0 $0x108  }
0x21: {  	s3 =	sadd.s32 s3, s9;
	s6 =	sadd.s32 @!p0 $0x88, s6;
	s7 =	simm.s32 @p2 $0x1082  }
0x22: {  	[simem:s7], [sflag:s8] =	dma.local @!p0 [hbm:s6], $0xF7A  }
0x23: {  	s9 =	sor.u32 $0xD0000000, s2;
	s6 =	simm.s32 $0x108;
	_ =	swait.ge @!p0 [sflag:s8], $0x0  }
0x24: {  	s3 =	sadd.s32 $0x88, s3;
	s6 =	simm.s32 @!p1 $0x1082;
	[sflag:s4] =	ssyncset.s32 $0xFFFFF086  }
0x25: {  	[simem:s6], [sflag:s4] =	dma.local [hbm:s3], $0xF7A  }
0x26: {  	[smem:$0x3F77] =	sst s1;
	(tag) =	ssettag s2;
	_ =	strace s9  }
0x27: {  	s1 =	sld [smem:$0x3F87]  }
0x28: {  	s2 =	sld [smem:$0x3F88]  }
0x29: {  	s4 =	sld [smem:$0x3F8A]  }
0x2a: {  	p0 =	seq.s32 s5, $0x0;
	s5 =	sld [smem:$0x3F8B]  }
0x2b: {  	s6 =	sld [smem:$0x3F8C]  }
0x2c: {  	s7 =	sld [smem:$0x3F8D]  }
0x2d: {  	s3 =	simm.s32 $0x108;
	s8 =	sld [smem:$0x3F8E]  }
0x2e: {  	s3 =	simm.s32 @!p0 $0x1082;
	s9 =	sld [smem:$0x3F8F]  }
0x2f: {  	lr =	sadd.s32 s0, s3;
	s0 =	sld [smem:$0x3F86]  }
0x30: {  	s3 =	sld [smem:$0x3F89]  }
0x31: {  	[smem:$0x3F92] =	sst s10  }
0x32: {  	s10 =	sld [smem:$0x3F90];
	_ =	sdelay $0x3  }
0x33: {  	p0 =	seq.s32 s10, $0x1;
	s10 =	sld [smem:$0x3F92];
	_ =	sdelay $0x3  }
0x34: {  	[smem:$0x3F92] =	sst s10  }
0x35: {  	s10 =	sld [smem:$0x3F91];
	_ =	sdelay $0x3  }
0x36: {  	p1 =	seq.s32 s10, $0x1;
	s10 =	sld [smem:$0x3F92];
	_ =	sdelay $0x3  }
0x37: {  	[smem:$0x3F92] =	sst s10  }
0x38: {  	s10 =	sld [smem:$0x3F93]  }
0x39: {  	_ = 	snop;
	(pc) =	sbr.ind lr, $3  }
0x3a: {  	_ = 	snop  }
0x3b: {  	_ = 	snop  }
0x3c: {  	p2 =	seq.s32 s10, $0x1;
	s10 =	sld [smem:$0x3F92]  }
0x3d: {  	_ =	shalt  }
0x3e: {  	_ =	shalt  }
0x3f: {  	_ =	shalt  }
0x40: {  	_ =	shalt  }
0x41: {  	_ =	shalt  }
0x42: {  	_ =	shalt  }
0x43: {  	_ =	shalt  }
0x44: {  	_ =	shalt  }
0x45: {  	_ =	shalt  }
0x46: {  	_ =	shalt  }
0x47: {  	_ =	shalt  }
0x48: {  	_ =	shalt  }
0x49: {  	_ =	shalt  }
0x4a: {  	_ =	shalt  }
0x4b: {  	_ =	shalt  }
0x4c: {  	_ =	shalt  }
0x4d: {  	_ =	shalt  }
0x4e: {  	_ =	shalt  }
0x4f: {  	_ =	shalt  }
0x50: {  	_ =	shalt  }
0x51: {  	_ =	shalt  }
0x52: {  	_ =	shalt  }
0x53: {  	_ =	shalt  }
0x54: {  	_ =	shalt  }
0x55: {  	_ =	shalt  }
0x56: {  	_ =	shalt  }
0x57: {  	_ =	shalt  }
0x58: {  	_ =	shalt  }
0x59: {  	_ =	shalt  }
0x5a: {  	_ =	shalt  }
0x5b: {  	_ =	shalt  }
0x5c: {  	_ =	shalt  }
0x5d: {  	_ =	shalt  }
0x5e: {  	_ =	shalt  }
0x5f: {  	_ =	shalt  }
0x60: {  	_ =	shalt  }
0x61: {  	_ =	shalt  }
0x62: {  	_ =	shalt  }
0x63: {  	_ =	shalt  }
0x64: {  	_ =	shalt  }
0x65: {  	_ =	shalt  }
0x66: {  	_ =	shalt  }
0x67: {  	_ =	shalt  }
0x68: {  	_ =	shalt  }
0x69: {  	_ =	shalt  }
0x6a: {  	_ =	shalt  }
0x6b: {  	_ =	shalt  }
0x6c: {  	_ =	shalt  }
0x6d: {  	_ =	shalt  }
0x6e: {  	_ =	shalt  }
0x6f: {  	_ =	shalt  }
0x70: {  	_ =	shalt  }
0x71: {  	_ =	shalt  }
0x72: {  	_ =	shalt  }
0x73: {  	_ =	shalt  }
0x74: {  	_ =	shalt  }
0x75: {  	_ =	shalt  }
0x76: {  	_ =	shalt  }
0x77: {  	_ =	shalt  }
0x78: {  	_ =	shalt  }
0x79: {  	_ =	shalt  }
0x7a: {  	_ =	shalt  }
0x7b: {  	_ =	shalt  }
0x7c: {  	_ =	shalt  }
0x7d: {  	_ =	shalt  }
0x7e: {  	_ =	shalt  }
0x7f: {  	_ =	shalt  }
0x80: {  	_ =	shalt  }
0x81: {  	_ =	shalt  }
0x82: {  	_ =	shalt  }
0x83: {  	_ =	shalt  }
0x84: {  	_ =	shalt  }
0x85: {  	_ =	shalt  }
0x86: {  	_ =	shalt  }
0x87: {  	_ =	shalt  }
.Lfunc_end0:
.L_simem_size_0:
called_computation.6_lowered:
.L_overlay_start_0:
0x88: {  	s2 =	sld [smem:$0x3FD9]  }
0x89: {  	s3 =	sld [smem:$0x3FFE];
	_ =	sdelay $0x1  }
0x8a: {  	s1 =	srdreg.scid  }
0x8b: {  	s0 =	sand.u32 $0x1, s1  }
0x8c: {  	s15 =	sshll.u32 s0, $0xA;
	s2 =	sadd.s32 s3, s2  }
0x8d: {  	s2 =	sadd.s32 s2, s15  }
0x8e: {  	[smem:$0x3F9E] =	sst s2  }
0x8f: {  	_ = 	snop  }
0x90: {  	s2 =	sld [smem:$0x3FD0];
	_ =	sdelay $0x2  }
0x91: {  	s16 =	simm.s32 $0xB;
	s4 =	simm.s32 $0x10  }
0x92: {  	[smem:s4], [sflag:s16] =	dma.local [hbm:s2], $0x1  }
0x93: {  	_ =	swait.eq [sflag:s16], $0x1  }
0x94: {  	[sflag:s16] =	ssyncset.done $0x0  }
0x95: {  	[sflag:s16] =	ssyncadd.s32 $0xFFFFFFFF  }
0x96: {  	s17 =	sld [smem:$0x11];
	(tm) =	ssettm $0x1  }
0x97: {  	s18 =	sld [smem:$0x3FFB];
	_ =	sdelay $0x3  }
0x98: {  	_ =	strace s18  }
0x99: {  	s2 =	sld [smem:$0x3FFC];
	_ =	sdelay $0x3  }
0x9a: {  	_ =	strace s2  }
0x9b: {  	s2 =	sld [smem:$0x3FFD];
	_ =	sdelay $0x3  }
0x9c: {  	_ =	strace s2  }
0x9d: {  	_ =	strace $0x8FFFFFFF  }
0x9e: {  	s19 =	sld [smem:$0x3FDB];
	_ =	sdelay $0x1  }
0x9f: {  	s20 =	simm.s32 $_scs_section_size  }
0xa0: {  	s5 =	simm.s32 $_size__tile_overlayer_lowered;
	s6 =	simm.s32 $_tile_overlayer_lowered  }
0xa1: {  	s7 =	simm.s32 $0x1BFF;
	s21 =	sshll.u32 s6, $0x1;
	s4 =	sadd.s32 s20, s19  }
0xa2: {  	s22 =	simm.s32 $0x0;
	s5 =	sshll.u32 s5, $0x1;
	s6 =	sadd.s32 s21, s4  }
0xa3: {  	[timem:s22], [sflag:s7] =	dma.local [hbm:s6], s5  }
0xa4: {  	_ =	swait.ge [sflag:s7], s5  }
0xa5: {  	s5 =	ssub.s32 $0x0, s5;
	[sflag:s7] =	ssyncset.done $0x0  }
0xa6: {  	[sflag:s7] =	ssyncadd.s32 s5;
	_ =	sdelay $0x1  }
0xa7: {  	s23 =	simm.s32 $0x1B8B  }
0xa8: {  	_ =	swait.ge [sflag:s23], $0x1  }
0xa9: {  	[sflag:s23] =	ssyncset.done $0x0  }
0xaa: {  	[sflag:s23] =	ssyncadd.s32 $0xFFFFFFFF  }
0xab: {  	s5 =	sld [smem:$0x0]  }
0xac: {  	s6 =	sand.u32 $0xFFFFFFFE, s1  }
0xad: {  	p0 =	sne.s32 s1, s6  }
0xae: {  	s6 =	sshll.u32 @p0 s6, $0xE  }
0xaf: {  	s6 =	sadd.s32 @p0 $0x11B8D, s6;
	s7 =	sshll.u32 @p0 s5, $0x11  }
0xb0: {  	s6 =	sor.u32 @p0 s7, s6  }
0xb1: {  	[sflag:s6] =	ssyncadd.remote.s32 @p0 $0x1;
	_ =	sdelay $0x1  }
0xb2: {  	s6 =	simm.s32 @p0 $0x1B8D  }
0xb3: {  	_ =	swait.eq @p0 [sflag:s6], $0x1  }
0xb4: {  	[sflag:s6] =	ssyncadd.s32 @p0 $0xFFFFFFFF  }
0xb5: {  	s7 =	sshll.u32 @!p0 s1, $0xE  }
0xb6: {  	s7 =	sor.u32 @!p0 $0x4000, s7;
	s6 =	simm.s32 @!p0 $0x1B8D  }
0xb7: {  	s5 =	sshll.u32 @!p0 s5, $0x11;
	s7 =	sadd.s32 @!p0 $0x11B8D, s7;
	_ =	swait.eq @!p0 [sflag:s6], $0x1  }
0xb8: {  	s5 =	sor.u32 @!p0 s5, s7;
	[sflag:s6] =	ssyncadd.s32 @!p0 $0xFFFFFFFF  }
0xb9: {  	s25 =	simm.s32 $0x1B8E;
	s24 =	sld [smem:$0x3FFE];
	[sflag:s5] =	ssyncadd.remote.s32 @!p0 $0x1  }
0xba: {  	s26 =	simm.s32 $execute0_lowered;
	[smem:$0x3FD2] =	sst s25  }
0xbb: {  	s6 =	sshll.u32 s26, $0x1;
	_ =	strace $0x8000005B;
	[dreg:$0x1] =	wrdreg $0xFFFFFFFF  }
0xbc: {  	s28 =	simm.s32 $_size_execute0_lowered;
	s4 =	sadd.s32 s4, s6;
	[dreg:$0x0] =	wrdreg $0x0  }
0xbd: {  	s6 =	sshll.u32 s28, $0x1;
	[dreg:$0x2] =	wrdreg s4  }
0xbe: {  	[dreg:$0x3] =	wrdreg s6  }
0xbf: {  	[dreg:$0x4] =	wrdreg $0xC0  }
0xc0: {  	_ =	task [dreg:s22], $0x5FFFF  }
0xc1: {  	[dreg:$0x1] =	wrdreg $0xFFFFFFFF  }
0xc2: {  	[dreg:$0x0] =	wrdreg $0x60  }
0xc3: {  	[dreg:$0x2] =	wrdreg s17  }
0xc4: {  	[dreg:$0x3] =	wrdreg s24  }
0xc5: {  	[dreg:$0x4] =	wrdreg $0x28800  }
0xc6: {  	[dreg:$0x5] =	wrdreg $0x9  }
0xc7: {  	_ =	task.clear_ibuf [dreg:s22], $0x6FFFF;
	_ =	strace $0x9000005B  }
0xc8: {  	s29 =	simm.s32 $0x9;
	_ =	strace $0x8000005D  }
0xc9: {  	_ =	swait.ge [sflag:s29], $0x1  }
0xca: {  	[sflag:s29] =	ssyncadd.s32 $0xFFFFFFFF  }
0xcb: {  	_ =	strace $0x9000005D  }
0xcc: {  	_ =	sfence  }
0xcd: {  	s30 =	sld [smem:$0x0];
	_ =	sdelay $0x2  }
0xce: {  	s31 =	sshll.u32 s1, $0xD;
	s1 =	sshrl.u32 s1, $0x2  }
0xcf: {  	s4 =	sand.u32 $0x4000, s31;
	s1 =	sadd.s32 s1, s30  }
0xd0: {  	s0 =	sor.u32 s4, s0;
	s1 =	sshll.u32 s1, $0x11  }
0xd1: {  	s0 =	sor.u32 s1, s0  }
0xd2: {  	s0 =	sadd.s32 $0x8F2B, s0  }
0xd3: {  	[sflag:s0] =	ssyncadd.remote.s32 $0x1  }
0xd4: {  	_ =	sfence.sel $0xFFFF  }
0xd5: {  	[dreg:$0x0] =	wrdreg $0xFFFFFFFF;
	(pc) =	sbr.abs _section_cstart, $3  }
0xd6: {  	[dreg:$0x1] =	wrdreg $0xFFFFFFFF  }
0xd7: {  	_ =	task.clear_ibuf [dreg:s22], $0x2FFFF;
	_ =	strace $0x9FFFFFFF  }
0xd8: {  	(tm) =	ssettm $0x7FFFFFFF  }
0xd9: {  	_ =	shalt  }
tec
execute0_lowered:
.L_overlay_start_1:
0x0: {  	(tag) =	ssettag $0x1  }
0x1: {  	s12 =	rddreg [dreg:$0x0]  }
0x2: {  	s13 =	rddreg [dreg:$0x1]  }
0x3: {  	s2 =	rddreg [dreg:$0x2]  }
0x4: {  	s0 =	stileid.u32;
	s1 =	rddreg [dreg:$0x3]  }
0x5: {  	s3 =	simm.s32 $0x0;
	s5 =	srdreg.scid;
	s14 =	smul.u32 $0x5000, s0  }
0x6: {  	[smem:$0x7FF] =	sst s3;
	s15 =	sand.u32 $0x1, s5  }
0x7: {  	s26 =	sshll.u32 s0, $0x6;
	_ =	strace $0x8000005C;
	s4 =	sshrl.u32 s14, $0x3  }
0x8: {  	s5 =	sor.u32 $0x1C01, s26;
	s6 =	sadd.s32 s14, s2;
	s4 =	sadd.s32 s4, s13  }
0x9: {  	s7 =	sshrl.u32 s6, $0x3;
	s6 =	simm.s32 $0x1;
	s4 =	sadd.s32 $0x19C00, s4  }
0xa: {  	[spmem:s7], [sflag:s5] =	dma.local [hbm:s4], $0xA00  }
0xb: {  	s8 =	sshll.u32 s0, $0x8;
	s9 =	sshll.u32 s15, $0xC;
	_ =	swait.ge [sflag:s6], $0xA00  }
0xc: {  	s11 =	sor.u32 s8, s9;
	[sflag:s6] =	ssyncset.done $0x0  }
0xd: {  	s16 =	sadd.s32 $0x32000, s13;
	s8 =	sshrl.u32 s11, $0x3;
	[sflag:s6] =	ssyncadd.s32 $0xFFFFF600  }
0xe: {  	s8 =	sadd.s32 s16, s8;
	[bflag:$0x0] =	sbarrier.arrive $0xFFFF  }
0xf: {  	[tilespmem:s3], [sflag:$0x1] =	stream.linear.gather [hbm4b:s8+s3], $0x80, $0x38;
	[tilespmem:$0x7880] =	vst v63  }
0x10: {  	s9 =	smul.u32 $0xA, s11;
	_ =	swait.ge [sflag:s6], $0x80  }
0x11: {  	[sflag:s6] =	ssyncset.done $0x0  }
0x12: {  	s10 =	simm.s32 $0x80;
	s9 =	sadd.s32 s12, s9;
	[sflag:s6] =	ssyncadd.s32 $0xFFFFFF80  }
0x13: {  	[tilespmem:s10], [sflag:$0x1] =	stream.linear.gather [hbm4b:s9+s3], $0x2800, $0x38;
	[tilespmem:$0x7880] =	vst v63  }
0x14: {  	_ =	swait.ge [sflag:s6], $0x2800  }
0x15: {  	[sflag:s6] =	ssyncset.done $0x0  }
0x16: {  	[sflag:s6] =	ssyncadd.s32 $0xFFFFD800  }
0x17: {  	[spmem:s2] =	stream.indirect.scatter.add.f32 [tilespmem:s10], [sflag:$0x1], $0x50, s3, s10, $0xb8;
	[tilespmem:$0x7880] =	vst v63  }
0x18: {  	s17 =	sor.u32 $0x80, s11;
	_ =	swait.ge [sflag:s6], $0x2800  }
0x19: {  	s11 =	sshrl.u32 s17, $0x3;
	[sflag:s6] =	ssyncset.done $0x0  }
0x1a: {  	s11 =	sadd.s32 s16, s11;
	[sflag:s6] =	ssyncadd.s32 $0xFFFFD800  }
0x1b: {  	[tilespmem:s3], [sflag:$0x1] =	stream.linear.gather [hbm4b:s11+s3], $0x80, $0x38;
	[tilespmem:$0x7880] =	vst v63  }
0x1c: {  	s28 =	smul.u32 $0xA, s17;
	_ =	swait.ge [sflag:s6], $0x80  }
0x1d: {  	[sflag:s6] =	ssyncset.done $0x0  }
0x1e: {  	s29 =	smul.u32 $0x50000, s15;
	s12 =	sadd.s32 s12, s28;
	[sflag:s6] =	ssyncadd.s32 $0xFFFFFF80  }
0x1f: {  	[tilespmem:s10], [sflag:$0x1] =	stream.linear.gather [hbm4b:s12+s3], $0x2800, $0x38;
	[tilespmem:$0x7880] =	vst v63  }
0x20: {  	s15 =	ssub.s32 $0x2, s15;
	_ =	swait.ge [sflag:s6], $0x2800  }
0x21: {  	s30 =	sshrl.u32 s15, $0x1;
	s14 =	sadd.s32 s14, s29;
	[sflag:s6] =	ssyncset.done $0x0  }
0x22: {  	s31 =	ssub.s32 s15, s30;
	s14 =	sshrl.u32 s14, $0x3;
	[sflag:s6] =	ssyncadd.s32 $0xFFFFD800  }
0x23: {  	[spmem:s2] =	stream.indirect.scatter.add.f32 [tilespmem:s10], [sflag:$0x1], $0x50, s3, s10, $0xb8;
	[tilespmem:$0x7880] =	vst v63  }
0x24: {  	s13 =	sadd.s32 s14, s13;
	s14 =	smax.u32 s31, $0x1;
	_ =	swait.ge [sflag:s6], $0x2800  }
0x25: {  	p0 =	sne.s32 s14, $0x1;
	[sflag:s6] =	ssyncset.done $0x0  }
.Ltmp0:
0x26: {  	[sflag:s6] =	ssyncadd.s32 $0xFFFFD800;
	(pc) =	sbr.rel @!p0 .LBB2_2-.Ltmp0, $4  }
0x27: {  	s13 =	sadd.s32 $0x47C00, s13;
	[bflag:$0x0] =	sbarrier.arrive $0xFFFF  }
0x28: {  	[hbm:s13], [sflag:s5] =	dma.local [spmem:s7], $0xA00  }
0x29: {  	_ =	swait.ge [sflag:s6], $0xA00  }
0x2a: {  	s14 =	sadd.s32 $0xFFFFFFFF, s14;
	[sflag:s6] =	ssyncset.done $0x0  }
.LBB2_1:
0x2b: {  	p0 =	sne.s32 s14, $0x1;
	s14 =	sadd.s32 $0xFFFFFFFF, s14;
	[sflag:s6] =	ssyncadd.s32 $0xFFFFF600  }
0x2c: {  	[spmem:s7], [sflag:s5] =	dma.local [hbm:s4], $0xA00  }
0x2d: {  	_ =	swait.ge [sflag:s6], $0xA00  }
0x2e: {  	[sflag:s6] =	ssyncset.done $0x0  }
0x2f: {  	[sflag:s6] =	ssyncadd.s32 $0xFFFFF600  }
0x30: {  	[bflag:$0x0] =	sbarrier.arrive $0xFFFF  }
0x31: {  	[tilespmem:s3], [sflag:$0x1] =	stream.linear.gather [hbm4b:s8+s3], $0x80, $0x38;
	[tilespmem:$0x7880] =	vst v63  }
0x32: {  	_ =	swait.ge [sflag:s6], $0x80  }
0x33: {  	[sflag:s6] =	ssyncset.done $0x0  }
0x34: {  	[sflag:s6] =	ssyncadd.s32 $0xFFFFFF80  }
0x35: {  	[tilespmem:s10], [sflag:$0x1] =	stream.linear.gather [hbm4b:s9+s3], $0x2800, $0x38;
	[tilespmem:$0x7880] =	vst v63  }
0x36: {  	_ =	swait.ge [sflag:s6], $0x2800  }
0x37: {  	[sflag:s6] =	ssyncset.done $0x0  }
0x38: {  	[sflag:s6] =	ssyncadd.s32 $0xFFFFD800  }
0x39: {  	[spmem:s2] =	stream.indirect.scatter.add.f32 [tilespmem:s10], [sflag:$0x1], $0x50, s3, s10, $0xb8;
	[tilespmem:$0x7880] =	vst v63  }
0x3a: {  	_ =	swait.ge [sflag:s6], $0x2800  }
0x3b: {  	[sflag:s6] =	ssyncset.done $0x0  }
0x3c: {  	[sflag:s6] =	ssyncadd.s32 $0xFFFFD800  }
0x3d: {  	[tilespmem:s3], [sflag:$0x1] =	stream.linear.gather [hbm4b:s11+s3], $0x80, $0x38;
	[tilespmem:$0x7880] =	vst v63  }
0x3e: {  	_ =	swait.ge [sflag:s6], $0x80  }
0x3f: {  	[sflag:s6] =	ssyncset.done $0x0  }
0x40: {  	[sflag:s6] =	ssyncadd.s32 $0xFFFFFF80  }
0x41: {  	[tilespmem:s10], [sflag:$0x1] =	stream.linear.gather [hbm4b:s12+s3], $0x2800, $0x38;
	[tilespmem:$0x7880] =	vst v63  }
0x42: {  	_ =	swait.ge [sflag:s6], $0x2800  }
0x43: {  	[sflag:s6] =	ssyncset.done $0x0  }
0x44: {  	[sflag:s6] =	ssyncadd.s32 $0xFFFFD800  }
0x45: {  	[spmem:s2] =	stream.indirect.scatter.add.f32 [tilespmem:s10], [sflag:$0x1], $0x50, s3, s10, $0xb8;
	[tilespmem:$0x7880] =	vst v63  }
0x46: {  	_ =	swait.ge [sflag:s6], $0x2800  }
0x47: {  	[sflag:s6] =	ssyncset.done $0x0  }
.Ltmp1:
0x48: {  	[sflag:s6] =	ssyncadd.s32 $0xFFFFD800;
	(pc) =	sbr.rel @p0 .LBB2_1-.Ltmp1, $4  }
0x49: {  	[bflag:$0x0] =	sbarrier.arrive $0xFFFF  }
0x4a: {  	[hbm:s13], [sflag:s5] =	dma.local [spmem:s7], $0xA00  }
0x4b: {  	_ =	swait.ge [sflag:s6], $0xA00  }
0x4c: {  	[sflag:s6] =	ssyncset.done $0x0  }
.LBB2_2:
0x4d: {  	[sflag:s6] =	ssyncadd.s32 $0xFFFFF600  }
0x4e: {  	_ =	sfence.sel $0x180000  }
0x4f: {  	[bflag:$0x0] =	sbarrier.arrive $0xFFFF  }
0x50: {  	p0 =	sne.s32 s0, $0x0;
	_ =	strace $0x9000005C  }
0x51: {  	s0 =	sadd.s32 @!p0 $0x100000, s1;
	[bflag:$0x2] =	sbarrier.arrive $0xFFFF  }
0x52: {  	[sflag:s0] =	ssyncadd.tile.s32 @!p0 $0x1;
	_ =	shalt  }
.Lfunc_end2:
_tile_overlayer_lowered:
.L_overlay_start_2:
0x53: {  	(tag) =	ssettag $0x2  }
0x54: {  	s0 =	rddreg [dreg:$0x0];
	s2 =	stileid.u32  }
0x55: {  	s1 =	rddreg [dreg:$0x1];
	p0 =	sne.s32 s2, $0x0  }
0x56: {  	s3 =	rddreg [dreg:$0x2];
	[bflag:$0x3] =	sbarrier.arrive $0xFFFF;
	s2 =	simm.s32 @!p0 $0x1C01  }
0x57: {  	[timem:s3], [sflag:s2] =	dma.local @!p0 [hbm:s0], s1  }
0x58: {  	s0 =	simm.s32 @!p0 $0x1  }
0x59: {  	_ =	swait.ge @!p0 [sflag:s0], s1  }
0x5a: {  	s1 =	ssub.s32 @!p0 $0x0, s1;
	[sflag:s0] =	ssyncset.done @!p0 $0x0  }
0x5b: {  	[sflag:s0] =	ssyncadd.s32 @!p0 s1  }
0x5c: {  	[bflag:$0x3] =	sbarrier.arrive $0xFFFF  }
0x5d: {  	_ =	shalt  }

// kernel: kernel.50.cloned.1.call-start
scs
__scs_entry_jumppad:
0x0: {  	(pc) =	sbr.rel $0x88, $3  }
0x1: {  	(tag) =	ssettag $0x0;
	lr =	simm.s32 $0x1  }
0x2: {  	[smem:$0x3F77] =	sst lr;
	_ =	strace $0xD0000000  }
0x3: {  	_ = 	snop  }
0x4: {  	_ = 	snop  }
0x5: {  	_ = 	snop  }
0x6: {  	_ = 	snop  }
0x7: {  	_ = 	snop  }
__scs_overlays_trampoline_lowered:
0x8: {  	[smem:$0x3F86] =	sst s0  }
0x9: {  	[smem:$0x3F87] =	sst s1  }
0xa: {  	[smem:$0x3F88] =	sst s2  }
0xb: {  	[smem:$0x3F89] =	sst s3  }
0xc: {  	[smem:$0x3F8A] =	sst s4  }
0xd: {  	[smem:$0x3F8B] =	sst s5  }
0xe: {  	[smem:$0x3F8C] =	sst s6  }
0xf: {  	[smem:$0x3F8D] =	sst s7  }
0x10: {  	[smem:$0x3F8E] =	sst s8  }
0x11: {  	[smem:$0x3F8F] =	sst s9;
	s0 =	simm.s32 @!p0 $0x0  }
0x12: {  	s1 =	sld [smem:$0x3F75];
	s0 =	simm.s32 @p0 $0x1  }
0x13: {  	[smem:$0x3F90] =	sst s0;
	s0 =	simm.s32 @!p1 $0x0  }
0x14: {  	s2 =	sld [smem:$0x3F74];
	s0 =	simm.s32 @p1 $0x1  }
0x15: {  	[smem:$0x3F91] =	sst s0;
	s0 =	simm.s32 @!p2 $0x0  }
0x16: {  	s3 =	sld [smem:$0x3FDB];
	s0 =	simm.s32 @p2 $0x1  }
0x17: {  	s4 =	simm.s32 $0x1BF5;
	[smem:$0x3F93] =	sst s0  }
0x18: {  	s0 =	sld [smem:$0x3F76];
	_ =	swait.ge [sflag:s4], $0x0  }
0x19: {  	s7 =	sld [smem:$0x3F77]  }
0x1a: {  	s8 =	sadd.s32 $0xFFFFE003, lr  }
0x1b: {  	s9 =	sadd.s32 $0xFFFFFEF7, lr;
	s5 =	simm.s32 $0xFFFFFFFF;
	p2 =	slt.u32 s8, $0xFFFFF086  }
0x1c: {  	p1 =	slt.u32 s9, $0xF7A;
	s5 =	simm.s32 @!p2 $0x0  }
0x1d: {  	s5 =	simm.s32 @p1 $0x1;
	p0 =	seq.s32 s7, s2  }
0x1e: {  	s7 =	smul.u32 @!p0 $0xF7A, s2;
	p2 =	seq.s32 @!p0 s5, $0x0  }
0x1f: {  	s9 =	smul.u32 $0xF7A, s1;
	s8 =	simm.s32 @!p0 $0x1BF5;
	p2 =	por !p2, p0  }
0x20: {  	[sflag:s8] =	ssyncset.s32 @!p0 $0xFFFFF086;
	s6 =	sadd.s32 @!p0 s3, s7;
	s7 =	simm.s32 @!p0 $0x108  }
0x21: {  	s3 =	sadd.s32 s3, s9;
	s6 =	sadd.s32 @!p0 $0x88, s6;
	s7 =	simm.s32 @p2 $0x1082  }
0x22: {  	[simem:s7], [sflag:s8] =	dma.local @!p0 [hbm:s6], $0xF7A  }
0x23: {  	s9 =	sor.u32 $0xD0000000, s2;
	s6 =	simm.s32 $0x108;
	_ =	swait.ge @!p0 [sflag:s8], $0x0  }
0x24: {  	s3 =	sadd.s32 $0x88, s3;
	s6 =	simm.s32 @!p1 $0x1082;
	[sflag:s4] =	ssyncset.s32 $0xFFFFF086  }
0x25: {  	[simem:s6], [sflag:s4] =	dma.local [hbm:s3], $0xF7A  }
0x26: {  	[smem:$0x3F77] =	sst s1;
	(tag) =	ssettag s2;
	_ =	strace s9  }
0x27: {  	s1 =	sld [smem:$0x3F87]  }
0x28: {  	s2 =	sld [smem:$0x3F88]  }
0x29: {  	s4 =	sld [smem:$0x3F8A]  }
0x2a: {  	p0 =	seq.s32 s5, $0x0;
	s5 =	sld [smem:$0x3F8B]  }
0x2b: {  	s6 =	sld [smem:$0x3F8C]  }
0x2c: {  	s7 =	sld [smem:$0x3F8D]  }
0x2d: {  	s3 =	simm.s32 $0x108;
	s8 =	sld [smem:$0x3F8E]  }
0x2e: {  	s3 =	simm.s32 @!p0 $0x1082;
	s9 =	sld [smem:$0x3F8F]  }
0x2f: {  	lr =	sadd.s32 s0, s3;
	s0 =	sld [smem:$0x3F86]  }
0x30: {  	s3 =	sld [smem:$0x3F89]  }
0x31: {  	[smem:$0x3F92] =	sst s10  }
0x32: {  	s10 =	sld [smem:$0x3F90];
	_ =	sdelay $0x3  }
0x33: {  	p0 =	seq.s32 s10, $0x1;
	s10 =	sld [smem:$0x3F92];
	_ =	sdelay $0x3  }
0x34: {  	[smem:$0x3F92] =	sst s10  }
0x35: {  	s10 =	sld [smem:$0x3F91];
	_ =	sdelay $0x3  }
0x36: {  	p1 =	seq.s32 s10, $0x1;
	s10 =	sld [smem:$0x3F92];
	_ =	sdelay $0x3  }
0x37: {  	[smem:$0x3F92] =	sst s10  }
0x38: {  	s10 =	sld [smem:$0x3F93]  }
0x39: {  	_ = 	snop;
	(pc) =	sbr.ind lr, $3  }
0x3a: {  	_ = 	snop  }
0x3b: {  	_ = 	snop  }
0x3c: {  	p2 =	seq.s32 s10, $0x1;
	s10 =	sld [smem:$0x3F92]  }
0x3d: {  	_ =	shalt  }
0x3e: {  	_ =	shalt  }
0x3f: {  	_ =	shalt  }
0x40: {  	_ =	shalt  }
0x41: {  	_ =	shalt  }
0x42: {  	_ =	shalt  }
0x43: {  	_ =	shalt  }
0x44: {  	_ =	shalt  }
0x45: {  	_ =	shalt  }
0x46: {  	_ =	shalt  }
0x47: {  	_ =	shalt  }
0x48: {  	_ =	shalt  }
0x49: {  	_ =	shalt  }
0x4a: {  	_ =	shalt  }
0x4b: {  	_ =	shalt  }
0x4c: {  	_ =	shalt  }
0x4d: {  	_ =	shalt  }
0x4e: {  	_ =	shalt  }
0x4f: {  	_ =	shalt  }
0x50: {  	_ =	shalt  }
0x51: {  	_ =	shalt  }
0x52: {  	_ =	shalt  }
0x53: {  	_ =	shalt  }
0x54: {  	_ =	shalt  }
0x55: {  	_ =	shalt  }
0x56: {  	_ =	shalt  }
0x57: {  	_ =	shalt  }
0x58: {  	_ =	shalt  }
0x59: {  	_ =	shalt  }
0x5a: {  	_ =	shalt  }
0x5b: {  	_ =	shalt  }
0x5c: {  	_ =	shalt  }
0x5d: {  	_ =	shalt  }
0x5e: {  	_ =	shalt  }
0x5f: {  	_ =	shalt  }
0x60: {  	_ =	shalt  }
0x61: {  	_ =	shalt  }
0x62: {  	_ =	shalt  }
0x63: {  	_ =	shalt  }
0x64: {  	_ =	shalt  }
0x65: {  	_ =	shalt  }
0x66: {  	_ =	shalt  }
0x67: {  	_ =	shalt  }
0x68: {  	_ =	shalt  }
0x69: {  	_ =	shalt  }
0x6a: {  	_ =	shalt  }
0x6b: {  	_ =	shalt  }
0x6c: {  	_ =	shalt  }
0x6d: {  	_ =	shalt  }
0x6e: {  	_ =	shalt  }
0x6f: {  	_ =	shalt  }
0x70: {  	_ =	shalt  }
0x71: {  	_ =	shalt  }
0x72: {  	_ =	shalt  }
0x73: {  	_ =	shalt  }
0x74: {  	_ =	shalt  }
0x75: {  	_ =	shalt  }
0x76: {  	_ =	shalt  }
0x77: {  	_ =	shalt  }
0x78: {  	_ =	shalt  }
0x79: {  	_ =	shalt  }
0x7a: {  	_ =	shalt  }
0x7b: {  	_ =	shalt  }
0x7c: {  	_ =	shalt  }
0x7d: {  	_ =	shalt  }
0x7e: {  	_ =	shalt  }
0x7f: {  	_ =	shalt  }
0x80: {  	_ =	shalt  }
0x81: {  	_ =	shalt  }
0x82: {  	_ =	shalt  }
0x83: {  	_ =	shalt  }
0x84: {  	_ =	shalt  }
0x85: {  	_ =	shalt  }
0x86: {  	_ =	shalt  }
0x87: {  	_ =	shalt  }
.Lfunc_end0:
.L_simem_size_0:
called_computation.7_lowered:
.L_overlay_start_0:
0x88: {  	s2 =	sld [smem:$0x3FD9]  }
0x89: {  	s3 =	sld [smem:$0x3FFE];
	_ =	sdelay $0x1  }
0x8a: {  	s1 =	srdreg.scid  }
0x8b: {  	s0 =	sand.u32 $0x1, s1  }
0x8c: {  	s17 =	sshll.u32 s0, $0xA;
	s2 =	sadd.s32 s3, s2  }
0x8d: {  	s2 =	sadd.s32 s2, s17  }
0x8e: {  	[smem:$0x3F9E] =	sst s2  }
0x8f: {  	_ = 	snop  }
0x90: {  	(tm) =	ssettm $0x1  }
0x91: {  	s18 =	sld [smem:$0x3FFB];
	_ =	sdelay $0x3  }
0x92: {  	_ =	strace s18  }
0x93: {  	s2 =	sld [smem:$0x3FFC];
	_ =	sdelay $0x3  }
0x94: {  	_ =	strace s2  }
0x95: {  	s2 =	sld [smem:$0x3FFD];
	_ =	sdelay $0x3  }
0x96: {  	_ =	strace s2  }
0x97: {  	_ =	strace $0x8FFFFFFF  }
0x98: {  	s19 =	sld [smem:$0x3FDB];
	_ =	sdelay $0x1  }
0x99: {  	s20 =	simm.s32 $_scs_section_size  }
0x9a: {  	s4 =	simm.s32 $_size__tile_overlayer_lowered;
	s5 =	simm.s32 $_tile_overlayer_lowered  }
0x9b: {  	s6 =	simm.s32 $0x1BFF;
	s21 =	sshll.u32 s5, $0x1;
	s3 =	sadd.s32 s20, s19  }
0x9c: {  	s22 =	simm.s32 $0x0;
	s4 =	sshll.u32 s4, $0x1;
	s5 =	sadd.s32 s21, s3  }
0x9d: {  	[timem:s22], [sflag:s6] =	dma.local [hbm:s5], s4  }
0x9e: {  	_ =	swait.ge [sflag:s6], s4  }
0x9f: {  	s4 =	ssub.s32 $0x0, s4;
	[sflag:s6] =	ssyncset.done $0x0  }
0xa0: {  	[sflag:s6] =	ssyncadd.s32 s4;
	_ =	sdelay $0x1  }
0xa1: {  	s23 =	simm.s32 $0x1B8B  }
0xa2: {  	_ =	swait.ge [sflag:s23], $0x1  }
0xa3: {  	[sflag:s23] =	ssyncset.done $0x0  }
0xa4: {  	[sflag:s23] =	ssyncadd.s32 $0xFFFFFFFF  }
0xa5: {  	s4 =	sld [smem:$0x0]  }
0xa6: {  	s5 =	sand.u32 $0xFFFFFFFE, s1  }
0xa7: {  	p0 =	sne.s32 s1, s5  }
0xa8: {  	s5 =	sshll.u32 @p0 s5, $0xE  }
0xa9: {  	s5 =	sadd.s32 @p0 $0x11B8D, s5;
	s6 =	sshll.u32 @p0 s4, $0x11  }
0xaa: {  	s5 =	sor.u32 @p0 s6, s5  }
0xab: {  	[sflag:s5] =	ssyncadd.remote.s32 @p0 $0x1;
	_ =	sdelay $0x1  }
0xac: {  	s5 =	simm.s32 @p0 $0x1B8D  }
0xad: {  	_ =	swait.eq @p0 [sflag:s5], $0x1  }
0xae: {  	[sflag:s5] =	ssyncadd.s32 @p0 $0xFFFFFFFF  }
0xaf: {  	s6 =	sshll.u32 @!p0 s1, $0xE  }
0xb0: {  	s6 =	sor.u32 @!p0 $0x4000, s6;
	s5 =	simm.s32 @!p0 $0x1B8D  }
0xb1: {  	s4 =	sshll.u32 @!p0 s4, $0x11;
	s6 =	sadd.s32 @!p0 $0x11B8D, s6;
	_ =	swait.eq @!p0 [sflag:s5], $0x1  }
0xb2: {  	s4 =	sor.u32 @!p0 s4, s6;
	[sflag:s5] =	ssyncadd.s32 @!p0 $0xFFFFFFFF  }
0xb3: {  	s25 =	simm.s32 $0x1B8E;
	s24 =	sld [smem:$0x3FFE];
	[sflag:s4] =	ssyncadd.remote.s32 @!p0 $0x1  }
0xb4: {  	s26 =	simm.s32 $execute0_lowered;
	[smem:$0x3FD2] =	sst s25  }
0xb5: {  	s5 =	sshll.u32 s26, $0x1;
	_ =	strace $0x80000058;
	[dreg:$0x1] =	wrdreg $0xFFFFFFFF  }
0xb6: {  	s28 =	simm.s32 $_size_execute0_lowered;
	s3 =	sadd.s32 s3, s5;
	[dreg:$0x0] =	wrdreg $0x0  }
0xb7: {  	s5 =	sshll.u32 s28, $0x1;
	[dreg:$0x2] =	wrdreg s3  }
0xb8: {  	[dreg:$0x3] =	wrdreg s5  }
0xb9: {  	[dreg:$0x4] =	wrdreg $0xC0  }
0xba: {  	_ =	task [dreg:s22], $0x5FFFF  }
0xbb: {  	[dreg:$0x1] =	wrdreg $0xFFFFFFFF  }
0xbc: {  	[dreg:$0x0] =	wrdreg $0x60  }
0xbd: {  	[dreg:$0x2] =	wrdreg s24  }
0xbe: {  	[dreg:$0x3] =	wrdreg $0x28800  }
0xbf: {  	[dreg:$0x4] =	wrdreg $0xA  }
0xc0: {  	_ =	task.clear_ibuf [dreg:s22], $0x5FFFF;
	_ =	strace $0x90000058  }
0xc1: {  	s29 =	simm.s32 $0xA;
	_ =	strace $0x8000005A  }
0xc2: {  	_ =	swait.ge [sflag:s29], $0x1  }
0xc3: {  	[sflag:s29] =	ssyncadd.s32 $0xFFFFFFFF  }
0xc4: {  	_ =	strace $0x9000005A  }
0xc5: {  	_ =	sfence  }
0xc6: {  	s30 =	sld [smem:$0x0];
	_ =	sdelay $0x2  }
0xc7: {  	s31 =	sshll.u32 s1, $0xD;
	s1 =	sshrl.u32 s1, $0x2  }
0xc8: {  	s4 =	sand.u32 $0x4000, s31;
	s1 =	sadd.s32 s1, s30  }
0xc9: {  	s0 =	sor.u32 s4, s0;
	s1 =	sshll.u32 s1, $0x11  }
0xca: {  	s0 =	sor.u32 s1, s0  }
0xcb: {  	s0 =	sadd.s32 $0x8F2B, s0  }
0xcc: {  	[sflag:s0] =	ssyncadd.remote.s32 $0x1  }
0xcd: {  	_ =	sfence.sel $0xFFFF  }
0xce: {  	[dreg:$0x0] =	wrdreg $0xFFFFFFFF;
	(pc) =	sbr.abs _section_cstart, $3  }
0xcf: {  	[dreg:$0x1] =	wrdreg $0xFFFFFFFF  }
0xd0: {  	_ =	task.clear_ibuf [dreg:s22], $0x2FFFF;
	_ =	strace $0x9FFFFFFF  }
0xd1: {  	(tm) =	ssettm $0x7FFFFFFF  }
tec
execute0_lowered:
.L_overlay_start_1:
0x0: {  	(tag) =	ssettag $0x1  }
0x1: {  	s13 =	rddreg [dreg:$0x0]  }
0x2: {  	s2 =	rddreg [dreg:$0x1]  }
0x3: {  	s0 =	stileid.u32;
	s1 =	rddreg [dreg:$0x2]  }
0x4: {  	s3 =	simm.s32 $0x0;
	s5 =	srdreg.scid;
	s14 =	smul.u32 $0x5000, s0  }
0x5: {  	[smem:$0x7FF] =	sst s3;
	s15 =	sand.u32 $0x1, s5  }
0x6: {  	s26 =	sshll.u32 s0, $0x6;
	_ =	strace $0x80000059;
	s4 =	sshrl.u32 s14, $0x3  }
0x7: {  	s5 =	sor.u32 $0x1C01, s26;
	s6 =	sadd.s32 s14, s2;
	s4 =	sadd.s32 s4, s13  }
0x8: {  	s7 =	sshrl.u32 s6, $0x3;
	s6 =	simm.s32 $0x1;
	s4 =	sadd.s32 $0x19C00, s4  }
0x9: {  	[spmem:s7], [sflag:s5] =	dma.local [hbm:s4], $0xA00  }
0xa: {  	s8 =	sshll.u32 s0, $0x8;
	s9 =	sshll.u32 s15, $0xC;
	_ =	swait.ge [sflag:s6], $0xA00  }
0xb: {  	s11 =	sor.u32 s8, s9;
	[sflag:s6] =	ssyncset.done $0x0  }
0xc: {  	s12 =	sadd.s32 $0x19800, s13;
	s8 =	sshrl.u32 s11, $0x3;
	[sflag:s6] =	ssyncadd.s32 $0xFFFFF600  }
0xd: {  	s8 =	sadd.s32 s12, s8;
	[bflag:$0x0] =	sbarrier.arrive $0xFFFF  }
0xe: {  	[tilespmem:s3], [sflag:$0x1] =	stream.linear.gather [hbm4b:s8+s3], $0x80, $0x38;
	[tilespmem:$0x7880] =	vst v63  }
0xf: {  	s9 =	smul.u32 $0xA, s11;
	_ =	swait.ge [sflag:s6], $0x80  }
0x10: {  	[sflag:s6] =	ssyncset.done $0x0  }
0x11: {  	s10 =	simm.s32 $0x80;
	s9 =	sadd.s32 s13, s9;
	[sflag:s6] =	ssyncadd.s32 $0xFFFFFF80  }
0x12: {  	[tilespmem:s10], [sflag:$0x1] =	stream.linear.gather [hbm4b:s9+s3], $0x2800, $0x38;
	[tilespmem:$0x7880] =	vst v63  }
0x13: {  	_ =	swait.ge [sflag:s6], $0x2800  }
0x14: {  	[sflag:s6] =	ssyncset.done $0x0  }
0x15: {  	[sflag:s6] =	ssyncadd.s32 $0xFFFFD800  }
0x16: {  	[spmem:s2] =	stream.indirect.scatter.add.f32 [tilespmem:s10], [sflag:$0x1], $0x50, s3, s10, $0xb8;
	[tilespmem:$0x7880] =	vst v63  }
0x17: {  	s16 =	sor.u32 $0x80, s11;
	_ =	swait.ge [sflag:s6], $0x2800  }
0x18: {  	s11 =	sshrl.u32 s16, $0x3;
	[sflag:s6] =	ssyncset.done $0x0  }
0x19: {  	s11 =	sadd.s32 s12, s11;
	[sflag:s6] =	ssyncadd.s32 $0xFFFFD800  }
0x1a: {  	[tilespmem:s3], [sflag:$0x1] =	stream.linear.gather [hbm4b:s11+s3], $0x80, $0x38;
	[tilespmem:$0x7880] =	vst v63  }
0x1b: {  	s28 =	smul.u32 $0xA, s16;
	_ =	swait.ge [sflag:s6], $0x80  }
0x1c: {  	[sflag:s6] =	ssyncset.done $0x0  }
0x1d: {  	s29 =	smul.u32 $0x50000, s15;
	s12 =	sadd.s32 s13, s28;
	[sflag:s6] =	ssyncadd.s32 $0xFFFFFF80  }
0x1e: {  	[tilespmem:s10], [sflag:$0x1] =	stream.linear.gather [hbm4b:s12+s3], $0x2800, $0x38;
	[tilespmem:$0x7880] =	vst v63  }
0x1f: {  	s15 =	ssub.s32 $0x2, s15;
	_ =	swait.ge [sflag:s6], $0x2800  }
0x20: {  	s30 =	sshrl.u32 s15, $0x1;
	s14 =	sadd.s32 s14, s29;
	[sflag:s6] =	ssyncset.done $0x0  }
0x21: {  	s31 =	ssub.s32 s15, s30;
	s14 =	sshrl.u32 s14, $0x3;
	[sflag:s6] =	ssyncadd.s32 $0xFFFFD800  }
0x22: {  	[spmem:s2] =	stream.indirect.scatter.add.f32 [tilespmem:s10], [sflag:$0x1], $0x50, s3, s10, $0xb8;
	[tilespmem:$0x7880] =	vst v63  }
0x23: {  	s13 =	sadd.s32 s14, s13;
	s14 =	smax.u32 s31, $0x1;
	_ =	swait.ge [sflag:s6], $0x2800  }
0x24: {  	p0 =	sne.s32 s14, $0x1;
	[sflag:s6] =	ssyncset.done $0x0  }
.Ltmp0:
0x25: {  	[sflag:s6] =	ssyncadd.s32 $0xFFFFD800;
	(pc) =	sbr.rel @!p0 .LBB2_2-.Ltmp0, $4  }
0x26: {  	s13 =	sadd.s32 $0x33C00, s13;
	[bflag:$0x0] =	sbarrier.arrive $0xFFFF  }
0x27: {  	[hbm:s13], [sflag:s5] =	dma.local [spmem:s7], $0xA00  }
0x28: {  	_ =	swait.ge [sflag:s6], $0xA00  }
0x29: {  	s14 =	sadd.s32 $0xFFFFFFFF, s14;
	[sflag:s6] =	ssyncset.done $0x0  }
.LBB2_1:
0x2a: {  	p0 =	sne.s32 s14, $0x1;
	s14 =	sadd.s32 $0xFFFFFFFF, s14;
	[sflag:s6] =	ssyncadd.s32 $0xFFFFF600  }
0x2b: {  	[spmem:s7], [sflag:s5] =	dma.local [hbm:s4], $0xA00  }
0x2c: {  	_ =	swait.ge [sflag:s6], $0xA00  }
0x2d: {  	[sflag:s6] =	ssyncset.done $0x0  }
0x2e: {  	[sflag:s6] =	ssyncadd.s32 $0xFFFFF600  }
0x2f: {  	[bflag:$0x0] =	sbarrier.arrive $0xFFFF  }
0x30: {  	[tilespmem:s3], [sflag:$0x1] =	stream.linear.gather [hbm4b:s8+s3], $0x80, $0x38;
	[tilespmem:$0x7880] =	vst v63  }
0x31: {  	_ =	swait.ge [sflag:s6], $0x80  }
0x32: {  	[sflag:s6] =	ssyncset.done $0x0  }
0x33: {  	[sflag:s6] =	ssyncadd.s32 $0xFFFFFF80  }
0x34: {  	[tilespmem:s10], [sflag:$0x1] =	stream.linear.gather [hbm4b:s9+s3], $0x2800, $0x38;
	[tilespmem:$0x7880] =	vst v63  }
0x35: {  	_ =	swait.ge [sflag:s6], $0x2800  }
0x36: {  	[sflag:s6] =	ssyncset.done $0x0  }
0x37: {  	[sflag:s6] =	ssyncadd.s32 $0xFFFFD800  }
0x38: {  	[spmem:s2] =	stream.indirect.scatter.add.f32 [tilespmem:s10], [sflag:$0x1], $0x50, s3, s10, $0xb8;
	[tilespmem:$0x7880] =	vst v63  }
0x39: {  	_ =	swait.ge [sflag:s6], $0x2800  }
0x3a: {  	[sflag:s6] =	ssyncset.done $0x0  }
0x3b: {  	[sflag:s6] =	ssyncadd.s32 $0xFFFFD800  }
0x3c: {  	[tilespmem:s3], [sflag:$0x1] =	stream.linear.gather [hbm4b:s11+s3], $0x80, $0x38;
	[tilespmem:$0x7880] =	vst v63  }
0x3d: {  	_ =	swait.ge [sflag:s6], $0x80  }
0x3e: {  	[sflag:s6] =	ssyncset.done $0x0  }
0x3f: {  	[sflag:s6] =	ssyncadd.s32 $0xFFFFFF80  }
0x40: {  	[tilespmem:s10], [sflag:$0x1] =	stream.linear.gather [hbm4b:s12+s3], $0x2800, $0x38;
	[tilespmem:$0x7880] =	vst v63  }
0x41: {  	_ =	swait.ge [sflag:s6], $0x2800  }
0x42: {  	[sflag:s6] =	ssyncset.done $0x0  }
0x43: {  	[sflag:s6] =	ssyncadd.s32 $0xFFFFD800  }
0x44: {  	[spmem:s2] =	stream.indirect.scatter.add.f32 [tilespmem:s10], [sflag:$0x1], $0x50, s3, s10, $0xb8;
	[tilespmem:$0x7880] =	vst v63  }
0x45: {  	_ =	swait.ge [sflag:s6], $0x2800  }
0x46: {  	[sflag:s6] =	ssyncset.done $0x0  }
.Ltmp1:
0x47: {  	[sflag:s6] =	ssyncadd.s32 $0xFFFFD800;
	(pc) =	sbr.rel @p0 .LBB2_1-.Ltmp1, $4  }
0x48: {  	[bflag:$0x0] =	sbarrier.arrive $0xFFFF  }
0x49: {  	[hbm:s13], [sflag:s5] =	dma.local [spmem:s7], $0xA00  }
0x4a: {  	_ =	swait.ge [sflag:s6], $0xA00  }
0x4b: {  	[sflag:s6] =	ssyncset.done $0x0  }
.LBB2_2:
0x4c: {  	[sflag:s6] =	ssyncadd.s32 $0xFFFFF600  }
0x4d: {  	_ =	sfence.sel $0x180000  }
0x4e: {  	[bflag:$0x0] =	sbarrier.arrive $0xFFFF  }
0x4f: {  	p0 =	sne.s32 s0, $0x0;
	_ =	strace $0x90000059  }
0x50: {  	s0 =	sadd.s32 @!p0 $0x100000, s1;
	[bflag:$0x2] =	sbarrier.arrive $0xFFFF  }
0x51: {  	[sflag:s0] =	ssyncadd.tile.s32 @!p0 $0x1;
	_ =	shalt  }
.Lfunc_end2:
_tile_overlayer_lowered:
.L_overlay_start_2:
0x52: {  	(tag) =	ssettag $0x2  }
0x53: {  	s0 =	rddreg [dreg:$0x0];
	s2 =	stileid.u32  }
0x54: {  	s1 =	rddreg [dreg:$0x1];
	p0 =	sne.s32 s2, $0x0  }
0x55: {  	s3 =	rddreg [dreg:$0x2];
	[bflag:$0x3] =	sbarrier.arrive $0xFFFF;
	s2 =	simm.s32 @!p0 $0x1C01  }
0x56: {  	[timem:s3], [sflag:s2] =	dma.local @!p0 [hbm:s0], s1  }
0x57: {  	s0 =	simm.s32 @!p0 $0x1  }
0x58: {  	_ =	swait.ge @!p0 [sflag:s0], s1  }
0x59: {  	s1 =	ssub.s32 @!p0 $0x0, s1;
	[sflag:s0] =	ssyncset.done @!p0 $0x0  }
0x5a: {  	[sflag:s0] =	ssyncadd.s32 @!p0 s1  }
0x5b: {  	[bflag:$0x3] =	sbarrier.arrive $0xFFFF  }
0x5c: {  	_ =	shalt  }

// kernel: kernel.53.cloned.1.call-start
scs
__scs_entry_jumppad:
0x0: {  	(pc) =	sbr.rel $0x88, $3  }
0x1: {  	(tag) =	ssettag $0x0;
	lr =	simm.s32 $0x1  }
0x2: {  	[smem:$0x3F77] =	sst lr;
	_ =	strace $0xD0000000  }
0x3: {  	_ = 	snop  }
0x4: {  	_ = 	snop  }
0x5: {  	_ = 	snop  }
0x6: {  	_ = 	snop  }
0x7: {  	_ = 	snop  }
__scs_overlays_trampoline_lowered:
0x8: {  	[smem:$0x3F86] =	sst s0  }
0x9: {  	[smem:$0x3F87] =	sst s1  }
0xa: {  	[smem:$0x3F88] =	sst s2  }
0xb: {  	[smem:$0x3F89] =	sst s3  }
0xc: {  	[smem:$0x3F8A] =	sst s4  }
0xd: {  	[smem:$0x3F8B] =	sst s5  }
0xe: {  	[smem:$0x3F8C] =	sst s6  }
0xf: {  	[smem:$0x3F8D] =	sst s7  }
0x10: {  	[smem:$0x3F8E] =	sst s8  }
0x11: {  	[smem:$0x3F8F] =	sst s9;
	s0 =	simm.s32 @!p0 $0x0  }
0x12: {  	s1 =	sld [smem:$0x3F75];
	s0 =	simm.s32 @p0 $0x1  }
0x13: {  	[smem:$0x3F90] =	sst s0;
	s0 =	simm.s32 @!p1 $0x0  }
0x14: {  	s2 =	sld [smem:$0x3F74];
	s0 =	simm.s32 @p1 $0x1  }
0x15: {  	[smem:$0x3F91] =	sst s0;
	s0 =	simm.s32 @!p2 $0x0  }
0x16: {  	s3 =	sld [smem:$0x3FDB];
	s0 =	simm.s32 @p2 $0x1  }
0x17: {  	s4 =	simm.s32 $0x1BF5;
	[smem:$0x3F93] =	sst s0  }
0x18: {  	s0 =	sld [smem:$0x3F76];
	_ =	swait.ge [sflag:s4], $0x0  }
0x19: {  	s7 =	sld [smem:$0x3F77]  }
0x1a: {  	s8 =	sadd.s32 $0xFFFFE003, lr  }
0x1b: {  	s9 =	sadd.s32 $0xFFFFFEF7, lr;
	s5 =	simm.s32 $0xFFFFFFFF;
	p2 =	slt.u32 s8, $0xFFFFF086  }
0x1c: {  	p1 =	slt.u32 s9, $0xF7A;
	s5 =	simm.s32 @!p2 $0x0  }
0x1d: {  	s5 =	simm.s32 @p1 $0x1;
	p0 =	seq.s32 s7, s2  }
0x1e: {  	s7 =	smul.u32 @!p0 $0xF7A, s2;
	p2 =	seq.s32 @!p0 s5, $0x0  }
0x1f: {  	s9 =	smul.u32 $0xF7A, s1;
	s8 =	simm.s32 @!p0 $0x1BF5;
	p2 =	por !p2, p0  }
0x20: {  	[sflag:s8] =	ssyncset.s32 @!p0 $0xFFFFF086;
	s6 =	sadd.s32 @!p0 s3, s7;
	s7 =	simm.s32 @!p0 $0x108  }
0x21: {  	s3 =	sadd.s32 s3, s9;
	s6 =	sadd.s32 @!p0 $0x88, s6;
	s7 =	simm.s32 @p2 $0x1082  }
0x22: {  	[simem:s7], [sflag:s8] =	dma.local @!p0 [hbm:s6], $0xF7A  }
0x23: {  	s9 =	sor.u32 $0xD0000000, s2;
	s6 =	simm.s32 $0x108;
	_ =	swait.ge @!p0 [sflag:s8], $0x0  }
0x24: {  	s3 =	sadd.s32 $0x88, s3;
	s6 =	simm.s32 @!p1 $0x1082;
	[sflag:s4] =	ssyncset.s32 $0xFFFFF086  }
0x25: {  	[simem:s6], [sflag:s4] =	dma.local [hbm:s3], $0xF7A  }
0x26: {  	[smem:$0x3F77] =	sst s1;
	(tag) =	ssettag s2;
	_ =	strace s9  }
0x27: {  	s1 =	sld [smem:$0x3F87]  }
0x28: {  	s2 =	sld [smem:$0x3F88]  }
0x29: {  	s4 =	sld [smem:$0x3F8A]  }
0x2a: {  	p0 =	seq.s32 s5, $0x0;
	s5 =	sld [smem:$0x3F8B]  }
0x2b: {  	s6 =	sld [smem:$0x3F8C]  }
0x2c: {  	s7 =	sld [smem:$0x3F8D]  }
0x2d: {  	s3 =	simm.s32 $0x108;
	s8 =	sld [smem:$0x3F8E]  }
0x2e: {  	s3 =	simm.s32 @!p0 $0x1082;
	s9 =	sld [smem:$0x3F8F]  }
0x2f: {  	lr =	sadd.s32 s0, s3;
	s0 =	sld [smem:$0x3F86]  }
0x30: {  	s3 =	sld [smem:$0x3F89]  }
0x31: {  	[smem:$0x3F92] =	sst s10  }
0x32: {  	s10 =	sld [smem:$0x3F90];
	_ =	sdelay $0x3  }
0x33: {  	p0 =	seq.s32 s10, $0x1;
	s10 =	sld [smem:$0x3F92];
	_ =	sdelay $0x3  }
0x34: {  	[smem:$0x3F92] =	sst s10  }
0x35: {  	s10 =	sld [smem:$0x3F91];
	_ =	sdelay $0x3  }
0x36: {  	p1 =	seq.s32 s10, $0x1;
	s10 =	sld [smem:$0x3F92];
	_ =	sdelay $0x3  }
0x37: {  	[smem:$0x3F92] =	sst s10  }
0x38: {  	s10 =	sld [smem:$0x3F93]  }
0x39: {  	_ = 	snop;
	(pc) =	sbr.ind lr, $3  }
0x3a: {  	_ = 	snop  }
0x3b: {  	_ = 	snop  }
0x3c: {  	p2 =	seq.s32 s10, $0x1;
	s10 =	sld [smem:$0x3F92]  }
0x3d: {  	_ =	shalt  }
0x3e: {  	_ =	shalt  }
0x3f: {  	_ =	shalt  }
0x40: {  	_ =	shalt  }
0x41: {  	_ =	shalt  }
0x42: {  	_ =	shalt  }
0x43: {  	_ =	shalt  }
0x44: {  	_ =	shalt  }
0x45: {  	_ =	shalt  }
0x46: {  	_ =	shalt  }
0x47: {  	_ =	shalt  }
0x48: {  	_ =	shalt  }
0x49: {  	_ =	shalt  }
0x4a: {  	_ =	shalt  }
0x4b: {  	_ =	shalt  }
0x4c: {  	_ =	shalt  }
0x4d: {  	_ =	shalt  }
0x4e: {  	_ =	shalt  }
0x4f: {  	_ =	shalt  }
0x50: {  	_ =	shalt  }
0x51: {  	_ =	shalt  }
0x52: {  	_ =	shalt  }
0x53: {  	_ =	shalt  }
0x54: {  	_ =	shalt  }
0x55: {  	_ =	shalt  }
0x56: {  	_ =	shalt  }
0x57: {  	_ =	shalt  }
0x58: {  	_ =	shalt  }
0x59: {  	_ =	shalt  }
0x5a: {  	_ =	shalt  }
0x5b: {  	_ =	shalt  }
0x5c: {  	_ =	shalt  }
0x5d: {  	_ =	shalt  }
0x5e: {  	_ =	shalt  }
0x5f: {  	_ =	shalt  }
0x60: {  	_ =	shalt  }
0x61: {  	_ =	shalt  }
0x62: {  	_ =	shalt  }
0x63: {  	_ =	shalt  }
0x64: {  	_ =	shalt  }
0x65: {  	_ =	shalt  }
0x66: {  	_ =	shalt  }
0x67: {  	_ =	shalt  }
0x68: {  	_ =	shalt  }
0x69: {  	_ =	shalt  }
0x6a: {  	_ =	shalt  }
0x6b: {  	_ =	shalt  }
0x6c: {  	_ =	shalt  }
0x6d: {  	_ =	shalt  }
0x6e: {  	_ =	shalt  }
0x6f: {  	_ =	shalt  }
0x70: {  	_ =	shalt  }
0x71: {  	_ =	shalt  }
0x72: {  	_ =	shalt  }
0x73: {  	_ =	shalt  }
0x74: {  	_ =	shalt  }
0x75: {  	_ =	shalt  }
0x76: {  	_ =	shalt  }
0x77: {  	_ =	shalt  }
0x78: {  	_ =	shalt  }
0x79: {  	_ =	shalt  }
0x7a: {  	_ =	shalt  }
0x7b: {  	_ =	shalt  }
0x7c: {  	_ =	shalt  }
0x7d: {  	_ =	shalt  }
0x7e: {  	_ =	shalt  }
0x7f: {  	_ =	shalt  }
0x80: {  	_ =	shalt  }
0x81: {  	_ =	shalt  }
0x82: {  	_ =	shalt  }
0x83: {  	_ =	shalt  }
0x84: {  	_ =	shalt  }
0x85: {  	_ =	shalt  }
0x86: {  	_ =	shalt  }
0x87: {  	_ =	shalt  }
.Lfunc_end0:
.L_simem_size_0:
called_computation.8_lowered:
.L_overlay_start_0:
0x88: {  	s2 =	sld [smem:$0x3FD9]  }
0x89: {  	s3 =	sld [smem:$0x3FFE];
	_ =	sdelay $0x1  }
0x8a: {  	s1 =	srdreg.scid  }
0x8b: {  	s0 =	sand.u32 $0x1, s1  }
0x8c: {  	s15 =	sshll.u32 s0, $0xA;
	s2 =	sadd.s32 s3, s2  }
0x8d: {  	s2 =	sadd.s32 s2, s15  }
0x8e: {  	[smem:$0x3F9E] =	sst s2  }
0x8f: {  	_ = 	snop  }
0x90: {  	s2 =	sld [smem:$0x3FD0];
	_ =	sdelay $0x2  }
0x91: {  	s16 =	simm.s32 $0xB;
	s4 =	simm.s32 $0x10  }
0x92: {  	[smem:s4], [sflag:s16] =	dma.local [hbm:s2], $0x1  }
0x93: {  	_ =	swait.eq [sflag:s16], $0x1  }
0x94: {  	[sflag:s16] =	ssyncset.done $0x0  }
0x95: {  	[sflag:s16] =	ssyncadd.s32 $0xFFFFFFFF  }
0x96: {  	s17 =	sld [smem:$0x11];
	(tm) =	ssettm $0x1  }
0x97: {  	s18 =	sld [smem:$0x3FFB];
	_ =	sdelay $0x3  }
0x98: {  	_ =	strace s18  }
0x99: {  	s2 =	sld [smem:$0x3FFC];
	_ =	sdelay $0x3  }
0x9a: {  	_ =	strace s2  }
0x9b: {  	s2 =	sld [smem:$0x3FFD];
	_ =	sdelay $0x3  }
0x9c: {  	_ =	strace s2  }
0x9d: {  	_ =	strace $0x8FFFFFFF  }
0x9e: {  	s19 =	sld [smem:$0x3FDB];
	_ =	sdelay $0x1  }
0x9f: {  	s20 =	simm.s32 $_scs_section_size  }
0xa0: {  	s5 =	simm.s32 $_size__tile_overlayer_lowered;
	s6 =	simm.s32 $_tile_overlayer_lowered  }
0xa1: {  	s7 =	simm.s32 $0x1BFF;
	s21 =	sshll.u32 s6, $0x1;
	s4 =	sadd.s32 s20, s19  }
0xa2: {  	s22 =	simm.s32 $0x0;
	s5 =	sshll.u32 s5, $0x1;
	s6 =	sadd.s32 s21, s4  }
0xa3: {  	[timem:s22], [sflag:s7] =	dma.local [hbm:s6], s5  }
0xa4: {  	_ =	swait.ge [sflag:s7], s5  }
0xa5: {  	s5 =	ssub.s32 $0x0, s5;
	[sflag:s7] =	ssyncset.done $0x0  }
0xa6: {  	[sflag:s7] =	ssyncadd.s32 s5;
	_ =	sdelay $0x1  }
0xa7: {  	s23 =	simm.s32 $0x1B8B  }
0xa8: {  	_ =	swait.ge [sflag:s23], $0x1  }
0xa9: {  	[sflag:s23] =	ssyncset.done $0x0  }
0xaa: {  	[sflag:s23] =	ssyncadd.s32 $0xFFFFFFFF  }
0xab: {  	s5 =	sld [smem:$0x0]  }
0xac: {  	s6 =	sand.u32 $0xFFFFFFFE, s1  }
0xad: {  	p0 =	sne.s32 s1, s6  }
0xae: {  	s6 =	sshll.u32 @p0 s6, $0xE  }
0xaf: {  	s6 =	sadd.s32 @p0 $0x11B8D, s6;
	s7 =	sshll.u32 @p0 s5, $0x11  }
0xb0: {  	s6 =	sor.u32 @p0 s7, s6  }
0xb1: {  	[sflag:s6] =	ssyncadd.remote.s32 @p0 $0x1;
	_ =	sdelay $0x1  }
0xb2: {  	s6 =	simm.s32 @p0 $0x1B8D  }
0xb3: {  	_ =	swait.eq @p0 [sflag:s6], $0x1  }
0xb4: {  	[sflag:s6] =	ssyncadd.s32 @p0 $0xFFFFFFFF  }
0xb5: {  	s7 =	sshll.u32 @!p0 s1, $0xE  }
0xb6: {  	s7 =	sor.u32 @!p0 $0x4000, s7;
	s6 =	simm.s32 @!p0 $0x1B8D  }
0xb7: {  	s5 =	sshll.u32 @!p0 s5, $0x11;
	s7 =	sadd.s32 @!p0 $0x11B8D, s7;
	_ =	swait.eq @!p0 [sflag:s6], $0x1  }
0xb8: {  	s5 =	sor.u32 @!p0 s5, s7;
	[sflag:s6] =	ssyncadd.s32 @!p0 $0xFFFFFFFF  }
0xb9: {  	s25 =	simm.s32 $0x1B8E;
	s24 =	sld [smem:$0x3FFE];
	[sflag:s5] =	ssyncadd.remote.s32 @!p0 $0x1  }
0xba: {  	s26 =	simm.s32 $execute0_lowered;
	[smem:$0x3FD2] =	sst s25  }
0xbb: {  	s6 =	sshll.u32 s26, $0x1;
	_ =	strace $0x80000061;
	[dreg:$0x1] =	wrdreg $0xFFFFFFFF  }
0xbc: {  	s28 =	simm.s32 $_size_execute0_lowered;
	s4 =	sadd.s32 s4, s6;
	[dreg:$0x0] =	wrdreg $0x0  }
0xbd: {  	s6 =	sshll.u32 s28, $0x1;
	[dreg:$0x2] =	wrdreg s4  }
0xbe: {  	[dreg:$0x3] =	wrdreg s6  }
0xbf: {  	[dreg:$0x4] =	wrdreg $0xC0  }
0xc0: {  	_ =	task [dreg:s22], $0x5FFFF  }
0xc1: {  	[dreg:$0x1] =	wrdreg $0xFFFFFFFF  }
0xc2: {  	[dreg:$0x0] =	wrdreg $0x60  }
0xc3: {  	[dreg:$0x2] =	wrdreg s24  }
0xc4: {  	[dreg:$0x3] =	wrdreg s17  }
0xc5: {  	[dreg:$0x4] =	wrdreg $0x9  }
0xc6: {  	_ =	task.clear_ibuf [dreg:s22], $0x5FFFF;
	_ =	strace $0x90000061  }
0xc7: {  	s29 =	simm.s32 $0x9;
	_ =	strace $0x80000063  }
0xc8: {  	_ =	swait.ge [sflag:s29], $0x1  }
0xc9: {  	[sflag:s29] =	ssyncadd.s32 $0xFFFFFFFF  }
0xca: {  	_ =	strace $0x90000063  }
0xcb: {  	_ =	sfence  }
0xcc: {  	s30 =	sld [smem:$0x0];
	_ =	sdelay $0x2  }
0xcd: {  	s31 =	sshll.u32 s1, $0xD;
	s1 =	sshrl.u32 s1, $0x2  }
0xce: {  	s4 =	sand.u32 $0x4000, s31;
	s1 =	sadd.s32 s1, s30  }
0xcf: {  	s0 =	sor.u32 s4, s0;
	s1 =	sshll.u32 s1, $0x11  }
0xd0: {  	s0 =	sor.u32 s1, s0  }
0xd1: {  	s0 =	sadd.s32 $0x8F2B, s0  }
0xd2: {  	[sflag:s0] =	ssyncadd.remote.s32 $0x1  }
0xd3: {  	_ =	sfence.sel $0xFFFF  }
0xd4: {  	[dreg:$0x0] =	wrdreg $0xFFFFFFFF;
	(pc) =	sbr.abs _section_cstart, $3  }
0xd5: {  	[dreg:$0x1] =	wrdreg $0xFFFFFFFF  }
0xd6: {  	_ =	task.clear_ibuf [dreg:s22], $0x2FFFF;
	_ =	strace $0x9FFFFFFF  }
0xd7: {  	(tm) =	ssettm $0x7FFFFFFF  }
tec
execute0_lowered:
.L_overlay_start_1:
0x0: {  	(tag) =	ssettag $0x1  }
0x1: {  	s1 =	srdreg.scid  }
0x2: {  	s2 =	rddreg [dreg:$0x0];
	s0 =	stileid.u32;
	s10 =	sand.u32 $0x1, s1  }
0x3: {  	s11 =	rddreg [dreg:$0x1];
	s4 =	sshll.u32 s0, $0x9;
	s5 =	sshll.u32 s10, $0x8  }
0x4: {  	s3 =	simm.s32 $0x0;
	s1 =	rddreg [dreg:$0x2];
	s9 =	sor.u32 s5, s4  }
0x5: {  	[smem:$0x7FF] =	sst s3;
	s12 =	sadd.s32 $0x31C00, s2;
	s4 =	sshrl.u32 s9, $0x3  }
0x6: {  	_ =	strace $0x80000062;
	s5 =	sadd.s32 s12, s4;
	s4 =	simm.s32 $0x2  }
0x7: {  	[tilespmem:s3], [sflag:$0x2] =	stream.linear.gather [hbm4b:s5+s3], $0x80, $0x38;
	[tilespmem:$0x2080] =	vst v63  }
0x8: {  	_ =	swait.ge [sflag:s4], $0x80  }
0x9: {  	[sflag:s4] =	ssyncset.done $0x0  }
0xa: {  	s6 =	simm.s32 $0x80;
	s7 =	simm.s32 $0x1;
	[sflag:s4] =	ssyncadd.s32 $0xFFFFFF80  }
0xb: {  	[tilespmem:s6], [sflag:$0x1] =	stream.indirect.gather [hbm4b:s2+s6], $0x40, s3, s6, $0xb8;
	[tilespmem:$0x2080] =	vst v63  }
0xc: {  	_ =	swait.ge [sflag:s7], $0x2000  }
0xd: {  	s8 =	sshll.u32 s9, $0x3;
	[sflag:s7] =	ssyncset.done $0x0  }
0xe: {  	s8 =	sadd.s32 s11, s8;
	[sflag:s7] =	ssyncadd.s32 $0xFFFFE000  }
0xf: {  	[hbm4b:s8+s3] =	stream.linear.scatter [tilespmem:s6], [sflag:$0x2], $0x2000, $0x38;
	[tilespmem:$0x2080] =	vst v63  }
0x10: {  	s13 =	sor.u32 $0x80, s9;
	_ =	swait.ge [sflag:s4], $0x2000  }
0x11: {  	s9 =	sshrl.u32 s13, $0x3;
	[sflag:s4] =	ssyncset.done $0x0  }
0x12: {  	s10 =	ssub.s32 $0x2, s10;
	s9 =	sadd.s32 s12, s9;
	[sflag:s4] =	ssyncadd.s32 $0xFFFFE000  }
0x13: {  	[tilespmem:s3], [sflag:$0x2] =	stream.linear.gather [hbm4b:s9+s3], $0x80, $0x38;
	[tilespmem:$0x2080] =	vst v63  }
0x14: {  	s29 =	sshrl.u32 s10, $0x1;
	_ =	swait.ge [sflag:s4], $0x80  }
0x15: {  	s12 =	ssub.s32 s10, s29;
	[sflag:s4] =	ssyncset.done $0x0  }
0x16: {  	s31 =	smax.u32 s12, $0x1;
	[sflag:s4] =	ssyncadd.s32 $0xFFFFFF80  }
0x17: {  	[tilespmem:s6], [sflag:$0x1] =	stream.indirect.gather [hbm4b:s2+s6], $0x40, s3, s6, $0xb8;
	[tilespmem:$0x2080] =	vst v63  }
0x18: {  	p0 =	sne.s32 s31, $0x1;
	_ =	swait.ge [sflag:s7], $0x2000  }
.Ltmp0:
0x19: {  	s30 =	sshll.u32 s13, $0x3;
	[sflag:s7] =	ssyncset.done $0x0;
	(pc) =	sbr.rel @!p0 .LBB2_2-.Ltmp0, $4  }
0x1a: {  	s10 =	sadd.s32 s11, s30;
	[sflag:s7] =	ssyncadd.s32 $0xFFFFE000  }
0x1b: {  	[hbm4b:s10+s3] =	stream.linear.scatter [tilespmem:s6], [sflag:$0x2], $0x2000, $0x38;
	[tilespmem:$0x2080] =	vst v63  }
0x1c: {  	_ =	swait.ge [sflag:s4], $0x2000  }
0x1d: {  	s11 =	sadd.s32 $0xFFFFFFFF, s31;
	[sflag:s4] =	ssyncset.done $0x0  }
.LBB2_1:
0x1e: {  	p0 =	sne.s32 s11, $0x1;
	s11 =	sadd.s32 $0xFFFFFFFF, s11;
	[sflag:s4] =	ssyncadd.s32 $0xFFFFE000  }
0x1f: {  	[tilespmem:s3], [sflag:$0x2] =	stream.linear.gather [hbm4b:s5+s3], $0x80, $0x38;
	[tilespmem:$0x2080] =	vst v63  }
0x20: {  	_ =	swait.ge [sflag:s4], $0x80  }
0x21: {  	[sflag:s4] =	ssyncset.done $0x0  }
0x22: {  	[sflag:s4] =	ssyncadd.s32 $0xFFFFFF80  }
0x23: {  	[tilespmem:s6], [sflag:$0x1] =	stream.indirect.gather [hbm4b:s2+s6], $0x40, s3, s6, $0xb8;
	[tilespmem:$0x2080] =	vst v63  }
0x24: {  	_ =	swait.ge [sflag:s7], $0x2000  }
0x25: {  	[sflag:s7] =	ssyncset.done $0x0  }
0x26: {  	[sflag:s7] =	ssyncadd.s32 $0xFFFFE000  }
0x27: {  	[hbm4b:s8+s3] =	stream.linear.scatter [tilespmem:s6], [sflag:$0x2], $0x2000, $0x38;
	[tilespmem:$0x2080] =	vst v63  }
0x28: {  	_ =	swait.ge [sflag:s4], $0x2000  }
0x29: {  	[sflag:s4] =	ssyncset.done $0x0  }
0x2a: {  	[sflag:s4] =	ssyncadd.s32 $0xFFFFE000  }
0x2b: {  	[tilespmem:s3], [sflag:$0x2] =	stream.linear.gather [hbm4b:s9+s3], $0x80, $0x38;
	[tilespmem:$0x2080] =	vst v63  }
0x2c: {  	_ =	swait.ge [sflag:s4], $0x80  }
0x2d: {  	[sflag:s4] =	ssyncset.done $0x0  }
0x2e: {  	[sflag:s4] =	ssyncadd.s32 $0xFFFFFF80  }
0x2f: {  	[tilespmem:s6], [sflag:$0x1] =	stream.indirect.gather [hbm4b:s2+s6], $0x40, s3, s6, $0xb8;
	[tilespmem:$0x2080] =	vst v63  }
0x30: {  	_ =	swait.ge [sflag:s7], $0x2000  }
.Ltmp1:
0x31: {  	[sflag:s7] =	ssyncset.done $0x0;
	(pc) =	sbr.rel @p0 .LBB2_1-.Ltmp1, $4  }
0x32: {  	[sflag:s7] =	ssyncadd.s32 $0xFFFFE000  }
0x33: {  	[hbm4b:s10+s3] =	stream.linear.scatter [tilespmem:s6], [sflag:$0x2], $0x2000, $0x38;
	[tilespmem:$0x2080] =	vst v63  }
0x34: {  	_ =	swait.ge [sflag:s4], $0x2000  }
0x35: {  	[sflag:s4] =	ssyncset.done $0x0  }
.LBB2_2:
0x36: {  	[sflag:s4] =	ssyncadd.s32 $0xFFFFE000  }
0x37: {  	_ =	sfence.sel $0x180000  }
0x38: {  	[bflag:$0x0] =	sbarrier.arrive $0xFFFF  }
0x39: {  	p0 =	sne.s32 s0, $0x0;
	_ =	strace $0x90000062  }
0x3a: {  	s0 =	sadd.s32 @!p0 $0x100000, s1;
	[bflag:$0x2] =	sbarrier.arrive $0xFFFF  }
0x3b: {  	[sflag:s0] =	ssyncadd.tile.s32 @!p0 $0x1;
	_ =	shalt  }
.Lfunc_end2:
_tile_overlayer_lowered:
.L_overlay_start_2:
0x3c: {  	(tag) =	ssettag $0x2  }
0x3d: {  	s0 =	rddreg [dreg:$0x0];
	s2 =	stileid.u32  }
0x3e: {  	s1 =	rddreg [dreg:$0x1];
	p0 =	sne.s32 s2, $0x0  }
0x3f: {  	s3 =	rddreg [dreg:$0x2];
	[bflag:$0x3] =	sbarrier.arrive $0xFFFF;
	s2 =	simm.s32 @!p0 $0x1C02  }
0x40: {  	[timem:s3], [sflag:s2] =	dma.local @!p0 [hbm:s0], s1  }
0x41: {  	s0 =	simm.s32 @!p0 $0x2  }
0x42: {  	_ =	swait.ge @!p0 [sflag:s0], s1  }
0x43: {  	s1 =	ssub.s32 @!p0 $0x0, s1;
	[sflag:s0] =	ssyncset.done @!p0 $0x0  }
0x44: {  	[sflag:s0] =	ssyncadd.s32 @!p0 s1  }
0x45: {  	[bflag:$0x3] =	sbarrier.arrive $0xFFFF  }
0x46: {  	_ =	shalt  }

// kernel: kernel.56.cloned.1.call-start
scs
__scs_entry_jumppad:
0x0: {  	(pc) =	sbr.rel $0x88, $3  }
0x1: {  	(tag) =	ssettag $0x0;
	lr =	simm.s32 $0x1  }
0x2: {  	[smem:$0x3F77] =	sst lr;
	_ =	strace $0xD0000000  }
0x3: {  	_ = 	snop  }
0x4: {  	_ = 	snop  }
0x5: {  	_ = 	snop  }
0x6: {  	_ = 	snop  }
0x7: {  	_ = 	snop  }
__scs_overlays_trampoline_lowered:
0x8: {  	[smem:$0x3F86] =	sst s0  }
0x9: {  	[smem:$0x3F87] =	sst s1  }
0xa: {  	[smem:$0x3F88] =	sst s2  }
0xb: {  	[smem:$0x3F89] =	sst s3  }
0xc: {  	[smem:$0x3F8A] =	sst s4  }
0xd: {  	[smem:$0x3F8B] =	sst s5  }
0xe: {  	[smem:$0x3F8C] =	sst s6  }
0xf: {  	[smem:$0x3F8D] =	sst s7  }
0x10: {  	[smem:$0x3F8E] =	sst s8  }
0x11: {  	[smem:$0x3F8F] =	sst s9;
	s0 =	simm.s32 @!p0 $0x0  }
0x12: {  	s1 =	sld [smem:$0x3F75];
	s0 =	simm.s32 @p0 $0x1  }
0x13: {  	[smem:$0x3F90] =	sst s0;
	s0 =	simm.s32 @!p1 $0x0  }
0x14: {  	s2 =	sld [smem:$0x3F74];
	s0 =	simm.s32 @p1 $0x1  }
0x15: {  	[smem:$0x3F91] =	sst s0;
	s0 =	simm.s32 @!p2 $0x0  }
0x16: {  	s3 =	sld [smem:$0x3FDB];
	s0 =	simm.s32 @p2 $0x1  }
0x17: {  	s4 =	simm.s32 $0x1BF5;
	[smem:$0x3F93] =	sst s0  }
0x18: {  	s0 =	sld [smem:$0x3F76];
	_ =	swait.ge [sflag:s4], $0x0  }
0x19: {  	s7 =	sld [smem:$0x3F77]  }
0x1a: {  	s8 =	sadd.s32 $0xFFFFE003, lr  }
0x1b: {  	s9 =	sadd.s32 $0xFFFFFEF7, lr;
	s5 =	simm.s32 $0xFFFFFFFF;
	p2 =	slt.u32 s8, $0xFFFFF086  }
0x1c: {  	p1 =	slt.u32 s9, $0xF7A;
	s5 =	simm.s32 @!p2 $0x0  }
0x1d: {  	s5 =	simm.s32 @p1 $0x1;
	p0 =	seq.s32 s7, s2  }
0x1e: {  	s7 =	smul.u32 @!p0 $0xF7A, s2;
	p2 =	seq.s32 @!p0 s5, $0x0  }
0x1f: {  	s9 =	smul.u32 $0xF7A, s1;
	s8 =	simm.s32 @!p0 $0x1BF5;
	p2 =	por !p2, p0  }
0x20: {  	[sflag:s8] =	ssyncset.s32 @!p0 $0xFFFFF086;
	s6 =	sadd.s32 @!p0 s3, s7;
	s7 =	simm.s32 @!p0 $0x108  }
0x21: {  	s3 =	sadd.s32 s3, s9;
	s6 =	sadd.s32 @!p0 $0x88, s6;
	s7 =	simm.s32 @p2 $0x1082  }
0x22: {  	[simem:s7], [sflag:s8] =	dma.local @!p0 [hbm:s6], $0xF7A  }
0x23: {  	s9 =	sor.u32 $0xD0000000, s2;
	s6 =	simm.s32 $0x108;
	_ =	swait.ge @!p0 [sflag:s8], $0x0  }
0x24: {  	s3 =	sadd.s32 $0x88, s3;
	s6 =	simm.s32 @!p1 $0x1082;
	[sflag:s4] =	ssyncset.s32 $0xFFFFF086  }
0x25: {  	[simem:s6], [sflag:s4] =	dma.local [hbm:s3], $0xF7A  }
0x26: {  	[smem:$0x3F77] =	sst s1;
	(tag) =	ssettag s2;
	_ =	strace s9  }
0x27: {  	s1 =	sld [smem:$0x3F87]  }
0x28: {  	s2 =	sld [smem:$0x3F88]  }
0x29: {  	s4 =	sld [smem:$0x3F8A]  }
0x2a: {  	p0 =	seq.s32 s5, $0x0;
	s5 =	sld [smem:$0x3F8B]  }
0x2b: {  	s6 =	sld [smem:$0x3F8C]  }
0x2c: {  	s7 =	sld [smem:$0x3F8D]  }
0x2d: {  	s3 =	simm.s32 $0x108;
	s8 =	sld [smem:$0x3F8E]  }
0x2e: {  	s3 =	simm.s32 @!p0 $0x1082;
	s9 =	sld [smem:$0x3F8F]  }
0x2f: {  	lr =	sadd.s32 s0, s3;
	s0 =	sld [smem:$0x3F86]  }
0x30: {  	s3 =	sld [smem:$0x3F89]  }
0x31: {  	[smem:$0x3F92] =	sst s10  }
0x32: {  	s10 =	sld [smem:$0x3F90];
	_ =	sdelay $0x3  }
0x33: {  	p0 =	seq.s32 s10, $0x1;
	s10 =	sld [smem:$0x3F92];
	_ =	sdelay $0x3  }
0x34: {  	[smem:$0x3F92] =	sst s10  }
0x35: {  	s10 =	sld [smem:$0x3F91];
	_ =	sdelay $0x3  }
0x36: {  	p1 =	seq.s32 s10, $0x1;
	s10 =	sld [smem:$0x3F92];
	_ =	sdelay $0x3  }
0x37: {  	[smem:$0x3F92] =	sst s10  }
0x38: {  	s10 =	sld [smem:$0x3F93]  }
0x39: {  	_ = 	snop;
	(pc) =	sbr.ind lr, $3  }
0x3a: {  	_ = 	snop  }
0x3b: {  	_ = 	snop  }
0x3c: {  	p2 =	seq.s32 s10, $0x1;
	s10 =	sld [smem:$0x3F92]  }
0x3d: {  	_ =	shalt  }
0x3e: {  	_ =	shalt  }
0x3f: {  	_ =	shalt  }
0x40: {  	_ =	shalt  }
0x41: {  	_ =	shalt  }
0x42: {  	_ =	shalt  }
0x43: {  	_ =	shalt  }
0x44: {  	_ =	shalt  }
0x45: {  	_ =	shalt  }
0x46: {  	_ =	shalt  }
0x47: {  	_ =	shalt  }
0x48: {  	_ =	shalt  }
0x49: {  	_ =	shalt  }
0x4a: {  	_ =	shalt  }
0x4b: {  	_ =	shalt  }
0x4c: {  	_ =	shalt  }
0x4d: {  	_ =	shalt  }
0x4e: {  	_ =	shalt  }
0x4f: {  	_ =	shalt  }
0x50: {  	_ =	shalt  }
0x51: {  	_ =	shalt  }
0x52: {  	_ =	shalt  }
0x53: {  	_ =	shalt  }
0x54: {  	_ =	shalt  }
0x55: {  	_ =	shalt  }
0x56: {  	_ =	shalt  }
0x57: {  	_ =	shalt  }
0x58: {  	_ =	shalt  }
0x59: {  	_ =	shalt  }
0x5a: {  	_ =	shalt  }
0x5b: {  	_ =	shalt  }
0x5c: {  	_ =	shalt  }
0x5d: {  	_ =	shalt  }
0x5e: {  	_ =	shalt  }
0x5f: {  	_ =	shalt  }
0x60: {  	_ =	shalt  }
0x61: {  	_ =	shalt  }
0x62: {  	_ =	shalt  }
0x63: {  	_ =	shalt  }
0x64: {  	_ =	shalt  }
0x65: {  	_ =	shalt  }
0x66: {  	_ =	shalt  }
0x67: {  	_ =	shalt  }
0x68: {  	_ =	shalt  }
0x69: {  	_ =	shalt  }
0x6a: {  	_ =	shalt  }
0x6b: {  	_ =	shalt  }
0x6c: {  	_ =	shalt  }
0x6d: {  	_ =	shalt  }
0x6e: {  	_ =	shalt  }
0x6f: {  	_ =	shalt  }
0x70: {  	_ =	shalt  }
0x71: {  	_ =	shalt  }
0x72: {  	_ =	shalt  }
0x73: {  	_ =	shalt  }
0x74: {  	_ =	shalt  }
0x75: {  	_ =	shalt  }
0x76: {  	_ =	shalt  }
0x77: {  	_ =	shalt  }
0x78: {  	_ =	shalt  }
0x79: {  	_ =	shalt  }
0x7a: {  	_ =	shalt  }
0x7b: {  	_ =	shalt  }
0x7c: {  	_ =	shalt  }
0x7d: {  	_ =	shalt  }
0x7e: {  	_ =	shalt  }
0x7f: {  	_ =	shalt  }
0x80: {  	_ =	shalt  }
0x81: {  	_ =	shalt  }
0x82: {  	_ =	shalt  }
0x83: {  	_ =	shalt  }
0x84: {  	_ =	shalt  }
0x85: {  	_ =	shalt  }
0x86: {  	_ =	shalt  }
0x87: {  	_ =	shalt  }
.Lfunc_end0:
.L_simem_size_0:
called_computation.9_lowered:
.L_overlay_start_0:
0x88: {  	s2 =	sld [smem:$0x3FD9]  }
0x89: {  	s3 =	sld [smem:$0x3FFE];
	_ =	sdelay $0x1  }
0x8a: {  	s1 =	srdreg.scid  }
0x8b: {  	s0 =	sand.u32 $0x1, s1  }
0x8c: {  	s17 =	sshll.u32 s0, $0xA;
	s2 =	sadd.s32 s3, s2  }
0x8d: {  	s2 =	sadd.s32 s2, s17  }
0x8e: {  	[smem:$0x3F9E] =	sst s2  }
0x8f: {  	_ = 	snop  }
0x90: {  	(tm) =	ssettm $0x1  }
0x91: {  	s18 =	sld [smem:$0x3FFB];
	_ =	sdelay $0x3  }
0x92: {  	_ =	strace s18  }
0x93: {  	s2 =	sld [smem:$0x3FFC];
	_ =	sdelay $0x3  }
0x94: {  	_ =	strace s2  }
0x95: {  	s2 =	sld [smem:$0x3FFD];
	_ =	sdelay $0x3  }
0x96: {  	_ =	strace s2  }
0x97: {  	_ =	strace $0x8FFFFFFF  }
0x98: {  	s19 =	sld [smem:$0x3FDB];
	_ =	sdelay $0x1  }
0x99: {  	s20 =	simm.s32 $_scs_section_size  }
0x9a: {  	s4 =	simm.s32 $_size__tile_overlayer_lowered;
	s5 =	simm.s32 $_tile_overlayer_lowered  }
0x9b: {  	s6 =	simm.s32 $0x1BFF;
	s21 =	sshll.u32 s5, $0x1;
	s3 =	sadd.s32 s20, s19  }
0x9c: {  	s22 =	simm.s32 $0x0;
	s4 =	sshll.u32 s4, $0x1;
	s5 =	sadd.s32 s21, s3  }
0x9d: {  	[timem:s22], [sflag:s6] =	dma.local [hbm:s5], s4  }
0x9e: {  	_ =	swait.ge [sflag:s6], s4  }
0x9f: {  	s4 =	ssub.s32 $0x0, s4;
	[sflag:s6] =	ssyncset.done $0x0  }
0xa0: {  	[sflag:s6] =	ssyncadd.s32 s4;
	_ =	sdelay $0x1  }
0xa1: {  	s23 =	simm.s32 $0x1B8B  }
0xa2: {  	_ =	swait.ge [sflag:s23], $0x1  }
0xa3: {  	[sflag:s23] =	ssyncset.done $0x0  }
0xa4: {  	[sflag:s23] =	ssyncadd.s32 $0xFFFFFFFF  }
0xa5: {  	s4 =	sld [smem:$0x0]  }
0xa6: {  	s5 =	sand.u32 $0xFFFFFFFE, s1  }
0xa7: {  	p0 =	sne.s32 s1, s5  }
0xa8: {  	s5 =	sshll.u32 @p0 s5, $0xE  }
0xa9: {  	s5 =	sadd.s32 @p0 $0x11B8D, s5;
	s6 =	sshll.u32 @p0 s4, $0x11  }
0xaa: {  	s5 =	sor.u32 @p0 s6, s5  }
0xab: {  	[sflag:s5] =	ssyncadd.remote.s32 @p0 $0x1;
	_ =	sdelay $0x1  }
0xac: {  	s5 =	simm.s32 @p0 $0x1B8D  }
0xad: {  	_ =	swait.eq @p0 [sflag:s5], $0x1  }
0xae: {  	[sflag:s5] =	ssyncadd.s32 @p0 $0xFFFFFFFF  }
0xaf: {  	s6 =	sshll.u32 @!p0 s1, $0xE  }
0xb0: {  	s6 =	sor.u32 @!p0 $0x4000, s6;
	s5 =	simm.s32 @!p0 $0x1B8D  }
0xb1: {  	s4 =	sshll.u32 @!p0 s4, $0x11;
	s6 =	sadd.s32 @!p0 $0x11B8D, s6;
	_ =	swait.eq @!p0 [sflag:s5], $0x1  }
0xb2: {  	s4 =	sor.u32 @!p0 s4, s6;
	[sflag:s5] =	ssyncadd.s32 @!p0 $0xFFFFFFFF  }
0xb3: {  	s25 =	simm.s32 $0x1B8E;
	s24 =	sld [smem:$0x3FFE];
	[sflag:s4] =	ssyncadd.remote.s32 @!p0 $0x1  }
0xb4: {  	s26 =	simm.s32 $execute0_lowered;
	[smem:$0x3FD2] =	sst s25  }
0xb5: {  	s5 =	sshll.u32 s26, $0x1;
	_ =	strace $0x8000005E;
	[dreg:$0x1] =	wrdreg $0xFFFFFFFF  }
0xb6: {  	s28 =	simm.s32 $_size_execute0_lowered;
	s3 =	sadd.s32 s3, s5;
	[dreg:$0x0] =	wrdreg $0x0  }
0xb7: {  	s5 =	sshll.u32 s28, $0x1;
	[dreg:$0x2] =	wrdreg s3  }
0xb8: {  	[dreg:$0x3] =	wrdreg s5  }
0xb9: {  	[dreg:$0x4] =	wrdreg $0xC0  }
0xba: {  	_ =	task [dreg:s22], $0x5FFFF  }
0xbb: {  	[dreg:$0x1] =	wrdreg $0xFFFFFFFF  }
0xbc: {  	[dreg:$0x0] =	wrdreg $0x60  }
0xbd: {  	[dreg:$0x2] =	wrdreg s24  }
0xbe: {  	[dreg:$0x3] =	wrdreg $0xA  }
0xbf: {  	_ =	task.clear_ibuf [dreg:s22], $0x4FFFF;
	_ =	strace $0x9000005E  }
0xc0: {  	s29 =	simm.s32 $0xA;
	_ =	strace $0x80000060  }
0xc1: {  	_ =	swait.ge [sflag:s29], $0x1  }
0xc2: {  	[sflag:s29] =	ssyncadd.s32 $0xFFFFFFFF  }
0xc3: {  	_ =	strace $0x90000060  }
0xc4: {  	_ =	sfence  }
0xc5: {  	s30 =	sld [smem:$0x0];
	_ =	sdelay $0x2  }
0xc6: {  	s31 =	sshll.u32 s1, $0xD;
	s1 =	sshrl.u32 s1, $0x2  }
0xc7: {  	s4 =	sand.u32 $0x4000, s31;
	s1 =	sadd.s32 s1, s30  }
0xc8: {  	s0 =	sor.u32 s4, s0;
	s1 =	sshll.u32 s1, $0x11  }
0xc9: {  	s0 =	sor.u32 s1, s0  }
0xca: {  	s0 =	sadd.s32 $0x8F2B, s0  }
0xcb: {  	[sflag:s0] =	ssyncadd.remote.s32 $0x1  }
0xcc: {  	_ =	sfence.sel $0xFFFF  }
0xcd: {  	[dreg:$0x0] =	wrdreg $0xFFFFFFFF;
	(pc) =	sbr.abs _section_cstart, $3  }
0xce: {  	[dreg:$0x1] =	wrdreg $0xFFFFFFFF  }
0xcf: {  	_ =	task.clear_ibuf [dreg:s22], $0x2FFFF;
	_ =	strace $0x9FFFFFFF  }
0xd0: {  	(tm) =	ssettm $0x7FFFFFFF  }
0xd1: {  	_ =	shalt  }
tec
execute0_lowered:
.L_overlay_start_1:
0x0: {  	(tag) =	ssettag $0x1  }
0x1: {  	s1 =	srdreg.scid  }
0x2: {  	s0 =	stileid.u32;
	s10 =	sand.u32 $0x1, s1  }
0x3: {  	s8 =	rddreg [dreg:$0x0];
	s3 =	sshll.u32 s0, $0x9;
	s4 =	sshll.u32 s10, $0x8  }
0x4: {  	s2 =	simm.s32 $0x0;
	s1 =	rddreg [dreg:$0x1];
	s9 =	sor.u32 s4, s3  }
0x5: {  	[smem:$0x7FF] =	sst s2;
	s11 =	sadd.s32 $0x19400, s8;
	s3 =	sshrl.u32 s9, $0x3  }
0x6: {  	_ =	strace $0x8000005F;
	s4 =	sadd.s32 s11, s3;
	s3 =	simm.s32 $0x2  }
0x7: {  	[tilespmem:s2], [sflag:$0x2] =	stream.linear.gather [hbm4b:s4+s2], $0x80, $0x38;
	[tilespmem:$0x2080] =	vst v63  }
0x8: {  	_ =	swait.ge [sflag:s3], $0x80  }
0x9: {  	s6 =	simm.s32 $0x80;
	[sflag:s3] =	ssyncset.done $0x0  }
0xa: {  	s7 =	simm.s32 $0x1;
	s5 =	sadd.s32 $0x23C00, s8;
	[sflag:s3] =	ssyncadd.s32 $0xFFFFFF80  }
0xb: {  	[tilespmem:s6], [sflag:$0x1] =	stream.indirect.gather [hbm4b:s5+s6], $0x40, s2, s6, $0xb8;
	[tilespmem:$0x2080] =	vst v63  }
0xc: {  	_ =	swait.ge [sflag:s7], $0x2000  }
0xd: {  	s12 =	sadd.s32 $0x33C00, s8;
	s29 =	sshll.u32 s9, $0x3;
	[sflag:s7] =	ssyncset.done $0x0  }
0xe: {  	s8 =	sadd.s32 s12, s29;
	[sflag:s7] =	ssyncadd.s32 $0xFFFFE000  }
0xf: {  	[hbm4b:s8+s2] =	stream.linear.scatter [tilespmem:s6], [sflag:$0x2], $0x2000, $0x38;
	[tilespmem:$0x2080] =	vst v63  }
0x10: {  	s13 =	sor.u32 $0x80, s9;
	_ =	swait.ge [sflag:s3], $0x2000  }
0x11: {  	s9 =	sshrl.u32 s13, $0x3;
	[sflag:s3] =	ssyncset.done $0x0  }
0x12: {  	s10 =	ssub.s32 $0x2, s10;
	s9 =	sadd.s32 s11, s9;
	[sflag:s3] =	ssyncadd.s32 $0xFFFFE000  }
0x13: {  	[tilespmem:s2], [sflag:$0x2] =	stream.linear.gather [hbm4b:s9+s2], $0x80, $0x38;
	[tilespmem:$0x2080] =	vst v63  }
0x14: {  	s30 =	sshrl.u32 s10, $0x1;
	_ =	swait.ge [sflag:s3], $0x80  }
0x15: {  	s11 =	ssub.s32 s10, s30;
	[sflag:s3] =	ssyncset.done $0x0  }
0x16: {  	s11 =	smax.u32 s11, $0x1;
	[sflag:s3] =	ssyncadd.s32 $0xFFFFFF80  }
0x17: {  	[tilespmem:s6], [sflag:$0x1] =	stream.indirect.gather [hbm4b:s5+s6], $0x40, s2, s6, $0xb8;
	[tilespmem:$0x2080] =	vst v63  }
0x18: {  	p0 =	sne.s32 s11, $0x1;
	_ =	swait.ge [sflag:s7], $0x2000  }
.Ltmp0:
0x19: {  	s31 =	sshll.u32 s13, $0x3;
	[sflag:s7] =	ssyncset.done $0x0;
	(pc) =	sbr.rel @!p0 .LBB2_2-.Ltmp0, $4  }
0x1a: {  	s10 =	sadd.s32 s12, s31;
	[sflag:s7] =	ssyncadd.s32 $0xFFFFE000  }
0x1b: {  	[hbm4b:s10+s2] =	stream.linear.scatter [tilespmem:s6], [sflag:$0x2], $0x2000, $0x38;
	[tilespmem:$0x2080] =	vst v63  }
0x1c: {  	_ =	swait.ge [sflag:s3], $0x2000  }
0x1d: {  	s11 =	sadd.s32 $0xFFFFFFFF, s11;
	[sflag:s3] =	ssyncset.done $0x0  }
.LBB2_1:
0x1e: {  	p0 =	sne.s32 s11, $0x1;
	s11 =	sadd.s32 $0xFFFFFFFF, s11;
	[sflag:s3] =	ssyncadd.s32 $0xFFFFE000  }
0x1f: {  	[tilespmem:s2], [sflag:$0x2] =	stream.linear.gather [hbm4b:s4+s2], $0x80, $0x38;
	[tilespmem:$0x2080] =	vst v63  }
0x20: {  	_ =	swait.ge [sflag:s3], $0x80  }
0x21: {  	[sflag:s3] =	ssyncset.done $0x0  }
0x22: {  	[sflag:s3] =	ssyncadd.s32 $0xFFFFFF80  }
0x23: {  	[tilespmem:s6], [sflag:$0x1] =	stream.indirect.gather [hbm4b:s5+s6], $0x40, s2, s6, $0xb8;
	[tilespmem:$0x2080] =	vst v63  }
0x24: {  	_ =	swait.ge [sflag:s7], $0x2000  }
0x25: {  	[sflag:s7] =	ssyncset.done $0x0  }
0x26: {  	[sflag:s7] =	ssyncadd.s32 $0xFFFFE000  }
0x27: {  	[hbm4b:s8+s2] =	stream.linear.scatter [tilespmem:s6], [sflag:$0x2], $0x2000, $0x38;
	[tilespmem:$0x2080] =	vst v63  }
0x28: {  	_ =	swait.ge [sflag:s3], $0x2000  }
0x29: {  	[sflag:s3] =	ssyncset.done $0x0  }
0x2a: {  	[sflag:s3] =	ssyncadd.s32 $0xFFFFE000  }
0x2b: {  	[tilespmem:s2], [sflag:$0x2] =	stream.linear.gather [hbm4b:s9+s2], $0x80, $0x38;
	[tilespmem:$0x2080] =	vst v63  }
0x2c: {  	_ =	swait.ge [sflag:s3], $0x80  }
0x2d: {  	[sflag:s3] =	ssyncset.done $0x0  }
0x2e: {  	[sflag:s3] =	ssyncadd.s32 $0xFFFFFF80  }
0x2f: {  	[tilespmem:s6], [sflag:$0x1] =	stream.indirect.gather [hbm4b:s5+s6], $0x40, s2, s6, $0xb8;
	[tilespmem:$0x2080] =	vst v63  }
0x30: {  	_ =	swait.ge [sflag:s7], $0x2000  }
.Ltmp1:
0x31: {  	[sflag:s7] =	ssyncset.done $0x0;
	(pc) =	sbr.rel @p0 .LBB2_1-.Ltmp1, $4  }
0x32: {  	[sflag:s7] =	ssyncadd.s32 $0xFFFFE000  }
0x33: {  	[hbm4b:s10+s2] =	stream.linear.scatter [tilespmem:s6], [sflag:$0x2], $0x2000, $0x38;
	[tilespmem:$0x2080] =	vst v63  }
0x34: {  	_ =	swait.ge [sflag:s3], $0x2000  }
0x35: {  	[sflag:s3] =	ssyncset.done $0x0  }
.LBB2_2:
0x36: {  	[sflag:s3] =	ssyncadd.s32 $0xFFFFE000  }
0x37: {  	_ =	sfence.sel $0x180000  }
0x38: {  	[bflag:$0x0] =	sbarrier.arrive $0xFFFF  }
0x39: {  	p0 =	sne.s32 s0, $0x0;
	_ =	strace $0x9000005F  }
0x3a: {  	s0 =	sadd.s32 @!p0 $0x100000, s1;
	[bflag:$0x2] =	sbarrier.arrive $0xFFFF  }
0x3b: {  	[sflag:s0] =	ssyncadd.tile.s32 @!p0 $0x1;
	_ =	shalt  }
.Lfunc_end2:
_tile_overlayer_lowered:
.L_overlay_start_2:
0x3c: {  	(tag) =	ssettag $0x2  }
0x3d: {  	s0 =	rddreg [dreg:$0x0];
	s2 =	stileid.u32  }
0x3e: {  	s1 =	rddreg [dreg:$0x1];
	p0 =	sne.s32 s2, $0x0  }
0x3f: {  	s3 =	rddreg [dreg:$0x2];
	[bflag:$0x3] =	sbarrier.arrive $0xFFFF;
	s2 =	simm.s32 @!p0 $0x1C02  }
0x40: {  	[timem:s3], [sflag:s2] =	dma.local @!p0 [hbm:s0], s1  }
0x41: {  	s0 =	simm.s32 @!p0 $0x2  }
0x42: {  	_ =	swait.ge @!p0 [sflag:s0], s1  }
0x43: {  	s1 =	ssub.s32 @!p0 $0x0, s1;
	[sflag:s0] =	ssyncset.done @!p0 $0x0  }
0x44: {  	[sflag:s0] =	ssyncadd.s32 @!p0 s1  }
0x45: {  	[bflag:$0x3] =	sbarrier.arrive $0xFFFF  }
0x46: {  	_ =	shalt  }

// kernel: kernel.59.cloned.1.call-start
scs
__scs_entry_jumppad:
0x0: {  	(pc) =	sbr.rel $0x88, $3  }
0x1: {  	(tag) =	ssettag $0x0;
	lr =	simm.s32 $0x1  }
0x2: {  	[smem:$0x3F77] =	sst lr;
	_ =	strace $0xD0000000  }
0x3: {  	_ = 	snop  }
0x4: {  	_ = 	snop  }
0x5: {  	_ = 	snop  }
0x6: {  	_ = 	snop  }
0x7: {  	_ = 	snop  }
__scs_overlays_trampoline_lowered:
0x8: {  	[smem:$0x3F86] =	sst s0  }
0x9: {  	[smem:$0x3F87] =	sst s1  }
0xa: {  	[smem:$0x3F88] =	sst s2  }
0xb: {  	[smem:$0x3F89] =	sst s3  }
0xc: {  	[smem:$0x3F8A] =	sst s4  }
0xd: {  	[smem:$0x3F8B] =	sst s5  }
0xe: {  	[smem:$0x3F8C] =	sst s6  }
0xf: {  	[smem:$0x3F8D] =	sst s7  }
0x10: {  	[smem:$0x3F8E] =	sst s8  }
0x11: {  	[smem:$0x3F8F] =	sst s9;
	s0 =	simm.s32 @!p0 $0x0  }
0x12: {  	s1 =	sld [smem:$0x3F75];
	s0 =	simm.s32 @p0 $0x1  }
0x13: {  	[smem:$0x3F90] =	sst s0;
	s0 =	simm.s32 @!p1 $0x0  }
0x14: {  	s2 =	sld [smem:$0x3F74];
	s0 =	simm.s32 @p1 $0x1  }
0x15: {  	[smem:$0x3F91] =	sst s0;
	s0 =	simm.s32 @!p2 $0x0  }
0x16: {  	s3 =	sld [smem:$0x3FDB];
	s0 =	simm.s32 @p2 $0x1  }
0x17: {  	s4 =	simm.s32 $0x1BF5;
	[smem:$0x3F93] =	sst s0  }
0x18: {  	s0 =	sld [smem:$0x3F76];
	_ =	swait.ge [sflag:s4], $0x0  }
0x19: {  	s7 =	sld [smem:$0x3F77]  }
0x1a: {  	s8 =	sadd.s32 $0xFFFFE003, lr  }
0x1b: {  	s9 =	sadd.s32 $0xFFFFFEF7, lr;
	s5 =	simm.s32 $0xFFFFFFFF;
	p2 =	slt.u32 s8, $0xFFFFF086  }
0x1c: {  	p1 =	slt.u32 s9, $0xF7A;
	s5 =	simm.s32 @!p2 $0x0  }
0x1d: {  	s5 =	simm.s32 @p1 $0x1;
	p0 =	seq.s32 s7, s2  }
0x1e: {  	s7 =	smul.u32 @!p0 $0xF7A, s2;
	p2 =	seq.s32 @!p0 s5, $0x0  }
0x1f: {  	s9 =	smul.u32 $0xF7A, s1;
	s8 =	simm.s32 @!p0 $0x1BF5;
	p2 =	por !p2, p0  }
0x20: {  	[sflag:s8] =	ssyncset.s32 @!p0 $0xFFFFF086;
	s6 =	sadd.s32 @!p0 s3, s7;
	s7 =	simm.s32 @!p0 $0x108  }
0x21: {  	s3 =	sadd.s32 s3, s9;
	s6 =	sadd.s32 @!p0 $0x88, s6;
	s7 =	simm.s32 @p2 $0x1082  }
0x22: {  	[simem:s7], [sflag:s8] =	dma.local @!p0 [hbm:s6], $0xF7A  }
0x23: {  	s9 =	sor.u32 $0xD0000000, s2;
	s6 =	simm.s32 $0x108;
	_ =	swait.ge @!p0 [sflag:s8], $0x0  }
0x24: {  	s3 =	sadd.s32 $0x88, s3;
	s6 =	simm.s32 @!p1 $0x1082;
	[sflag:s4] =	ssyncset.s32 $0xFFFFF086  }
0x25: {  	[simem:s6], [sflag:s4] =	dma.local [hbm:s3], $0xF7A  }
0x26: {  	[smem:$0x3F77] =	sst s1;
	(tag) =	ssettag s2;
	_ =	strace s9  }
0x27: {  	s1 =	sld [smem:$0x3F87]  }
0x28: {  	s2 =	sld [smem:$0x3F88]  }
0x29: {  	s4 =	sld [smem:$0x3F8A]  }
0x2a: {  	p0 =	seq.s32 s5, $0x0;
	s5 =	sld [smem:$0x3F8B]  }
0x2b: {  	s6 =	sld [smem:$0x3F8C]  }
0x2c: {  	s7 =	sld [smem:$0x3F8D]  }
0x2d: {  	s3 =	simm.s32 $0x108;
	s8 =	sld [smem:$0x3F8E]  }
0x2e: {  	s3 =	simm.s32 @!p0 $0x1082;
	s9 =	sld [smem:$0x3F8F]  }
0x2f: {  	lr =	sadd.s32 s0, s3;
	s0 =	sld [smem:$0x3F86]  }
0x30: {  	s3 =	sld [smem:$0x3F89]  }
0x31: {  	[smem:$0x3F92] =	sst s10  }
0x32: {  	s10 =	sld [smem:$0x3F90];
	_ =	sdelay $0x3  }
0x33: {  	p0 =	seq.s32 s10, $0x1;
	s10 =	sld [smem:$0x3F92];
	_ =	sdelay $0x3  }
0x34: {  	[smem:$0x3F92] =	sst s10  }
0x35: {  	s10 =	sld [smem:$0x3F91];
	_ =	sdelay $0x3  }
0x36: {  	p1 =	seq.s32 s10, $0x1;
	s10 =	sld [smem:$0x3F92];
	_ =	sdelay $0x3  }
0x37: {  	[smem:$0x3F92] =	sst s10  }
0x38: {  	s10 =	sld [smem:$0x3F93]  }
0x39: {  	_ = 	snop;
	(pc) =	sbr.ind lr, $3  }
0x3a: {  	_ = 	snop  }
0x3b: {  	_ = 	snop  }
0x3c: {  	p2 =	seq.s32 s10, $0x1;
	s10 =	sld [smem:$0x3F92]  }
0x3d: {  	_ =	shalt  }
0x3e: {  	_ =	shalt  }
0x3f: {  	_ =	shalt  }
0x40: {  	_ =	shalt  }
0x41: {  	_ =	shalt  }
0x42: {  	_ =	shalt  }
0x43: {  	_ =	shalt  }
0x44: {  	_ =	shalt  }
0x45: {  	_ =	shalt  }
0x46: {  	_ =	shalt  }
0x47: {  	_ =	shalt  }
0x48: {  	_ =	shalt  }
0x49: {  	_ =	shalt  }
0x4a: {  	_ =	shalt  }
0x4b: {  	_ =	shalt  }
0x4c: {  	_ =	shalt  }
0x4d: {  	_ =	shalt  }
0x4e: {  	_ =	shalt  }
0x4f: {  	_ =	shalt  }
0x50: {  	_ =	shalt  }
0x51: {  	_ =	shalt  }
0x52: {  	_ =	shalt  }
0x53: {  	_ =	shalt  }
0x54: {  	_ =	shalt  }
0x55: {  	_ =	shalt  }
0x56: {  	_ =	shalt  }
0x57: {  	_ =	shalt  }
0x58: {  	_ =	shalt  }
0x59: {  	_ =	shalt  }
0x5a: {  	_ =	shalt  }
0x5b: {  	_ =	shalt  }
0x5c: {  	_ =	shalt  }
0x5d: {  	_ =	shalt  }
0x5e: {  	_ =	shalt  }
0x5f: {  	_ =	shalt  }
0x60: {  	_ =	shalt  }
0x61: {  	_ =	shalt  }
0x62: {  	_ =	shalt  }
0x63: {  	_ =	shalt  }
0x64: {  	_ =	shalt  }
0x65: {  	_ =	shalt  }
0x66: {  	_ =	shalt  }
0x67: {  	_ =	shalt  }
0x68: {  	_ =	shalt  }
0x69: {  	_ =	shalt  }
0x6a: {  	_ =	shalt  }
0x6b: {  	_ =	shalt  }
0x6c: {  	_ =	shalt  }
0x6d: {  	_ =	shalt  }
0x6e: {  	_ =	shalt  }
0x6f: {  	_ =	shalt  }
0x70: {  	_ =	shalt  }
0x71: {  	_ =	shalt  }
0x72: {  	_ =	shalt  }
0x73: {  	_ =	shalt  }
0x74: {  	_ =	shalt  }
0x75: {  	_ =	shalt  }
0x76: {  	_ =	shalt  }
0x77: {  	_ =	shalt  }
0x78: {  	_ =	shalt  }
0x79: {  	_ =	shalt  }
0x7a: {  	_ =	shalt  }
0x7b: {  	_ =	shalt  }
0x7c: {  	_ =	shalt  }
0x7d: {  	_ =	shalt  }
0x7e: {  	_ =	shalt  }
0x7f: {  	_ =	shalt  }
0x80: {  	_ =	shalt  }
0x81: {  	_ =	shalt  }
0x82: {  	_ =	shalt  }
0x83: {  	_ =	shalt  }
0x84: {  	_ =	shalt  }
0x85: {  	_ =	shalt  }
0x86: {  	_ =	shalt  }
0x87: {  	_ =	shalt  }
.Lfunc_end0:
.L_simem_size_0:
called_computation.10_lowered:
.L_overlay_start_0:
0x88: {  	s2 =	sld [smem:$0x3FD9]  }
0x89: {  	s3 =	sld [smem:$0x3FFE];
	_ =	sdelay $0x1  }
0x8a: {  	s1 =	srdreg.scid  }
0x8b: {  	s0 =	sand.u32 $0x1, s1  }
0x8c: {  	s15 =	sshll.u32 s0, $0xA;
	s2 =	sadd.s32 s3, s2  }
0x8d: {  	s2 =	sadd.s32 s2, s15  }
0x8e: {  	[smem:$0x3F9E] =	sst s2  }
0x8f: {  	_ = 	snop  }
0x90: {  	s2 =	sld [smem:$0x3FD0];
	_ =	sdelay $0x2  }
0x91: {  	s16 =	simm.s32 $0xB;
	s4 =	simm.s32 $0x10  }
0x92: {  	[smem:s4], [sflag:s16] =	dma.local [hbm:s2], $0x1  }
0x93: {  	_ =	swait.eq [sflag:s16], $0x1  }
0x94: {  	[sflag:s16] =	ssyncset.done $0x0  }
0x95: {  	[sflag:s16] =	ssyncadd.s32 $0xFFFFFFFF  }
0x96: {  	s17 =	sld [smem:$0x11];
	(tm) =	ssettm $0x1  }
0x97: {  	s18 =	sld [smem:$0x3FFB];
	_ =	sdelay $0x3  }
0x98: {  	_ =	strace s18  }
0x99: {  	s2 =	sld [smem:$0x3FFC];
	_ =	sdelay $0x3  }
0x9a: {  	_ =	strace s2  }
0x9b: {  	s2 =	sld [smem:$0x3FFD];
	_ =	sdelay $0x3  }
0x9c: {  	_ =	strace s2  }
0x9d: {  	_ =	strace $0x8FFFFFFF  }
0x9e: {  	s19 =	sld [smem:$0x3FDB];
	_ =	sdelay $0x1  }
0x9f: {  	s20 =	simm.s32 $_scs_section_size  }
0xa0: {  	s5 =	simm.s32 $_size__tile_overlayer_lowered;
	s6 =	simm.s32 $_tile_overlayer_lowered  }
0xa1: {  	s7 =	simm.s32 $0x1BFF;
	s21 =	sshll.u32 s6, $0x1;
	s4 =	sadd.s32 s20, s19  }
0xa2: {  	s22 =	simm.s32 $0x0;
	s5 =	sshll.u32 s5, $0x1;
	s6 =	sadd.s32 s21, s4  }
0xa3: {  	[timem:s22], [sflag:s7] =	dma.local [hbm:s6], s5  }
0xa4: {  	_ =	swait.ge [sflag:s7], s5  }
0xa5: {  	s5 =	ssub.s32 $0x0, s5;
	[sflag:s7] =	ssyncset.done $0x0  }
0xa6: {  	[sflag:s7] =	ssyncadd.s32 s5;
	_ =	sdelay $0x1  }
0xa7: {  	s23 =	simm.s32 $0x1B8B  }
0xa8: {  	_ =	swait.ge [sflag:s23], $0x1  }
0xa9: {  	[sflag:s23] =	ssyncset.done $0x0  }
0xaa: {  	[sflag:s23] =	ssyncadd.s32 $0xFFFFFFFF  }
0xab: {  	s5 =	sld [smem:$0x0]  }
0xac: {  	s6 =	sand.u32 $0xFFFFFFFE, s1  }
0xad: {  	p0 =	sne.s32 s1, s6  }
0xae: {  	s6 =	sshll.u32 @p0 s6, $0xE  }
0xaf: {  	s6 =	sadd.s32 @p0 $0x11B8D, s6;
	s7 =	sshll.u32 @p0 s5, $0x11  }
0xb0: {  	s6 =	sor.u32 @p0 s7, s6  }
0xb1: {  	[sflag:s6] =	ssyncadd.remote.s32 @p0 $0x1;
	_ =	sdelay $0x1  }
0xb2: {  	s6 =	simm.s32 @p0 $0x1B8D  }
0xb3: {  	_ =	swait.eq @p0 [sflag:s6], $0x1  }
0xb4: {  	[sflag:s6] =	ssyncadd.s32 @p0 $0xFFFFFFFF  }
0xb5: {  	s7 =	sshll.u32 @!p0 s1, $0xE  }
0xb6: {  	s7 =	sor.u32 @!p0 $0x4000, s7;
	s6 =	simm.s32 @!p0 $0x1B8D  }
0xb7: {  	s5 =	sshll.u32 @!p0 s5, $0x11;
	s7 =	sadd.s32 @!p0 $0x11B8D, s7;
	_ =	swait.eq @!p0 [sflag:s6], $0x1  }
0xb8: {  	s5 =	sor.u32 @!p0 s5, s7;
	[sflag:s6] =	ssyncadd.s32 @!p0 $0xFFFFFFFF  }
0xb9: {  	s25 =	simm.s32 $0x1B8E;
	s24 =	sld [smem:$0x3FFE];
	[sflag:s5] =	ssyncadd.remote.s32 @!p0 $0x1  }
0xba: {  	s26 =	simm.s32 $execute0_lowered;
	[smem:$0x3FD2] =	sst s25  }
0xbb: {  	s6 =	sshll.u32 s26, $0x1;
	_ =	strace $0x80000067;
	[dreg:$0x1] =	wrdreg $0xFFFFFFFF  }
0xbc: {  	s28 =	simm.s32 $_size_execute0_lowered;
	s4 =	sadd.s32 s4, s6;
	[dreg:$0x0] =	wrdreg $0x0  }
0xbd: {  	s6 =	sshll.u32 s28, $0x1;
	[dreg:$0x2] =	wrdreg s4  }
0xbe: {  	[dreg:$0x3] =	wrdreg s6  }
0xbf: {  	[dreg:$0x4] =	wrdreg $0xC0  }
0xc0: {  	_ =	task [dreg:s22], $0x5FFFF  }
0xc1: {  	[dreg:$0x1] =	wrdreg $0xFFFFFFFF  }
0xc2: {  	[dreg:$0x0] =	wrdreg $0x60  }
0xc3: {  	[dreg:$0x2] =	wrdreg s17  }
0xc4: {  	[dreg:$0x3] =	wrdreg s24  }
0xc5: {  	[dreg:$0x4] =	wrdreg $0x28800  }
0xc6: {  	[dreg:$0x5] =	wrdreg $0x9  }
0xc7: {  	_ =	task.clear_ibuf [dreg:s22], $0x6FFFF;
	_ =	strace $0x90000067  }
0xc8: {  	s29 =	simm.s32 $0x9;
	_ =	strace $0x80000069  }
0xc9: {  	_ =	swait.ge [sflag:s29], $0x1  }
0xca: {  	[sflag:s29] =	ssyncadd.s32 $0xFFFFFFFF  }
0xcb: {  	_ =	strace $0x90000069  }
0xcc: {  	_ =	sfence  }
0xcd: {  	s30 =	sld [smem:$0x0];
	_ =	sdelay $0x2  }
0xce: {  	s31 =	sshll.u32 s1, $0xD;
	s1 =	sshrl.u32 s1, $0x2  }
0xcf: {  	s4 =	sand.u32 $0x4000, s31;
	s1 =	sadd.s32 s1, s30  }
0xd0: {  	s0 =	sor.u32 s4, s0;
	s1 =	sshll.u32 s1, $0x11  }
0xd1: {  	s0 =	sor.u32 s1, s0  }
0xd2: {  	s0 =	sadd.s32 $0x8F2B, s0  }
0xd3: {  	[sflag:s0] =	ssyncadd.remote.s32 $0x1  }
0xd4: {  	_ =	sfence.sel $0xFFFF  }
0xd5: {  	[dreg:$0x0] =	wrdreg $0xFFFFFFFF;
	(pc) =	sbr.abs _section_cstart, $3  }
0xd6: {  	[dreg:$0x1] =	wrdreg $0xFFFFFFFF  }
0xd7: {  	_ =	task.clear_ibuf [dreg:s22], $0x2FFFF;
	_ =	strace $0x9FFFFFFF  }
0xd8: {  	(tm) =	ssettm $0x7FFFFFFF  }
0xd9: {  	_ =	shalt  }
tec
execute0_lowered:
.L_overlay_start_1:
0x0: {  	(tag) =	ssettag $0x1  }
0x1: {  	s12 =	rddreg [dreg:$0x0]  }
0x2: {  	s13 =	rddreg [dreg:$0x1]  }
0x3: {  	s2 =	rddreg [dreg:$0x2]  }
0x4: {  	s0 =	stileid.u32;
	s1 =	rddreg [dreg:$0x3]  }
0x5: {  	s3 =	simm.s32 $0x0;
	s5 =	srdreg.scid;
	s14 =	smul.u32 $0x5000, s0  }
0x6: {  	[smem:$0x7FF] =	sst s3;
	s15 =	sand.u32 $0x1, s5  }
0x7: {  	s26 =	sshll.u32 s0, $0x6;
	_ =	strace $0x80000068;
	s4 =	sshrl.u32 s14, $0x3  }
0x8: {  	s5 =	sor.u32 $0x1C01, s26;
	s6 =	sadd.s32 s14, s2;
	s4 =	sadd.s32 s4, s13  }
0x9: {  	s7 =	sshrl.u32 s6, $0x3;
	s6 =	simm.s32 $0x1;
	s4 =	sadd.s32 $0x19C00, s4  }
0xa: {  	[spmem:s7], [sflag:s5] =	dma.local [hbm:s4], $0xA00  }
0xb: {  	s8 =	sshll.u32 s0, $0x8;
	s9 =	sshll.u32 s15, $0xC;
	_ =	swait.ge [sflag:s6], $0xA00  }
0xc: {  	s11 =	sor.u32 s8, s9;
	[sflag:s6] =	ssyncset.done $0x0  }
0xd: {  	s16 =	sadd.s32 $0x32000, s13;
	s8 =	sshrl.u32 s11, $0x3;
	[sflag:s6] =	ssyncadd.s32 $0xFFFFF600  }
0xe: {  	s8 =	sadd.s32 s16, s8;
	[bflag:$0x0] =	sbarrier.arrive $0xFFFF  }
0xf: {  	[tilespmem:s3], [sflag:$0x1] =	stream.linear.gather [hbm4b:s8+s3], $0x80, $0x38;
	[tilespmem:$0x7880] =	vst v63  }
0x10: {  	s9 =	smul.u32 $0xA, s11;
	_ =	swait.ge [sflag:s6], $0x80  }
0x11: {  	[sflag:s6] =	ssyncset.done $0x0  }
0x12: {  	s10 =	simm.s32 $0x80;
	s9 =	sadd.s32 s12, s9;
	[sflag:s6] =	ssyncadd.s32 $0xFFFFFF80  }
0x13: {  	[tilespmem:s10], [sflag:$0x1] =	stream.linear.gather [hbm4b:s9+s3], $0x2800, $0x38;
	[tilespmem:$0x7880] =	vst v63  }
0x14: {  	_ =	swait.ge [sflag:s6], $0x2800  }
0x15: {  	[sflag:s6] =	ssyncset.done $0x0  }
0x16: {  	[sflag:s6] =	ssyncadd.s32 $0xFFFFD800  }
0x17: {  	[spmem:s2] =	stream.indirect.scatter.add.f32 [tilespmem:s10], [sflag:$0x1], $0x50, s3, s10, $0xb8;
	[tilespmem:$0x7880] =	vst v63  }
0x18: {  	s17 =	sor.u32 $0x80, s11;
	_ =	swait.ge [sflag:s6], $0x2800  }
0x19: {  	s11 =	sshrl.u32 s17, $0x3;
	[sflag:s6] =	ssyncset.done $0x0  }
0x1a: {  	s11 =	sadd.s32 s16, s11;
	[sflag:s6] =	ssyncadd.s32 $0xFFFFD800  }
0x1b: {  	[tilespmem:s3], [sflag:$0x1] =	stream.linear.gather [hbm4b:s11+s3], $0x80, $0x38;
	[tilespmem:$0x7880] =	vst v63  }
0x1c: {  	s28 =	smul.u32 $0xA, s17;
	_ =	swait.ge [sflag:s6], $0x80  }
0x1d: {  	[sflag:s6] =	ssyncset.done $0x0  }
0x1e: {  	s12 =	sadd.s32 s12, s28;
	[sflag:s6] =	ssyncadd.s32 $0xFFFFFF80  }
0x1f: {  	[tilespmem:s10], [sflag:$0x1] =	stream.linear.gather [hbm4b:s12+s3], $0x2800, $0x38;
	[tilespmem:$0x7880] =	vst v63  }
0x20: {  	s29 =	smul.u32 $0x50000, s15;
	s15 =	ssub.s32 $0x2, s15;
	_ =	swait.ge [sflag:s6], $0x2800  }
0x21: {  	s30 =	sshrl.u32 s15, $0x1;
	[sflag:s6] =	ssyncset.done $0x0  }
0x22: {  	s15 =	ssub.s32 s15, s30;
	[sflag:s6] =	ssyncadd.s32 $0xFFFFD800  }
0x23: {  	[spmem:s2] =	stream.indirect.scatter.add.f32 [tilespmem:s10], [sflag:$0x1], $0x50, s3, s10, $0xb8;
	[tilespmem:$0x7880] =	vst v63  }
0x24: {  	s31 =	smax.u32 s15, $0x1;
	_ =	swait.ge [sflag:s6], $0x2800  }
0x25: {  	s14 =	sadd.s32 s14, s29;
	p0 =	sne.s32 s31, $0x1;
	[sflag:s6] =	ssyncset.done $0x0  }
.Ltmp0:
0x26: {  	s14 =	sshrl.u32 s14, $0x3;
	[sflag:s6] =	ssyncadd.s32 $0xFFFFD800;
	(pc) =	sbr.rel @!p0 .LBB2_2-.Ltmp0, $4  }
0x27: {  	s13 =	sadd.s32 s13, s14;
	[bflag:$0x0] =	sbarrier.arrive $0xFFFF  }
0x28: {  	[hbm:s13], [sflag:s5] =	dma.local [spmem:s7], $0xA00  }
0x29: {  	_ =	swait.ge [sflag:s6], $0xA00  }
0x2a: {  	s14 =	sadd.s32 $0xFFFFFFFF, s31;
	[sflag:s6] =	ssyncset.done $0x0  }
.LBB2_1:
0x2b: {  	p0 =	sne.s32 s14, $0x1;
	s14 =	sadd.s32 $0xFFFFFFFF, s14;
	[sflag:s6] =	ssyncadd.s32 $0xFFFFF600  }
0x2c: {  	[spmem:s7], [sflag:s5] =	dma.local [hbm:s4], $0xA00  }
0x2d: {  	_ =	swait.ge [sflag:s6], $0xA00  }
0x2e: {  	[sflag:s6] =	ssyncset.done $0x0  }
0x2f: {  	[sflag:s6] =	ssyncadd.s32 $0xFFFFF600  }
0x30: {  	[bflag:$0x0] =	sbarrier.arrive $0xFFFF  }
0x31: {  	[tilespmem:s3], [sflag:$0x1] =	stream.linear.gather [hbm4b:s8+s3], $0x80, $0x38;
	[tilespmem:$0x7880] =	vst v63  }
0x32: {  	_ =	swait.ge [sflag:s6], $0x80  }
0x33: {  	[sflag:s6] =	ssyncset.done $0x0  }
0x34: {  	[sflag:s6] =	ssyncadd.s32 $0xFFFFFF80  }
0x35: {  	[tilespmem:s10], [sflag:$0x1] =	stream.linear.gather [hbm4b:s9+s3], $0x2800, $0x38;
	[tilespmem:$0x7880] =	vst v63  }
0x36: {  	_ =	swait.ge [sflag:s6], $0x2800  }
0x37: {  	[sflag:s6] =	ssyncset.done $0x0  }
0x38: {  	[sflag:s6] =	ssyncadd.s32 $0xFFFFD800  }
0x39: {  	[spmem:s2] =	stream.indirect.scatter.add.f32 [tilespmem:s10], [sflag:$0x1], $0x50, s3, s10, $0xb8;
	[tilespmem:$0x7880] =	vst v63  }
0x3a: {  	_ =	swait.ge [sflag:s6], $0x2800  }
0x3b: {  	[sflag:s6] =	ssyncset.done $0x0  }
0x3c: {  	[sflag:s6] =	ssyncadd.s32 $0xFFFFD800  }
0x3d: {  	[tilespmem:s3], [sflag:$0x1] =	stream.linear.gather [hbm4b:s11+s3], $0x80, $0x38;
	[tilespmem:$0x7880] =	vst v63  }
0x3e: {  	_ =	swait.ge [sflag:s6], $0x80  }
0x3f: {  	[sflag:s6] =	ssyncset.done $0x0  }
0x40: {  	[sflag:s6] =	ssyncadd.s32 $0xFFFFFF80  }
0x41: {  	[tilespmem:s10], [sflag:$0x1] =	stream.linear.gather [hbm4b:s12+s3], $0x2800, $0x38;
	[tilespmem:$0x7880] =	vst v63  }
0x42: {  	_ =	swait.ge [sflag:s6], $0x2800  }
0x43: {  	[sflag:s6] =	ssyncset.done $0x0  }
0x44: {  	[sflag:s6] =	ssyncadd.s32 $0xFFFFD800  }
0x45: {  	[spmem:s2] =	stream.indirect.scatter.add.f32 [tilespmem:s10], [sflag:$0x1], $0x50, s3, s10, $0xb8;
	[tilespmem:$0x7880] =	vst v63  }
0x46: {  	_ =	swait.ge [sflag:s6], $0x2800  }
0x47: {  	[sflag:s6] =	ssyncset.done $0x0  }
.Ltmp1:
0x48: {  	[sflag:s6] =	ssyncadd.s32 $0xFFFFD800;
	(pc) =	sbr.rel @p0 .LBB2_1-.Ltmp1, $4  }
0x49: {  	[bflag:$0x0] =	sbarrier.arrive $0xFFFF  }
0x4a: {  	[hbm:s13], [sflag:s5] =	dma.local [spmem:s7], $0xA00  }
0x4b: {  	_ =	swait.ge [sflag:s6], $0xA00  }
0x4c: {  	[sflag:s6] =	ssyncset.done $0x0  }
.LBB2_2:
0x4d: {  	[sflag:s6] =	ssyncadd.s32 $0xFFFFF600  }
0x4e: {  	_ =	sfence.sel $0x180000  }
0x4f: {  	[bflag:$0x0] =	sbarrier.arrive $0xFFFF  }
0x50: {  	p0 =	sne.s32 s0, $0x0;
	_ =	strace $0x90000068  }
0x51: {  	s0 =	sadd.s32 @!p0 $0x100000, s1;
	[bflag:$0x2] =	sbarrier.arrive $0xFFFF  }
0x52: {  	[sflag:s0] =	ssyncadd.tile.s32 @!p0 $0x1;
	_ =	shalt  }
.Lfunc_end2:
_tile_overlayer_lowered:
.L_overlay_start_2:
0x53: {  	(tag) =	ssettag $0x2  }
0x54: {  	s0 =	rddreg [dreg:$0x0];
	s2 =	stileid.u32  }
0x55: {  	s1 =	rddreg [dreg:$0x1];
	p0 =	sne.s32 s2, $0x0  }
0x56: {  	s3 =	rddreg [dreg:$0x2];
	[bflag:$0x3] =	sbarrier.arrive $0xFFFF;
	s2 =	simm.s32 @!p0 $0x1C01  }
0x57: {  	[timem:s3], [sflag:s2] =	dma.local @!p0 [hbm:s0], s1  }
0x58: {  	s0 =	simm.s32 @!p0 $0x1  }
0x59: {  	_ =	swait.ge @!p0 [sflag:s0], s1  }
0x5a: {  	s1 =	ssub.s32 @!p0 $0x0, s1;
	[sflag:s0] =	ssyncset.done @!p0 $0x0  }
0x5b: {  	[sflag:s0] =	ssyncadd.s32 @!p0 s1  }
0x5c: {  	[bflag:$0x3] =	sbarrier.arrive $0xFFFF  }
0x5d: {  	_ =	shalt  }

// kernel: kernel.62.cloned.1.call-start
scs
__scs_entry_jumppad:
0x0: {  	(pc) =	sbr.rel $0x88, $3  }
0x1: {  	(tag) =	ssettag $0x0;
	lr =	simm.s32 $0x1  }
0x2: {  	[smem:$0x3F77] =	sst lr;
	_ =	strace $0xD0000000  }
0x3: {  	_ = 	snop  }
0x4: {  	_ = 	snop  }
0x5: {  	_ = 	snop  }
0x6: {  	_ = 	snop  }
0x7: {  	_ = 	snop  }
__scs_overlays_trampoline_lowered:
0x8: {  	[smem:$0x3F86] =	sst s0  }
0x9: {  	[smem:$0x3F87] =	sst s1  }
0xa: {  	[smem:$0x3F88] =	sst s2  }
0xb: {  	[smem:$0x3F89] =	sst s3  }
0xc: {  	[smem:$0x3F8A] =	sst s4  }
0xd: {  	[smem:$0x3F8B] =	sst s5  }
0xe: {  	[smem:$0x3F8C] =	sst s6  }
0xf: {  	[smem:$0x3F8D] =	sst s7  }
0x10: {  	[smem:$0x3F8E] =	sst s8  }
0x11: {  	[smem:$0x3F8F] =	sst s9;
	s0 =	simm.s32 @!p0 $0x0  }
0x12: {  	s1 =	sld [smem:$0x3F75];
	s0 =	simm.s32 @p0 $0x1  }
0x13: {  	[smem:$0x3F90] =	sst s0;
	s0 =	simm.s32 @!p1 $0x0  }
0x14: {  	s2 =	sld [smem:$0x3F74];
	s0 =	simm.s32 @p1 $0x1  }
0x15: {  	[smem:$0x3F91] =	sst s0;
	s0 =	simm.s32 @!p2 $0x0  }
0x16: {  	s3 =	sld [smem:$0x3FDB];
	s0 =	simm.s32 @p2 $0x1  }
0x17: {  	s4 =	simm.s32 $0x1BF5;
	[smem:$0x3F93] =	sst s0  }
0x18: {  	s0 =	sld [smem:$0x3F76];
	_ =	swait.ge [sflag:s4], $0x0  }
0x19: {  	s7 =	sld [smem:$0x3F77]  }
0x1a: {  	s8 =	sadd.s32 $0xFFFFE003, lr  }
0x1b: {  	s9 =	sadd.s32 $0xFFFFFEF7, lr;
	s5 =	simm.s32 $0xFFFFFFFF;
	p2 =	slt.u32 s8, $0xFFFFF086  }
0x1c: {  	p1 =	slt.u32 s9, $0xF7A;
	s5 =	simm.s32 @!p2 $0x0  }
0x1d: {  	s5 =	simm.s32 @p1 $0x1;
	p0 =	seq.s32 s7, s2  }
0x1e: {  	s7 =	smul.u32 @!p0 $0xF7A, s2;
	p2 =	seq.s32 @!p0 s5, $0x0  }
0x1f: {  	s9 =	smul.u32 $0xF7A, s1;
	s8 =	simm.s32 @!p0 $0x1BF5;
	p2 =	por !p2, p0  }
0x20: {  	[sflag:s8] =	ssyncset.s32 @!p0 $0xFFFFF086;
	s6 =	sadd.s32 @!p0 s3, s7;
	s7 =	simm.s32 @!p0 $0x108  }
0x21: {  	s3 =	sadd.s32 s3, s9;
	s6 =	sadd.s32 @!p0 $0x88, s6;
	s7 =	simm.s32 @p2 $0x1082  }
0x22: {  	[simem:s7], [sflag:s8] =	dma.local @!p0 [hbm:s6], $0xF7A  }
0x23: {  	s9 =	sor.u32 $0xD0000000, s2;
	s6 =	simm.s32 $0x108;
	_ =	swait.ge @!p0 [sflag:s8], $0x0  }
0x24: {  	s3 =	sadd.s32 $0x88, s3;
	s6 =	simm.s32 @!p1 $0x1082;
	[sflag:s4] =	ssyncset.s32 $0xFFFFF086  }
0x25: {  	[simem:s6], [sflag:s4] =	dma.local [hbm:s3], $0xF7A  }
0x26: {  	[smem:$0x3F77] =	sst s1;
	(tag) =	ssettag s2;
	_ =	strace s9  }
0x27: {  	s1 =	sld [smem:$0x3F87]  }
0x28: {  	s2 =	sld [smem:$0x3F88]  }
0x29: {  	s4 =	sld [smem:$0x3F8A]  }
0x2a: {  	p0 =	seq.s32 s5, $0x0;
	s5 =	sld [smem:$0x3F8B]  }
0x2b: {  	s6 =	sld [smem:$0x3F8C]  }
0x2c: {  	s7 =	sld [smem:$0x3F8D]  }
0x2d: {  	s3 =	simm.s32 $0x108;
	s8 =	sld [smem:$0x3F8E]  }
0x2e: {  	s3 =	simm.s32 @!p0 $0x1082;
	s9 =	sld [smem:$0x3F8F]  }
0x2f: {  	lr =	sadd.s32 s0, s3;
	s0 =	sld [smem:$0x3F86]  }
0x30: {  	s3 =	sld [smem:$0x3F89]  }
0x31: {  	[smem:$0x3F92] =	sst s10  }
0x32: {  	s10 =	sld [smem:$0x3F90];
	_ =	sdelay $0x3  }
0x33: {  	p0 =	seq.s32 s10, $0x1;
	s10 =	sld [smem:$0x3F92];
	_ =	sdelay $0x3  }
0x34: {  	[smem:$0x3F92] =	sst s10  }
0x35: {  	s10 =	sld [smem:$0x3F91];
	_ =	sdelay $0x3  }
0x36: {  	p1 =	seq.s32 s10, $0x1;
	s10 =	sld [smem:$0x3F92];
	_ =	sdelay $0x3  }
0x37: {  	[smem:$0x3F92] =	sst s10  }
0x38: {  	s10 =	sld [smem:$0x3F93]  }
0x39: {  	_ = 	snop;
	(pc) =	sbr.ind lr, $3  }
0x3a: {  	_ = 	snop  }
0x3b: {  	_ = 	snop  }
0x3c: {  	p2 =	seq.s32 s10, $0x1;
	s10 =	sld [smem:$0x3F92]  }
0x3d: {  	_ =	shalt  }
0x3e: {  	_ =	shalt  }
0x3f: {  	_ =	shalt  }
0x40: {  	_ =	shalt  }
0x41: {  	_ =	shalt  }
0x42: {  	_ =	shalt  }
0x43: {  	_ =	shalt  }
0x44: {  	_ =	shalt  }
0x45: {  	_ =	shalt  }
0x46: {  	_ =	shalt  }
0x47: {  	_ =	shalt  }
0x48: {  	_ =	shalt  }
0x49: {  	_ =	shalt  }
0x4a: {  	_ =	shalt  }
0x4b: {  	_ =	shalt  }
0x4c: {  	_ =	shalt  }
0x4d: {  	_ =	shalt  }
0x4e: {  	_ =	shalt  }
0x4f: {  	_ =	shalt  }
0x50: {  	_ =	shalt  }
0x51: {  	_ =	shalt  }
0x52: {  	_ =	shalt  }
0x53: {  	_ =	shalt  }
0x54: {  	_ =	shalt  }
0x55: {  	_ =	shalt  }
0x56: {  	_ =	shalt  }
0x57: {  	_ =	shalt  }
0x58: {  	_ =	shalt  }
0x59: {  	_ =	shalt  }
0x5a: {  	_ =	shalt  }
0x5b: {  	_ =	shalt  }
0x5c: {  	_ =	shalt  }
0x5d: {  	_ =	shalt  }
0x5e: {  	_ =	shalt  }
0x5f: {  	_ =	shalt  }
0x60: {  	_ =	shalt  }
0x61: {  	_ =	shalt  }
0x62: {  	_ =	shalt  }
0x63: {  	_ =	shalt  }
0x64: {  	_ =	shalt  }
0x65: {  	_ =	shalt  }
0x66: {  	_ =	shalt  }
0x67: {  	_ =	shalt  }
0x68: {  	_ =	shalt  }
0x69: {  	_ =	shalt  }
0x6a: {  	_ =	shalt  }
0x6b: {  	_ =	shalt  }
0x6c: {  	_ =	shalt  }
0x6d: {  	_ =	shalt  }
0x6e: {  	_ =	shalt  }
0x6f: {  	_ =	shalt  }
0x70: {  	_ =	shalt  }
0x71: {  	_ =	shalt  }
0x72: {  	_ =	shalt  }
0x73: {  	_ =	shalt  }
0x74: {  	_ =	shalt  }
0x75: {  	_ =	shalt  }
0x76: {  	_ =	shalt  }
0x77: {  	_ =	shalt  }
0x78: {  	_ =	shalt  }
0x79: {  	_ =	shalt  }
0x7a: {  	_ =	shalt  }
0x7b: {  	_ =	shalt  }
0x7c: {  	_ =	shalt  }
0x7d: {  	_ =	shalt  }
0x7e: {  	_ =	shalt  }
0x7f: {  	_ =	shalt  }
0x80: {  	_ =	shalt  }
0x81: {  	_ =	shalt  }
0x82: {  	_ =	shalt  }
0x83: {  	_ =	shalt  }
0x84: {  	_ =	shalt  }
0x85: {  	_ =	shalt  }
0x86: {  	_ =	shalt  }
0x87: {  	_ =	shalt  }
.Lfunc_end0:
.L_simem_size_0:
called_computation.11_lowered:
.L_overlay_start_0:
0x88: {  	s2 =	sld [smem:$0x3FD9]  }
0x89: {  	s3 =	sld [smem:$0x3FFE];
	_ =	sdelay $0x1  }
0x8a: {  	s1 =	srdreg.scid  }
0x8b: {  	s0 =	sand.u32 $0x1, s1  }
0x8c: {  	s17 =	sshll.u32 s0, $0xA;
	s2 =	sadd.s32 s3, s2  }
0x8d: {  	s2 =	sadd.s32 s2, s17  }
0x8e: {  	[smem:$0x3F9E] =	sst s2  }
0x8f: {  	_ = 	snop  }
0x90: {  	(tm) =	ssettm $0x1  }
0x91: {  	s18 =	sld [smem:$0x3FFB];
	_ =	sdelay $0x3  }
0x92: {  	_ =	strace s18  }
0x93: {  	s2 =	sld [smem:$0x3FFC];
	_ =	sdelay $0x3  }
0x94: {  	_ =	strace s2  }
0x95: {  	s2 =	sld [smem:$0x3FFD];
	_ =	sdelay $0x3  }
0x96: {  	_ =	strace s2  }
0x97: {  	_ =	strace $0x8FFFFFFF  }
0x98: {  	s19 =	sld [smem:$0x3FDB];
	_ =	sdelay $0x1  }
0x99: {  	s20 =	simm.s32 $_scs_section_size  }
0x9a: {  	s4 =	simm.s32 $_size__tile_overlayer_lowered;
	s5 =	simm.s32 $_tile_overlayer_lowered  }
0x9b: {  	s6 =	simm.s32 $0x1BFF;
	s21 =	sshll.u32 s5, $0x1;
	s3 =	sadd.s32 s20, s19  }
0x9c: {  	s22 =	simm.s32 $0x0;
	s4 =	sshll.u32 s4, $0x1;
	s5 =	sadd.s32 s21, s3  }
0x9d: {  	[timem:s22], [sflag:s6] =	dma.local [hbm:s5], s4  }
0x9e: {  	_ =	swait.ge [sflag:s6], s4  }
0x9f: {  	s4 =	ssub.s32 $0x0, s4;
	[sflag:s6] =	ssyncset.done $0x0  }
0xa0: {  	[sflag:s6] =	ssyncadd.s32 s4;
	_ =	sdelay $0x1  }
0xa1: {  	s23 =	simm.s32 $0x1B8B  }
0xa2: {  	_ =	swait.ge [sflag:s23], $0x1  }
0xa3: {  	[sflag:s23] =	ssyncset.done $0x0  }
0xa4: {  	[sflag:s23] =	ssyncadd.s32 $0xFFFFFFFF  }
0xa5: {  	s4 =	sld [smem:$0x0]  }
0xa6: {  	s5 =	sand.u32 $0xFFFFFFFE, s1  }
0xa7: {  	p0 =	sne.s32 s1, s5  }
0xa8: {  	s5 =	sshll.u32 @p0 s5, $0xE  }
0xa9: {  	s5 =	sadd.s32 @p0 $0x11B8D, s5;
	s6 =	sshll.u32 @p0 s4, $0x11  }
0xaa: {  	s5 =	sor.u32 @p0 s6, s5  }
0xab: {  	[sflag:s5] =	ssyncadd.remote.s32 @p0 $0x1;
	_ =	sdelay $0x1  }
0xac: {  	s5 =	simm.s32 @p0 $0x1B8D  }
0xad: {  	_ =	swait.eq @p0 [sflag:s5], $0x1  }
0xae: {  	[sflag:s5] =	ssyncadd.s32 @p0 $0xFFFFFFFF  }
0xaf: {  	s6 =	sshll.u32 @!p0 s1, $0xE  }
0xb0: {  	s6 =	sor.u32 @!p0 $0x4000, s6;
	s5 =	simm.s32 @!p0 $0x1B8D  }
0xb1: {  	s4 =	sshll.u32 @!p0 s4, $0x11;
	s6 =	sadd.s32 @!p0 $0x11B8D, s6;
	_ =	swait.eq @!p0 [sflag:s5], $0x1  }
0xb2: {  	s4 =	sor.u32 @!p0 s4, s6;
	[sflag:s5] =	ssyncadd.s32 @!p0 $0xFFFFFFFF  }
0xb3: {  	s25 =	simm.s32 $0x1B8E;
	s24 =	sld [smem:$0x3FFE];
	[sflag:s4] =	ssyncadd.remote.s32 @!p0 $0x1  }
0xb4: {  	s26 =	simm.s32 $execute0_lowered;
	[smem:$0x3FD2] =	sst s25  }
0xb5: {  	s5 =	sshll.u32 s26, $0x1;
	_ =	strace $0x80000064;
	[dreg:$0x1] =	wrdreg $0xFFFFFFFF  }
0xb6: {  	s28 =	simm.s32 $_size_execute0_lowered;
	s3 =	sadd.s32 s3, s5;
	[dreg:$0x0] =	wrdreg $0x0  }
0xb7: {  	s5 =	sshll.u32 s28, $0x1;
	[dreg:$0x2] =	wrdreg s3  }
0xb8: {  	[dreg:$0x3] =	wrdreg s5  }
0xb9: {  	[dreg:$0x4] =	wrdreg $0xC0  }
0xba: {  	_ =	task [dreg:s22], $0x5FFFF  }
0xbb: {  	[dreg:$0x1] =	wrdreg $0xFFFFFFFF  }
0xbc: {  	[dreg:$0x0] =	wrdreg $0x60  }
0xbd: {  	[dreg:$0x2] =	wrdreg s24  }
0xbe: {  	[dreg:$0x3] =	wrdreg $0x28800  }
0xbf: {  	[dreg:$0x4] =	wrdreg $0xA  }
0xc0: {  	_ =	task.clear_ibuf [dreg:s22], $0x5FFFF;
	_ =	strace $0x90000064  }
0xc1: {  	s29 =	simm.s32 $0xA;
	_ =	strace $0x80000066  }
0xc2: {  	_ =	swait.ge [sflag:s29], $0x1  }
0xc3: {  	[sflag:s29] =	ssyncadd.s32 $0xFFFFFFFF  }
0xc4: {  	_ =	strace $0x90000066  }
0xc5: {  	_ =	sfence  }
0xc6: {  	s30 =	sld [smem:$0x0];
	_ =	sdelay $0x2  }
0xc7: {  	s31 =	sshll.u32 s1, $0xD;
	s1 =	sshrl.u32 s1, $0x2  }
0xc8: {  	s4 =	sand.u32 $0x4000, s31;
	s1 =	sadd.s32 s1, s30  }
0xc9: {  	s0 =	sor.u32 s4, s0;
	s1 =	sshll.u32 s1, $0x11  }
0xca: {  	s0 =	sor.u32 s1, s0  }
0xcb: {  	s0 =	sadd.s32 $0x8F2B, s0  }
0xcc: {  	[sflag:s0] =	ssyncadd.remote.s32 $0x1  }
0xcd: {  	_ =	sfence.sel $0xFFFF  }
0xce: {  	[dreg:$0x0] =	wrdreg $0xFFFFFFFF;
	(pc) =	sbr.abs _section_cstart, $3  }
0xcf: {  	[dreg:$0x1] =	wrdreg $0xFFFFFFFF  }
0xd0: {  	_ =	task.clear_ibuf [dreg:s22], $0x2FFFF;
	_ =	strace $0x9FFFFFFF  }
0xd1: {  	(tm) =	ssettm $0x7FFFFFFF  }
tec
execute0_lowered:
.L_overlay_start_1:
0x0: {  	(tag) =	ssettag $0x1  }
0x1: {  	s13 =	rddreg [dreg:$0x0]  }
0x2: {  	s2 =	rddreg [dreg:$0x1]  }
0x3: {  	s0 =	stileid.u32;
	s1 =	rddreg [dreg:$0x2]  }
0x4: {  	s3 =	simm.s32 $0x0;
	s5 =	srdreg.scid;
	s14 =	smul.u32 $0x5000, s0  }
0x5: {  	[smem:$0x7FF] =	sst s3;
	s15 =	sand.u32 $0x1, s5  }
0x6: {  	s26 =	sshll.u32 s0, $0x6;
	_ =	strace $0x80000065;
	s4 =	sshrl.u32 s14, $0x3  }
0x7: {  	s5 =	sor.u32 $0x1C01, s26;
	s6 =	sadd.s32 s14, s2;
	s4 =	sadd.s32 s4, s13  }
0x8: {  	s7 =	sshrl.u32 s6, $0x3;
	s6 =	simm.s32 $0x1;
	s4 =	sadd.s32 $0x19C00, s4  }
0x9: {  	[spmem:s7], [sflag:s5] =	dma.local [hbm:s4], $0xA00  }
0xa: {  	s8 =	sshll.u32 s0, $0x8;
	s9 =	sshll.u32 s15, $0xC;
	_ =	swait.ge [sflag:s6], $0xA00  }
0xb: {  	s11 =	sor.u32 s8, s9;
	[sflag:s6] =	ssyncset.done $0x0  }
0xc: {  	s12 =	sadd.s32 $0x19800, s13;
	s8 =	sshrl.u32 s11, $0x3;
	[sflag:s6] =	ssyncadd.s32 $0xFFFFF600  }
0xd: {  	s8 =	sadd.s32 s12, s8;
	[bflag:$0x0] =	sbarrier.arrive $0xFFFF  }
0xe: {  	[tilespmem:s3], [sflag:$0x1] =	stream.linear.gather [hbm4b:s8+s3], $0x80, $0x38;
	[tilespmem:$0x7880] =	vst v63  }
0xf: {  	s9 =	smul.u32 $0xA, s11;
	_ =	swait.ge [sflag:s6], $0x80  }
0x10: {  	s16 =	sadd.s32 $0x33C00, s13;
	[sflag:s6] =	ssyncset.done $0x0  }
0x11: {  	s10 =	simm.s32 $0x80;
	s9 =	sadd.s32 s16, s9;
	[sflag:s6] =	ssyncadd.s32 $0xFFFFFF80  }
0x12: {  	[tilespmem:s10], [sflag:$0x1] =	stream.linear.gather [hbm4b:s9+s3], $0x2800, $0x38;
	[tilespmem:$0x7880] =	vst v63  }
0x13: {  	_ =	swait.ge [sflag:s6], $0x2800  }
0x14: {  	[sflag:s6] =	ssyncset.done $0x0  }
0x15: {  	[sflag:s6] =	ssyncadd.s32 $0xFFFFD800  }
0x16: {  	[spmem:s2] =	stream.indirect.scatter.add.f32 [tilespmem:s10], [sflag:$0x1], $0x50, s3, s10, $0xb8;
	[tilespmem:$0x7880] =	vst v63  }
0x17: {  	s17 =	sor.u32 $0x80, s11;
	_ =	swait.ge [sflag:s6], $0x2800  }
0x18: {  	s11 =	sshrl.u32 s17, $0x3;
	[sflag:s6] =	ssyncset.done $0x0  }
0x19: {  	s11 =	sadd.s32 s12, s11;
	[sflag:s6] =	ssyncadd.s32 $0xFFFFD800  }
0x1a: {  	[tilespmem:s3], [sflag:$0x1] =	stream.linear.gather [hbm4b:s11+s3], $0x80, $0x38;
	[tilespmem:$0x7880] =	vst v63  }
0x1b: {  	s28 =	smul.u32 $0xA, s17;
	_ =	swait.ge [sflag:s6], $0x80  }
0x1c: {  	[sflag:s6] =	ssyncset.done $0x0  }
0x1d: {  	s29 =	smul.u32 $0x50000, s15;
	s12 =	sadd.s32 s16, s28;
	[sflag:s6] =	ssyncadd.s32 $0xFFFFFF80  }
0x1e: {  	[tilespmem:s10], [sflag:$0x1] =	stream.linear.gather [hbm4b:s12+s3], $0x2800, $0x38;
	[tilespmem:$0x7880] =	vst v63  }
0x1f: {  	s15 =	ssub.s32 $0x2, s15;
	_ =	swait.ge [sflag:s6], $0x2800  }
0x20: {  	s30 =	sshrl.u32 s15, $0x1;
	s14 =	sadd.s32 s14, s29;
	[sflag:s6] =	ssyncset.done $0x0  }
0x21: {  	s31 =	ssub.s32 s15, s30;
	s14 =	sshrl.u32 s14, $0x3;
	[sflag:s6] =	ssyncadd.s32 $0xFFFFD800  }
0x22: {  	[spmem:s2] =	stream.indirect.scatter.add.f32 [tilespmem:s10], [sflag:$0x1], $0x50, s3, s10, $0xb8;
	[tilespmem:$0x7880] =	vst v63  }
0x23: {  	s13 =	sadd.s32 s14, s13;
	s14 =	smax.u32 s31, $0x1;
	_ =	swait.ge [sflag:s6], $0x2800  }
0x24: {  	p0 =	sne.s32 s14, $0x1;
	[sflag:s6] =	ssyncset.done $0x0  }
.Ltmp0:
0x25: {  	[sflag:s6] =	ssyncadd.s32 $0xFFFFD800;
	(pc) =	sbr.rel @!p0 .LBB2_2-.Ltmp0, $4  }
0x26: {  	s13 =	sadd.s32 $0x47C00, s13;
	[bflag:$0x0] =	sbarrier.arrive $0xFFFF  }
0x27: {  	[hbm:s13], [sflag:s5] =	dma.local [spmem:s7], $0xA00  }
0x28: {  	_ =	swait.ge [sflag:s6], $0xA00  }
0x29: {  	s14 =	sadd.s32 $0xFFFFFFFF, s14;
	[sflag:s6] =	ssyncset.done $0x0  }
.LBB2_1:
0x2a: {  	p0 =	sne.s32 s14, $0x1;
	s14 =	sadd.s32 $0xFFFFFFFF, s14;
	[sflag:s6] =	ssyncadd.s32 $0xFFFFF600  }
0x2b: {  	[spmem:s7], [sflag:s5] =	dma.local [hbm:s4], $0xA00  }
0x2c: {  	_ =	swait.ge [sflag:s6], $0xA00  }
0x2d: {  	[sflag:s6] =	ssyncset.done $0x0  }
0x2e: {  	[sflag:s6] =	ssyncadd.s32 $0xFFFFF600  }
0x2f: {  	[bflag:$0x0] =	sbarrier.arrive $0xFFFF  }
0x30: {  	[tilespmem:s3], [sflag:$0x1] =	stream.linear.gather [hbm4b:s8+s3], $0x80, $0x38;
	[tilespmem:$0x7880] =	vst v63  }
0x31: {  	_ =	swait.ge [sflag:s6], $0x80  }
0x32: {  	[sflag:s6] =	ssyncset.done $0x0  }
0x33: {  	[sflag:s6] =	ssyncadd.s32 $0xFFFFFF80  }
0x34: {  	[tilespmem:s10], [sflag:$0x1] =	stream.linear.gather [hbm4b:s9+s3], $0x2800, $0x38;
	[tilespmem:$0x7880] =	vst v63  }
0x35: {  	_ =	swait.ge [sflag:s6], $0x2800  }
0x36: {  	[sflag:s6] =	ssyncset.done $0x0  }
0x37: {  	[sflag:s6] =	ssyncadd.s32 $0xFFFFD800  }
0x38: {  	[spmem:s2] =	stream.indirect.scatter.add.f32 [tilespmem:s10], [sflag:$0x1], $0x50, s3, s10, $0xb8;
	[tilespmem:$0x7880] =	vst v63  }
0x39: {  	_ =	swait.ge [sflag:s6], $0x2800  }
0x3a: {  	[sflag:s6] =	ssyncset.done $0x0  }
0x3b: {  	[sflag:s6] =	ssyncadd.s32 $0xFFFFD800  }
0x3c: {  	[tilespmem:s3], [sflag:$0x1] =	stream.linear.gather [hbm4b:s11+s3], $0x80, $0x38;
	[tilespmem:$0x7880] =	vst v63  }
0x3d: {  	_ =	swait.ge [sflag:s6], $0x80  }
0x3e: {  	[sflag:s6] =	ssyncset.done $0x0  }
0x3f: {  	[sflag:s6] =	ssyncadd.s32 $0xFFFFFF80  }
0x40: {  	[tilespmem:s10], [sflag:$0x1] =	stream.linear.gather [hbm4b:s12+s3], $0x2800, $0x38;
	[tilespmem:$0x7880] =	vst v63  }
0x41: {  	_ =	swait.ge [sflag:s6], $0x2800  }
0x42: {  	[sflag:s6] =	ssyncset.done $0x0  }
0x43: {  	[sflag:s6] =	ssyncadd.s32 $0xFFFFD800  }
0x44: {  	[spmem:s2] =	stream.indirect.scatter.add.f32 [tilespmem:s10], [sflag:$0x1], $0x50, s3, s10, $0xb8;
	[tilespmem:$0x7880] =	vst v63  }
0x45: {  	_ =	swait.ge [sflag:s6], $0x2800  }
0x46: {  	[sflag:s6] =	ssyncset.done $0x0  }
.Ltmp1:
0x47: {  	[sflag:s6] =	ssyncadd.s32 $0xFFFFD800;
	(pc) =	sbr.rel @p0 .LBB2_1-.Ltmp1, $4  }
0x48: {  	[bflag:$0x0] =	sbarrier.arrive $0xFFFF  }
0x49: {  	[hbm:s13], [sflag:s5] =	dma.local [spmem:s7], $0xA00  }
0x4a: {  	_ =	swait.ge [sflag:s6], $0xA00  }
0x4b: {  	[sflag:s6] =	ssyncset.done $0x0  }
.LBB2_2:
0x4c: {  	[sflag:s6] =	ssyncadd.s32 $0xFFFFF600  }
0x4d: {  	_ =	sfence.sel $0x180000  }
0x4e: {  	[bflag:$0x0] =	sbarrier.arrive $0xFFFF  }
0x4f: {  	p0 =	sne.s32 s0, $0x0;
	_ =	strace $0x90000065  }
0x50: {  	s0 =	sadd.s32 @!p0 $0x100000, s1;
	[bflag:$0x2] =	sbarrier.arrive $0xFFFF  }
0x51: {  	[sflag:s0] =	ssyncadd.tile.s32 @!p0 $0x1;
	_ =	shalt  }
.Lfunc_end2:
_tile_overlayer_lowered:
.L_overlay_start_2:
0x52: {  	(tag) =	ssettag $0x2  }
0x53: {  	s0 =	rddreg [dreg:$0x0];
	s2 =	stileid.u32  }
0x54: {  	s1 =	rddreg [dreg:$0x1];
	p0 =	sne.s32 s2, $0x0  }
0x55: {  	s3 =	rddreg [dreg:$0x2];
	[bflag:$0x3] =	sbarrier.arrive $0xFFFF;
	s2 =	simm.s32 @!p0 $0x1C01  }
0x56: {  	[timem:s3], [sflag:s2] =	dma.local @!p0 [hbm:s0], s1  }
0x57: {  	s0 =	simm.s32 @!p0 $0x1  }
0x58: {  	_ =	swait.ge @!p0 [sflag:s0], s1  }
0x59: {  	s1 =	ssub.s32 @!p0 $0x0, s1;
	[sflag:s0] =	ssyncset.done @!p0 $0x0  }
0x5a: {  	[sflag:s0] =	ssyncadd.s32 @!p0 s1  }
0x5b: {  	[bflag:$0x3] =	sbarrier.arrive $0xFFFF  }
0x5c: {  	_ =	shalt  }

</sc_bundles>
